<compile_context>
chip_gen: v7x
topology: tpu7x:2x2x1
jax: 0.10.2.dev20260603
libtpu: 0.0.44.dev20260713+nightly
codegen_flags: <defaults>
</compile_context>

<pallas_src>
import dataclasses
import functools

import jax
import jax.numpy as jnp
from jax import lax
from jax.experimental import pallas as pl
from jax.experimental.pallas import tpu as pltpu
from jax.experimental.pallas import tpu_sc as plsc

N = 10000
E = 640000
IN_CH = 128
HID = 16
HEADS = 5
OUT_CH = 16

NP = 10240
CHUNK = 128
NCHUNKS = E // CHUNK
NW = 32
ROWS_PER_TILE = NP // 16
ACC_W = 96


def _sc_compiler_params():
    cp = pltpu.CompilerParams(use_tc_tiling_on_sc=False)
    if "needs_layout_passes" in pltpu.CompilerParams.__dataclass_fields__:
        cp = dataclasses.replace(cp, needs_layout_passes=False)
    return cp


def _dg(v, idx):
    dnums = lax.GatherDimensionNumbers(
        offset_dims=(), collapsed_slice_dims=(0,), start_index_map=(0,))
    return lax.gather(v, idx[:, None], dnums, slice_sizes=(1,),
                      mode=lax.GatherScatterMode.PROMISE_IN_BOUNDS)


NCH_W = 160
ECHUNKS_PAD = NW * NCH_W
IBLK = 16
NBLK = NCH_W // IBLK


def _edge_pass(src2d, dst2d, h, dp):
    mesh = plsc.VectorSubcoreMesh(core_axis_name="c", subcore_axis_name="s")

    @functools.partial(
        pl.kernel,
        mesh=mesh,
        out_type=jax.ShapeDtypeStruct((2, NP, ACC_W), jnp.float32),
        scratch_types=[
            pltpu.VMEM((IBLK, CHUNK), jnp.int32),
            pltpu.VMEM((IBLK, CHUNK), jnp.int32),
            pltpu.VMEM((CHUNK, 16), jnp.float32),
            pltpu.VMEM((CHUNK, 16), jnp.float32),
            pltpu.VMEM((CHUNK, 16), jnp.float32),
            pltpu.VMEM((CHUNK, 16), jnp.float32),
            pltpu.VMEM((CHUNK, ACC_W), jnp.bfloat16),
            pltpu.VMEM((CHUNK, ACC_W), jnp.bfloat16),
            pltpu.VMEM((CHUNK, ACC_W), jnp.bfloat16),
            pltpu.VMEM((CHUNK, ACC_W), jnp.bfloat16),
            pltpu.VMEM((CHUNK, ACC_W), jnp.float32),
            pltpu.VMEM((CHUNK, ACC_W), jnp.float32),
            pltpu.VMEM_SHARED((NP, ACC_W), jnp.float32),
            pltpu.SemaphoreType.DMA,
            pltpu.SemaphoreType.DMA,
            pltpu.SemaphoreType.DMA,
            pltpu.SemaphoreType.DMA,
            pltpu.SemaphoreType.DMA,
            pltpu.SemaphoreType.DMA,
        ],
        compiler_params=_sc_compiler_params(),
    )
    def k(src_hbm, dst_hbm, h_hbm, dp_hbm, out_hbm,
          sidx, didx, dbuf0, dbuf1, dbuf2, dbuf3, hbuf0, hbuf1, hbuf2, hbuf3,
          obuf0, obuf1, acc, gsem0, gsem1, gsem2, gsem3, ssem0, ssem1):
        cid = lax.axis_index("c")
        sid = lax.axis_index("s")
        wid = sid * 2 + cid
        c0 = wid * NCH_W

        dbuf = (dbuf0, dbuf1, dbuf2, dbuf3)
        hbuf = (hbuf0, hbuf1, hbuf2, hbuf3)
        obuf = (obuf0, obuf1)
        gsem = (gsem0, gsem1, gsem2, gsem3)
        ssem = (ssem0, ssem1)

        zv = jnp.zeros((16,), jnp.float32)

        @pl.loop(0, CHUNK)
        def _(r):
            for c in range(ACC_W // 16):
                obuf0[r, pl.ds(c * 16, 16)] = zv

        for b in range(ROWS_PER_TILE // CHUNK):
            pltpu.sync_copy(obuf0, acc.at[pl.ds(sid * ROWS_PER_TILE + b * CHUNK, CHUNK)])
        plsc.subcore_barrier()

        def refill_idx(blk):
            pltpu.sync_copy(src_hbm.at[pl.ds(c0 + blk * IBLK, IBLK)], sidx)
            pltpu.sync_copy(dst_hbm.at[pl.ds(c0 + blk * IBLK, IBLK)], didx)

        def issue(row, b):
            pltpu.async_copy(dp_hbm.at[didx.at[row]], dbuf[b], gsem[b])
            pltpu.async_copy(h_hbm.at[sidx.at[row]], hbuf[b], gsem[b])

        def drain(b):
            pltpu.make_async_copy(dp_hbm.at[didx.at[0]], dbuf[b], gsem[b]).wait()
            pltpu.make_async_copy(h_hbm.at[sidx.at[0]], hbuf[b], gsem[b]).wait()

        iota16 = lax.iota(jnp.int32, 16)
        shift8 = jnp.minimum(iota16 + 8, 15)
        head_idx = [jnp.full((16,), hh, jnp.int32) for hh in range(HEADS)]

        def compute(g, p, it, row):
            drain(g)
            ob = obuf[p]
            hb = hbuf[g]

            @pl.when(row >= 2)
            def _():
                pltpu.make_async_copy(ob, acc.at[didx.at[0]], ssem[p]).wait()

            @plsc.parallel_loop(0, CHUNK, unroll=4)
            def _(e):
                r2 = hb[e, pl.ds(64, 32)]
                h4, sreg = plsc.unpack(
                    r2, format=plsc.PackFormat.INTERLEAVED,
                    preferred_element_type=jnp.float32)
                dreg = dbuf[g][e]
                u = sreg + dreg
                l = jnp.maximum(u, 0.2 * u)
                ub = _dg(dreg, shift8)
                t = jnp.exp(l - ub)
                ob[e, pl.ds(80, 16)] = t
                r0 = hb[e, pl.ds(0, 32)]
                h0, h1 = plsc.unpack(
                    r0, format=plsc.PackFormat.INTERLEAVED,
                    preferred_element_type=jnp.float32)
                r1 = hb[e, pl.ds(32, 32)]
                h2, h3 = plsc.unpack(
                    r1, format=plsc.PackFormat.INTERLEAVED,
                    preferred_element_type=jnp.float32)
                hs = (h0, h1, h2, h3, h4)
                for hh in range(HEADS):
                    cf = _dg(t, head_idx[hh])
                    ob[e, pl.ds(hh * 16, 16)] = hs[hh] * cf

            pltpu.async_copy(ob, acc.at[didx.at[row]], ssem[p], add=True)

        refill_idx(0)
        issue(0, 0)
        issue(1, 1)

        @pl.loop(0, NBLK)
        def _(bb):
            @pl.loop(0, IBLK // 4)
            def _(cc):
                for q in range(4):
                    j = cc * 4 + q
                    it = bb * IBLK + j
                    p = q % 2

                    if q < 2:
                        @pl.when(c0 + it + 2 < NCHUNKS)
                        def _():
                            issue(j + 2, (q + 2) % 4)
                    else:
                        @pl.when((cc < IBLK // 4 - 1) & (c0 + it + 2 < NCHUNKS))
                        def _():
                            issue(j + 2, (q + 2) % 4)

                    @pl.when(c0 + it < NCHUNKS)
                    def _():
                        compute(q, p, it, j)

                    if q == 3:
                        @pl.when((cc == IBLK // 4 - 1) & (bb + 1 < NBLK))
                        def _():
                            @pl.when(c0 + it - 1 < NCHUNKS)
                            def _():
                                pltpu.make_async_copy(
                                    obuf[0], acc.at[didx.at[0]], ssem[0]).wait()

                            @pl.when(c0 + it < NCHUNKS)
                            def _():
                                pltpu.make_async_copy(
                                    obuf[1], acc.at[didx.at[0]], ssem[1]).wait()

                            refill_idx(bb + 1)

                            @pl.when(c0 + it + 1 < NCHUNKS)
                            def _():
                                issue(0, 0)

                            @pl.when(c0 + it + 2 < NCHUNKS)
                            def _():
                                issue(1, 1)

        pltpu.make_async_copy(obuf[0], acc.at[didx.at[0]], ssem[0]).wait()
        pltpu.make_async_copy(obuf[1], acc.at[didx.at[0]], ssem[1]).wait()
        plsc.subcore_barrier()
        pltpu.sync_copy(acc.at[pl.ds(sid * ROWS_PER_TILE, ROWS_PER_TILE)],
                        out_hbm.at[cid, pl.ds(sid * ROWS_PER_TILE, ROWS_PER_TILE)])

    return k(src2d, dst2d, h, dp)


def _head_sum_mat(att_flat):
    r = lax.broadcasted_iota(jnp.int32, (80, HEADS), 0)
    c = lax.broadcasted_iota(jnp.int32, (80, HEADS), 1)
    sel = (r // 16 == c).astype(jnp.float32)
    return att_flat[:, None] * sel


def _expand_mat():
    r = lax.broadcasted_iota(jnp.int32, (HEADS, 80), 0)
    c = lax.broadcasted_iota(jnp.int32, (HEADS, 80), 1)
    return (c // 16 == r).astype(jnp.float32)


def _perm_mat():
    lrow = lax.broadcasted_iota(jnp.int32, (96, 96), 0)
    s = lax.broadcasted_iota(jnp.int32, (96, 96), 1)
    q = s // 32
    r = s % 32
    l_of_s = 32 * q + r // 2 + 16 * (r % 2)
    return (lrow == l_of_s).astype(jnp.float32)


def _attn_packs(hmat, att_s_flat, att_d_flat):
    a_s = jnp.dot(hmat, _head_sum_mat(att_s_flat),
                  preferred_element_type=jnp.float32)
    a_d = jnp.dot(hmat, _head_sum_mat(att_d_flat),
                  preferred_element_type=jnp.float32)
    gmax = jnp.max(a_s, axis=0, keepdims=True)
    v = gmax + a_d
    ub = jnp.maximum(v, 0.2 * v)
    z = jnp.zeros((hmat.shape[0], 3), jnp.float32)
    sp = jnp.concatenate([a_s, z, a_s, z], axis=1)
    dp = jnp.concatenate([a_d, z, ub, z], axis=1)
    return sp, dp


def _pre1_body(x_ref, wemb_ref, bemb_ref, w1_ref, as1_ref, ad1_ref,
               emb_ref, h_ref, dp_ref):
    emb = jnp.dot(x_ref[...], wemb_ref[...],
                  preferred_element_type=jnp.float32) + bemb_ref[...]
    emb_ref[...] = emb
    h = jnp.dot(emb, w1_ref[...], preferred_element_type=jnp.float32)
    sp, dp = _attn_packs(h, as1_ref[...][0], ad1_ref[...][0])
    h96 = jnp.concatenate([h, sp], axis=1)
    h_ref[...] = jnp.dot(h96, _perm_mat(),
                         preferred_element_type=jnp.float32).astype(jnp.bfloat16)
    dp_ref[...] = dp


def _mid_body(acc_ref, b1_ref, w2_ref, as2_ref, ad2_ref,
              h_ref, dp_ref):
    s = acc_ref[0] + acc_ref[1]
    msg = s[:, :80]
    den = jnp.dot(s[:, 80:85], _expand_mat(),
                  preferred_element_type=jnp.float32)
    o = msg / (den + 1e-16) + b1_ref[...]
    x2 = jnp.where(o > 0, o, jnp.exp(jnp.minimum(o, 0.0)) - 1.0)
    h = jnp.dot(x2, w2_ref[...], preferred_element_type=jnp.float32)
    sp, dp = _attn_packs(h, as2_ref[...][0], ad2_ref[...][0])
    h96 = jnp.concatenate([h, sp], axis=1)
    h_ref[...] = jnp.dot(h96, _perm_mat(),
                         preferred_element_type=jnp.float32).astype(jnp.bfloat16)
    dp_ref[...] = dp


def _post_body(acc_ref, b2_ref, out_ref):
    s = acc_ref[0] + acc_ref[1]
    msg = s[:, :80]
    den = jnp.dot(s[:, 80:85], _expand_mat(),
                  preferred_element_type=jnp.float32)
    o = msg / (den + 1e-16)
    r = lax.broadcasted_iota(jnp.int32, (80, OUT_CH), 0)
    c = lax.broadcasted_iota(jnp.int32, (80, OUT_CH), 1)
    mh = (r % 16 == c).astype(jnp.float32) / HEADS
    om = jnp.dot(o, mh, preferred_element_type=jnp.float32) + b2_ref[...]
    m = jnp.max(om, axis=1, keepdims=True)
    z = om - m
    lse = jnp.log(jnp.sum(jnp.exp(z), axis=1, keepdims=True))
    out_ref[...] = z - lse


def kernel(x, edge_index, W_emb, b_emb, W1, att_src1, att_dst1, b1,
           W2, att_src2, att_dst2, b2):
    pad_e = ECHUNKS_PAD * CHUNK - E
    src = jnp.concatenate([edge_index[0], jnp.zeros((pad_e,), jnp.int32)])
    src2d = src.reshape(ECHUNKS_PAD, CHUNK)
    dst = jnp.concatenate([edge_index[1], jnp.zeros((pad_e,), jnp.int32)])
    dst2d = dst.reshape(ECHUNKS_PAD, CHUNK)
    as1 = att_src1.reshape(1, HEADS * HID)
    ad1 = att_dst1.reshape(1, HEADS * HID)
    as2 = att_src2.reshape(1, HEADS * OUT_CH)
    ad2 = att_dst2.reshape(1, HEADS * OUT_CH)
    b_emb2 = b_emb.reshape(1, HID)
    b1r = b1.reshape(1, HEADS * HID)
    b2r = b2.reshape(1, OUT_CH)
    x_pad = jnp.concatenate(
        [x, jnp.zeros((NP - N, IN_CH), jnp.float32)], axis=0)

    emb, h1, dp1 = pl.pallas_call(
        _pre1_body,
        out_shape=[
            jax.ShapeDtypeStruct((NP, HID), jnp.float32),
            jax.ShapeDtypeStruct((NP, 96), jnp.bfloat16),
            jax.ShapeDtypeStruct((NP, 16), jnp.float32),
        ],
    )(x_pad, W_emb, b_emb2, W1, as1, ad1)

    acc1 = _edge_pass(src2d, dst2d, h1, dp1)

    h2, dp2 = pl.pallas_call(
        _mid_body,
        out_shape=[
            jax.ShapeDtypeStruct((NP, 96), jnp.bfloat16),
            jax.ShapeDtypeStruct((NP, 16), jnp.float32),
        ],
    )(acc1, b1r, W2, as2, ad2)

    acc2 = _edge_pass(src2d, dst2d, h2, dp2)

    out = pl.pallas_call(
        _post_body,
        out_shape=jax.ShapeDtypeStruct((NP, OUT_CH), jnp.float32),
    )(acc2, b2r)

    return (emb[:N], out[:N])

# --- scband reference (transcript-rebuilt; emitter-appended) ---
"""Pipeline reference for scband-gat-21191368639065 (READ-ONLY COPY).

The authoritative reference and input builder live on the scoring server;
editing this copy changes nothing except your own understanding.
"""

import jax, jax.numpy as jnp
import numpy as np

N = 10000
E = 640000
IN_CH = 128
HID = 16
HEADS = 5
OUT_CH = 16


def _gat_conv(x, src, dst, W, att_src, att_dst, bias, heads, ch, concat, n):
    # PyG GATConv semantics: messages flow src -> dst, softmax over incoming edges per dst
    h = (x @ W).reshape(n, heads, ch)
    a_s = jnp.sum(h * att_src, axis=-1)  # [N, H]
    a_d = jnp.sum(h * att_dst, axis=-1)  # [N, H]
    alpha = a_s[src] + a_d[dst]          # [E, H]
    alpha = jax.nn.leaky_relu(alpha, negative_slope=0.2)
    amax = jax.ops.segment_max(alpha, dst, num_segments=n)
    amax = jnp.where(jnp.isfinite(amax), amax, 0.0)
    ex = jnp.exp(alpha - amax[dst])
    denom = jax.ops.segment_sum(ex, dst, num_segments=n)
    coef = ex / (denom[dst] + 1e-16)     # softmax per dst node
    msg = h[src] * coef[:, :, None]      # [E, H, C]
    out = jax.ops.segment_sum(msg, dst, num_segments=n)
    if concat:
        out = out.reshape(n, heads * ch) + bias
    else:
        out = out.mean(axis=1) + bias
    return out


def setup_inputs(seed: int = 0):
    key = jax.random.key(seed)
    ks = jax.random.split(key, 12)
    x = jax.random.normal(ks[0], (N, IN_CH), dtype=jnp.float32)
    edge_index = jax.random.randint(ks[1], (2, E), 0, N, dtype=jnp.int32)
    W_emb = jax.random.normal(ks[2], (IN_CH, HID), dtype=jnp.float32) / np.sqrt(IN_CH)
    b_emb = jnp.zeros((HID,), jnp.float32)
    W1 = jax.random.normal(ks[3], (HID, HEADS * HID), dtype=jnp.float32) / np.sqrt(HID)
    att_src1 = jax.random.normal(ks[4], (1, HEADS, HID), dtype=jnp.float32) * 0.1
    att_dst1 = jax.random.normal(ks[5], (1, HEADS, HID), dtype=jnp.float32) * 0.1
    b1 = jnp.zeros((HEADS * HID,), jnp.float32)
    W2 = jax.random.normal(ks[6], (HEADS * HID, HEADS * OUT_CH), dtype=jnp.float32) / np.sqrt(HEADS * HID)
    att_src2 = jax.random.normal(ks[7], (1, HEADS, OUT_CH), dtype=jnp.float32) * 0.1
    att_dst2 = jax.random.normal(ks[8], (1, HEADS, OUT_CH), dtype=jnp.float32) * 0.1
    b2 = jnp.zeros((OUT_CH,), jnp.float32)
    return {"x": x, "edge_index": edge_index, "W_emb": W_emb, "b_emb": b_emb,
            "W1": W1, "att_src1": att_src1, "att_dst1": att_dst1, "b1": b1,
            "W2": W2, "att_src2": att_src2, "att_dst2": att_dst2, "b2": b2}


def reference(x, edge_index, W_emb, b_emb, W1, att_src1, att_dst1, b1, W2, att_src2, att_dst2, b2):
    # eval mode: dropout layers are identity
    src = edge_index[0]
    dst = edge_index[1]
    n = x.shape[0]
    emb = x @ W_emb + b_emb
    h = _gat_conv(emb, src, dst, W1, att_src1, att_dst1, b1, HEADS, HID, True, n)
    h = jax.nn.elu(h)
    out = _gat_conv(h, src, dst, W2, att_src2, att_dst2, b2, HEADS, OUT_CH, False, n)
    return (emb, jax.nn.log_softmax(out, axis=1))

if __name__ == "__main__":
    import jax
    _d = setup_inputs()
    print(jax.jit(kernel)(*tuple(_d.values())))

</pallas_src>

<mosaic_0001>
#map = affine_map<(d0, d1) -> (0, 0)>
#map1 = affine_map<(d0, d1) -> (0, 0, 0)>
module attributes {stable_mosaic.version = 14 : i64} {
  func.func @k(%arg0: i32, %arg1: i32, %arg2: memref<5120x128xi32, #tpu.memory_space<hbm>>, %arg3: memref<5120x128xi32, #tpu.memory_space<hbm>>, %arg4: memref<10240x96xbf16, #tpu.memory_space<hbm>>, %arg5: memref<10240x16xf32, #tpu.memory_space<hbm>>, %arg6: memref<2x10240x96xf32, #tpu.memory_space<hbm>>, %arg7: memref<16x128xi32, #tpu.memory_space<vmem>>, %arg8: memref<16x128xi32, #tpu.memory_space<vmem>>, %arg9: memref<128x16xf32, #tpu.memory_space<vmem>>, %arg10: memref<128x16xf32, #tpu.memory_space<vmem>>, %arg11: memref<128x16xf32, #tpu.memory_space<vmem>>, %arg12: memref<128x16xf32, #tpu.memory_space<vmem>>, %arg13: memref<128x96xbf16, #tpu.memory_space<vmem>>, %arg14: memref<128x96xbf16, #tpu.memory_space<vmem>>, %arg15: memref<128x96xbf16, #tpu.memory_space<vmem>>, %arg16: memref<128x96xbf16, #tpu.memory_space<vmem>>, %arg17: memref<128x96xf32, #tpu.memory_space<vmem>>, %arg18: memref<128x96xf32, #tpu.memory_space<vmem>>, %arg19: memref<10240x96xf32, #tpu.memory_space<vmem_shared>>, %arg20: memref<!tpu.dma_semaphore, #tpu.memory_space<semaphore_mem>>, %arg21: memref<!tpu.dma_semaphore, #tpu.memory_space<semaphore_mem>>, %arg22: memref<!tpu.dma_semaphore, #tpu.memory_space<semaphore_mem>>, %arg23: memref<!tpu.dma_semaphore, #tpu.memory_space<semaphore_mem>>, %arg24: memref<!tpu.dma_semaphore, #tpu.memory_space<semaphore_mem>>, %arg25: memref<!tpu.dma_semaphore, #tpu.memory_space<semaphore_mem>>) attributes {dimension_semantics = [#tpu.dimension_semantics<core_parallel>, #tpu.dimension_semantics<subcore_parallel>], iteration_bounds = array<i64: 2, 16>, scalar_prefetch = 0 : i64, scratch_operands = 19 : i64, tpu.core_type = #tpu.core_type<sc_vector_subcore>, window_params = [{transform_indices = #map}, {transform_indices = #map}, {transform_indices = #map}, {transform_indices = #map}, {transform_indices = #map1}]} {
    %mul3A = arith.constant 2 : i32
    %mul3A_0 = arith.muli %arg1, %mul3A : i32
    %add3A = arith.addi %mul3A_0, %arg0 : i32
    %mul3A_1 = arith.constant 160 : i32
    %mul3A_2 = arith.muli %add3A, %mul3A_1 : i32
    %broadcast_in_dim3A = arith.constant 0.000000e+00 : f32
    %broadcast_in_dim3A_3 = vector.broadcast %broadcast_in_dim3A : f32 to vector<16xf32>
    %scan3A = arith.constant 0 : i32
    %scan3A_4 = arith.constant 128 : i32
    %scan3A_5 = arith.addi %scan3A, %scan3A_4 : i32
    %scan3A_6 = arith.constant 1 : i32
    scf.for %scan3A_97 = %scan3A to %scan3A_5 step %scan3A_6  : i32 {
      %mul3A_98 = arith.constant 1 : i32
      %mul3A_99 = arith.muli %scan3A_97, %mul3A_98 : i32
      %add3A_100 = arith.constant 0 : i32
      %add3A_101 = arith.addi %add3A_100, %mul3A_99 : i32
      %swap3A = arith.index_cast %add3A_101 : i32 to index
      %swap3A_102 = arith.constant 0 : index
      %swap3A_103 = tpu.vector_load %arg17[%swap3A, %swap3A_102] {strides = array<i32>} : memref<128x96xf32, #tpu.memory_space<vmem>>, vector<16xf32>,
      tpu.vector_store %arg17[%swap3A, %swap3A_102], %broadcast_in_dim3A_3 {strides = array<i32>} : memref<128x96xf32, #tpu.memory_space<vmem>>, vector<16xf32>,
      %swap3A_104 = arith.index_cast %add3A_101 : i32 to index
      %swap3A_105 = arith.constant 16 : index
      %swap3A_106 = tpu.vector_load %arg17[%swap3A_104, %swap3A_105] {strides = array<i32>} : memref<128x96xf32, #tpu.memory_space<vmem>>, vector<16xf32>,
      tpu.vector_store %arg17[%swap3A_104, %swap3A_105], %broadcast_in_dim3A_3 {strides = array<i32>} : memref<128x96xf32, #tpu.memory_space<vmem>>, vector<16xf32>,
      %swap3A_107 = arith.index_cast %add3A_101 : i32 to index
      %swap3A_108 = arith.constant 32 : index
      %swap3A_109 = tpu.vector_load %arg17[%swap3A_107, %swap3A_108] {strides = array<i32>} : memref<128x96xf32, #tpu.memory_space<vmem>>, vector<16xf32>,
      tpu.vector_store %arg17[%swap3A_107, %swap3A_108], %broadcast_in_dim3A_3 {strides = array<i32>} : memref<128x96xf32, #tpu.memory_space<vmem>>, vector<16xf32>,
      %swap3A_110 = arith.index_cast %add3A_101 : i32 to index
      %swap3A_111 = arith.constant 48 : index
      %swap3A_112 = tpu.vector_load %arg17[%swap3A_110, %swap3A_111] {strides = array<i32>} : memref<128x96xf32, #tpu.memory_space<vmem>>, vector<16xf32>,
      tpu.vector_store %arg17[%swap3A_110, %swap3A_111], %broadcast_in_dim3A_3 {strides = array<i32>} : memref<128x96xf32, #tpu.memory_space<vmem>>, vector<16xf32>,
      %swap3A_113 = arith.index_cast %add3A_101 : i32 to index
      %swap3A_114 = arith.constant 64 : index
      %swap3A_115 = tpu.vector_load %arg17[%swap3A_113, %swap3A_114] {strides = array<i32>} : memref<128x96xf32, #tpu.memory_space<vmem>>, vector<16xf32>,
      tpu.vector_store %arg17[%swap3A_113, %swap3A_114], %broadcast_in_dim3A_3 {strides = array<i32>} : memref<128x96xf32, #tpu.memory_space<vmem>>, vector<16xf32>,
      %swap3A_116 = arith.index_cast %add3A_101 : i32 to index
      %swap3A_117 = arith.constant 80 : index
      %swap3A_118 = tpu.vector_load %arg17[%swap3A_116, %swap3A_117] {strides = array<i32>} : memref<128x96xf32, #tpu.memory_space<vmem>>, vector<16xf32>,
      tpu.vector_store %arg17[%swap3A_116, %swap3A_117], %broadcast_in_dim3A_3 {strides = array<i32>} : memref<128x96xf32, #tpu.memory_space<vmem>>, vector<16xf32>,
    }
    %scan3A_7 = arith.constant 128 : i32
    %mul3A_8 = arith.constant 640 : i32
    %mul3A_9 = arith.muli %arg1, %mul3A_8 : i32
    %add3A_10 = arith.constant 0 : i32
    %add3A_11 = arith.addi %mul3A_9, %add3A_10 : i32
    "tpu.region"() ({
      %run_scoped3A = tpu.sem_alloc : memref<!tpu.dma_semaphore, #tpu.memory_space<semaphore_mem>>
      %dma_start3A_97 = arith.constant 0 : i32
      %dma_start3A_98 = tpu.memref_slice %arg19[%add3A_11, %dma_start3A_97] : memref<10240x96xf32, #tpu.memory_space<vmem_shared>> -> memref<128x96xf32, #tpu.memory_space<vmem_shared>>
      %dma_start3A_99 = arith.constant 0 : i32
      %dma_start3A_100 = tpu.memref_slice %arg19[%add3A_11, %dma_start3A_99] : memref<10240x96xf32, #tpu.memory_space<vmem_shared>> -> memref<128x96xf32, #tpu.memory_space<vmem_shared>>
      tpu.enqueue_dma source(%arg17 : memref<128x96xf32, #tpu.memory_space<vmem>>) target(%dma_start3A_100 : memref<128x96xf32, #tpu.memory_space<vmem_shared>>) target_semaphore(%run_scoped3A : memref<!tpu.dma_semaphore, #tpu.memory_space<semaphore_mem>>)
      %dma_wait3A_101 = arith.constant 0 : i32
      %dma_wait3A_102 = tpu.memref_slice %arg19[%add3A_11, %dma_wait3A_101] : memref<10240x96xf32, #tpu.memory_space<vmem_shared>> -> memref<128x96xf32, #tpu.memory_space<vmem_shared>>
      %dma_wait3A_103 = arith.constant 0 : i32
      %dma_wait3A_104 = tpu.memref_slice %arg19[%add3A_11, %dma_wait3A_103] : memref<10240x96xf32, #tpu.memory_space<vmem_shared>> -> memref<128x96xf32, #tpu.memory_space<vmem_shared>>
      tpu.wait_dma2 semaphore(%run_scoped3A : memref<!tpu.dma_semaphore, #tpu.memory_space<semaphore_mem>>) src(%arg17 : memref<128x96xf32, #tpu.memory_space<vmem>>) dst(%dma_wait3A_104 : memref<128x96xf32, #tpu.memory_space<vmem_shared>>)
      tpu.yield
    }) : () -> ()
    %mul3A_12 = arith.constant 640 : i32
    %mul3A_13 = arith.muli %arg1, %mul3A_12 : i32
    %add3A_14 = arith.constant 128 : i32
    %add3A_15 = arith.addi %mul3A_13, %add3A_14 : i32
    "tpu.region"() ({
      %run_scoped3A = tpu.sem_alloc : memref<!tpu.dma_semaphore, #tpu.memory_space<semaphore_mem>>
      %dma_start3A_97 = arith.constant 0 : i32
      %dma_start3A_98 = tpu.memref_slice %arg19[%add3A_15, %dma_start3A_97] : memref<10240x96xf32, #tpu.memory_space<vmem_shared>> -> memref<128x96xf32, #tpu.memory_space<vmem_shared>>
      %dma_start3A_99 = arith.constant 0 : i32
      %dma_start3A_100 = tpu.memref_slice %arg19[%add3A_15, %dma_start3A_99] : memref<10240x96xf32, #tpu.memory_space<vmem_shared>> -> memref<128x96xf32, #tpu.memory_space<vmem_shared>>
      tpu.enqueue_dma source(%arg17 : memref<128x96xf32, #tpu.memory_space<vmem>>) target(%dma_start3A_100 : memref<128x96xf32, #tpu.memory_space<vmem_shared>>) target_semaphore(%run_scoped3A : memref<!tpu.dma_semaphore, #tpu.memory_space<semaphore_mem>>)
      %dma_wait3A_101 = arith.constant 0 : i32
      %dma_wait3A_102 = tpu.memref_slice %arg19[%add3A_15, %dma_wait3A_101] : memref<10240x96xf32, #tpu.memory_space<vmem_shared>> -> memref<128x96xf32, #tpu.memory_space<vmem_shared>>
      %dma_wait3A_103 = arith.constant 0 : i32
      %dma_wait3A_104 = tpu.memref_slice %arg19[%add3A_15, %dma_wait3A_103] : memref<10240x96xf32, #tpu.memory_space<vmem_shared>> -> memref<128x96xf32, #tpu.memory_space<vmem_shared>>
      tpu.wait_dma2 semaphore(%run_scoped3A : memref<!tpu.dma_semaphore, #tpu.memory_space<semaphore_mem>>) src(%arg17 : memref<128x96xf32, #tpu.memory_space<vmem>>) dst(%dma_wait3A_104 : memref<128x96xf32, #tpu.memory_space<vmem_shared>>)
      tpu.yield
    }) : () -> ()
    %mul3A_16 = arith.constant 640 : i32
    %mul3A_17 = arith.muli %arg1, %mul3A_16 : i32
    %add3A_18 = arith.constant 256 : i32
    %add3A_19 = arith.addi %mul3A_17, %add3A_18 : i32
    "tpu.region"() ({
      %run_scoped3A = tpu.sem_alloc : memref<!tpu.dma_semaphore, #tpu.memory_space<semaphore_mem>>
      %dma_start3A_97 = arith.constant 0 : i32
      %dma_start3A_98 = tpu.memref_slice %arg19[%add3A_19, %dma_start3A_97] : memref<10240x96xf32, #tpu.memory_space<vmem_shared>> -> memref<128x96xf32, #tpu.memory_space<vmem_shared>>
      %dma_start3A_99 = arith.constant 0 : i32
      %dma_start3A_100 = tpu.memref_slice %arg19[%add3A_19, %dma_start3A_99] : memref<10240x96xf32, #tpu.memory_space<vmem_shared>> -> memref<128x96xf32, #tpu.memory_space<vmem_shared>>
      tpu.enqueue_dma source(%arg17 : memref<128x96xf32, #tpu.memory_space<vmem>>) target(%dma_start3A_100 : memref<128x96xf32, #tpu.memory_space<vmem_shared>>) target_semaphore(%run_scoped3A : memref<!tpu.dma_semaphore, #tpu.memory_space<semaphore_mem>>)
      %dma_wait3A_101 = arith.constant 0 : i32
      %dma_wait3A_102 = tpu.memref_slice %arg19[%add3A_19, %dma_wait3A_101] : memref<10240x96xf32, #tpu.memory_space<vmem_shared>> -> memref<128x96xf32, #tpu.memory_space<vmem_shared>>
      %dma_wait3A_103 = arith.constant 0 : i32
      %dma_wait3A_104 = tpu.memref_slice %arg19[%add3A_19, %dma_wait3A_103] : memref<10240x96xf32, #tpu.memory_space<vmem_shared>> -> memref<128x96xf32, #tpu.memory_space<vmem_shared>>
      tpu.wait_dma2 semaphore(%run_scoped3A : memref<!tpu.dma_semaphore, #tpu.memory_space<semaphore_mem>>) src(%arg17 : memref<128x96xf32, #tpu.memory_space<vmem>>) dst(%dma_wait3A_104 : memref<128x96xf32, #tpu.memory_space<vmem_shared>>)
      tpu.yield
    }) : () -> ()
    %mul3A_20 = arith.constant 640 : i32
    %mul3A_21 = arith.muli %arg1, %mul3A_20 : i32
    %add3A_22 = arith.constant 384 : i32
    %add3A_23 = arith.addi %mul3A_21, %add3A_22 : i32
    "tpu.region"() ({
      %run_scoped3A = tpu.sem_alloc : memref<!tpu.dma_semaphore, #tpu.memory_space<semaphore_mem>>
      %dma_start3A_97 = arith.constant 0 : i32
      %dma_start3A_98 = tpu.memref_slice %arg19[%add3A_23, %dma_start3A_97] : memref<10240x96xf32, #tpu.memory_space<vmem_shared>> -> memref<128x96xf32, #tpu.memory_space<vmem_shared>>
      %dma_start3A_99 = arith.constant 0 : i32
      %dma_start3A_100 = tpu.memref_slice %arg19[%add3A_23, %dma_start3A_99] : memref<10240x96xf32, #tpu.memory_space<vmem_shared>> -> memref<128x96xf32, #tpu.memory_space<vmem_shared>>
      tpu.enqueue_dma source(%arg17 : memref<128x96xf32, #tpu.memory_space<vmem>>) target(%dma_start3A_100 : memref<128x96xf32, #tpu.memory_space<vmem_shared>>) target_semaphore(%run_scoped3A : memref<!tpu.dma_semaphore, #tpu.memory_space<semaphore_mem>>)
      %dma_wait3A_101 = arith.constant 0 : i32
      %dma_wait3A_102 = tpu.memref_slice %arg19[%add3A_23, %dma_wait3A_101] : memref<10240x96xf32, #tpu.memory_space<vmem_shared>> -> memref<128x96xf32, #tpu.memory_space<vmem_shared>>
      %dma_wait3A_103 = arith.constant 0 : i32
      %dma_wait3A_104 = tpu.memref_slice %arg19[%add3A_23, %dma_wait3A_103] : memref<10240x96xf32, #tpu.memory_space<vmem_shared>> -> memref<128x96xf32, #tpu.memory_space<vmem_shared>>
      tpu.wait_dma2 semaphore(%run_scoped3A : memref<!tpu.dma_semaphore, #tpu.memory_space<semaphore_mem>>) src(%arg17 : memref<128x96xf32, #tpu.memory_space<vmem>>) dst(%dma_wait3A_104 : memref<128x96xf32, #tpu.memory_space<vmem_shared>>)
      tpu.yield
    }) : () -> ()
    %mul3A_24 = arith.constant 640 : i32
    %mul3A_25 = arith.muli %arg1, %mul3A_24 : i32
    %add3A_26 = arith.constant 512 : i32
    %add3A_27 = arith.addi %mul3A_25, %add3A_26 : i32
    "tpu.region"() ({
      %run_scoped3A = tpu.sem_alloc : memref<!tpu.dma_semaphore, #tpu.memory_space<semaphore_mem>>
      %dma_start3A_97 = arith.constant 0 : i32
      %dma_start3A_98 = tpu.memref_slice %arg19[%add3A_27, %dma_start3A_97] : memref<10240x96xf32, #tpu.memory_space<vmem_shared>> -> memref<128x96xf32, #tpu.memory_space<vmem_shared>>
      %dma_start3A_99 = arith.constant 0 : i32
      %dma_start3A_100 = tpu.memref_slice %arg19[%add3A_27, %dma_start3A_99] : memref<10240x96xf32, #tpu.memory_space<vmem_shared>> -> memref<128x96xf32, #tpu.memory_space<vmem_shared>>
      tpu.enqueue_dma source(%arg17 : memref<128x96xf32, #tpu.memory_space<vmem>>) target(%dma_start3A_100 : memref<128x96xf32, #tpu.memory_space<vmem_shared>>) target_semaphore(%run_scoped3A : memref<!tpu.dma_semaphore, #tpu.memory_space<semaphore_mem>>)
      %dma_wait3A_101 = arith.constant 0 : i32
      %dma_wait3A_102 = tpu.memref_slice %arg19[%add3A_27, %dma_wait3A_101] : memref<10240x96xf32, #tpu.memory_space<vmem_shared>> -> memref<128x96xf32, #tpu.memory_space<vmem_shared>>
      %dma_wait3A_103 = arith.constant 0 : i32
      %dma_wait3A_104 = tpu.memref_slice %arg19[%add3A_27, %dma_wait3A_103] : memref<10240x96xf32, #tpu.memory_space<vmem_shared>> -> memref<128x96xf32, #tpu.memory_space<vmem_shared>>
      tpu.wait_dma2 semaphore(%run_scoped3A : memref<!tpu.dma_semaphore, #tpu.memory_space<semaphore_mem>>) src(%arg17 : memref<128x96xf32, #tpu.memory_space<vmem>>) dst(%dma_wait3A_104 : memref<128x96xf32, #tpu.memory_space<vmem_shared>>)
      tpu.yield
    }) : () -> ()
    %barrier3A = arith.constant 0 : index
    tpu.barrier barrier_id(%barrier3A)
    %iota3A = tpu.iota {dimensions = array<i32: 0>} : vector<16xi32>
    %add3A_28 = arith.constant 8 : i32
    %add3A_29 = vector.broadcast %add3A_28 : i32 to vector<16xi32>
    %add3A_30 = arith.addi %iota3A, %add3A_29 : vector<16xi32>
    %min3A = arith.constant 15 : i32
    %min3A_31 = vector.broadcast %min3A : i32 to vector<16xi32>
    %min3A_32 = arith.minsi %add3A_30, %min3A_31 : vector<16xi32>
    %broadcast_in_dim3A_33 = arith.constant 0 : i32
    %broadcast_in_dim3A_34 = vector.broadcast %broadcast_in_dim3A_33 : i32 to vector<16xi32>
    %broadcast_in_dim3A_35 = arith.constant 1 : i32
    %broadcast_in_dim3A_36 = vector.broadcast %broadcast_in_dim3A_35 : i32 to vector<16xi32>
    %broadcast_in_dim3A_37 = arith.constant 2 : i32
    %broadcast_in_dim3A_38 = vector.broadcast %broadcast_in_dim3A_37 : i32 to vector<16xi32>
    %broadcast_in_dim3A_39 = arith.constant 3 : i32
    %broadcast_in_dim3A_40 = vector.broadcast %broadcast_in_dim3A_39 : i32 to vector<16xi32>
    %broadcast_in_dim3A_41 = arith.constant 4 : i32
    %broadcast_in_dim3A_42 = vector.broadcast %broadcast_in_dim3A_41 : i32 to vector<16xi32>
    %add3A_43 = arith.constant 0 : i32
    %add3A_44 = arith.addi %mul3A_2, %add3A_43 : i32
    "tpu.region"() ({
      %run_scoped3A = tpu.sem_alloc : memref<!tpu.dma_semaphore, #tpu.memory_space<semaphore_mem>>
      %dma_start3A_97 = arith.constant 0 : i32
      %dma_start3A_98 = tpu.memref_slice %arg2[%add3A_44, %dma_start3A_97] : memref<5120x128xi32, #tpu.memory_space<hbm>> -> memref<16x128xi32, #tpu.memory_space<hbm>>
      %dma_start3A_99 = arith.constant 0 : i32
      %dma_start3A_100 = tpu.memref_slice %arg2[%add3A_44, %dma_start3A_99] : memref<5120x128xi32, #tpu.memory_space<hbm>> -> memref<16x128xi32, #tpu.memory_space<hbm>>
      tpu.enqueue_dma source(%dma_start3A_100 : memref<16x128xi32, #tpu.memory_space<hbm>>) target(%arg7 : memref<16x128xi32, #tpu.memory_space<vmem>>) target_semaphore(%run_scoped3A : memref<!tpu.dma_semaphore, #tpu.memory_space<semaphore_mem>>)
      %dma_wait3A_101 = arith.constant 0 : i32
      %dma_wait3A_102 = tpu.memref_slice %arg2[%add3A_44, %dma_wait3A_101] : memref<5120x128xi32, #tpu.memory_space<hbm>> -> memref<16x128xi32, #tpu.memory_space<hbm>>
      %dma_wait3A_103 = arith.constant 0 : i32
      %dma_wait3A_104 = tpu.memref_slice %arg2[%add3A_44, %dma_wait3A_103] : memref<5120x128xi32, #tpu.memory_space<hbm>> -> memref<16x128xi32, #tpu.memory_space<hbm>>
      tpu.wait_dma2 semaphore(%run_scoped3A : memref<!tpu.dma_semaphore, #tpu.memory_space<semaphore_mem>>) src(%dma_wait3A_104 : memref<16x128xi32, #tpu.memory_space<hbm>>) dst(%arg7 : memref<16x128xi32, #tpu.memory_space<vmem>>)
      tpu.yield
    }) : () -> ()
    %add3A_45 = arith.constant 0 : i32
    %add3A_46 = arith.addi %mul3A_2, %add3A_45 : i32
    "tpu.region"() ({
      %run_scoped3A = tpu.sem_alloc : memref<!tpu.dma_semaphore, #tpu.memory_space<semaphore_mem>>
      %dma_start3A_97 = arith.constant 0 : i32
      %dma_start3A_98 = tpu.memref_slice %arg3[%add3A_46, %dma_start3A_97] : memref<5120x128xi32, #tpu.memory_space<hbm>> -> memref<16x128xi32, #tpu.memory_space<hbm>>
      %dma_start3A_99 = arith.constant 0 : i32
      %dma_start3A_100 = tpu.memref_slice %arg3[%add3A_46, %dma_start3A_99] : memref<5120x128xi32, #tpu.memory_space<hbm>> -> memref<16x128xi32, #tpu.memory_space<hbm>>
      tpu.enqueue_dma source(%dma_start3A_100 : memref<16x128xi32, #tpu.memory_space<hbm>>) target(%arg8 : memref<16x128xi32, #tpu.memory_space<vmem>>) target_semaphore(%run_scoped3A : memref<!tpu.dma_semaphore, #tpu.memory_space<semaphore_mem>>)
      %dma_wait3A_101 = arith.constant 0 : i32
      %dma_wait3A_102 = tpu.memref_slice %arg3[%add3A_46, %dma_wait3A_101] : memref<5120x128xi32, #tpu.memory_space<hbm>> -> memref<16x128xi32, #tpu.memory_space<hbm>>
      %dma_wait3A_103 = arith.constant 0 : i32
      %dma_wait3A_104 = tpu.memref_slice %arg3[%add3A_46, %dma_wait3A_103] : memref<5120x128xi32, #tpu.memory_space<hbm>> -> memref<16x128xi32, #tpu.memory_space<hbm>>
      tpu.wait_dma2 semaphore(%run_scoped3A : memref<!tpu.dma_semaphore, #tpu.memory_space<semaphore_mem>>) src(%dma_wait3A_104 : memref<16x128xi32, #tpu.memory_space<hbm>>) dst(%arg8 : memref<16x128xi32, #tpu.memory_space<vmem>>)
      tpu.yield
    }) : () -> ()
    %dma_start3A = arith.constant 0 : i32
    %dma_start3A_47 = arith.constant 0 : i32
    %dma_start3A_48 = tpu.memref_slice %arg8[%dma_start3A, %dma_start3A_47] : memref<16x128xi32, #tpu.memory_space<vmem>> -> memref<1x128xi32, #tpu.memory_space<vmem>>
    %dma_start3A_49 = tpu.memref_squeeze %dma_start3A_48 : memref<1x128xi32, #tpu.memory_space<vmem>> -> memref<128xi32, #tpu.memory_space<vmem>>
    %dma_start3A_50 = arith.constant 0 : i32
    %dma_start3A_51 = arith.constant 0 : i32
    %dma_start3A_52 = tpu.memref_slice %arg5[%dma_start3A_50, %dma_start3A_51] : memref<10240x16xf32, #tpu.memory_space<hbm>> -> memref<10240x16xf32, #tpu.memory_space<hbm>>
    tpu.enqueue_indirect_dma source(%dma_start3A_52 : memref<10240x16xf32, #tpu.memory_space<hbm>>) target(%arg9 : memref<128x16xf32, #tpu.memory_space<vmem>>) offsets(%dma_start3A_49 : memref<128xi32, #tpu.memory_space<vmem>>) semaphore(%arg20 : memref<!tpu.dma_semaphore, #tpu.memory_space<semaphore_mem>>)
    %dma_start3A_53 = arith.constant 0 : i32
    %dma_start3A_54 = arith.constant 0 : i32
    %dma_start3A_55 = tpu.memref_slice %arg7[%dma_start3A_53, %dma_start3A_54] : memref<16x128xi32, #tpu.memory_space<vmem>> -> memref<1x128xi32, #tpu.memory_space<vmem>>
    %dma_start3A_56 = tpu.memref_squeeze %dma_start3A_55 : memref<1x128xi32, #tpu.memory_space<vmem>> -> memref<128xi32, #tpu.memory_space<vmem>>
    %dma_start3A_57 = arith.constant 0 : i32
    %dma_start3A_58 = arith.constant 0 : i32
    %dma_start3A_59 = tpu.memref_slice %arg4[%dma_start3A_57, %dma_start3A_58] : memref<10240x96xbf16, #tpu.memory_space<hbm>> -> memref<10240x96xbf16, #tpu.memory_space<hbm>>
    tpu.enqueue_indirect_dma source(%dma_start3A_59 : memref<10240x96xbf16, #tpu.memory_space<hbm>>) target(%arg13 : memref<128x96xbf16, #tpu.memory_space<vmem>>) offsets(%dma_start3A_56 : memref<128xi32, #tpu.memory_space<vmem>>) semaphore(%arg20 : memref<!tpu.dma_semaphore, #tpu.memory_space<semaphore_mem>>)
    %dma_start3A_60 = arith.constant 1 : i32
    %dma_start3A_61 = arith.constant 0 : i32
    %dma_start3A_62 = tpu.memref_slice %arg8[%dma_start3A_60, %dma_start3A_61] : memref<16x128xi32, #tpu.memory_space<vmem>> -> memref<1x128xi32, #tpu.memory_space<vmem>>
    %dma_start3A_63 = tpu.memref_squeeze %dma_start3A_62 : memref<1x128xi32, #tpu.memory_space<vmem>> -> memref<128xi32, #tpu.memory_space<vmem>>
    %dma_start3A_64 = arith.constant 0 : i32
    %dma_start3A_65 = arith.constant 0 : i32
    %dma_start3A_66 = tpu.memref_slice %arg5[%dma_start3A_64, %dma_start3A_65] : memref<10240x16xf32, #tpu.memory_space<hbm>> -> memref<10240x16xf32, #tpu.memory_space<hbm>>
    tpu.enqueue_indirect_dma source(%dma_start3A_66 : memref<10240x16xf32, #tpu.memory_space<hbm>>) target(%arg10 : memref<128x16xf32, #tpu.memory_space<vmem>>) offsets(%dma_start3A_63 : memref<128xi32, #tpu.memory_space<vmem>>) semaphore(%arg21 : memref<!tpu.dma_semaphore, #tpu.memory_space<semaphore_mem>>)
    %dma_start3A_67 = arith.constant 1 : i32
    %dma_start3A_68 = arith.constant 0 : i32
    %dma_start3A_69 = tpu.memref_slice %arg7[%dma_start3A_67, %dma_start3A_68] : memref<16x128xi32, #tpu.memory_space<vmem>> -> memref<1x128xi32, #tpu.memory_space<vmem>>
    %dma_start3A_70 = tpu.memref_squeeze %dma_start3A_69 : memref<1x128xi32, #tpu.memory_space<vmem>> -> memref<128xi32, #tpu.memory_space<vmem>>
    %dma_start3A_71 = arith.constant 0 : i32
    %dma_start3A_72 = arith.constant 0 : i32
    %dma_start3A_73 = tpu.memref_slice %arg4[%dma_start3A_71, %dma_start3A_72] : memref<10240x96xbf16, #tpu.memory_space<hbm>> -> memref<10240x96xbf16, #tpu.memory_space<hbm>>
    tpu.enqueue_indirect_dma source(%dma_start3A_73 : memref<10240x96xbf16, #tpu.memory_space<hbm>>) target(%arg14 : memref<128x96xbf16, #tpu.memory_space<vmem>>) offsets(%dma_start3A_70 : memref<128xi32, #tpu.memory_space<vmem>>) semaphore(%arg21 : memref<!tpu.dma_semaphore, #tpu.memory_space<semaphore_mem>>)
    %scan3A_74 = arith.constant 0 : i32
    %scan3A_75 = arith.constant 10 : i32
    %scan3A_76 = arith.addi %scan3A_74, %scan3A_75 : i32
    %scan3A_77 = arith.constant 1 : i32
    scf.for %scan3A_97 = %scan3A_74 to %scan3A_76 step %scan3A_77  : i32 {
      %mul3A_98 = arith.constant 1 : i32
      %mul3A_99 = arith.muli %scan3A_97, %mul3A_98 : i32
      %add3A_100 = arith.constant 0 : i32
      %add3A_101 = arith.addi %add3A_100, %mul3A_99 : i32
      %scan3A_102 = arith.constant 0 : i32
      %scan3A_103 = arith.constant 4 : i32
      %scan3A_104 = arith.addi %scan3A_102, %scan3A_103 : i32
      %scan3A_105 = arith.constant 1 : i32
      scf.for %scan3A_107 = %scan3A_102 to %scan3A_104 step %scan3A_105  : i32 {
        %mul3A_108 = arith.constant 1 : i32
        %mul3A_109 = arith.muli %scan3A_107, %mul3A_108 : i32
        %add3A_110 = arith.constant 0 : i32
        %add3A_111 = arith.addi %add3A_110, %mul3A_109 : i32
        %mul3A_112 = arith.constant 4 : i32
        %mul3A_113 = arith.muli %add3A_111, %mul3A_112 : i32
        %add3A_114 = arith.constant 0 : i32
        %add3A_115 = arith.addi %mul3A_113, %add3A_114 : i32
        %mul3A_116 = arith.constant 16 : i32
        %mul3A_117 = arith.muli %add3A_101, %mul3A_116 : i32
        %add3A_118 = arith.addi %mul3A_117, %add3A_115 : i32
        %add3A_119 = arith.addi %mul3A_2, %add3A_118 : i32
        %add3A_120 = arith.constant 2 : i32
        %add3A_121 = arith.addi %add3A_119, %add3A_120 : i32
        %lt3A = arith.constant 5000 : i32
        %lt3A_122 = arith.cmpi slt, %add3A_121, %lt3A : i32
        %convert_element_type3A = arith.extui %lt3A_122 : i1 to i32
        %cond3A = arith.constant 0 : i32
        %cond3A_123 = arith.cmpi ne, %convert_element_type3A, %cond3A : i32
        scf.if %cond3A_123 {
          %add3A_207 = arith.constant 2 : i32
          %add3A_208 = arith.addi %add3A_115, %add3A_207 : i32
          %dma_start3A_209 = arith.constant 0 : i32
          %dma_start3A_210 = tpu.memref_slice %arg8[%add3A_208, %dma_start3A_209] : memref<16x128xi32, #tpu.memory_space<vmem>> -> memref<1x128xi32, #tpu.memory_space<vmem>>
          %dma_start3A_211 = tpu.memref_squeeze %dma_start3A_210 : memref<1x128xi32, #tpu.memory_space<vmem>> -> memref<128xi32, #tpu.memory_space<vmem>>
          %dma_start3A_212 = arith.constant 0 : i32
          %dma_start3A_213 = arith.constant 0 : i32
          %dma_start3A_214 = tpu.memref_slice %arg5[%dma_start3A_212, %dma_start3A_213] : memref<10240x16xf32, #tpu.memory_space<hbm>> -> memref<10240x16xf32, #tpu.memory_space<hbm>>
          tpu.enqueue_indirect_dma source(%dma_start3A_214 : memref<10240x16xf32, #tpu.memory_space<hbm>>) target(%arg11 : memref<128x16xf32, #tpu.memory_space<vmem>>) offsets(%dma_start3A_211 : memref<128xi32, #tpu.memory_space<vmem>>) semaphore(%arg22 : memref<!tpu.dma_semaphore, #tpu.memory_space<semaphore_mem>>)
          %dma_start3A_215 = arith.constant 0 : i32
          %dma_start3A_216 = tpu.memref_slice %arg7[%add3A_208, %dma_start3A_215] : memref<16x128xi32, #tpu.memory_space<vmem>> -> memref<1x128xi32, #tpu.memory_space<vmem>>
          %dma_start3A_217 = tpu.memref_squeeze %dma_start3A_216 : memref<1x128xi32, #tpu.memory_space<vmem>> -> memref<128xi32, #tpu.memory_space<vmem>>
          %dma_start3A_218 = arith.constant 0 : i32
          %dma_start3A_219 = arith.constant 0 : i32
          %dma_start3A_220 = tpu.memref_slice %arg4[%dma_start3A_218, %dma_start3A_219] : memref<10240x96xbf16, #tpu.memory_space<hbm>> -> memref<10240x96xbf16, #tpu.memory_space<hbm>>
          tpu.enqueue_indirect_dma source(%dma_start3A_220 : memref<10240x96xbf16, #tpu.memory_space<hbm>>) target(%arg15 : memref<128x96xbf16, #tpu.memory_space<vmem>>) offsets(%dma_start3A_217 : memref<128xi32, #tpu.memory_space<vmem>>) semaphore(%arg22 : memref<!tpu.dma_semaphore, #tpu.memory_space<semaphore_mem>>)
        } else {
        }
        %add3A_124 = arith.addi %mul3A_2, %add3A_118 : i32
        %lt3A_125 = arith.constant 5000 : i32
        %lt3A_126 = arith.cmpi slt, %add3A_124, %lt3A_125 : i32
        %convert_element_type3A_127 = arith.extui %lt3A_126 : i1 to i32
        %cond3A_128 = arith.constant 0 : i32
        %cond3A_129 = arith.cmpi ne, %convert_element_type3A_127, %cond3A_128 : i32
        scf.if %cond3A_129 {
          %dma_wait3A_207 = arith.constant 0 : i32
          %dma_wait3A_208 = arith.constant 0 : i32
          %dma_wait3A_209 = tpu.memref_slice %arg8[%dma_wait3A_207, %dma_wait3A_208] : memref<16x128xi32, #tpu.memory_space<vmem>> -> memref<1x128xi32, #tpu.memory_space<vmem>>
          %dma_wait3A_210 = tpu.memref_squeeze %dma_wait3A_209 : memref<1x128xi32, #tpu.memory_space<vmem>> -> memref<128xi32, #tpu.memory_space<vmem>>
          %dma_wait3A_211 = arith.constant 0 : i32
          %dma_wait3A_212 = arith.constant 0 : i32
          %dma_wait3A_213 = tpu.memref_slice %arg5[%dma_wait3A_211, %dma_wait3A_212] : memref<10240x16xf32, #tpu.memory_space<hbm>> -> memref<10240x16xf32, #tpu.memory_space<hbm>>
          tpu.wait_indirect_dma semaphore(%arg20 : memref<!tpu.dma_semaphore, #tpu.memory_space<semaphore_mem>>) src(%dma_wait3A_213 : memref<10240x16xf32, #tpu.memory_space<hbm>>) dst(%arg9 : memref<128x16xf32, #tpu.memory_space<vmem>>)
          %dma_wait3A_214 = arith.constant 0 : i32
          %dma_wait3A_215 = arith.constant 0 : i32
          %dma_wait3A_216 = tpu.memref_slice %arg7[%dma_wait3A_214, %dma_wait3A_215] : memref<16x128xi32, #tpu.memory_space<vmem>> -> memref<1x128xi32, #tpu.memory_space<vmem>>
          %dma_wait3A_217 = tpu.memref_squeeze %dma_wait3A_216 : memref<1x128xi32, #tpu.memory_space<vmem>> -> memref<128xi32, #tpu.memory_space<vmem>>
          %dma_wait3A_218 = arith.constant 0 : i32
          %dma_wait3A_219 = arith.constant 0 : i32
          %dma_wait3A_220 = tpu.memref_slice %arg4[%dma_wait3A_218, %dma_wait3A_219] : memref<10240x96xbf16, #tpu.memory_space<hbm>> -> memref<10240x96xbf16, #tpu.memory_space<hbm>>
          tpu.wait_indirect_dma semaphore(%arg20 : memref<!tpu.dma_semaphore, #tpu.memory_space<semaphore_mem>>) src(%dma_wait3A_220 : memref<10240x96xbf16, #tpu.memory_space<hbm>>) dst(%arg13 : memref<128x96xbf16, #tpu.memory_space<vmem>>)
          %ge3A = arith.constant 2 : i32
          %ge3A_221 = arith.cmpi sge, %add3A_115, %ge3A : i32
          %convert_element_type3A_222 = arith.extui %ge3A_221 : i1 to i32
          %cond3A_223 = arith.constant 0 : i32
          %cond3A_224 = arith.cmpi ne, %convert_element_type3A_222, %cond3A_223 : i32
          scf.if %cond3A_224 {
            %dma_wait3A_233 = arith.constant 0 : i32
            %dma_wait3A_234 = arith.constant 0 : i32
            %dma_wait3A_235 = tpu.memref_slice %arg8[%dma_wait3A_233, %dma_wait3A_234] : memref<16x128xi32, #tpu.memory_space<vmem>> -> memref<1x128xi32, #tpu.memory_space<vmem>>
            %dma_wait3A_236 = tpu.memref_squeeze %dma_wait3A_235 : memref<1x128xi32, #tpu.memory_space<vmem>> -> memref<128xi32, #tpu.memory_space<vmem>>
            %dma_wait3A_237 = arith.constant 0 : i32
            %dma_wait3A_238 = arith.constant 0 : i32
            %dma_wait3A_239 = tpu.memref_slice %arg19[%dma_wait3A_237, %dma_wait3A_238] : memref<10240x96xf32, #tpu.memory_space<vmem_shared>> -> memref<10240x96xf32, #tpu.memory_space<vmem_shared>>
            tpu.wait_indirect_dma semaphore(%arg24 : memref<!tpu.dma_semaphore, #tpu.memory_space<semaphore_mem>>) src(%arg17 : memref<128x96xf32, #tpu.memory_space<vmem>>) dst(%dma_wait3A_239 : memref<10240x96xf32, #tpu.memory_space<vmem_shared>>)
          } else {
          }
          %parallel_loop3A = arith.constant 0 : i32
          %parallel_loop3A_225 = arith.constant 128 : i32
          %parallel_loop3A_226 = arith.constant 1 : i32
          scf.for %parallel_loop3A_233 = %parallel_loop3A to %parallel_loop3A_225 step %parallel_loop3A_226  : i32 {
            %parallel_loop3A_234 = arith.index_cast %parallel_loop3A_233 : i32 to index
            %parallel_loop3A_235 = arith.constant 64 : index
            %parallel_loop3A_236 = tpu.vector_load %arg13[%parallel_loop3A_234, %parallel_loop3A_235] {strides = array<i32>} : memref<128x96xbf16, #tpu.memory_space<vmem>>, vector<32xbf16>,
            %parallel_loop3A_237 = tpu.unpack_subelements %parallel_loop3A_236, 0 {pack_format = #tpu.pack_format<interleaved>} : vector<32xbf16> -> vector<16xf32>
            %parallel_loop3A_238 = tpu.unpack_subelements %parallel_loop3A_236, 1 {pack_format = #tpu.pack_format<interleaved>} : vector<32xbf16> -> vector<16xf32>
            %parallel_loop3A_239 = arith.index_cast %parallel_loop3A_233 : i32 to index
            %parallel_loop3A_240 = arith.constant 0 : index
            %parallel_loop3A_241 = tpu.vector_load %arg9[%parallel_loop3A_239, %parallel_loop3A_240] {strides = array<i32>} : memref<128x16xf32, #tpu.memory_space<vmem>>, vector<16xf32>,
            %parallel_loop3A_242 = arith.addf %parallel_loop3A_238, %parallel_loop3A_241 : vector<16xf32>
            %parallel_loop3A_243 = arith.constant 2.000000e-01 : f32
            %parallel_loop3A_244 = vector.broadcast %parallel_loop3A_243 : f32 to vector<16xf32>
            %parallel_loop3A_245 = arith.mulf %parallel_loop3A_244, %parallel_loop3A_242 : vector<16xf32>
            %parallel_loop3A_246 = arith.maximumf %parallel_loop3A_242, %parallel_loop3A_245 : vector<16xf32>
            %parallel_loop3A_247 = vector.shape_cast %min3A_32 : vector<16xi32> to vector<16x1xi32>
            %parallel_loop3A_248 = vector.shape_cast %parallel_loop3A_247 : vector<16x1xi32> to vector<16xi32>
            %parallel_loop3A_249 = tpu.dynamic_gather %parallel_loop3A_241[%parallel_loop3A_248] in [0] : vector<16xf32>, vector<16xi32> -> vector<16xf32>
            %parallel_loop3A_250 = arith.subf %parallel_loop3A_246, %parallel_loop3A_249 : vector<16xf32>
            %parallel_loop3A_251 = math.exp %parallel_loop3A_250 : vector<16xf32>
            %parallel_loop3A_252 = arith.index_cast %parallel_loop3A_233 : i32 to index
            %parallel_loop3A_253 = arith.constant 80 : index
            %parallel_loop3A_254 = tpu.vector_load %arg17[%parallel_loop3A_252, %parallel_loop3A_253] {strides = array<i32>} : memref<128x96xf32, #tpu.memory_space<vmem>>, vector<16xf32>,
            tpu.vector_store %arg17[%parallel_loop3A_252, %parallel_loop3A_253], %parallel_loop3A_251 {strides = array<i32>} : memref<128x96xf32, #tpu.memory_space<vmem>>, vector<16xf32>,
            %parallel_loop3A_255 = arith.index_cast %parallel_loop3A_233 : i32 to index
            %parallel_loop3A_256 = arith.constant 0 : index
            %parallel_loop3A_257 = tpu.vector_load %arg13[%parallel_loop3A_255, %parallel_loop3A_256] {strides = array<i32>} : memref<128x96xbf16, #tpu.memory_space<vmem>>, vector<32xbf16>,
            %parallel_loop3A_258 = tpu.unpack_subelements %parallel_loop3A_257, 0 {pack_format = #tpu.pack_format<interleaved>} : vector<32xbf16> -> vector<16xf32>
            %parallel_loop3A_259 = tpu.unpack_subelements %parallel_loop3A_257, 1 {pack_format = #tpu.pack_format<interleaved>} : vector<32xbf16> -> vector<16xf32>
            %parallel_loop3A_260 = arith.index_cast %parallel_loop3A_233 : i32 to index
            %parallel_loop3A_261 = arith.constant 32 : index
            %parallel_loop3A_262 = tpu.vector_load %arg13[%parallel_loop3A_260, %parallel_loop3A_261] {strides = array<i32>} : memref<128x96xbf16, #tpu.memory_space<vmem>>, vector<32xbf16>,
            %parallel_loop3A_263 = tpu.unpack_subelements %parallel_loop3A_262, 0 {pack_format = #tpu.pack_format<interleaved>} : vector<32xbf16> -> vector<16xf32>
            %parallel_loop3A_264 = tpu.unpack_subelements %parallel_loop3A_262, 1 {pack_format = #tpu.pack_format<interleaved>} : vector<32xbf16> -> vector<16xf32>
            %parallel_loop3A_265 = vector.shape_cast %broadcast_in_dim3A_34 : vector<16xi32> to vector<16x1xi32>
            %parallel_loop3A_266 = vector.shape_cast %parallel_loop3A_265 : vector<16x1xi32> to vector<16xi32>
            %parallel_loop3A_267 = tpu.dynamic_gather %parallel_loop3A_251[%parallel_loop3A_266] in [0] : vector<16xf32>, vector<16xi32> -> vector<16xf32>
            %parallel_loop3A_268 = arith.mulf %parallel_loop3A_258, %parallel_loop3A_267 : vector<16xf32>
            %parallel_loop3A_269 = arith.index_cast %parallel_loop3A_233 : i32 to index
            %parallel_loop3A_270 = arith.constant 0 : index
            %parallel_loop3A_271 = tpu.vector_load %arg17[%parallel_loop3A_269, %parallel_loop3A_270] {strides = array<i32>} : memref<128x96xf32, #tpu.memory_space<vmem>>, vector<16xf32>,
            tpu.vector_store %arg17[%parallel_loop3A_269, %parallel_loop3A_270], %parallel_loop3A_268 {strides = array<i32>} : memref<128x96xf32, #tpu.memory_space<vmem>>, vector<16xf32>,
            %parallel_loop3A_272 = vector.shape_cast %broadcast_in_dim3A_36 : vector<16xi32> to vector<16x1xi32>
            %parallel_loop3A_273 = vector.shape_cast %parallel_loop3A_272 : vector<16x1xi32> to vector<16xi32>
            %parallel_loop3A_274 = tpu.dynamic_gather %parallel_loop3A_251[%parallel_loop3A_273] in [0] : vector<16xf32>, vector<16xi32> -> vector<16xf32>
            %parallel_loop3A_275 = arith.mulf %parallel_loop3A_259, %parallel_loop3A_274 : vector<16xf32>
            %parallel_loop3A_276 = arith.index_cast %parallel_loop3A_233 : i32 to index
            %parallel_loop3A_277 = arith.constant 16 : index
            %parallel_loop3A_278 = tpu.vector_load %arg17[%parallel_loop3A_276, %parallel_loop3A_277] {strides = array<i32>} : memref<128x96xf32, #tpu.memory_space<vmem>>, vector<16xf32>,
            tpu.vector_store %arg17[%parallel_loop3A_276, %parallel_loop3A_277], %parallel_loop3A_275 {strides = array<i32>} : memref<128x96xf32, #tpu.memory_space<vmem>>, vector<16xf32>,
            %parallel_loop3A_279 = vector.shape_cast %broadcast_in_dim3A_38 : vector<16xi32> to vector<16x1xi32>
            %parallel_loop3A_280 = vector.shape_cast %parallel_loop3A_279 : vector<16x1xi32> to vector<16xi32>
            %parallel_loop3A_281 = tpu.dynamic_gather %parallel_loop3A_251[%parallel_loop3A_280] in [0] : vector<16xf32>, vector<16xi32> -> vector<16xf32>
            %parallel_loop3A_282 = arith.mulf %parallel_loop3A_263, %parallel_loop3A_281 : vector<16xf32>
            %parallel_loop3A_283 = arith.index_cast %parallel_loop3A_233 : i32 to index
            %parallel_loop3A_284 = arith.constant 32 : index
            %parallel_loop3A_285 = tpu.vector_load %arg17[%parallel_loop3A_283, %parallel_loop3A_284] {strides = array<i32>} : memref<128x96xf32, #tpu.memory_space<vmem>>, vector<16xf32>,
            tpu.vector_store %arg17[%parallel_loop3A_283, %parallel_loop3A_284], %parallel_loop3A_282 {strides = array<i32>} : memref<128x96xf32, #tpu.memory_space<vmem>>, vector<16xf32>,
            %parallel_loop3A_286 = vector.shape_cast %broadcast_in_dim3A_40 : vector<16xi32> to vector<16x1xi32>
            %parallel_loop3A_287 = vector.shape_cast %parallel_loop3A_286 : vector<16x1xi32> to vector<16xi32>
            %parallel_loop3A_288 = tpu.dynamic_gather %parallel_loop3A_251[%parallel_loop3A_287] in [0] : vector<16xf32>, vector<16xi32> -> vector<16xf32>
            %parallel_loop3A_289 = arith.mulf %parallel_loop3A_264, %parallel_loop3A_288 : vector<16xf32>
            %parallel_loop3A_290 = arith.index_cast %parallel_loop3A_233 : i32 to index
            %parallel_loop3A_291 = arith.constant 48 : index
            %parallel_loop3A_292 = tpu.vector_load %arg17[%parallel_loop3A_290, %parallel_loop3A_291] {strides = array<i32>} : memref<128x96xf32, #tpu.memory_space<vmem>>, vector<16xf32>,
            tpu.vector_store %arg17[%parallel_loop3A_290, %parallel_loop3A_291], %parallel_loop3A_289 {strides = array<i32>} : memref<128x96xf32, #tpu.memory_space<vmem>>, vector<16xf32>,
            %parallel_loop3A_293 = vector.shape_cast %broadcast_in_dim3A_42 : vector<16xi32> to vector<16x1xi32>
            %parallel_loop3A_294 = vector.shape_cast %parallel_loop3A_293 : vector<16x1xi32> to vector<16xi32>
            %parallel_loop3A_295 = tpu.dynamic_gather %parallel_loop3A_251[%parallel_loop3A_294] in [0] : vector<16xf32>, vector<16xi32> -> vector<16xf32>
            %parallel_loop3A_296 = arith.mulf %parallel_loop3A_237, %parallel_loop3A_295 : vector<16xf32>
            %parallel_loop3A_297 = arith.index_cast %parallel_loop3A_233 : i32 to index
            %parallel_loop3A_298 = arith.constant 64 : index
            %parallel_loop3A_299 = tpu.vector_load %arg17[%parallel_loop3A_297, %parallel_loop3A_298] {strides = array<i32>} : memref<128x96xf32, #tpu.memory_space<vmem>>, vector<16xf32>,
            tpu.vector_store %arg17[%parallel_loop3A_297, %parallel_loop3A_298], %parallel_loop3A_296 {strides = array<i32>} : memref<128x96xf32, #tpu.memory_space<vmem>>, vector<16xf32>,
          } {sc.loop_unroll_factor = 4 : i64, sc.parallel_access}
          %dma_start3A_227 = arith.constant 0 : i32
          %dma_start3A_228 = tpu.memref_slice %arg8[%add3A_115, %dma_start3A_227] : memref<16x128xi32, #tpu.memory_space<vmem>> -> memref<1x128xi32, #tpu.memory_space<vmem>>
          %dma_start3A_229 = tpu.memref_squeeze %dma_start3A_228 : memref<1x128xi32, #tpu.memory_space<vmem>> -> memref<128xi32, #tpu.memory_space<vmem>>
          %dma_start3A_230 = arith.constant 0 : i32
          %dma_start3A_231 = arith.constant 0 : i32
          %dma_start3A_232 = tpu.memref_slice %arg19[%dma_start3A_230, %dma_start3A_231] : memref<10240x96xf32, #tpu.memory_space<vmem_shared>> -> memref<10240x96xf32, #tpu.memory_space<vmem_shared>>
          tpu.enqueue_indirect_dma source(%arg17 : memref<128x96xf32, #tpu.memory_space<vmem>>) target(%dma_start3A_232 : memref<10240x96xf32, #tpu.memory_space<vmem_shared>>) offsets(%dma_start3A_229 : memref<128xi32, #tpu.memory_space<vmem>>) semaphore(%arg24 : memref<!tpu.dma_semaphore, #tpu.memory_space<semaphore_mem>>) {add = true}
        } else {
        }
        %mul3A_130 = arith.constant 4 : i32
        %mul3A_131 = arith.muli %add3A_111, %mul3A_130 : i32
        %add3A_132 = arith.constant 1 : i32
        %add3A_133 = arith.addi %mul3A_131, %add3A_132 : i32
        %mul3A_134 = arith.constant 16 : i32
        %mul3A_135 = arith.muli %add3A_101, %mul3A_134 : i32
        %add3A_136 = arith.addi %mul3A_135, %add3A_133 : i32
        %add3A_137 = arith.addi %mul3A_2, %add3A_136 : i32
        %add3A_138 = arith.constant 2 : i32
        %add3A_139 = arith.addi %add3A_137, %add3A_138 : i32
        %lt3A_140 = arith.constant 5000 : i32
        %lt3A_141 = arith.cmpi slt, %add3A_139, %lt3A_140 : i32
        %convert_element_type3A_142 = arith.extui %lt3A_141 : i1 to i32
        %cond3A_143 = arith.constant 0 : i32
        %cond3A_144 = arith.cmpi ne, %convert_element_type3A_142, %cond3A_143 : i32
        scf.if %cond3A_144 {
          %add3A_207 = arith.constant 2 : i32
          %add3A_208 = arith.addi %add3A_133, %add3A_207 : i32
          %dma_start3A_209 = arith.constant 0 : i32
          %dma_start3A_210 = tpu.memref_slice %arg8[%add3A_208, %dma_start3A_209] : memref<16x128xi32, #tpu.memory_space<vmem>> -> memref<1x128xi32, #tpu.memory_space<vmem>>
          %dma_start3A_211 = tpu.memref_squeeze %dma_start3A_210 : memref<1x128xi32, #tpu.memory_space<vmem>> -> memref<128xi32, #tpu.memory_space<vmem>>
          %dma_start3A_212 = arith.constant 0 : i32
          %dma_start3A_213 = arith.constant 0 : i32
          %dma_start3A_214 = tpu.memref_slice %arg5[%dma_start3A_212, %dma_start3A_213] : memref<10240x16xf32, #tpu.memory_space<hbm>> -> memref<10240x16xf32, #tpu.memory_space<hbm>>
          tpu.enqueue_indirect_dma source(%dma_start3A_214 : memref<10240x16xf32, #tpu.memory_space<hbm>>) target(%arg12 : memref<128x16xf32, #tpu.memory_space<vmem>>) offsets(%dma_start3A_211 : memref<128xi32, #tpu.memory_space<vmem>>) semaphore(%arg23 : memref<!tpu.dma_semaphore, #tpu.memory_space<semaphore_mem>>)
          %dma_start3A_215 = arith.constant 0 : i32
          %dma_start3A_216 = tpu.memref_slice %arg7[%add3A_208, %dma_start3A_215] : memref<16x128xi32, #tpu.memory_space<vmem>> -> memref<1x128xi32, #tpu.memory_space<vmem>>
          %dma_start3A_217 = tpu.memref_squeeze %dma_start3A_216 : memref<1x128xi32, #tpu.memory_space<vmem>> -> memref<128xi32, #tpu.memory_space<vmem>>
          %dma_start3A_218 = arith.constant 0 : i32
          %dma_start3A_219 = arith.constant 0 : i32
          %dma_start3A_220 = tpu.memref_slice %arg4[%dma_start3A_218, %dma_start3A_219] : memref<10240x96xbf16, #tpu.memory_space<hbm>> -> memref<10240x96xbf16, #tpu.memory_space<hbm>>
          tpu.enqueue_indirect_dma source(%dma_start3A_220 : memref<10240x96xbf16, #tpu.memory_space<hbm>>) target(%arg16 : memref<128x96xbf16, #tpu.memory_space<vmem>>) offsets(%dma_start3A_217 : memref<128xi32, #tpu.memory_space<vmem>>) semaphore(%arg23 : memref<!tpu.dma_semaphore, #tpu.memory_space<semaphore_mem>>)
        } else {
        }
        %add3A_145 = arith.addi %mul3A_2, %add3A_136 : i32
        %lt3A_146 = arith.constant 5000 : i32
        %lt3A_147 = arith.cmpi slt, %add3A_145, %lt3A_146 : i32
        %convert_element_type3A_148 = arith.extui %lt3A_147 : i1 to i32
        %cond3A_149 = arith.constant 0 : i32
        %cond3A_150 = arith.cmpi ne, %convert_element_type3A_148, %cond3A_149 : i32
        scf.if %cond3A_150 {
          %dma_wait3A_207 = arith.constant 0 : i32
          %dma_wait3A_208 = arith.constant 0 : i32
          %dma_wait3A_209 = tpu.memref_slice %arg8[%dma_wait3A_207, %dma_wait3A_208] : memref<16x128xi32, #tpu.memory_space<vmem>> -> memref<1x128xi32, #tpu.memory_space<vmem>>
          %dma_wait3A_210 = tpu.memref_squeeze %dma_wait3A_209 : memref<1x128xi32, #tpu.memory_space<vmem>> -> memref<128xi32, #tpu.memory_space<vmem>>
          %dma_wait3A_211 = arith.constant 0 : i32
          %dma_wait3A_212 = arith.constant 0 : i32
          %dma_wait3A_213 = tpu.memref_slice %arg5[%dma_wait3A_211, %dma_wait3A_212] : memref<10240x16xf32, #tpu.memory_space<hbm>> -> memref<10240x16xf32, #tpu.memory_space<hbm>>
          tpu.wait_indirect_dma semaphore(%arg21 : memref<!tpu.dma_semaphore, #tpu.memory_space<semaphore_mem>>) src(%dma_wait3A_213 : memref<10240x16xf32, #tpu.memory_space<hbm>>) dst(%arg10 : memref<128x16xf32, #tpu.memory_space<vmem>>)
          %dma_wait3A_214 = arith.constant 0 : i32
          %dma_wait3A_215 = arith.constant 0 : i32
          %dma_wait3A_216 = tpu.memref_slice %arg7[%dma_wait3A_214, %dma_wait3A_215] : memref<16x128xi32, #tpu.memory_space<vmem>> -> memref<1x128xi32, #tpu.memory_space<vmem>>
          %dma_wait3A_217 = tpu.memref_squeeze %dma_wait3A_216 : memref<1x128xi32, #tpu.memory_space<vmem>> -> memref<128xi32, #tpu.memory_space<vmem>>
          %dma_wait3A_218 = arith.constant 0 : i32
          %dma_wait3A_219 = arith.constant 0 : i32
          %dma_wait3A_220 = tpu.memref_slice %arg4[%dma_wait3A_218, %dma_wait3A_219] : memref<10240x96xbf16, #tpu.memory_space<hbm>> -> memref<10240x96xbf16, #tpu.memory_space<hbm>>
          tpu.wait_indirect_dma semaphore(%arg21 : memref<!tpu.dma_semaphore, #tpu.memory_space<semaphore_mem>>) src(%dma_wait3A_220 : memref<10240x96xbf16, #tpu.memory_space<hbm>>) dst(%arg14 : memref<128x96xbf16, #tpu.memory_space<vmem>>)
          %ge3A = arith.constant 2 : i32
          %ge3A_221 = arith.cmpi sge, %add3A_133, %ge3A : i32
          %convert_element_type3A_222 = arith.extui %ge3A_221 : i1 to i32
          %cond3A_223 = arith.constant 0 : i32
          %cond3A_224 = arith.cmpi ne, %convert_element_type3A_222, %cond3A_223 : i32
          scf.if %cond3A_224 {
            %dma_wait3A_233 = arith.constant 0 : i32
            %dma_wait3A_234 = arith.constant 0 : i32
            %dma_wait3A_235 = tpu.memref_slice %arg8[%dma_wait3A_233, %dma_wait3A_234] : memref<16x128xi32, #tpu.memory_space<vmem>> -> memref<1x128xi32, #tpu.memory_space<vmem>>
            %dma_wait3A_236 = tpu.memref_squeeze %dma_wait3A_235 : memref<1x128xi32, #tpu.memory_space<vmem>> -> memref<128xi32, #tpu.memory_space<vmem>>
            %dma_wait3A_237 = arith.constant 0 : i32
            %dma_wait3A_238 = arith.constant 0 : i32
            %dma_wait3A_239 = tpu.memref_slice %arg19[%dma_wait3A_237, %dma_wait3A_238] : memref<10240x96xf32, #tpu.memory_space<vmem_shared>> -> memref<10240x96xf32, #tpu.memory_space<vmem_shared>>
            tpu.wait_indirect_dma semaphore(%arg25 : memref<!tpu.dma_semaphore, #tpu.memory_space<semaphore_mem>>) src(%arg18 : memref<128x96xf32, #tpu.memory_space<vmem>>) dst(%dma_wait3A_239 : memref<10240x96xf32, #tpu.memory_space<vmem_shared>>)
          } else {
          }
          %parallel_loop3A = arith.constant 0 : i32
          %parallel_loop3A_225 = arith.constant 128 : i32
          %parallel_loop3A_226 = arith.constant 1 : i32
          scf.for %parallel_loop3A_233 = %parallel_loop3A to %parallel_loop3A_225 step %parallel_loop3A_226  : i32 {
            %parallel_loop3A_234 = arith.index_cast %parallel_loop3A_233 : i32 to index
            %parallel_loop3A_235 = arith.constant 64 : index
            %parallel_loop3A_236 = tpu.vector_load %arg14[%parallel_loop3A_234, %parallel_loop3A_235] {strides = array<i32>} : memref<128x96xbf16, #tpu.memory_space<vmem>>, vector<32xbf16>,
            %parallel_loop3A_237 = tpu.unpack_subelements %parallel_loop3A_236, 0 {pack_format = #tpu.pack_format<interleaved>} : vector<32xbf16> -> vector<16xf32>
            %parallel_loop3A_238 = tpu.unpack_subelements %parallel_loop3A_236, 1 {pack_format = #tpu.pack_format<interleaved>} : vector<32xbf16> -> vector<16xf32>
            %parallel_loop3A_239 = arith.index_cast %parallel_loop3A_233 : i32 to index
            %parallel_loop3A_240 = arith.constant 0 : index
            %parallel_loop3A_241 = tpu.vector_load %arg10[%parallel_loop3A_239, %parallel_loop3A_240] {strides = array<i32>} : memref<128x16xf32, #tpu.memory_space<vmem>>, vector<16xf32>,
            %parallel_loop3A_242 = arith.addf %parallel_loop3A_238, %parallel_loop3A_241 : vector<16xf32>
            %parallel_loop3A_243 = arith.constant 2.000000e-01 : f32
            %parallel_loop3A_244 = vector.broadcast %parallel_loop3A_243 : f32 to vector<16xf32>
            %parallel_loop3A_245 = arith.mulf %parallel_loop3A_244, %parallel_loop3A_242 : vector<16xf32>
            %parallel_loop3A_246 = arith.maximumf %parallel_loop3A_242, %parallel_loop3A_245 : vector<16xf32>
            %parallel_loop3A_247 = vector.shape_cast %min3A_32 : vector<16xi32> to vector<16x1xi32>
            %parallel_loop3A_248 = vector.shape_cast %parallel_loop3A_247 : vector<16x1xi32> to vector<16xi32>
            %parallel_loop3A_249 = tpu.dynamic_gather %parallel_loop3A_241[%parallel_loop3A_248] in [0] : vector<16xf32>, vector<16xi32> -> vector<16xf32>
            %parallel_loop3A_250 = arith.subf %parallel_loop3A_246, %parallel_loop3A_249 : vector<16xf32>
            %parallel_loop3A_251 = math.exp %parallel_loop3A_250 : vector<16xf32>
            %parallel_loop3A_252 = arith.index_cast %parallel_loop3A_233 : i32 to index
            %parallel_loop3A_253 = arith.constant 80 : index
            %parallel_loop3A_254 = tpu.vector_load %arg18[%parallel_loop3A_252, %parallel_loop3A_253] {strides = array<i32>} : memref<128x96xf32, #tpu.memory_space<vmem>>, vector<16xf32>,
            tpu.vector_store %arg18[%parallel_loop3A_252, %parallel_loop3A_253], %parallel_loop3A_251 {strides = array<i32>} : memref<128x96xf32, #tpu.memory_space<vmem>>, vector<16xf32>,
            %parallel_loop3A_255 = arith.index_cast %parallel_loop3A_233 : i32 to index
            %parallel_loop3A_256 = arith.constant 0 : index
            %parallel_loop3A_257 = tpu.vector_load %arg14[%parallel_loop3A_255, %parallel_loop3A_256] {strides = array<i32>} : memref<128x96xbf16, #tpu.memory_space<vmem>>, vector<32xbf16>,
            %parallel_loop3A_258 = tpu.unpack_subelements %parallel_loop3A_257, 0 {pack_format = #tpu.pack_format<interleaved>} : vector<32xbf16> -> vector<16xf32>
            %parallel_loop3A_259 = tpu.unpack_subelements %parallel_loop3A_257, 1 {pack_format = #tpu.pack_format<interleaved>} : vector<32xbf16> -> vector<16xf32>
            %parallel_loop3A_260 = arith.index_cast %parallel_loop3A_233 : i32 to index
            %parallel_loop3A_261 = arith.constant 32 : index
            %parallel_loop3A_262 = tpu.vector_load %arg14[%parallel_loop3A_260, %parallel_loop3A_261] {strides = array<i32>} : memref<128x96xbf16, #tpu.memory_space<vmem>>, vector<32xbf16>,
            %parallel_loop3A_263 = tpu.unpack_subelements %parallel_loop3A_262, 0 {pack_format = #tpu.pack_format<interleaved>} : vector<32xbf16> -> vector<16xf32>
            %parallel_loop3A_264 = tpu.unpack_subelements %parallel_loop3A_262, 1 {pack_format = #tpu.pack_format<interleaved>} : vector<32xbf16> -> vector<16xf32>
            %parallel_loop3A_265 = vector.shape_cast %broadcast_in_dim3A_34 : vector<16xi32> to vector<16x1xi32>
            %parallel_loop3A_266 = vector.shape_cast %parallel_loop3A_265 : vector<16x1xi32> to vector<16xi32>
            %parallel_loop3A_267 = tpu.dynamic_gather %parallel_loop3A_251[%parallel_loop3A_266] in [0] : vector<16xf32>, vector<16xi32> -> vector<16xf32>
            %parallel_loop3A_268 = arith.mulf %parallel_loop3A_258, %parallel_loop3A_267 : vector<16xf32>
            %parallel_loop3A_269 = arith.index_cast %parallel_loop3A_233 : i32 to index
            %parallel_loop3A_270 = arith.constant 0 : index
            %parallel_loop3A_271 = tpu.vector_load %arg18[%parallel_loop3A_269, %parallel_loop3A_270] {strides = array<i32>} : memref<128x96xf32, #tpu.memory_space<vmem>>, vector<16xf32>,
            tpu.vector_store %arg18[%parallel_loop3A_269, %parallel_loop3A_270], %parallel_loop3A_268 {strides = array<i32>} : memref<128x96xf32, #tpu.memory_space<vmem>>, vector<16xf32>,
            %parallel_loop3A_272 = vector.shape_cast %broadcast_in_dim3A_36 : vector<16xi32> to vector<16x1xi32>
            %parallel_loop3A_273 = vector.shape_cast %parallel_loop3A_272 : vector<16x1xi32> to vector<16xi32>
            %parallel_loop3A_274 = tpu.dynamic_gather %parallel_loop3A_251[%parallel_loop3A_273] in [0] : vector<16xf32>, vector<16xi32> -> vector<16xf32>
            %parallel_loop3A_275 = arith.mulf %parallel_loop3A_259, %parallel_loop3A_274 : vector<16xf32>
            %parallel_loop3A_276 = arith.index_cast %parallel_loop3A_233 : i32 to index
            %parallel_loop3A_277 = arith.constant 16 : index
            %parallel_loop3A_278 = tpu.vector_load %arg18[%parallel_loop3A_276, %parallel_loop3A_277] {strides = array<i32>} : memref<128x96xf32, #tpu.memory_space<vmem>>, vector<16xf32>,
            tpu.vector_store %arg18[%parallel_loop3A_276, %parallel_loop3A_277], %parallel_loop3A_275 {strides = array<i32>} : memref<128x96xf32, #tpu.memory_space<vmem>>, vector<16xf32>,
            %parallel_loop3A_279 = vector.shape_cast %broadcast_in_dim3A_38 : vector<16xi32> to vector<16x1xi32>
            %parallel_loop3A_280 = vector.shape_cast %parallel_loop3A_279 : vector<16x1xi32> to vector<16xi32>
            %parallel_loop3A_281 = tpu.dynamic_gather %parallel_loop3A_251[%parallel_loop3A_280] in [0] : vector<16xf32>, vector<16xi32> -> vector<16xf32>
            %parallel_loop3A_282 = arith.mulf %parallel_loop3A_263, %parallel_loop3A_281 : vector<16xf32>
            %parallel_loop3A_283 = arith.index_cast %parallel_loop3A_233 : i32 to index
            %parallel_loop3A_284 = arith.constant 32 : index
            %parallel_loop3A_285 = tpu.vector_load %arg18[%parallel_loop3A_283, %parallel_loop3A_284] {strides = array<i32>} : memref<128x96xf32, #tpu.memory_space<vmem>>, vector<16xf32>,
            tpu.vector_store %arg18[%parallel_loop3A_283, %parallel_loop3A_284], %parallel_loop3A_282 {strides = array<i32>} : memref<128x96xf32, #tpu.memory_space<vmem>>, vector<16xf32>,
            %parallel_loop3A_286 = vector.shape_cast %broadcast_in_dim3A_40 : vector<16xi32> to vector<16x1xi32>
            %parallel_loop3A_287 = vector.shape_cast %parallel_loop3A_286 : vector<16x1xi32> to vector<16xi32>
            %parallel_loop3A_288 = tpu.dynamic_gather %parallel_loop3A_251[%parallel_loop3A_287] in [0] : vector<16xf32>, vector<16xi32> -> vector<16xf32>
            %parallel_loop3A_289 = arith.mulf %parallel_loop3A_264, %parallel_loop3A_288 : vector<16xf32>
            %parallel_loop3A_290 = arith.index_cast %parallel_loop3A_233 : i32 to index
            %parallel_loop3A_291 = arith.constant 48 : index
            %parallel_loop3A_292 = tpu.vector_load %arg18[%parallel_loop3A_290, %parallel_loop3A_291] {strides = array<i32>} : memref<128x96xf32, #tpu.memory_space<vmem>>, vector<16xf32>,
            tpu.vector_store %arg18[%parallel_loop3A_290, %parallel_loop3A_291], %parallel_loop3A_289 {strides = array<i32>} : memref<128x96xf32, #tpu.memory_space<vmem>>, vector<16xf32>,
            %parallel_loop3A_293 = vector.shape_cast %broadcast_in_dim3A_42 : vector<16xi32> to vector<16x1xi32>
            %parallel_loop3A_294 = vector.shape_cast %parallel_loop3A_293 : vector<16x1xi32> to vector<16xi32>
            %parallel_loop3A_295 = tpu.dynamic_gather %parallel_loop3A_251[%parallel_loop3A_294] in [0] : vector<16xf32>, vector<16xi32> -> vector<16xf32>
            %parallel_loop3A_296 = arith.mulf %parallel_loop3A_237, %parallel_loop3A_295 : vector<16xf32>
            %parallel_loop3A_297 = arith.index_cast %parallel_loop3A_233 : i32 to index
            %parallel_loop3A_298 = arith.constant 64 : index
            %parallel_loop3A_299 = tpu.vector_load %arg18[%parallel_loop3A_297, %parallel_loop3A_298] {strides = array<i32>} : memref<128x96xf32, #tpu.memory_space<vmem>>, vector<16xf32>,
            tpu.vector_store %arg18[%parallel_loop3A_297, %parallel_loop3A_298], %parallel_loop3A_296 {strides = array<i32>} : memref<128x96xf32, #tpu.memory_space<vmem>>, vector<16xf32>,
          } {sc.loop_unroll_factor = 4 : i64, sc.parallel_access}
          %dma_start3A_227 = arith.constant 0 : i32
          %dma_start3A_228 = tpu.memref_slice %arg8[%add3A_133, %dma_start3A_227] : memref<16x128xi32, #tpu.memory_space<vmem>> -> memref<1x128xi32, #tpu.memory_space<vmem>>
          %dma_start3A_229 = tpu.memref_squeeze %dma_start3A_228 : memref<1x128xi32, #tpu.memory_space<vmem>> -> memref<128xi32, #tpu.memory_space<vmem>>
          %dma_start3A_230 = arith.constant 0 : i32
          %dma_start3A_231 = arith.constant 0 : i32
          %dma_start3A_232 = tpu.memref_slice %arg19[%dma_start3A_230, %dma_start3A_231] : memref<10240x96xf32, #tpu.memory_space<vmem_shared>> -> memref<10240x96xf32, #tpu.memory_space<vmem_shared>>
          tpu.enqueue_indirect_dma source(%arg18 : memref<128x96xf32, #tpu.memory_space<vmem>>) target(%dma_start3A_232 : memref<10240x96xf32, #tpu.memory_space<vmem_shared>>) offsets(%dma_start3A_229 : memref<128xi32, #tpu.memory_space<vmem>>) semaphore(%arg25 : memref<!tpu.dma_semaphore, #tpu.memory_space<semaphore_mem>>) {add = true}
        } else {
        }
        %mul3A_151 = arith.constant 4 : i32
        %mul3A_152 = arith.muli %add3A_111, %mul3A_151 : i32
        %add3A_153 = arith.constant 2 : i32
        %add3A_154 = arith.addi %mul3A_152, %add3A_153 : i32
        %mul3A_155 = arith.constant 16 : i32
        %mul3A_156 = arith.muli %add3A_101, %mul3A_155 : i32
        %add3A_157 = arith.addi %mul3A_156, %add3A_154 : i32
        %lt3A_158 = arith.constant 3 : i32
        %lt3A_159 = arith.cmpi slt, %add3A_111, %lt3A_158 : i32
        %add3A_160 = arith.addi %mul3A_2, %add3A_157 : i32
        %add3A_161 = arith.constant 2 : i32
        %add3A_162 = arith.addi %add3A_160, %add3A_161 : i32
        %lt3A_163 = arith.constant 5000 : i32
        %lt3A_164 = arith.cmpi slt, %add3A_162, %lt3A_163 : i32
        %and3A = arith.andi %lt3A_159, %lt3A_164 : i1
        %convert_element_type3A_165 = arith.extui %and3A : i1 to i32
        %cond3A_166 = arith.constant 0 : i32
        %cond3A_167 = arith.cmpi ne, %convert_element_type3A_165, %cond3A_166 : i32
        scf.if %cond3A_167 {
          %add3A_207 = arith.constant 2 : i32
          %add3A_208 = arith.addi %add3A_154, %add3A_207 : i32
          %dma_start3A_209 = arith.constant 0 : i32
          %dma_start3A_210 = tpu.memref_slice %arg8[%add3A_208, %dma_start3A_209] : memref<16x128xi32, #tpu.memory_space<vmem>> -> memref<1x128xi32, #tpu.memory_space<vmem>>
          %dma_start3A_211 = tpu.memref_squeeze %dma_start3A_210 : memref<1x128xi32, #tpu.memory_space<vmem>> -> memref<128xi32, #tpu.memory_space<vmem>>
          %dma_start3A_212 = arith.constant 0 : i32
          %dma_start3A_213 = arith.constant 0 : i32
          %dma_start3A_214 = tpu.memref_slice %arg5[%dma_start3A_212, %dma_start3A_213] : memref<10240x16xf32, #tpu.memory_space<hbm>> -> memref<10240x16xf32, #tpu.memory_space<hbm>>
          tpu.enqueue_indirect_dma source(%dma_start3A_214 : memref<10240x16xf32, #tpu.memory_space<hbm>>) target(%arg9 : memref<128x16xf32, #tpu.memory_space<vmem>>) offsets(%dma_start3A_211 : memref<128xi32, #tpu.memory_space<vmem>>) semaphore(%arg20 : memref<!tpu.dma_semaphore, #tpu.memory_space<semaphore_mem>>)
          %dma_start3A_215 = arith.constant 0 : i32
          %dma_start3A_216 = tpu.memref_slice %arg7[%add3A_208, %dma_start3A_215] : memref<16x128xi32, #tpu.memory_space<vmem>> -> memref<1x128xi32, #tpu.memory_space<vmem>>
          %dma_start3A_217 = tpu.memref_squeeze %dma_start3A_216 : memref<1x128xi32, #tpu.memory_space<vmem>> -> memref<128xi32, #tpu.memory_space<vmem>>
          %dma_start3A_218 = arith.constant 0 : i32
          %dma_start3A_219 = arith.constant 0 : i32
          %dma_start3A_220 = tpu.memref_slice %arg4[%dma_start3A_218, %dma_start3A_219] : memref<10240x96xbf16, #tpu.memory_space<hbm>> -> memref<10240x96xbf16, #tpu.memory_space<hbm>>
          tpu.enqueue_indirect_dma source(%dma_start3A_220 : memref<10240x96xbf16, #tpu.memory_space<hbm>>) target(%arg13 : memref<128x96xbf16, #tpu.memory_space<vmem>>) offsets(%dma_start3A_217 : memref<128xi32, #tpu.memory_space<vmem>>) semaphore(%arg20 : memref<!tpu.dma_semaphore, #tpu.memory_space<semaphore_mem>>)
        } else {
        }
        %add3A_168 = arith.addi %mul3A_2, %add3A_157 : i32
        %lt3A_169 = arith.constant 5000 : i32
        %lt3A_170 = arith.cmpi slt, %add3A_168, %lt3A_169 : i32
        %convert_element_type3A_171 = arith.extui %lt3A_170 : i1 to i32
        %cond3A_172 = arith.constant 0 : i32
        %cond3A_173 = arith.cmpi ne, %convert_element_type3A_171, %cond3A_172 : i32
        scf.if %cond3A_173 {
          %dma_wait3A_207 = arith.constant 0 : i32
          %dma_wait3A_208 = arith.constant 0 : i32
          %dma_wait3A_209 = tpu.memref_slice %arg8[%dma_wait3A_207, %dma_wait3A_208] : memref<16x128xi32, #tpu.memory_space<vmem>> -> memref<1x128xi32, #tpu.memory_space<vmem>>
          %dma_wait3A_210 = tpu.memref_squeeze %dma_wait3A_209 : memref<1x128xi32, #tpu.memory_space<vmem>> -> memref<128xi32, #tpu.memory_space<vmem>>
          %dma_wait3A_211 = arith.constant 0 : i32
          %dma_wait3A_212 = arith.constant 0 : i32
          %dma_wait3A_213 = tpu.memref_slice %arg5[%dma_wait3A_211, %dma_wait3A_212] : memref<10240x16xf32, #tpu.memory_space<hbm>> -> memref<10240x16xf32, #tpu.memory_space<hbm>>
          tpu.wait_indirect_dma semaphore(%arg22 : memref<!tpu.dma_semaphore, #tpu.memory_space<semaphore_mem>>) src(%dma_wait3A_213 : memref<10240x16xf32, #tpu.memory_space<hbm>>) dst(%arg11 : memref<128x16xf32, #tpu.memory_space<vmem>>)
          %dma_wait3A_214 = arith.constant 0 : i32
          %dma_wait3A_215 = arith.constant 0 : i32
          %dma_wait3A_216 = tpu.memref_slice %arg7[%dma_wait3A_214, %dma_wait3A_215] : memref<16x128xi32, #tpu.memory_space<vmem>> -> memref<1x128xi32, #tpu.memory_space<vmem>>
          %dma_wait3A_217 = tpu.memref_squeeze %dma_wait3A_216 : memref<1x128xi32, #tpu.memory_space<vmem>> -> memref<128xi32, #tpu.memory_space<vmem>>
          %dma_wait3A_218 = arith.constant 0 : i32
          %dma_wait3A_219 = arith.constant 0 : i32
          %dma_wait3A_220 = tpu.memref_slice %arg4[%dma_wait3A_218, %dma_wait3A_219] : memref<10240x96xbf16, #tpu.memory_space<hbm>> -> memref<10240x96xbf16, #tpu.memory_space<hbm>>
          tpu.wait_indirect_dma semaphore(%arg22 : memref<!tpu.dma_semaphore, #tpu.memory_space<semaphore_mem>>) src(%dma_wait3A_220 : memref<10240x96xbf16, #tpu.memory_space<hbm>>) dst(%arg15 : memref<128x96xbf16, #tpu.memory_space<vmem>>)
          %ge3A = arith.constant 2 : i32
          %ge3A_221 = arith.cmpi sge, %add3A_154, %ge3A : i32
          %convert_element_type3A_222 = arith.extui %ge3A_221 : i1 to i32
          %cond3A_223 = arith.constant 0 : i32
          %cond3A_224 = arith.cmpi ne, %convert_element_type3A_222, %cond3A_223 : i32
          scf.if %cond3A_224 {
            %dma_wait3A_233 = arith.constant 0 : i32
            %dma_wait3A_234 = arith.constant 0 : i32
            %dma_wait3A_235 = tpu.memref_slice %arg8[%dma_wait3A_233, %dma_wait3A_234] : memref<16x128xi32, #tpu.memory_space<vmem>> -> memref<1x128xi32, #tpu.memory_space<vmem>>
            %dma_wait3A_236 = tpu.memref_squeeze %dma_wait3A_235 : memref<1x128xi32, #tpu.memory_space<vmem>> -> memref<128xi32, #tpu.memory_space<vmem>>
            %dma_wait3A_237 = arith.constant 0 : i32
            %dma_wait3A_238 = arith.constant 0 : i32
            %dma_wait3A_239 = tpu.memref_slice %arg19[%dma_wait3A_237, %dma_wait3A_238] : memref<10240x96xf32, #tpu.memory_space<vmem_shared>> -> memref<10240x96xf32, #tpu.memory_space<vmem_shared>>
            tpu.wait_indirect_dma semaphore(%arg24 : memref<!tpu.dma_semaphore, #tpu.memory_space<semaphore_mem>>) src(%arg17 : memref<128x96xf32, #tpu.memory_space<vmem>>) dst(%dma_wait3A_239 : memref<10240x96xf32, #tpu.memory_space<vmem_shared>>)
          } else {
          }
          %parallel_loop3A = arith.constant 0 : i32
          %parallel_loop3A_225 = arith.constant 128 : i32
          %parallel_loop3A_226 = arith.constant 1 : i32
          scf.for %parallel_loop3A_233 = %parallel_loop3A to %parallel_loop3A_225 step %parallel_loop3A_226  : i32 {
            %parallel_loop3A_234 = arith.index_cast %parallel_loop3A_233 : i32 to index
            %parallel_loop3A_235 = arith.constant 64 : index
            %parallel_loop3A_236 = tpu.vector_load %arg15[%parallel_loop3A_234, %parallel_loop3A_235] {strides = array<i32>} : memref<128x96xbf16, #tpu.memory_space<vmem>>, vector<32xbf16>,
            %parallel_loop3A_237 = tpu.unpack_subelements %parallel_loop3A_236, 0 {pack_format = #tpu.pack_format<interleaved>} : vector<32xbf16> -> vector<16xf32>
            %parallel_loop3A_238 = tpu.unpack_subelements %parallel_loop3A_236, 1 {pack_format = #tpu.pack_format<interleaved>} : vector<32xbf16> -> vector<16xf32>
            %parallel_loop3A_239 = arith.index_cast %parallel_loop3A_233 : i32 to index
            %parallel_loop3A_240 = arith.constant 0 : index
            %parallel_loop3A_241 = tpu.vector_load %arg11[%parallel_loop3A_239, %parallel_loop3A_240] {strides = array<i32>} : memref<128x16xf32, #tpu.memory_space<vmem>>, vector<16xf32>,
            %parallel_loop3A_242 = arith.addf %parallel_loop3A_238, %parallel_loop3A_241 : vector<16xf32>
            %parallel_loop3A_243 = arith.constant 2.000000e-01 : f32
            %parallel_loop3A_244 = vector.broadcast %parallel_loop3A_243 : f32 to vector<16xf32>
            %parallel_loop3A_245 = arith.mulf %parallel_loop3A_244, %parallel_loop3A_242 : vector<16xf32>
            %parallel_loop3A_246 = arith.maximumf %parallel_loop3A_242, %parallel_loop3A_245 : vector<16xf32>
            %parallel_loop3A_247 = vector.shape_cast %min3A_32 : vector<16xi32> to vector<16x1xi32>
            %parallel_loop3A_248 = vector.shape_cast %parallel_loop3A_247 : vector<16x1xi32> to vector<16xi32>
            %parallel_loop3A_249 = tpu.dynamic_gather %parallel_loop3A_241[%parallel_loop3A_248] in [0] : vector<16xf32>, vector<16xi32> -> vector<16xf32>
            %parallel_loop3A_250 = arith.subf %parallel_loop3A_246, %parallel_loop3A_249 : vector<16xf32>
            %parallel_loop3A_251 = math.exp %parallel_loop3A_250 : vector<16xf32>
            %parallel_loop3A_252 = arith.index_cast %parallel_loop3A_233 : i32 to index
            %parallel_loop3A_253 = arith.constant 80 : index
            %parallel_loop3A_254 = tpu.vector_load %arg17[%parallel_loop3A_252, %parallel_loop3A_253] {strides = array<i32>} : memref<128x96xf32, #tpu.memory_space<vmem>>, vector<16xf32>,
            tpu.vector_store %arg17[%parallel_loop3A_252, %parallel_loop3A_253], %parallel_loop3A_251 {strides = array<i32>} : memref<128x96xf32, #tpu.memory_space<vmem>>, vector<16xf32>,
            %parallel_loop3A_255 = arith.index_cast %parallel_loop3A_233 : i32 to index
            %parallel_loop3A_256 = arith.constant 0 : index
            %parallel_loop3A_257 = tpu.vector_load %arg15[%parallel_loop3A_255, %parallel_loop3A_256] {strides = array<i32>} : memref<128x96xbf16, #tpu.memory_space<vmem>>, vector<32xbf16>,
            %parallel_loop3A_258 = tpu.unpack_subelements %parallel_loop3A_257, 0 {pack_format = #tpu.pack_format<interleaved>} : vector<32xbf16> -> vector<16xf32>
            %parallel_loop3A_259 = tpu.unpack_subelements %parallel_loop3A_257, 1 {pack_format = #tpu.pack_format<interleaved>} : vector<32xbf16> -> vector<16xf32>
            %parallel_loop3A_260 = arith.index_cast %parallel_loop3A_233 : i32 to index
            %parallel_loop3A_261 = arith.constant 32 : index
            %parallel_loop3A_262 = tpu.vector_load %arg15[%parallel_loop3A_260, %parallel_loop3A_261] {strides = array<i32>} : memref<128x96xbf16, #tpu.memory_space<vmem>>, vector<32xbf16>,
            %parallel_loop3A_263 = tpu.unpack_subelements %parallel_loop3A_262, 0 {pack_format = #tpu.pack_format<interleaved>} : vector<32xbf16> -> vector<16xf32>
            %parallel_loop3A_264 = tpu.unpack_subelements %parallel_loop3A_262, 1 {pack_format = #tpu.pack_format<interleaved>} : vector<32xbf16> -> vector<16xf32>
            %parallel_loop3A_265 = vector.shape_cast %broadcast_in_dim3A_34 : vector<16xi32> to vector<16x1xi32>
            %parallel_loop3A_266 = vector.shape_cast %parallel_loop3A_265 : vector<16x1xi32> to vector<16xi32>
            %parallel_loop3A_267 = tpu.dynamic_gather %parallel_loop3A_251[%parallel_loop3A_266] in [0] : vector<16xf32>, vector<16xi32> -> vector<16xf32>
            %parallel_loop3A_268 = arith.mulf %parallel_loop3A_258, %parallel_loop3A_267 : vector<16xf32>
            %parallel_loop3A_269 = arith.index_cast %parallel_loop3A_233 : i32 to index
            %parallel_loop3A_270 = arith.constant 0 : index
            %parallel_loop3A_271 = tpu.vector_load %arg17[%parallel_loop3A_269, %parallel_loop3A_270] {strides = array<i32>} : memref<128x96xf32, #tpu.memory_space<vmem>>, vector<16xf32>,
            tpu.vector_store %arg17[%parallel_loop3A_269, %parallel_loop3A_270], %parallel_loop3A_268 {strides = array<i32>} : memref<128x96xf32, #tpu.memory_space<vmem>>, vector<16xf32>,
            %parallel_loop3A_272 = vector.shape_cast %broadcast_in_dim3A_36 : vector<16xi32> to vector<16x1xi32>
            %parallel_loop3A_273 = vector.shape_cast %parallel_loop3A_272 : vector<16x1xi32> to vector<16xi32>
            %parallel_loop3A_274 = tpu.dynamic_gather %parallel_loop3A_251[%parallel_loop3A_273] in [0] : vector<16xf32>, vector<16xi32> -> vector<16xf32>
            %parallel_loop3A_275 = arith.mulf %parallel_loop3A_259, %parallel_loop3A_274 : vector<16xf32>
            %parallel_loop3A_276 = arith.index_cast %parallel_loop3A_233 : i32 to index
            %parallel_loop3A_277 = arith.constant 16 : index
            %parallel_loop3A_278 = tpu.vector_load %arg17[%parallel_loop3A_276, %parallel_loop3A_277] {strides = array<i32>} : memref<128x96xf32, #tpu.memory_space<vmem>>, vector<16xf32>,
            tpu.vector_store %arg17[%parallel_loop3A_276, %parallel_loop3A_277], %parallel_loop3A_275 {strides = array<i32>} : memref<128x96xf32, #tpu.memory_space<vmem>>, vector<16xf32>,
            %parallel_loop3A_279 = vector.shape_cast %broadcast_in_dim3A_38 : vector<16xi32> to vector<16x1xi32>
            %parallel_loop3A_280 = vector.shape_cast %parallel_loop3A_279 : vector<16x1xi32> to vector<16xi32>
            %parallel_loop3A_281 = tpu.dynamic_gather %parallel_loop3A_251[%parallel_loop3A_280] in [0] : vector<16xf32>, vector<16xi32> -> vector<16xf32>
            %parallel_loop3A_282 = arith.mulf %parallel_loop3A_263, %parallel_loop3A_281 : vector<16xf32>
            %parallel_loop3A_283 = arith.index_cast %parallel_loop3A_233 : i32 to index
            %parallel_loop3A_284 = arith.constant 32 : index
            %parallel_loop3A_285 = tpu.vector_load %arg17[%parallel_loop3A_283, %parallel_loop3A_284] {strides = array<i32>} : memref<128x96xf32, #tpu.memory_space<vmem>>, vector<16xf32>,
            tpu.vector_store %arg17[%parallel_loop3A_283, %parallel_loop3A_284], %parallel_loop3A_282 {strides = array<i32>} : memref<128x96xf32, #tpu.memory_space<vmem>>, vector<16xf32>,
            %parallel_loop3A_286 = vector.shape_cast %broadcast_in_dim3A_40 : vector<16xi32> to vector<16x1xi32>
            %parallel_loop3A_287 = vector.shape_cast %parallel_loop3A_286 : vector<16x1xi32> to vector<16xi32>
            %parallel_loop3A_288 = tpu.dynamic_gather %parallel_loop3A_251[%parallel_loop3A_287] in [0] : vector<16xf32>, vector<16xi32> -> vector<16xf32>
            %parallel_loop3A_289 = arith.mulf %parallel_loop3A_264, %parallel_loop3A_288 : vector<16xf32>
            %parallel_loop3A_290 = arith.index_cast %parallel_loop3A_233 : i32 to index
            %parallel_loop3A_291 = arith.constant 48 : index
            %parallel_loop3A_292 = tpu.vector_load %arg17[%parallel_loop3A_290, %parallel_loop3A_291] {strides = array<i32>} : memref<128x96xf32, #tpu.memory_space<vmem>>, vector<16xf32>,
            tpu.vector_store %arg17[%parallel_loop3A_290, %parallel_loop3A_291], %parallel_loop3A_289 {strides = array<i32>} : memref<128x96xf32, #tpu.memory_space<vmem>>, vector<16xf32>,
            %parallel_loop3A_293 = vector.shape_cast %broadcast_in_dim3A_42 : vector<16xi32> to vector<16x1xi32>
            %parallel_loop3A_294 = vector.shape_cast %parallel_loop3A_293 : vector<16x1xi32> to vector<16xi32>
            %parallel_loop3A_295 = tpu.dynamic_gather %parallel_loop3A_251[%parallel_loop3A_294] in [0] : vector<16xf32>, vector<16xi32> -> vector<16xf32>
            %parallel_loop3A_296 = arith.mulf %parallel_loop3A_237, %parallel_loop3A_295 : vector<16xf32>
            %parallel_loop3A_297 = arith.index_cast %parallel_loop3A_233 : i32 to index
            %parallel_loop3A_298 = arith.constant 64 : index
            %parallel_loop3A_299 = tpu.vector_load %arg17[%parallel_loop3A_297, %parallel_loop3A_298] {strides = array<i32>} : memref<128x96xf32, #tpu.memory_space<vmem>>, vector<16xf32>,
            tpu.vector_store %arg17[%parallel_loop3A_297, %parallel_loop3A_298], %parallel_loop3A_296 {strides = array<i32>} : memref<128x96xf32, #tpu.memory_space<vmem>>, vector<16xf32>,
          } {sc.loop_unroll_factor = 4 : i64, sc.parallel_access}
          %dma_start3A_227 = arith.constant 0 : i32
          %dma_start3A_228 = tpu.memref_slice %arg8[%add3A_154, %dma_start3A_227] : memref<16x128xi32, #tpu.memory_space<vmem>> -> memref<1x128xi32, #tpu.memory_space<vmem>>
          %dma_start3A_229 = tpu.memref_squeeze %dma_start3A_228 : memref<1x128xi32, #tpu.memory_space<vmem>> -> memref<128xi32, #tpu.memory_space<vmem>>
          %dma_start3A_230 = arith.constant 0 : i32
          %dma_start3A_231 = arith.constant 0 : i32
          %dma_start3A_232 = tpu.memref_slice %arg19[%dma_start3A_230, %dma_start3A_231] : memref<10240x96xf32, #tpu.memory_space<vmem_shared>> -> memref<10240x96xf32, #tpu.memory_space<vmem_shared>>
          tpu.enqueue_indirect_dma source(%arg17 : memref<128x96xf32, #tpu.memory_space<vmem>>) target(%dma_start3A_232 : memref<10240x96xf32, #tpu.memory_space<vmem_shared>>) offsets(%dma_start3A_229 : memref<128xi32, #tpu.memory_space<vmem>>) semaphore(%arg24 : memref<!tpu.dma_semaphore, #tpu.memory_space<semaphore_mem>>) {add = true}
        } else {
        }
        %mul3A_174 = arith.constant 4 : i32
        %mul3A_175 = arith.muli %add3A_111, %mul3A_174 : i32
        %add3A_176 = arith.constant 3 : i32
        %add3A_177 = arith.addi %mul3A_175, %add3A_176 : i32
        %mul3A_178 = arith.constant 16 : i32
        %mul3A_179 = arith.muli %add3A_101, %mul3A_178 : i32
        %add3A_180 = arith.addi %mul3A_179, %add3A_177 : i32
        %lt3A_181 = arith.constant 3 : i32
        %lt3A_182 = arith.cmpi slt, %add3A_111, %lt3A_181 : i32
        %add3A_183 = arith.addi %mul3A_2, %add3A_180 : i32
        %add3A_184 = arith.constant 2 : i32
        %add3A_185 = arith.addi %add3A_183, %add3A_184 : i32
        %lt3A_186 = arith.constant 5000 : i32
        %lt3A_187 = arith.cmpi slt, %add3A_185, %lt3A_186 : i32
        %and3A_188 = arith.andi %lt3A_182, %lt3A_187 : i1
        %convert_element_type3A_189 = arith.extui %and3A_188 : i1 to i32
        %cond3A_190 = arith.constant 0 : i32
        %cond3A_191 = arith.cmpi ne, %convert_element_type3A_189, %cond3A_190 : i32
        scf.if %cond3A_191 {
          %add3A_207 = arith.constant 2 : i32
          %add3A_208 = arith.addi %add3A_177, %add3A_207 : i32
          %dma_start3A_209 = arith.constant 0 : i32
          %dma_start3A_210 = tpu.memref_slice %arg8[%add3A_208, %dma_start3A_209] : memref<16x128xi32, #tpu.memory_space<vmem>> -> memref<1x128xi32, #tpu.memory_space<vmem>>
          %dma_start3A_211 = tpu.memref_squeeze %dma_start3A_210 : memref<1x128xi32, #tpu.memory_space<vmem>> -> memref<128xi32, #tpu.memory_space<vmem>>
          %dma_start3A_212 = arith.constant 0 : i32
          %dma_start3A_213 = arith.constant 0 : i32
          %dma_start3A_214 = tpu.memref_slice %arg5[%dma_start3A_212, %dma_start3A_213] : memref<10240x16xf32, #tpu.memory_space<hbm>> -> memref<10240x16xf32, #tpu.memory_space<hbm>>
          tpu.enqueue_indirect_dma source(%dma_start3A_214 : memref<10240x16xf32, #tpu.memory_space<hbm>>) target(%arg10 : memref<128x16xf32, #tpu.memory_space<vmem>>) offsets(%dma_start3A_211 : memref<128xi32, #tpu.memory_space<vmem>>) semaphore(%arg21 : memref<!tpu.dma_semaphore, #tpu.memory_space<semaphore_mem>>)
          %dma_start3A_215 = arith.constant 0 : i32
          %dma_start3A_216 = tpu.memref_slice %arg7[%add3A_208, %dma_start3A_215] : memref<16x128xi32, #tpu.memory_space<vmem>> -> memref<1x128xi32, #tpu.memory_space<vmem>>
          %dma_start3A_217 = tpu.memref_squeeze %dma_start3A_216 : memref<1x128xi32, #tpu.memory_space<vmem>> -> memref<128xi32, #tpu.memory_space<vmem>>
          %dma_start3A_218 = arith.constant 0 : i32
          %dma_start3A_219 = arith.constant 0 : i32
          %dma_start3A_220 = tpu.memref_slice %arg4[%dma_start3A_218, %dma_start3A_219] : memref<10240x96xbf16, #tpu.memory_space<hbm>> -> memref<10240x96xbf16, #tpu.memory_space<hbm>>
          tpu.enqueue_indirect_dma source(%dma_start3A_220 : memref<10240x96xbf16, #tpu.memory_space<hbm>>) target(%arg14 : memref<128x96xbf16, #tpu.memory_space<vmem>>) offsets(%dma_start3A_217 : memref<128xi32, #tpu.memory_space<vmem>>) semaphore(%arg21 : memref<!tpu.dma_semaphore, #tpu.memory_space<semaphore_mem>>)
        } else {
        }
        %add3A_192 = arith.addi %mul3A_2, %add3A_180 : i32
        %lt3A_193 = arith.constant 5000 : i32
        %lt3A_194 = arith.cmpi slt, %add3A_192, %lt3A_193 : i32
        %convert_element_type3A_195 = arith.extui %lt3A_194 : i1 to i32
        %cond3A_196 = arith.constant 0 : i32
        %cond3A_197 = arith.cmpi ne, %convert_element_type3A_195, %cond3A_196 : i32
        scf.if %cond3A_197 {
          %dma_wait3A_207 = arith.constant 0 : i32
          %dma_wait3A_208 = arith.constant 0 : i32
          %dma_wait3A_209 = tpu.memref_slice %arg8[%dma_wait3A_207, %dma_wait3A_208] : memref<16x128xi32, #tpu.memory_space<vmem>> -> memref<1x128xi32, #tpu.memory_space<vmem>>
          %dma_wait3A_210 = tpu.memref_squeeze %dma_wait3A_209 : memref<1x128xi32, #tpu.memory_space<vmem>> -> memref<128xi32, #tpu.memory_space<vmem>>
          %dma_wait3A_211 = arith.constant 0 : i32
          %dma_wait3A_212 = arith.constant 0 : i32
          %dma_wait3A_213 = tpu.memref_slice %arg5[%dma_wait3A_211, %dma_wait3A_212] : memref<10240x16xf32, #tpu.memory_space<hbm>> -> memref<10240x16xf32, #tpu.memory_space<hbm>>
          tpu.wait_indirect_dma semaphore(%arg23 : memref<!tpu.dma_semaphore, #tpu.memory_space<semaphore_mem>>) src(%dma_wait3A_213 : memref<10240x16xf32, #tpu.memory_space<hbm>>) dst(%arg12 : memref<128x16xf32, #tpu.memory_space<vmem>>)
          %dma_wait3A_214 = arith.constant 0 : i32
          %dma_wait3A_215 = arith.constant 0 : i32
          %dma_wait3A_216 = tpu.memref_slice %arg7[%dma_wait3A_214, %dma_wait3A_215] : memref<16x128xi32, #tpu.memory_space<vmem>> -> memref<1x128xi32, #tpu.memory_space<vmem>>
          %dma_wait3A_217 = tpu.memref_squeeze %dma_wait3A_216 : memref<1x128xi32, #tpu.memory_space<vmem>> -> memref<128xi32, #tpu.memory_space<vmem>>
          %dma_wait3A_218 = arith.constant 0 : i32
          %dma_wait3A_219 = arith.constant 0 : i32
          %dma_wait3A_220 = tpu.memref_slice %arg4[%dma_wait3A_218, %dma_wait3A_219] : memref<10240x96xbf16, #tpu.memory_space<hbm>> -> memref<10240x96xbf16, #tpu.memory_space<hbm>>
          tpu.wait_indirect_dma semaphore(%arg23 : memref<!tpu.dma_semaphore, #tpu.memory_space<semaphore_mem>>) src(%dma_wait3A_220 : memref<10240x96xbf16, #tpu.memory_space<hbm>>) dst(%arg16 : memref<128x96xbf16, #tpu.memory_space<vmem>>)
          %ge3A = arith.constant 2 : i32
          %ge3A_221 = arith.cmpi sge, %add3A_177, %ge3A : i32
          %convert_element_type3A_222 = arith.extui %ge3A_221 : i1 to i32
          %cond3A_223 = arith.constant 0 : i32
          %cond3A_224 = arith.cmpi ne, %convert_element_type3A_222, %cond3A_223 : i32
          scf.if %cond3A_224 {
            %dma_wait3A_233 = arith.constant 0 : i32
            %dma_wait3A_234 = arith.constant 0 : i32
            %dma_wait3A_235 = tpu.memref_slice %arg8[%dma_wait3A_233, %dma_wait3A_234] : memref<16x128xi32, #tpu.memory_space<vmem>> -> memref<1x128xi32, #tpu.memory_space<vmem>>
            %dma_wait3A_236 = tpu.memref_squeeze %dma_wait3A_235 : memref<1x128xi32, #tpu.memory_space<vmem>> -> memref<128xi32, #tpu.memory_space<vmem>>
            %dma_wait3A_237 = arith.constant 0 : i32
            %dma_wait3A_238 = arith.constant 0 : i32
            %dma_wait3A_239 = tpu.memref_slice %arg19[%dma_wait3A_237, %dma_wait3A_238] : memref<10240x96xf32, #tpu.memory_space<vmem_shared>> -> memref<10240x96xf32, #tpu.memory_space<vmem_shared>>
            tpu.wait_indirect_dma semaphore(%arg25 : memref<!tpu.dma_semaphore, #tpu.memory_space<semaphore_mem>>) src(%arg18 : memref<128x96xf32, #tpu.memory_space<vmem>>) dst(%dma_wait3A_239 : memref<10240x96xf32, #tpu.memory_space<vmem_shared>>)
          } else {
          }
          %parallel_loop3A = arith.constant 0 : i32
          %parallel_loop3A_225 = arith.constant 128 : i32
          %parallel_loop3A_226 = arith.constant 1 : i32
          scf.for %parallel_loop3A_233 = %parallel_loop3A to %parallel_loop3A_225 step %parallel_loop3A_226  : i32 {
            %parallel_loop3A_234 = arith.index_cast %parallel_loop3A_233 : i32 to index
            %parallel_loop3A_235 = arith.constant 64 : index
            %parallel_loop3A_236 = tpu.vector_load %arg16[%parallel_loop3A_234, %parallel_loop3A_235] {strides = array<i32>} : memref<128x96xbf16, #tpu.memory_space<vmem>>, vector<32xbf16>,
            %parallel_loop3A_237 = tpu.unpack_subelements %parallel_loop3A_236, 0 {pack_format = #tpu.pack_format<interleaved>} : vector<32xbf16> -> vector<16xf32>
            %parallel_loop3A_238 = tpu.unpack_subelements %parallel_loop3A_236, 1 {pack_format = #tpu.pack_format<interleaved>} : vector<32xbf16> -> vector<16xf32>
            %parallel_loop3A_239 = arith.index_cast %parallel_loop3A_233 : i32 to index
            %parallel_loop3A_240 = arith.constant 0 : index
            %parallel_loop3A_241 = tpu.vector_load %arg12[%parallel_loop3A_239, %parallel_loop3A_240] {strides = array<i32>} : memref<128x16xf32, #tpu.memory_space<vmem>>, vector<16xf32>,
            %parallel_loop3A_242 = arith.addf %parallel_loop3A_238, %parallel_loop3A_241 : vector<16xf32>
            %parallel_loop3A_243 = arith.constant 2.000000e-01 : f32
            %parallel_loop3A_244 = vector.broadcast %parallel_loop3A_243 : f32 to vector<16xf32>
            %parallel_loop3A_245 = arith.mulf %parallel_loop3A_244, %parallel_loop3A_242 : vector<16xf32>
            %parallel_loop3A_246 = arith.maximumf %parallel_loop3A_242, %parallel_loop3A_245 : vector<16xf32>
            %parallel_loop3A_247 = vector.shape_cast %min3A_32 : vector<16xi32> to vector<16x1xi32>
            %parallel_loop3A_248 = vector.shape_cast %parallel_loop3A_247 : vector<16x1xi32> to vector<16xi32>
            %parallel_loop3A_249 = tpu.dynamic_gather %parallel_loop3A_241[%parallel_loop3A_248] in [0] : vector<16xf32>, vector<16xi32> -> vector<16xf32>
            %parallel_loop3A_250 = arith.subf %parallel_loop3A_246, %parallel_loop3A_249 : vector<16xf32>
            %parallel_loop3A_251 = math.exp %parallel_loop3A_250 : vector<16xf32>
            %parallel_loop3A_252 = arith.index_cast %parallel_loop3A_233 : i32 to index
            %parallel_loop3A_253 = arith.constant 80 : index
            %parallel_loop3A_254 = tpu.vector_load %arg18[%parallel_loop3A_252, %parallel_loop3A_253] {strides = array<i32>} : memref<128x96xf32, #tpu.memory_space<vmem>>, vector<16xf32>,
            tpu.vector_store %arg18[%parallel_loop3A_252, %parallel_loop3A_253], %parallel_loop3A_251 {strides = array<i32>} : memref<128x96xf32, #tpu.memory_space<vmem>>, vector<16xf32>,
            %parallel_loop3A_255 = arith.index_cast %parallel_loop3A_233 : i32 to index
            %parallel_loop3A_256 = arith.constant 0 : index
            %parallel_loop3A_257 = tpu.vector_load %arg16[%parallel_loop3A_255, %parallel_loop3A_256] {strides = array<i32>} : memref<128x96xbf16, #tpu.memory_space<vmem>>, vector<32xbf16>,
            %parallel_loop3A_258 = tpu.unpack_subelements %parallel_loop3A_257, 0 {pack_format = #tpu.pack_format<interleaved>} : vector<32xbf16> -> vector<16xf32>
            %parallel_loop3A_259 = tpu.unpack_subelements %parallel_loop3A_257, 1 {pack_format = #tpu.pack_format<interleaved>} : vector<32xbf16> -> vector<16xf32>
            %parallel_loop3A_260 = arith.index_cast %parallel_loop3A_233 : i32 to index
            %parallel_loop3A_261 = arith.constant 32 : index
            %parallel_loop3A_262 = tpu.vector_load %arg16[%parallel_loop3A_260, %parallel_loop3A_261] {strides = array<i32>} : memref<128x96xbf16, #tpu.memory_space<vmem>>, vector<32xbf16>,
            %parallel_loop3A_263 = tpu.unpack_subelements %parallel_loop3A_262, 0 {pack_format = #tpu.pack_format<interleaved>} : vector<32xbf16> -> vector<16xf32>
            %parallel_loop3A_264 = tpu.unpack_subelements %parallel_loop3A_262, 1 {pack_format = #tpu.pack_format<interleaved>} : vector<32xbf16> -> vector<16xf32>
            %parallel_loop3A_265 = vector.shape_cast %broadcast_in_dim3A_34 : vector<16xi32> to vector<16x1xi32>
            %parallel_loop3A_266 = vector.shape_cast %parallel_loop3A_265 : vector<16x1xi32> to vector<16xi32>
            %parallel_loop3A_267 = tpu.dynamic_gather %parallel_loop3A_251[%parallel_loop3A_266] in [0] : vector<16xf32>, vector<16xi32> -> vector<16xf32>
            %parallel_loop3A_268 = arith.mulf %parallel_loop3A_258, %parallel_loop3A_267 : vector<16xf32>
            %parallel_loop3A_269 = arith.index_cast %parallel_loop3A_233 : i32 to index
            %parallel_loop3A_270 = arith.constant 0 : index
            %parallel_loop3A_271 = tpu.vector_load %arg18[%parallel_loop3A_269, %parallel_loop3A_270] {strides = array<i32>} : memref<128x96xf32, #tpu.memory_space<vmem>>, vector<16xf32>,
            tpu.vector_store %arg18[%parallel_loop3A_269, %parallel_loop3A_270], %parallel_loop3A_268 {strides = array<i32>} : memref<128x96xf32, #tpu.memory_space<vmem>>, vector<16xf32>,
            %parallel_loop3A_272 = vector.shape_cast %broadcast_in_dim3A_36 : vector<16xi32> to vector<16x1xi32>
            %parallel_loop3A_273 = vector.shape_cast %parallel_loop3A_272 : vector<16x1xi32> to vector<16xi32>
            %parallel_loop3A_274 = tpu.dynamic_gather %parallel_loop3A_251[%parallel_loop3A_273] in [0] : vector<16xf32>, vector<16xi32> -> vector<16xf32>
            %parallel_loop3A_275 = arith.mulf %parallel_loop3A_259, %parallel_loop3A_274 : vector<16xf32>
            %parallel_loop3A_276 = arith.index_cast %parallel_loop3A_233 : i32 to index
            %parallel_loop3A_277 = arith.constant 16 : index
            %parallel_loop3A_278 = tpu.vector_load %arg18[%parallel_loop3A_276, %parallel_loop3A_277] {strides = array<i32>} : memref<128x96xf32, #tpu.memory_space<vmem>>, vector<16xf32>,
            tpu.vector_store %arg18[%parallel_loop3A_276, %parallel_loop3A_277], %parallel_loop3A_275 {strides = array<i32>} : memref<128x96xf32, #tpu.memory_space<vmem>>, vector<16xf32>,
            %parallel_loop3A_279 = vector.shape_cast %broadcast_in_dim3A_38 : vector<16xi32> to vector<16x1xi32>
            %parallel_loop3A_280 = vector.shape_cast %parallel_loop3A_279 : vector<16x1xi32> to vector<16xi32>
            %parallel_loop3A_281 = tpu.dynamic_gather %parallel_loop3A_251[%parallel_loop3A_280] in [0] : vector<16xf32>, vector<16xi32> -> vector<16xf32>
            %parallel_loop3A_282 = arith.mulf %parallel_loop3A_263, %parallel_loop3A_281 : vector<16xf32>
            %parallel_loop3A_283 = arith.index_cast %parallel_loop3A_233 : i32 to index
            %parallel_loop3A_284 = arith.constant 32 : index
            %parallel_loop3A_285 = tpu.vector_load %arg18[%parallel_loop3A_283, %parallel_loop3A_284] {strides = array<i32>} : memref<128x96xf32, #tpu.memory_space<vmem>>, vector<16xf32>,
            tpu.vector_store %arg18[%parallel_loop3A_283, %parallel_loop3A_284], %parallel_loop3A_282 {strides = array<i32>} : memref<128x96xf32, #tpu.memory_space<vmem>>, vector<16xf32>,
            %parallel_loop3A_286 = vector.shape_cast %broadcast_in_dim3A_40 : vector<16xi32> to vector<16x1xi32>
            %parallel_loop3A_287 = vector.shape_cast %parallel_loop3A_286 : vector<16x1xi32> to vector<16xi32>
            %parallel_loop3A_288 = tpu.dynamic_gather %parallel_loop3A_251[%parallel_loop3A_287] in [0] : vector<16xf32>, vector<16xi32> -> vector<16xf32>
            %parallel_loop3A_289 = arith.mulf %parallel_loop3A_264, %parallel_loop3A_288 : vector<16xf32>
            %parallel_loop3A_290 = arith.index_cast %parallel_loop3A_233 : i32 to index
            %parallel_loop3A_291 = arith.constant 48 : index
            %parallel_loop3A_292 = tpu.vector_load %arg18[%parallel_loop3A_290, %parallel_loop3A_291] {strides = array<i32>} : memref<128x96xf32, #tpu.memory_space<vmem>>, vector<16xf32>,
            tpu.vector_store %arg18[%parallel_loop3A_290, %parallel_loop3A_291], %parallel_loop3A_289 {strides = array<i32>} : memref<128x96xf32, #tpu.memory_space<vmem>>, vector<16xf32>,
            %parallel_loop3A_293 = vector.shape_cast %broadcast_in_dim3A_42 : vector<16xi32> to vector<16x1xi32>
            %parallel_loop3A_294 = vector.shape_cast %parallel_loop3A_293 : vector<16x1xi32> to vector<16xi32>
            %parallel_loop3A_295 = tpu.dynamic_gather %parallel_loop3A_251[%parallel_loop3A_294] in [0] : vector<16xf32>, vector<16xi32> -> vector<16xf32>
            %parallel_loop3A_296 = arith.mulf %parallel_loop3A_237, %parallel_loop3A_295 : vector<16xf32>
            %parallel_loop3A_297 = arith.index_cast %parallel_loop3A_233 : i32 to index
            %parallel_loop3A_298 = arith.constant 64 : index
            %parallel_loop3A_299 = tpu.vector_load %arg18[%parallel_loop3A_297, %parallel_loop3A_298] {strides = array<i32>} : memref<128x96xf32, #tpu.memory_space<vmem>>, vector<16xf32>,
            tpu.vector_store %arg18[%parallel_loop3A_297, %parallel_loop3A_298], %parallel_loop3A_296 {strides = array<i32>} : memref<128x96xf32, #tpu.memory_space<vmem>>, vector<16xf32>,
          } {sc.loop_unroll_factor = 4 : i64, sc.parallel_access}
          %dma_start3A_227 = arith.constant 0 : i32
          %dma_start3A_228 = tpu.memref_slice %arg8[%add3A_177, %dma_start3A_227] : memref<16x128xi32, #tpu.memory_space<vmem>> -> memref<1x128xi32, #tpu.memory_space<vmem>>
          %dma_start3A_229 = tpu.memref_squeeze %dma_start3A_228 : memref<1x128xi32, #tpu.memory_space<vmem>> -> memref<128xi32, #tpu.memory_space<vmem>>
          %dma_start3A_230 = arith.constant 0 : i32
          %dma_start3A_231 = arith.constant 0 : i32
          %dma_start3A_232 = tpu.memref_slice %arg19[%dma_start3A_230, %dma_start3A_231] : memref<10240x96xf32, #tpu.memory_space<vmem_shared>> -> memref<10240x96xf32, #tpu.memory_space<vmem_shared>>
          tpu.enqueue_indirect_dma source(%arg18 : memref<128x96xf32, #tpu.memory_space<vmem>>) target(%dma_start3A_232 : memref<10240x96xf32, #tpu.memory_space<vmem_shared>>) offsets(%dma_start3A_229 : memref<128xi32, #tpu.memory_space<vmem>>) semaphore(%arg25 : memref<!tpu.dma_semaphore, #tpu.memory_space<semaphore_mem>>) {add = true}
        } else {
        }
        %eq3A = arith.constant 3 : i32
        %eq3A_198 = arith.cmpi eq, %add3A_111, %eq3A : i32
        %add3A_199 = arith.constant 1 : i32
        %add3A_200 = arith.addi %add3A_101, %add3A_199 : i32
        %lt3A_201 = arith.constant 10 : i32
        %lt3A_202 = arith.cmpi slt, %add3A_200, %lt3A_201 : i32
        %and3A_203 = arith.andi %eq3A_198, %lt3A_202 : i1
        %convert_element_type3A_204 = arith.extui %and3A_203 : i1 to i32
        %cond3A_205 = arith.constant 0 : i32
        %cond3A_206 = arith.cmpi ne, %convert_element_type3A_204, %cond3A_205 : i32
        scf.if %cond3A_206 {
          %add3A_207 = arith.addi %mul3A_2, %add3A_180 : i32
          %sub3A = arith.constant 1 : i32
          %sub3A_208 = arith.subi %add3A_207, %sub3A : i32
          %lt3A_209 = arith.constant 5000 : i32
          %lt3A_210 = arith.cmpi slt, %sub3A_208, %lt3A_209 : i32
          %convert_element_type3A_211 = arith.extui %lt3A_210 : i1 to i32
          %cond3A_212 = arith.constant 0 : i32
          %cond3A_213 = arith.cmpi ne, %convert_element_type3A_211, %cond3A_212 : i32
          scf.if %cond3A_213 {
            %dma_wait3A_244 = arith.constant 0 : i32
            %dma_wait3A_245 = arith.constant 0 : i32
            %dma_wait3A_246 = tpu.memref_slice %arg8[%dma_wait3A_244, %dma_wait3A_245] : memref<16x128xi32, #tpu.memory_space<vmem>> -> memref<1x128xi32, #tpu.memory_space<vmem>>
            %dma_wait3A_247 = tpu.memref_squeeze %dma_wait3A_246 : memref<1x128xi32, #tpu.memory_space<vmem>> -> memref<128xi32, #tpu.memory_space<vmem>>
            %dma_wait3A_248 = arith.constant 0 : i32
            %dma_wait3A_249 = arith.constant 0 : i32
            %dma_wait3A_250 = tpu.memref_slice %arg19[%dma_wait3A_248, %dma_wait3A_249] : memref<10240x96xf32, #tpu.memory_space<vmem_shared>> -> memref<10240x96xf32, #tpu.memory_space<vmem_shared>>
            tpu.wait_indirect_dma semaphore(%arg24 : memref<!tpu.dma_semaphore, #tpu.memory_space<semaphore_mem>>) src(%arg17 : memref<128x96xf32, #tpu.memory_space<vmem>>) dst(%dma_wait3A_250 : memref<10240x96xf32, #tpu.memory_space<vmem_shared>>)
          } else {
          }
          %add3A_214 = arith.addi %mul3A_2, %add3A_180 : i32
          %lt3A_215 = arith.constant 5000 : i32
          %lt3A_216 = arith.cmpi slt, %add3A_214, %lt3A_215 : i32
          %convert_element_type3A_217 = arith.extui %lt3A_216 : i1 to i32
          %cond3A_218 = arith.constant 0 : i32
          %cond3A_219 = arith.cmpi ne, %convert_element_type3A_217, %cond3A_218 : i32
          scf.if %cond3A_219 {
            %dma_wait3A_244 = arith.constant 0 : i32
            %dma_wait3A_245 = arith.constant 0 : i32
            %dma_wait3A_246 = tpu.memref_slice %arg8[%dma_wait3A_244, %dma_wait3A_245] : memref<16x128xi32, #tpu.memory_space<vmem>> -> memref<1x128xi32, #tpu.memory_space<vmem>>
            %dma_wait3A_247 = tpu.memref_squeeze %dma_wait3A_246 : memref<1x128xi32, #tpu.memory_space<vmem>> -> memref<128xi32, #tpu.memory_space<vmem>>
            %dma_wait3A_248 = arith.constant 0 : i32
            %dma_wait3A_249 = arith.constant 0 : i32
            %dma_wait3A_250 = tpu.memref_slice %arg19[%dma_wait3A_248, %dma_wait3A_249] : memref<10240x96xf32, #tpu.memory_space<vmem_shared>> -> memref<10240x96xf32, #tpu.memory_space<vmem_shared>>
            tpu.wait_indirect_dma semaphore(%arg25 : memref<!tpu.dma_semaphore, #tpu.memory_space<semaphore_mem>>) src(%arg18 : memref<128x96xf32, #tpu.memory_space<vmem>>) dst(%dma_wait3A_250 : memref<10240x96xf32, #tpu.memory_space<vmem_shared>>)
          } else {
          }
          %add3A_220 = arith.constant 1 : i32
          %add3A_221 = arith.addi %add3A_101, %add3A_220 : i32
          %mul3A_222 = arith.constant 16 : i32
          %mul3A_223 = arith.muli %add3A_221, %mul3A_222 : i32
          %add3A_224 = arith.addi %mul3A_2, %mul3A_223 : i32
          "tpu.region"() ({
            %run_scoped3A = tpu.sem_alloc : memref<!tpu.dma_semaphore, #tpu.memory_space<semaphore_mem>>
            %dma_start3A_244 = arith.constant 0 : i32
            %dma_start3A_245 = tpu.memref_slice %arg2[%add3A_224, %dma_start3A_244] : memref<5120x128xi32, #tpu.memory_space<hbm>> -> memref<16x128xi32, #tpu.memory_space<hbm>>
            %dma_start3A_246 = arith.constant 0 : i32
            %dma_start3A_247 = tpu.memref_slice %arg2[%add3A_224, %dma_start3A_246] : memref<5120x128xi32, #tpu.memory_space<hbm>> -> memref<16x128xi32, #tpu.memory_space<hbm>>
            tpu.enqueue_dma source(%dma_start3A_247 : memref<16x128xi32, #tpu.memory_space<hbm>>) target(%arg7 : memref<16x128xi32, #tpu.memory_space<vmem>>) target_semaphore(%run_scoped3A : memref<!tpu.dma_semaphore, #tpu.memory_space<semaphore_mem>>)
            %dma_wait3A_248 = arith.constant 0 : i32
            %dma_wait3A_249 = tpu.memref_slice %arg2[%add3A_224, %dma_wait3A_248] : memref<5120x128xi32, #tpu.memory_space<hbm>> -> memref<16x128xi32, #tpu.memory_space<hbm>>
            %dma_wait3A_250 = arith.constant 0 : i32
            %dma_wait3A_251 = tpu.memref_slice %arg2[%add3A_224, %dma_wait3A_250] : memref<5120x128xi32, #tpu.memory_space<hbm>> -> memref<16x128xi32, #tpu.memory_space<hbm>>
            tpu.wait_dma2 semaphore(%run_scoped3A : memref<!tpu.dma_semaphore, #tpu.memory_space<semaphore_mem>>) src(%dma_wait3A_251 : memref<16x128xi32, #tpu.memory_space<hbm>>) dst(%arg7 : memref<16x128xi32, #tpu.memory_space<vmem>>)
            tpu.yield
          }) : () -> ()
          %mul3A_225 = arith.constant 16 : i32
          %mul3A_226 = arith.muli %add3A_221, %mul3A_225 : i32
          %add3A_227 = arith.addi %mul3A_2, %mul3A_226 : i32
          "tpu.region"() ({
            %run_scoped3A = tpu.sem_alloc : memref<!tpu.dma_semaphore, #tpu.memory_space<semaphore_mem>>
            %dma_start3A_244 = arith.constant 0 : i32
            %dma_start3A_245 = tpu.memref_slice %arg3[%add3A_227, %dma_start3A_244] : memref<5120x128xi32, #tpu.memory_space<hbm>> -> memref<16x128xi32, #tpu.memory_space<hbm>>
            %dma_start3A_246 = arith.constant 0 : i32
            %dma_start3A_247 = tpu.memref_slice %arg3[%add3A_227, %dma_start3A_246] : memref<5120x128xi32, #tpu.memory_space<hbm>> -> memref<16x128xi32, #tpu.memory_space<hbm>>
            tpu.enqueue_dma source(%dma_start3A_247 : memref<16x128xi32, #tpu.memory_space<hbm>>) target(%arg8 : memref<16x128xi32, #tpu.memory_space<vmem>>) target_semaphore(%run_scoped3A : memref<!tpu.dma_semaphore, #tpu.memory_space<semaphore_mem>>)
            %dma_wait3A_248 = arith.constant 0 : i32
            %dma_wait3A_249 = tpu.memref_slice %arg3[%add3A_227, %dma_wait3A_248] : memref<5120x128xi32, #tpu.memory_space<hbm>> -> memref<16x128xi32, #tpu.memory_space<hbm>>
            %dma_wait3A_250 = arith.constant 0 : i32
            %dma_wait3A_251 = tpu.memref_slice %arg3[%add3A_227, %dma_wait3A_250] : memref<5120x128xi32, #tpu.memory_space<hbm>> -> memref<16x128xi32, #tpu.memory_space<hbm>>
            tpu.wait_dma2 semaphore(%run_scoped3A : memref<!tpu.dma_semaphore, #tpu.memory_space<semaphore_mem>>) src(%dma_wait3A_251 : memref<16x128xi32, #tpu.memory_space<hbm>>) dst(%arg8 : memref<16x128xi32, #tpu.memory_space<vmem>>)
            tpu.yield
          }) : () -> ()
          %add3A_228 = arith.addi %mul3A_2, %add3A_180 : i32
          %add3A_229 = arith.constant 1 : i32
          %add3A_230 = arith.addi %add3A_228, %add3A_229 : i32
          %lt3A_231 = arith.constant 5000 : i32
          %lt3A_232 = arith.cmpi slt, %add3A_230, %lt3A_231 : i32
          %convert_element_type3A_233 = arith.extui %lt3A_232 : i1 to i32
          %cond3A_234 = arith.constant 0 : i32
          %cond3A_235 = arith.cmpi ne, %convert_element_type3A_233, %cond3A_234 : i32
          scf.if %cond3A_235 {
            %dma_start3A_244 = arith.constant 0 : i32
            %dma_start3A_245 = arith.constant 0 : i32
            %dma_start3A_246 = tpu.memref_slice %arg8[%dma_start3A_244, %dma_start3A_245] : memref<16x128xi32, #tpu.memory_space<vmem>> -> memref<1x128xi32, #tpu.memory_space<vmem>>
            %dma_start3A_247 = tpu.memref_squeeze %dma_start3A_246 : memref<1x128xi32, #tpu.memory_space<vmem>> -> memref<128xi32, #tpu.memory_space<vmem>>
            %dma_start3A_248 = arith.constant 0 : i32
            %dma_start3A_249 = arith.constant 0 : i32
            %dma_start3A_250 = tpu.memref_slice %arg5[%dma_start3A_248, %dma_start3A_249] : memref<10240x16xf32, #tpu.memory_space<hbm>> -> memref<10240x16xf32, #tpu.memory_space<hbm>>
            tpu.enqueue_indirect_dma source(%dma_start3A_250 : memref<10240x16xf32, #tpu.memory_space<hbm>>) target(%arg9 : memref<128x16xf32, #tpu.memory_space<vmem>>) offsets(%dma_start3A_247 : memref<128xi32, #tpu.memory_space<vmem>>) semaphore(%arg20 : memref<!tpu.dma_semaphore, #tpu.memory_space<semaphore_mem>>)
            %dma_start3A_251 = arith.constant 0 : i32
            %dma_start3A_252 = arith.constant 0 : i32
            %dma_start3A_253 = tpu.memref_slice %arg7[%dma_start3A_251, %dma_start3A_252] : memref<16x128xi32, #tpu.memory_space<vmem>> -> memref<1x128xi32, #tpu.memory_space<vmem>>
            %dma_start3A_254 = tpu.memref_squeeze %dma_start3A_253 : memref<1x128xi32, #tpu.memory_space<vmem>> -> memref<128xi32, #tpu.memory_space<vmem>>
            %dma_start3A_255 = arith.constant 0 : i32
            %dma_start3A_256 = arith.constant 0 : i32
            %dma_start3A_257 = tpu.memref_slice %arg4[%dma_start3A_255, %dma_start3A_256] : memref<10240x96xbf16, #tpu.memory_space<hbm>> -> memref<10240x96xbf16, #tpu.memory_space<hbm>>
            tpu.enqueue_indirect_dma source(%dma_start3A_257 : memref<10240x96xbf16, #tpu.memory_space<hbm>>) target(%arg13 : memref<128x96xbf16, #tpu.memory_space<vmem>>) offsets(%dma_start3A_254 : memref<128xi32, #tpu.memory_space<vmem>>) semaphore(%arg20 : memref<!tpu.dma_semaphore, #tpu.memory_space<semaphore_mem>>)
          } else {
          }
          %add3A_236 = arith.addi %mul3A_2, %add3A_180 : i32
          %add3A_237 = arith.constant 2 : i32
          %add3A_238 = arith.addi %add3A_236, %add3A_237 : i32
          %lt3A_239 = arith.constant 5000 : i32
          %lt3A_240 = arith.cmpi slt, %add3A_238, %lt3A_239 : i32
          %convert_element_type3A_241 = arith.extui %lt3A_240 : i1 to i32
          %cond3A_242 = arith.constant 0 : i32
          %cond3A_243 = arith.cmpi ne, %convert_element_type3A_241, %cond3A_242 : i32
          scf.if %cond3A_243 {
            %dma_start3A_244 = arith.constant 1 : i32
            %dma_start3A_245 = arith.constant 0 : i32
            %dma_start3A_246 = tpu.memref_slice %arg8[%dma_start3A_244, %dma_start3A_245] : memref<16x128xi32, #tpu.memory_space<vmem>> -> memref<1x128xi32, #tpu.memory_space<vmem>>
            %dma_start3A_247 = tpu.memref_squeeze %dma_start3A_246 : memref<1x128xi32, #tpu.memory_space<vmem>> -> memref<128xi32, #tpu.memory_space<vmem>>
            %dma_start3A_248 = arith.constant 0 : i32
            %dma_start3A_249 = arith.constant 0 : i32
            %dma_start3A_250 = tpu.memref_slice %arg5[%dma_start3A_248, %dma_start3A_249] : memref<10240x16xf32, #tpu.memory_space<hbm>> -> memref<10240x16xf32, #tpu.memory_space<hbm>>
            tpu.enqueue_indirect_dma source(%dma_start3A_250 : memref<10240x16xf32, #tpu.memory_space<hbm>>) target(%arg10 : memref<128x16xf32, #tpu.memory_space<vmem>>) offsets(%dma_start3A_247 : memref<128xi32, #tpu.memory_space<vmem>>) semaphore(%arg21 : memref<!tpu.dma_semaphore, #tpu.memory_space<semaphore_mem>>)
            %dma_start3A_251 = arith.constant 1 : i32
            %dma_start3A_252 = arith.constant 0 : i32
            %dma_start3A_253 = tpu.memref_slice %arg7[%dma_start3A_251, %dma_start3A_252] : memref<16x128xi32, #tpu.memory_space<vmem>> -> memref<1x128xi32, #tpu.memory_space<vmem>>
            %dma_start3A_254 = tpu.memref_squeeze %dma_start3A_253 : memref<1x128xi32, #tpu.memory_space<vmem>> -> memref<128xi32, #tpu.memory_space<vmem>>
            %dma_start3A_255 = arith.constant 0 : i32
            %dma_start3A_256 = arith.constant 0 : i32
            %dma_start3A_257 = tpu.memref_slice %arg4[%dma_start3A_255, %dma_start3A_256] : memref<10240x96xbf16, #tpu.memory_space<hbm>> -> memref<10240x96xbf16, #tpu.memory_space<hbm>>
            tpu.enqueue_indirect_dma source(%dma_start3A_257 : memref<10240x96xbf16, #tpu.memory_space<hbm>>) target(%arg14 : memref<128x96xbf16, #tpu.memory_space<vmem>>) offsets(%dma_start3A_254 : memref<128xi32, #tpu.memory_space<vmem>>) semaphore(%arg21 : memref<!tpu.dma_semaphore, #tpu.memory_space<semaphore_mem>>)
          } else {
          }
        } else {
        }
      }
      %scan3A_106 = arith.constant 4 : i32
    }
    %scan3A_78 = arith.constant 10 : i32
    %dma_wait3A = arith.constant 0 : i32
    %dma_wait3A_79 = arith.constant 0 : i32
    %dma_wait3A_80 = tpu.memref_slice %arg8[%dma_wait3A, %dma_wait3A_79] : memref<16x128xi32, #tpu.memory_space<vmem>> -> memref<1x128xi32, #tpu.memory_space<vmem>>
    %dma_wait3A_81 = tpu.memref_squeeze %dma_wait3A_80 : memref<1x128xi32, #tpu.memory_space<vmem>> -> memref<128xi32, #tpu.memory_space<vmem>>
    %dma_wait3A_82 = arith.constant 0 : i32
    %dma_wait3A_83 = arith.constant 0 : i32
    %dma_wait3A_84 = tpu.memref_slice %arg19[%dma_wait3A_82, %dma_wait3A_83] : memref<10240x96xf32, #tpu.memory_space<vmem_shared>> -> memref<10240x96xf32, #tpu.memory_space<vmem_shared>>
    tpu.wait_indirect_dma semaphore(%arg24 : memref<!tpu.dma_semaphore, #tpu.memory_space<semaphore_mem>>) src(%arg17 : memref<128x96xf32, #tpu.memory_space<vmem>>) dst(%dma_wait3A_84 : memref<10240x96xf32, #tpu.memory_space<vmem_shared>>)
    %dma_wait3A_85 = arith.constant 0 : i32
    %dma_wait3A_86 = arith.constant 0 : i32
    %dma_wait3A_87 = tpu.memref_slice %arg8[%dma_wait3A_85, %dma_wait3A_86] : memref<16x128xi32, #tpu.memory_space<vmem>> -> memref<1x128xi32, #tpu.memory_space<vmem>>
    %dma_wait3A_88 = tpu.memref_squeeze %dma_wait3A_87 : memref<1x128xi32, #tpu.memory_space<vmem>> -> memref<128xi32, #tpu.memory_space<vmem>>
    %dma_wait3A_89 = arith.constant 0 : i32
    %dma_wait3A_90 = arith.constant 0 : i32
    %dma_wait3A_91 = tpu.memref_slice %arg19[%dma_wait3A_89, %dma_wait3A_90] : memref<10240x96xf32, #tpu.memory_space<vmem_shared>> -> memref<10240x96xf32, #tpu.memory_space<vmem_shared>>
    tpu.wait_indirect_dma semaphore(%arg25 : memref<!tpu.dma_semaphore, #tpu.memory_space<semaphore_mem>>) src(%arg18 : memref<128x96xf32, #tpu.memory_space<vmem>>) dst(%dma_wait3A_91 : memref<10240x96xf32, #tpu.memory_space<vmem_shared>>)
    %barrier3A_92 = arith.constant 0 : index
    tpu.barrier barrier_id(%barrier3A_92)
    %mul3A_93 = arith.constant 640 : i32
    %mul3A_94 = arith.muli %arg1, %mul3A_93 : i32
    %mul3A_95 = arith.constant 640 : i32
    %mul3A_96 = arith.muli %arg1, %mul3A_95 : i32
    "tpu.region"() ({
      %run_scoped3A = tpu.sem_alloc : memref<!tpu.dma_semaphore, #tpu.memory_space<semaphore_mem>>
      %dma_start3A_97 = arith.constant 0 : i32
      %dma_start3A_98 = tpu.memref_slice %arg6[%arg0, %mul3A_96, %dma_start3A_97] : memref<2x10240x96xf32, #tpu.memory_space<hbm>> -> memref<1x640x96xf32, #tpu.memory_space<hbm>>
      %dma_start3A_99 = tpu.memref_squeeze %dma_start3A_98 : memref<1x640x96xf32, #tpu.memory_space<hbm>> -> memref<640x96xf32, #tpu.memory_space<hbm>>
      %dma_start3A_100 = arith.constant 0 : i32
      %dma_start3A_101 = tpu.memref_slice %arg19[%mul3A_94, %dma_start3A_100] : memref<10240x96xf32, #tpu.memory_space<vmem_shared>> -> memref<640x96xf32, #tpu.memory_space<vmem_shared>>
      tpu.enqueue_dma source(%dma_start3A_101 : memref<640x96xf32, #tpu.memory_space<vmem_shared>>) target(%dma_start3A_99 : memref<640x96xf32, #tpu.memory_space<hbm>>) target_semaphore(%run_scoped3A : memref<!tpu.dma_semaphore, #tpu.memory_space<semaphore_mem>>)
      %dma_wait3A_102 = arith.constant 0 : i32
      %dma_wait3A_103 = tpu.memref_slice %arg6[%arg0, %mul3A_96, %dma_wait3A_102] : memref<2x10240x96xf32, #tpu.memory_space<hbm>> -> memref<1x640x96xf32, #tpu.memory_space<hbm>>
      %dma_wait3A_104 = tpu.memref_squeeze %dma_wait3A_103 : memref<1x640x96xf32, #tpu.memory_space<hbm>> -> memref<640x96xf32, #tpu.memory_space<hbm>>
      %dma_wait3A_105 = arith.constant 0 : i32
      %dma_wait3A_106 = tpu.memref_slice %arg19[%mul3A_94, %dma_wait3A_105] : memref<10240x96xf32, #tpu.memory_space<vmem_shared>> -> memref<640x96xf32, #tpu.memory_space<vmem_shared>>
      tpu.wait_dma2 semaphore(%run_scoped3A : memref<!tpu.dma_semaphore, #tpu.memory_space<semaphore_mem>>) src(%dma_wait3A_106 : memref<640x96xf32, #tpu.memory_space<vmem_shared>>) dst(%dma_wait3A_104 : memref<640x96xf32, #tpu.memory_space<hbm>>)
      tpu.yield
    }) : () -> ()
    return
  }
}

#map = affine_map<(d0, d1) -> (0, 0)>
#map1 = affine_map<(d0, d1) -> (0, 0, 0)>
module attributes {stable_mosaic.version = 14 : i64} {
  func.func @k(%arg0: i32, %arg1: i32, %arg2: memref<5120x128xi32, #tpu.memory_space<hbm>>, %arg3: memref<5120x128xi32, #tpu.memory_space<hbm>>, %arg4: memref<10240x96xbf16, #tpu.memory_space<hbm>>, %arg5: memref<10240x16xf32, #tpu.memory_space<hbm>>, %arg6: memref<2x10240x96xf32, #tpu.memory_space<hbm>>, %arg7: memref<16x128xi32, #tpu.memory_space<vmem>>, %arg8: memref<16x128xi32, #tpu.memory_space<vmem>>, %arg9: memref<128x16xf32, #tpu.memory_space<vmem>>, %arg10: memref<128x16xf32, #tpu.memory_space<vmem>>, %arg11: memref<128x16xf32, #tpu.memory_space<vmem>>, %arg12: memref<128x16xf32, #tpu.memory_space<vmem>>, %arg13: memref<128x96xbf16, #tpu.memory_space<vmem>>, %arg14: memref<128x96xbf16, #tpu.memory_space<vmem>>, %arg15: memref<128x96xbf16, #tpu.memory_space<vmem>>, %arg16: memref<128x96xbf16, #tpu.memory_space<vmem>>, %arg17: memref<128x96xf32, #tpu.memory_space<vmem>>, %arg18: memref<128x96xf32, #tpu.memory_space<vmem>>, %arg19: memref<10240x96xf32, #tpu.memory_space<vmem_shared>>, %arg20: memref<!tpu.dma_semaphore, #tpu.memory_space<semaphore_mem>>, %arg21: memref<!tpu.dma_semaphore, #tpu.memory_space<semaphore_mem>>, %arg22: memref<!tpu.dma_semaphore, #tpu.memory_space<semaphore_mem>>, %arg23: memref<!tpu.dma_semaphore, #tpu.memory_space<semaphore_mem>>, %arg24: memref<!tpu.dma_semaphore, #tpu.memory_space<semaphore_mem>>, %arg25: memref<!tpu.dma_semaphore, #tpu.memory_space<semaphore_mem>>) attributes {dimension_semantics = [#tpu.dimension_semantics<core_parallel>, #tpu.dimension_semantics<subcore_parallel>], iteration_bounds = array<i64: 2, 16>, scalar_prefetch = 0 : i64, scratch_operands = 19 : i64, tpu.core_type = #tpu.core_type<sc_vector_subcore>, window_params = [{transform_indices = #map}, {transform_indices = #map}, {transform_indices = #map}, {transform_indices = #map}, {transform_indices = #map1}]} {
    %mul3A = arith.constant 2 : i32
    %mul3A_0 = arith.muli %arg1, %mul3A : i32
    %add3A = arith.addi %mul3A_0, %arg0 : i32
    %mul3A_1 = arith.constant 160 : i32
    %mul3A_2 = arith.muli %add3A, %mul3A_1 : i32
    %broadcast_in_dim3A = arith.constant 0.000000e+00 : f32
    %broadcast_in_dim3A_3 = vector.broadcast %broadcast_in_dim3A : f32 to vector<16xf32>
    %scan3A = arith.constant 0 : i32
    %scan3A_4 = arith.constant 128 : i32
    %scan3A_5 = arith.addi %scan3A, %scan3A_4 : i32
    %scan3A_6 = arith.constant 1 : i32
    scf.for %scan3A_97 = %scan3A to %scan3A_5 step %scan3A_6  : i32 {
      %mul3A_98 = arith.constant 1 : i32
      %mul3A_99 = arith.muli %scan3A_97, %mul3A_98 : i32
      %add3A_100 = arith.constant 0 : i32
      %add3A_101 = arith.addi %add3A_100, %mul3A_99 : i32
      %swap3A = arith.index_cast %add3A_101 : i32 to index
      %swap3A_102 = arith.constant 0 : index
      %swap3A_103 = tpu.vector_load %arg17[%swap3A, %swap3A_102] {strides = array<i32>} : memref<128x96xf32, #tpu.memory_space<vmem>>, vector<16xf32>,
      tpu.vector_store %arg17[%swap3A, %swap3A_102], %broadcast_in_dim3A_3 {strides = array<i32>} : memref<128x96xf32, #tpu.memory_space<vmem>>, vector<16xf32>,
      %swap3A_104 = arith.index_cast %add3A_101 : i32 to index
      %swap3A_105 = arith.constant 16 : index
      %swap3A_106 = tpu.vector_load %arg17[%swap3A_104, %swap3A_105] {strides = array<i32>} : memref<128x96xf32, #tpu.memory_space<vmem>>, vector<16xf32>,
      tpu.vector_store %arg17[%swap3A_104, %swap3A_105], %broadcast_in_dim3A_3 {strides = array<i32>} : memref<128x96xf32, #tpu.memory_space<vmem>>, vector<16xf32>,
      %swap3A_107 = arith.index_cast %add3A_101 : i32 to index
      %swap3A_108 = arith.constant 32 : index
      %swap3A_109 = tpu.vector_load %arg17[%swap3A_107, %swap3A_108] {strides = array<i32>} : memref<128x96xf32, #tpu.memory_space<vmem>>, vector<16xf32>,
      tpu.vector_store %arg17[%swap3A_107, %swap3A_108], %broadcast_in_dim3A_3 {strides = array<i32>} : memref<128x96xf32, #tpu.memory_space<vmem>>, vector<16xf32>,
      %swap3A_110 = arith.index_cast %add3A_101 : i32 to index
      %swap3A_111 = arith.constant 48 : index
      %swap3A_112 = tpu.vector_load %arg17[%swap3A_110, %swap3A_111] {strides = array<i32>} : memref<128x96xf32, #tpu.memory_space<vmem>>, vector<16xf32>,
      tpu.vector_store %arg17[%swap3A_110, %swap3A_111], %broadcast_in_dim3A_3 {strides = array<i32>} : memref<128x96xf32, #tpu.memory_space<vmem>>, vector<16xf32>,
      %swap3A_113 = arith.index_cast %add3A_101 : i32 to index
      %swap3A_114 = arith.constant 64 : index
      %swap3A_115 = tpu.vector_load %arg17[%swap3A_113, %swap3A_114] {strides = array<i32>} : memref<128x96xf32, #tpu.memory_space<vmem>>, vector<16xf32>,
      tpu.vector_store %arg17[%swap3A_113, %swap3A_114], %broadcast_in_dim3A_3 {strides = array<i32>} : memref<128x96xf32, #tpu.memory_space<vmem>>, vector<16xf32>,
      %swap3A_116 = arith.index_cast %add3A_101 : i32 to index
      %swap3A_117 = arith.constant 80 : index
      %swap3A_118 = tpu.vector_load %arg17[%swap3A_116, %swap3A_117] {strides = array<i32>} : memref<128x96xf32, #tpu.memory_space<vmem>>, vector<16xf32>,
      tpu.vector_store %arg17[%swap3A_116, %swap3A_117], %broadcast_in_dim3A_3 {strides = array<i32>} : memref<128x96xf32, #tpu.memory_space<vmem>>, vector<16xf32>,
    }
    %scan3A_7 = arith.constant 128 : i32
    %mul3A_8 = arith.constant 640 : i32
    %mul3A_9 = arith.muli %arg1, %mul3A_8 : i32
    %add3A_10 = arith.constant 0 : i32
    %add3A_11 = arith.addi %mul3A_9, %add3A_10 : i32
    "tpu.region"() ({
      %run_scoped3A = tpu.sem_alloc : memref<!tpu.dma_semaphore, #tpu.memory_space<semaphore_mem>>
      %dma_start3A_97 = arith.constant 0 : i32
      %dma_start3A_98 = tpu.memref_slice %arg19[%add3A_11, %dma_start3A_97] : memref<10240x96xf32, #tpu.memory_space<vmem_shared>> -> memref<128x96xf32, #tpu.memory_space<vmem_shared>>
      %dma_start3A_99 = arith.constant 0 : i32
      %dma_start3A_100 = tpu.memref_slice %arg19[%add3A_11, %dma_start3A_99] : memref<10240x96xf32, #tpu.memory_space<vmem_shared>> -> memref<128x96xf32, #tpu.memory_space<vmem_shared>>
      tpu.enqueue_dma source(%arg17 : memref<128x96xf32, #tpu.memory_space<vmem>>) target(%dma_start3A_100 : memref<128x96xf32, #tpu.memory_space<vmem_shared>>) target_semaphore(%run_scoped3A : memref<!tpu.dma_semaphore, #tpu.memory_space<semaphore_mem>>)
      %dma_wait3A_101 = arith.constant 0 : i32
      %dma_wait3A_102 = tpu.memref_slice %arg19[%add3A_11, %dma_wait3A_101] : memref<10240x96xf32, #tpu.memory_space<vmem_shared>> -> memref<128x96xf32, #tpu.memory_space<vmem_shared>>
      %dma_wait3A_103 = arith.constant 0 : i32
      %dma_wait3A_104 = tpu.memref_slice %arg19[%add3A_11, %dma_wait3A_103] : memref<10240x96xf32, #tpu.memory_space<vmem_shared>> -> memref<128x96xf32, #tpu.memory_space<vmem_shared>>
      tpu.wait_dma2 semaphore(%run_scoped3A : memref<!tpu.dma_semaphore, #tpu.memory_space<semaphore_mem>>) src(%arg17 : memref<128x96xf32, #tpu.memory_space<vmem>>) dst(%dma_wait3A_104 : memref<128x96xf32, #tpu.memory_space<vmem_shared>>)
      tpu.yield
    }) : () -> ()
    %mul3A_12 = arith.constant 640 : i32
    %mul3A_13 = arith.muli %arg1, %mul3A_12 : i32
    %add3A_14 = arith.constant 128 : i32
    %add3A_15 = arith.addi %mul3A_13, %add3A_14 : i32
    "tpu.region"() ({
      %run_scoped3A = tpu.sem_alloc : memref<!tpu.dma_semaphore, #tpu.memory_space<semaphore_mem>>
      %dma_start3A_97 = arith.constant 0 : i32
      %dma_start3A_98 = tpu.memref_slice %arg19[%add3A_15, %dma_start3A_97] : memref<10240x96xf32, #tpu.memory_space<vmem_shared>> -> memref<128x96xf32, #tpu.memory_space<vmem_shared>>
      %dma_start3A_99 = arith.constant 0 : i32
      %dma_start3A_100 = tpu.memref_slice %arg19[%add3A_15, %dma_start3A_99] : memref<10240x96xf32, #tpu.memory_space<vmem_shared>> -> memref<128x96xf32, #tpu.memory_space<vmem_shared>>
      tpu.enqueue_dma source(%arg17 : memref<128x96xf32, #tpu.memory_space<vmem>>) target(%dma_start3A_100 : memref<128x96xf32, #tpu.memory_space<vmem_shared>>) target_semaphore(%run_scoped3A : memref<!tpu.dma_semaphore, #tpu.memory_space<semaphore_mem>>)
      %dma_wait3A_101 = arith.constant 0 : i32
      %dma_wait3A_102 = tpu.memref_slice %arg19[%add3A_15, %dma_wait3A_101] : memref<10240x96xf32, #tpu.memory_space<vmem_shared>> -> memref<128x96xf32, #tpu.memory_space<vmem_shared>>
      %dma_wait3A_103 = arith.constant 0 : i32
      %dma_wait3A_104 = tpu.memref_slice %arg19[%add3A_15, %dma_wait3A_103] : memref<10240x96xf32, #tpu.memory_space<vmem_shared>> -> memref<128x96xf32, #tpu.memory_space<vmem_shared>>
      tpu.wait_dma2 semaphore(%run_scoped3A : memref<!tpu.dma_semaphore, #tpu.memory_space<semaphore_mem>>) src(%arg17 : memref<128x96xf32, #tpu.memory_space<vmem>>) dst(%dma_wait3A_104 : memref<128x96xf32, #tpu.memory_space<vmem_shared>>)
      tpu.yield
    }) : () -> ()
    %mul3A_16 = arith.constant 640 : i32
    %mul3A_17 = arith.muli %arg1, %mul3A_16 : i32
    %add3A_18 = arith.constant 256 : i32
    %add3A_19 = arith.addi %mul3A_17, %add3A_18 : i32
    "tpu.region"() ({
      %run_scoped3A = tpu.sem_alloc : memref<!tpu.dma_semaphore, #tpu.memory_space<semaphore_mem>>
      %dma_start3A_97 = arith.constant 0 : i32
      %dma_start3A_98 = tpu.memref_slice %arg19[%add3A_19, %dma_start3A_97] : memref<10240x96xf32, #tpu.memory_space<vmem_shared>> -> memref<128x96xf32, #tpu.memory_space<vmem_shared>>
      %dma_start3A_99 = arith.constant 0 : i32
      %dma_start3A_100 = tpu.memref_slice %arg19[%add3A_19, %dma_start3A_99] : memref<10240x96xf32, #tpu.memory_space<vmem_shared>> -> memref<128x96xf32, #tpu.memory_space<vmem_shared>>
      tpu.enqueue_dma source(%arg17 : memref<128x96xf32, #tpu.memory_space<vmem>>) target(%dma_start3A_100 : memref<128x96xf32, #tpu.memory_space<vmem_shared>>) target_semaphore(%run_scoped3A : memref<!tpu.dma_semaphore, #tpu.memory_space<semaphore_mem>>)
      %dma_wait3A_101 = arith.constant 0 : i32
      %dma_wait3A_102 = tpu.memref_slice %arg19[%add3A_19, %dma_wait3A_101] : memref<10240x96xf32, #tpu.memory_space<vmem_shared>> -> memref<128x96xf32, #tpu.memory_space<vmem_shared>>
      %dma_wait3A_103 = arith.constant 0 : i32
      %dma_wait3A_104 = tpu.memref_slice %arg19[%add3A_19, %dma_wait3A_103] : memref<10240x96xf32, #tpu.memory_space<vmem_shared>> -> memref<128x96xf32, #tpu.memory_space<vmem_shared>>
      tpu.wait_dma2 semaphore(%run_scoped3A : memref<!tpu.dma_semaphore, #tpu.memory_space<semaphore_mem>>) src(%arg17 : memref<128x96xf32, #tpu.memory_space<vmem>>) dst(%dma_wait3A_104 : memref<128x96xf32, #tpu.memory_space<vmem_shared>>)
      tpu.yield
    }) : () -> ()
    %mul3A_20 = arith.constant 640 : i32
    %mul3A_21 = arith.muli %arg1, %mul3A_20 : i32
    %add3A_22 = arith.constant 384 : i32
    %add3A_23 = arith.addi %mul3A_21, %add3A_22 : i32
    "tpu.region"() ({
      %run_scoped3A = tpu.sem_alloc : memref<!tpu.dma_semaphore, #tpu.memory_space<semaphore_mem>>
      %dma_start3A_97 = arith.constant 0 : i32
      %dma_start3A_98 = tpu.memref_slice %arg19[%add3A_23, %dma_start3A_97] : memref<10240x96xf32, #tpu.memory_space<vmem_shared>> -> memref<128x96xf32, #tpu.memory_space<vmem_shared>>
      %dma_start3A_99 = arith.constant 0 : i32
      %dma_start3A_100 = tpu.memref_slice %arg19[%add3A_23, %dma_start3A_99] : memref<10240x96xf32, #tpu.memory_space<vmem_shared>> -> memref<128x96xf32, #tpu.memory_space<vmem_shared>>
      tpu.enqueue_dma source(%arg17 : memref<128x96xf32, #tpu.memory_space<vmem>>) target(%dma_start3A_100 : memref<128x96xf32, #tpu.memory_space<vmem_shared>>) target_semaphore(%run_scoped3A : memref<!tpu.dma_semaphore, #tpu.memory_space<semaphore_mem>>)
      %dma_wait3A_101 = arith.constant 0 : i32
      %dma_wait3A_102 = tpu.memref_slice %arg19[%add3A_23, %dma_wait3A_101] : memref<10240x96xf32, #tpu.memory_space<vmem_shared>> -> memref<128x96xf32, #tpu.memory_space<vmem_shared>>
      %dma_wait3A_103 = arith.constant 0 : i32
      %dma_wait3A_104 = tpu.memref_slice %arg19[%add3A_23, %dma_wait3A_103] : memref<10240x96xf32, #tpu.memory_space<vmem_shared>> -> memref<128x96xf32, #tpu.memory_space<vmem_shared>>
      tpu.wait_dma2 semaphore(%run_scoped3A : memref<!tpu.dma_semaphore, #tpu.memory_space<semaphore_mem>>) src(%arg17 : memref<128x96xf32, #tpu.memory_space<vmem>>) dst(%dma_wait3A_104 : memref<128x96xf32, #tpu.memory_space<vmem_shared>>)
      tpu.yield
    }) : () -> ()
    %mul3A_24 = arith.constant 640 : i32
    %mul3A_25 = arith.muli %arg1, %mul3A_24 : i32
    %add3A_26 = arith.constant 512 : i32
    %add3A_27 = arith.addi %mul3A_25, %add3A_26 : i32
    "tpu.region"() ({
      %run_scoped3A = tpu.sem_alloc : memref<!tpu.dma_semaphore, #tpu.memory_space<semaphore_mem>>
      %dma_start3A_97 = arith.constant 0 : i32
      %dma_start3A_98 = tpu.memref_slice %arg19[%add3A_27, %dma_start3A_97] : memref<10240x96xf32, #tpu.memory_space<vmem_shared>> -> memref<128x96xf32, #tpu.memory_space<vmem_shared>>
      %dma_start3A_99 = arith.constant 0 : i32
      %dma_start3A_100 = tpu.memref_slice %arg19[%add3A_27, %dma_start3A_99] : memref<10240x96xf32, #tpu.memory_space<vmem_shared>> -> memref<128x96xf32, #tpu.memory_space<vmem_shared>>
      tpu.enqueue_dma source(%arg17 : memref<128x96xf32, #tpu.memory_space<vmem>>) target(%dma_start3A_100 : memref<128x96xf32, #tpu.memory_space<vmem_shared>>) target_semaphore(%run_scoped3A : memref<!tpu.dma_semaphore, #tpu.memory_space<semaphore_mem>>)
      %dma_wait3A_101 = arith.constant 0 : i32
      %dma_wait3A_102 = tpu.memref_slice %arg19[%add3A_27, %dma_wait3A_101] : memref<10240x96xf32, #tpu.memory_space<vmem_shared>> -> memref<128x96xf32, #tpu.memory_space<vmem_shared>>
      %dma_wait3A_103 = arith.constant 0 : i32
      %dma_wait3A_104 = tpu.memref_slice %arg19[%add3A_27, %dma_wait3A_103] : memref<10240x96xf32, #tpu.memory_space<vmem_shared>> -> memref<128x96xf32, #tpu.memory_space<vmem_shared>>
      tpu.wait_dma2 semaphore(%run_scoped3A : memref<!tpu.dma_semaphore, #tpu.memory_space<semaphore_mem>>) src(%arg17 : memref<128x96xf32, #tpu.memory_space<vmem>>) dst(%dma_wait3A_104 : memref<128x96xf32, #tpu.memory_space<vmem_shared>>)
      tpu.yield
    }) : () -> ()
    %barrier3A = arith.constant 0 : index
    tpu.barrier barrier_id(%barrier3A)
    %iota3A = tpu.iota {dimensions = array<i32: 0>} : vector<16xi32>
    %add3A_28 = arith.constant 8 : i32
    %add3A_29 = vector.broadcast %add3A_28 : i32 to vector<16xi32>
    %add3A_30 = arith.addi %iota3A, %add3A_29 : vector<16xi32>
    %min3A = arith.constant 15 : i32
    %min3A_31 = vector.broadcast %min3A : i32 to vector<16xi32>
    %min3A_32 = arith.minsi %add3A_30, %min3A_31 : vector<16xi32>
    %broadcast_in_dim3A_33 = arith.constant 0 : i32
    %broadcast_in_dim3A_34 = vector.broadcast %broadcast_in_dim3A_33 : i32 to vector<16xi32>
    %broadcast_in_dim3A_35 = arith.constant 1 : i32
    %broadcast_in_dim3A_36 = vector.broadcast %broadcast_in_dim3A_35 : i32 to vector<16xi32>
    %broadcast_in_dim3A_37 = arith.constant 2 : i32
    %broadcast_in_dim3A_38 = vector.broadcast %broadcast_in_dim3A_37 : i32 to vector<16xi32>
    %broadcast_in_dim3A_39 = arith.constant 3 : i32
    %broadcast_in_dim3A_40 = vector.broadcast %broadcast_in_dim3A_39 : i32 to vector<16xi32>
    %broadcast_in_dim3A_41 = arith.constant 4 : i32
    %broadcast_in_dim3A_42 = vector.broadcast %broadcast_in_dim3A_41 : i32 to vector<16xi32>
    %add3A_43 = arith.constant 0 : i32
    %add3A_44 = arith.addi %mul3A_2, %add3A_43 : i32
    "tpu.region"() ({
      %run_scoped3A = tpu.sem_alloc : memref<!tpu.dma_semaphore, #tpu.memory_space<semaphore_mem>>
      %dma_start3A_97 = arith.constant 0 : i32
      %dma_start3A_98 = tpu.memref_slice %arg2[%add3A_44, %dma_start3A_97] : memref<5120x128xi32, #tpu.memory_space<hbm>> -> memref<16x128xi32, #tpu.memory_space<hbm>>
      %dma_start3A_99 = arith.constant 0 : i32
      %dma_start3A_100 = tpu.memref_slice %arg2[%add3A_44, %dma_start3A_99] : memref<5120x128xi32, #tpu.memory_space<hbm>> -> memref<16x128xi32, #tpu.memory_space<hbm>>
      tpu.enqueue_dma source(%dma_start3A_100 : memref<16x128xi32, #tpu.memory_space<hbm>>) target(%arg7 : memref<16x128xi32, #tpu.memory_space<vmem>>) target_semaphore(%run_scoped3A : memref<!tpu.dma_semaphore, #tpu.memory_space<semaphore_mem>>)
      %dma_wait3A_101 = arith.constant 0 : i32
      %dma_wait3A_102 = tpu.memref_slice %arg2[%add3A_44, %dma_wait3A_101] : memref<5120x128xi32, #tpu.memory_space<hbm>> -> memref<16x128xi32, #tpu.memory_space<hbm>>
      %dma_wait3A_103 = arith.constant 0 : i32
      %dma_wait3A_104 = tpu.memref_slice %arg2[%add3A_44, %dma_wait3A_103] : memref<5120x128xi32, #tpu.memory_space<hbm>> -> memref<16x128xi32, #tpu.memory_space<hbm>>
      tpu.wait_dma2 semaphore(%run_scoped3A : memref<!tpu.dma_semaphore, #tpu.memory_space<semaphore_mem>>) src(%dma_wait3A_104 : memref<16x128xi32, #tpu.memory_space<hbm>>) dst(%arg7 : memref<16x128xi32, #tpu.memory_space<vmem>>)
      tpu.yield
    }) : () -> ()
    %add3A_45 = arith.constant 0 : i32
    %add3A_46 = arith.addi %mul3A_2, %add3A_45 : i32
    "tpu.region"() ({
      %run_scoped3A = tpu.sem_alloc : memref<!tpu.dma_semaphore, #tpu.memory_space<semaphore_mem>>
      %dma_start3A_97 = arith.constant 0 : i32
      %dma_start3A_98 = tpu.memref_slice %arg3[%add3A_46, %dma_start3A_97] : memref<5120x128xi32, #tpu.memory_space<hbm>> -> memref<16x128xi32, #tpu.memory_space<hbm>>
      %dma_start3A_99 = arith.constant 0 : i32
      %dma_start3A_100 = tpu.memref_slice %arg3[%add3A_46, %dma_start3A_99] : memref<5120x128xi32, #tpu.memory_space<hbm>> -> memref<16x128xi32, #tpu.memory_space<hbm>>
      tpu.enqueue_dma source(%dma_start3A_100 : memref<16x128xi32, #tpu.memory_space<hbm>>) target(%arg8 : memref<16x128xi32, #tpu.memory_space<vmem>>) target_semaphore(%run_scoped3A : memref<!tpu.dma_semaphore, #tpu.memory_space<semaphore_mem>>)
      %dma_wait3A_101 = arith.constant 0 : i32
      %dma_wait3A_102 = tpu.memref_slice %arg3[%add3A_46, %dma_wait3A_101] : memref<5120x128xi32, #tpu.memory_space<hbm>> -> memref<16x128xi32, #tpu.memory_space<hbm>>
      %dma_wait3A_103 = arith.constant 0 : i32
      %dma_wait3A_104 = tpu.memref_slice %arg3[%add3A_46, %dma_wait3A_103] : memref<5120x128xi32, #tpu.memory_space<hbm>> -> memref<16x128xi32, #tpu.memory_space<hbm>>
      tpu.wait_dma2 semaphore(%run_scoped3A : memref<!tpu.dma_semaphore, #tpu.memory_space<semaphore_mem>>) src(%dma_wait3A_104 : memref<16x128xi32, #tpu.memory_space<hbm>>) dst(%arg8 : memref<16x128xi32, #tpu.memory_space<vmem>>)
      tpu.yield
    }) : () -> ()
    %dma_start3A = arith.constant 0 : i32
    %dma_start3A_47 = arith.constant 0 : i32
    %dma_start3A_48 = tpu.memref_slice %arg8[%dma_start3A, %dma_start3A_47] : memref<16x128xi32, #tpu.memory_space<vmem>> -> memref<1x128xi32, #tpu.memory_space<vmem>>
    %dma_start3A_49 = tpu.memref_squeeze %dma_start3A_48 : memref<1x128xi32, #tpu.memory_space<vmem>> -> memref<128xi32, #tpu.memory_space<vmem>>
    %dma_start3A_50 = arith.constant 0 : i32
    %dma_start3A_51 = arith.constant 0 : i32
    %dma_start3A_52 = tpu.memref_slice %arg5[%dma_start3A_50, %dma_start3A_51] : memref<10240x16xf32, #tpu.memory_space<hbm>> -> memref<10240x16xf32, #tpu.memory_space<hbm>>
    tpu.enqueue_indirect_dma source(%dma_start3A_52 : memref<10240x16xf32, #tpu.memory_space<hbm>>) target(%arg9 : memref<128x16xf32, #tpu.memory_space<vmem>>) offsets(%dma_start3A_49 : memref<128xi32, #tpu.memory_space<vmem>>) semaphore(%arg20 : memref<!tpu.dma_semaphore, #tpu.memory_space<semaphore_mem>>)
    %dma_start3A_53 = arith.constant 0 : i32
    %dma_start3A_54 = arith.constant 0 : i32
    %dma_start3A_55 = tpu.memref_slice %arg7[%dma_start3A_53, %dma_start3A_54] : memref<16x128xi32, #tpu.memory_space<vmem>> -> memref<1x128xi32, #tpu.memory_space<vmem>>
    %dma_start3A_56 = tpu.memref_squeeze %dma_start3A_55 : memref<1x128xi32, #tpu.memory_space<vmem>> -> memref<128xi32, #tpu.memory_space<vmem>>
    %dma_start3A_57 = arith.constant 0 : i32
    %dma_start3A_58 = arith.constant 0 : i32
    %dma_start3A_59 = tpu.memref_slice %arg4[%dma_start3A_57, %dma_start3A_58] : memref<10240x96xbf16, #tpu.memory_space<hbm>> -> memref<10240x96xbf16, #tpu.memory_space<hbm>>
    tpu.enqueue_indirect_dma source(%dma_start3A_59 : memref<10240x96xbf16, #tpu.memory_space<hbm>>) target(%arg13 : memref<128x96xbf16, #tpu.memory_space<vmem>>) offsets(%dma_start3A_56 : memref<128xi32, #tpu.memory_space<vmem>>) semaphore(%arg20 : memref<!tpu.dma_semaphore, #tpu.memory_space<semaphore_mem>>)
    %dma_start3A_60 = arith.constant 1 : i32
    %dma_start3A_61 = arith.constant 0 : i32
    %dma_start3A_62 = tpu.memref_slice %arg8[%dma_start3A_60, %dma_start3A_61] : memref<16x128xi32, #tpu.memory_space<vmem>> -> memref<1x128xi32, #tpu.memory_space<vmem>>
    %dma_start3A_63 = tpu.memref_squeeze %dma_start3A_62 : memref<1x128xi32, #tpu.memory_space<vmem>> -> memref<128xi32, #tpu.memory_space<vmem>>
    %dma_start3A_64 = arith.constant 0 : i32
    %dma_start3A_65 = arith.constant 0 : i32
    %dma_start3A_66 = tpu.memref_slice %arg5[%dma_start3A_64, %dma_start3A_65] : memref<10240x16xf32, #tpu.memory_space<hbm>> -> memref<10240x16xf32, #tpu.memory_space<hbm>>
    tpu.enqueue_indirect_dma source(%dma_start3A_66 : memref<10240x16xf32, #tpu.memory_space<hbm>>) target(%arg10 : memref<128x16xf32, #tpu.memory_space<vmem>>) offsets(%dma_start3A_63 : memref<128xi32, #tpu.memory_space<vmem>>) semaphore(%arg21 : memref<!tpu.dma_semaphore, #tpu.memory_space<semaphore_mem>>)
    %dma_start3A_67 = arith.constant 1 : i32
    %dma_start3A_68 = arith.constant 0 : i32
    %dma_start3A_69 = tpu.memref_slice %arg7[%dma_start3A_67, %dma_start3A_68] : memref<16x128xi32, #tpu.memory_space<vmem>> -> memref<1x128xi32, #tpu.memory_space<vmem>>
    %dma_start3A_70 = tpu.memref_squeeze %dma_start3A_69 : memref<1x128xi32, #tpu.memory_space<vmem>> -> memref<128xi32, #tpu.memory_space<vmem>>
    %dma_start3A_71 = arith.constant 0 : i32
    %dma_start3A_72 = arith.constant 0 : i32
    %dma_start3A_73 = tpu.memref_slice %arg4[%dma_start3A_71, %dma_start3A_72] : memref<10240x96xbf16, #tpu.memory_space<hbm>> -> memref<10240x96xbf16, #tpu.memory_space<hbm>>
    tpu.enqueue_indirect_dma source(%dma_start3A_73 : memref<10240x96xbf16, #tpu.memory_space<hbm>>) target(%arg14 : memref<128x96xbf16, #tpu.memory_space<vmem>>) offsets(%dma_start3A_70 : memref<128xi32, #tpu.memory_space<vmem>>) semaphore(%arg21 : memref<!tpu.dma_semaphore, #tpu.memory_space<semaphore_mem>>)
    %scan3A_74 = arith.constant 0 : i32
    %scan3A_75 = arith.constant 10 : i32
    %scan3A_76 = arith.addi %scan3A_74, %scan3A_75 : i32
    %scan3A_77 = arith.constant 1 : i32
    scf.for %scan3A_97 = %scan3A_74 to %scan3A_76 step %scan3A_77  : i32 {
      %mul3A_98 = arith.constant 1 : i32
      %mul3A_99 = arith.muli %scan3A_97, %mul3A_98 : i32
      %add3A_100 = arith.constant 0 : i32
      %add3A_101 = arith.addi %add3A_100, %mul3A_99 : i32
      %scan3A_102 = arith.constant 0 : i32
      %scan3A_103 = arith.constant 4 : i32
      %scan3A_104 = arith.addi %scan3A_102, %scan3A_103 : i32
      %scan3A_105 = arith.constant 1 : i32
      scf.for %scan3A_107 = %scan3A_102 to %scan3A_104 step %scan3A_105  : i32 {
        %mul3A_108 = arith.constant 1 : i32
        %mul3A_109 = arith.muli %scan3A_107, %mul3A_108 : i32
        %add3A_110 = arith.constant 0 : i32
        %add3A_111 = arith.addi %add3A_110, %mul3A_109 : i32
        %mul3A_112 = arith.constant 4 : i32
        %mul3A_113 = arith.muli %add3A_111, %mul3A_112 : i32
        %add3A_114 = arith.constant 0 : i32
        %add3A_115 = arith.addi %mul3A_113, %add3A_114 : i32
        %mul3A_116 = arith.constant 16 : i32
        %mul3A_117 = arith.muli %add3A_101, %mul3A_116 : i32
        %add3A_118 = arith.addi %mul3A_117, %add3A_115 : i32
        %add3A_119 = arith.addi %mul3A_2, %add3A_118 : i32
        %add3A_120 = arith.constant 2 : i32
        %add3A_121 = arith.addi %add3A_119, %add3A_120 : i32
        %lt3A = arith.constant 5000 : i32
        %lt3A_122 = arith.cmpi slt, %add3A_121, %lt3A : i32
        %convert_element_type3A = arith.extui %lt3A_122 : i1 to i32
        %cond3A = arith.constant 0 : i32
        %cond3A_123 = arith.cmpi ne, %convert_element_type3A, %cond3A : i32
        scf.if %cond3A_123 {
          %add3A_207 = arith.constant 2 : i32
          %add3A_208 = arith.addi %add3A_115, %add3A_207 : i32
          %dma_start3A_209 = arith.constant 0 : i32
          %dma_start3A_210 = tpu.memref_slice %arg8[%add3A_208, %dma_start3A_209] : memref<16x128xi32, #tpu.memory_space<vmem>> -> memref<1x128xi32, #tpu.memory_space<vmem>>
          %dma_start3A_211 = tpu.memref_squeeze %dma_start3A_210 : memref<1x128xi32, #tpu.memory_space<vmem>> -> memref<128xi32, #tpu.memory_space<vmem>>
          %dma_start3A_212 = arith.constant 0 : i32
          %dma_start3A_213 = arith.constant 0 : i32
          %dma_start3A_214 = tpu.memref_slice %arg5[%dma_start3A_212, %dma_start3A_213] : memref<10240x16xf32, #tpu.memory_space<hbm>> -> memref<10240x16xf32, #tpu.memory_space<hbm>>
          tpu.enqueue_indirect_dma source(%dma_start3A_214 : memref<10240x16xf32, #tpu.memory_space<hbm>>) target(%arg11 : memref<128x16xf32, #tpu.memory_space<vmem>>) offsets(%dma_start3A_211 : memref<128xi32, #tpu.memory_space<vmem>>) semaphore(%arg22 : memref<!tpu.dma_semaphore, #tpu.memory_space<semaphore_mem>>)
          %dma_start3A_215 = arith.constant 0 : i32
          %dma_start3A_216 = tpu.memref_slice %arg7[%add3A_208, %dma_start3A_215] : memref<16x128xi32, #tpu.memory_space<vmem>> -> memref<1x128xi32, #tpu.memory_space<vmem>>
          %dma_start3A_217 = tpu.memref_squeeze %dma_start3A_216 : memref<1x128xi32, #tpu.memory_space<vmem>> -> memref<128xi32, #tpu.memory_space<vmem>>
          %dma_start3A_218 = arith.constant 0 : i32
          %dma_start3A_219 = arith.constant 0 : i32
          %dma_start3A_220 = tpu.memref_slice %arg4[%dma_start3A_218, %dma_start3A_219] : memref<10240x96xbf16, #tpu.memory_space<hbm>> -> memref<10240x96xbf16, #tpu.memory_space<hbm>>
          tpu.enqueue_indirect_dma source(%dma_start3A_220 : memref<10240x96xbf16, #tpu.memory_space<hbm>>) target(%arg15 : memref<128x96xbf16, #tpu.memory_space<vmem>>) offsets(%dma_start3A_217 : memref<128xi32, #tpu.memory_space<vmem>>) semaphore(%arg22 : memref<!tpu.dma_semaphore, #tpu.memory_space<semaphore_mem>>)
        } else {
        }
        %add3A_124 = arith.addi %mul3A_2, %add3A_118 : i32
        %lt3A_125 = arith.constant 5000 : i32
        %lt3A_126 = arith.cmpi slt, %add3A_124, %lt3A_125 : i32
        %convert_element_type3A_127 = arith.extui %lt3A_126 : i1 to i32
        %cond3A_128 = arith.constant 0 : i32
        %cond3A_129 = arith.cmpi ne, %convert_element_type3A_127, %cond3A_128 : i32
        scf.if %cond3A_129 {
          %dma_wait3A_207 = arith.constant 0 : i32
          %dma_wait3A_208 = arith.constant 0 : i32
          %dma_wait3A_209 = tpu.memref_slice %arg8[%dma_wait3A_207, %dma_wait3A_208] : memref<16x128xi32, #tpu.memory_space<vmem>> -> memref<1x128xi32, #tpu.memory_space<vmem>>
          %dma_wait3A_210 = tpu.memref_squeeze %dma_wait3A_209 : memref<1x128xi32, #tpu.memory_space<vmem>> -> memref<128xi32, #tpu.memory_space<vmem>>
          %dma_wait3A_211 = arith.constant 0 : i32
          %dma_wait3A_212 = arith.constant 0 : i32
          %dma_wait3A_213 = tpu.memref_slice %arg5[%dma_wait3A_211, %dma_wait3A_212] : memref<10240x16xf32, #tpu.memory_space<hbm>> -> memref<10240x16xf32, #tpu.memory_space<hbm>>
          tpu.wait_indirect_dma semaphore(%arg20 : memref<!tpu.dma_semaphore, #tpu.memory_space<semaphore_mem>>) src(%dma_wait3A_213 : memref<10240x16xf32, #tpu.memory_space<hbm>>) dst(%arg9 : memref<128x16xf32, #tpu.memory_space<vmem>>)
          %dma_wait3A_214 = arith.constant 0 : i32
          %dma_wait3A_215 = arith.constant 0 : i32
          %dma_wait3A_216 = tpu.memref_slice %arg7[%dma_wait3A_214, %dma_wait3A_215] : memref<16x128xi32, #tpu.memory_space<vmem>> -> memref<1x128xi32, #tpu.memory_space<vmem>>
          %dma_wait3A_217 = tpu.memref_squeeze %dma_wait3A_216 : memref<1x128xi32, #tpu.memory_space<vmem>> -> memref<128xi32, #tpu.memory_space<vmem>>
          %dma_wait3A_218 = arith.constant 0 : i32
          %dma_wait3A_219 = arith.constant 0 : i32
          %dma_wait3A_220 = tpu.memref_slice %arg4[%dma_wait3A_218, %dma_wait3A_219] : memref<10240x96xbf16, #tpu.memory_space<hbm>> -> memref<10240x96xbf16, #tpu.memory_space<hbm>>
          tpu.wait_indirect_dma semaphore(%arg20 : memref<!tpu.dma_semaphore, #tpu.memory_space<semaphore_mem>>) src(%dma_wait3A_220 : memref<10240x96xbf16, #tpu.memory_space<hbm>>) dst(%arg13 : memref<128x96xbf16, #tpu.memory_space<vmem>>)
          %ge3A = arith.constant 2 : i32
          %ge3A_221 = arith.cmpi sge, %add3A_115, %ge3A : i32
          %convert_element_type3A_222 = arith.extui %ge3A_221 : i1 to i32
          %cond3A_223 = arith.constant 0 : i32
          %cond3A_224 = arith.cmpi ne, %convert_element_type3A_222, %cond3A_223 : i32
          scf.if %cond3A_224 {
            %dma_wait3A_233 = arith.constant 0 : i32
            %dma_wait3A_234 = arith.constant 0 : i32
            %dma_wait3A_235 = tpu.memref_slice %arg8[%dma_wait3A_233, %dma_wait3A_234] : memref<16x128xi32, #tpu.memory_space<vmem>> -> memref<1x128xi32, #tpu.memory_space<vmem>>
            %dma_wait3A_236 = tpu.memref_squeeze %dma_wait3A_235 : memref<1x128xi32, #tpu.memory_space<vmem>> -> memref<128xi32, #tpu.memory_space<vmem>>
            %dma_wait3A_237 = arith.constant 0 : i32
            %dma_wait3A_238 = arith.constant 0 : i32
            %dma_wait3A_239 = tpu.memref_slice %arg19[%dma_wait3A_237, %dma_wait3A_238] : memref<10240x96xf32, #tpu.memory_space<vmem_shared>> -> memref<10240x96xf32, #tpu.memory_space<vmem_shared>>
            tpu.wait_indirect_dma semaphore(%arg24 : memref<!tpu.dma_semaphore, #tpu.memory_space<semaphore_mem>>) src(%arg17 : memref<128x96xf32, #tpu.memory_space<vmem>>) dst(%dma_wait3A_239 : memref<10240x96xf32, #tpu.memory_space<vmem_shared>>)
          } else {
          }
          %parallel_loop3A = arith.constant 0 : i32
          %parallel_loop3A_225 = arith.constant 128 : i32
          %parallel_loop3A_226 = arith.constant 1 : i32
          scf.for %parallel_loop3A_233 = %parallel_loop3A to %parallel_loop3A_225 step %parallel_loop3A_226  : i32 {
            %parallel_loop3A_234 = arith.index_cast %parallel_loop3A_233 : i32 to index
            %parallel_loop3A_235 = arith.constant 64 : index
            %parallel_loop3A_236 = tpu.vector_load %arg13[%parallel_loop3A_234, %parallel_loop3A_235] {strides = array<i32>} : memref<128x96xbf16, #tpu.memory_space<vmem>>, vector<32xbf16>,
            %parallel_loop3A_237 = tpu.unpack_subelements %parallel_loop3A_236, 0 {pack_format = #tpu.pack_format<interleaved>} : vector<32xbf16> -> vector<16xf32>
            %parallel_loop3A_238 = tpu.unpack_subelements %parallel_loop3A_236, 1 {pack_format = #tpu.pack_format<interleaved>} : vector<32xbf16> -> vector<16xf32>
            %parallel_loop3A_239 = arith.index_cast %parallel_loop3A_233 : i32 to index
            %parallel_loop3A_240 = arith.constant 0 : index
            %parallel_loop3A_241 = tpu.vector_load %arg9[%parallel_loop3A_239, %parallel_loop3A_240] {strides = array<i32>} : memref<128x16xf32, #tpu.memory_space<vmem>>, vector<16xf32>,
            %parallel_loop3A_242 = arith.addf %parallel_loop3A_238, %parallel_loop3A_241 : vector<16xf32>
            %parallel_loop3A_243 = arith.constant 2.000000e-01 : f32
            %parallel_loop3A_244 = vector.broadcast %parallel_loop3A_243 : f32 to vector<16xf32>
            %parallel_loop3A_245 = arith.mulf %parallel_loop3A_244, %parallel_loop3A_242 : vector<16xf32>
            %parallel_loop3A_246 = arith.maximumf %parallel_loop3A_242, %parallel_loop3A_245 : vector<16xf32>
            %parallel_loop3A_247 = vector.shape_cast %min3A_32 : vector<16xi32> to vector<16x1xi32>
            %parallel_loop3A_248 = vector.shape_cast %parallel_loop3A_247 : vector<16x1xi32> to vector<16xi32>
            %parallel_loop3A_249 = tpu.dynamic_gather %parallel_loop3A_241[%parallel_loop3A_248] in [0] : vector<16xf32>, vector<16xi32> -> vector<16xf32>
            %parallel_loop3A_250 = arith.subf %parallel_loop3A_246, %parallel_loop3A_249 : vector<16xf32>
            %parallel_loop3A_251 = math.exp %parallel_loop3A_250 : vector<16xf32>
            %parallel_loop3A_252 = arith.index_cast %parallel_loop3A_233 : i32 to index
            %parallel_loop3A_253 = arith.constant 80 : index
            %parallel_loop3A_254 = tpu.vector_load %arg17[%parallel_loop3A_252, %parallel_loop3A_253] {strides = array<i32>} : memref<128x96xf32, #tpu.memory_space<vmem>>, vector<16xf32>,
            tpu.vector_store %arg17[%parallel_loop3A_252, %parallel_loop3A_253], %parallel_loop3A_251 {strides = array<i32>} : memref<128x96xf32, #tpu.memory_space<vmem>>, vector<16xf32>,
            %parallel_loop3A_255 = arith.index_cast %parallel_loop3A_233 : i32 to index
            %parallel_loop3A_256 = arith.constant 0 : index
            %parallel_loop3A_257 = tpu.vector_load %arg13[%parallel_loop3A_255, %parallel_loop3A_256] {strides = array<i32>} : memref<128x96xbf16, #tpu.memory_space<vmem>>, vector<32xbf16>,
            %parallel_loop3A_258 = tpu.unpack_subelements %parallel_loop3A_257, 0 {pack_format = #tpu.pack_format<interleaved>} : vector<32xbf16> -> vector<16xf32>
            %parallel_loop3A_259 = tpu.unpack_subelements %parallel_loop3A_257, 1 {pack_format = #tpu.pack_format<interleaved>} : vector<32xbf16> -> vector<16xf32>
            %parallel_loop3A_260 = arith.index_cast %parallel_loop3A_233 : i32 to index
            %parallel_loop3A_261 = arith.constant 32 : index
            %parallel_loop3A_262 = tpu.vector_load %arg13[%parallel_loop3A_260, %parallel_loop3A_261] {strides = array<i32>} : memref<128x96xbf16, #tpu.memory_space<vmem>>, vector<32xbf16>,
            %parallel_loop3A_263 = tpu.unpack_subelements %parallel_loop3A_262, 0 {pack_format = #tpu.pack_format<interleaved>} : vector<32xbf16> -> vector<16xf32>
            %parallel_loop3A_264 = tpu.unpack_subelements %parallel_loop3A_262, 1 {pack_format = #tpu.pack_format<interleaved>} : vector<32xbf16> -> vector<16xf32>
            %parallel_loop3A_265 = vector.shape_cast %broadcast_in_dim3A_34 : vector<16xi32> to vector<16x1xi32>
            %parallel_loop3A_266 = vector.shape_cast %parallel_loop3A_265 : vector<16x1xi32> to vector<16xi32>
            %parallel_loop3A_267 = tpu.dynamic_gather %parallel_loop3A_251[%parallel_loop3A_266] in [0] : vector<16xf32>, vector<16xi32> -> vector<16xf32>
            %parallel_loop3A_268 = arith.mulf %parallel_loop3A_258, %parallel_loop3A_267 : vector<16xf32>
            %parallel_loop3A_269 = arith.index_cast %parallel_loop3A_233 : i32 to index
            %parallel_loop3A_270 = arith.constant 0 : index
            %parallel_loop3A_271 = tpu.vector_load %arg17[%parallel_loop3A_269, %parallel_loop3A_270] {strides = array<i32>} : memref<128x96xf32, #tpu.memory_space<vmem>>, vector<16xf32>,
            tpu.vector_store %arg17[%parallel_loop3A_269, %parallel_loop3A_270], %parallel_loop3A_268 {strides = array<i32>} : memref<128x96xf32, #tpu.memory_space<vmem>>, vector<16xf32>,
            %parallel_loop3A_272 = vector.shape_cast %broadcast_in_dim3A_36 : vector<16xi32> to vector<16x1xi32>
            %parallel_loop3A_273 = vector.shape_cast %parallel_loop3A_272 : vector<16x1xi32> to vector<16xi32>
            %parallel_loop3A_274 = tpu.dynamic_gather %parallel_loop3A_251[%parallel_loop3A_273] in [0] : vector<16xf32>, vector<16xi32> -> vector<16xf32>
            %parallel_loop3A_275 = arith.mulf %parallel_loop3A_259, %parallel_loop3A_274 : vector<16xf32>
            %parallel_loop3A_276 = arith.index_cast %parallel_loop3A_233 : i32 to index
            %parallel_loop3A_277 = arith.constant 16 : index
            %parallel_loop3A_278 = tpu.vector_load %arg17[%parallel_loop3A_276, %parallel_loop3A_277] {strides = array<i32>} : memref<128x96xf32, #tpu.memory_space<vmem>>, vector<16xf32>,
            tpu.vector_store %arg17[%parallel_loop3A_276, %parallel_loop3A_277], %parallel_loop3A_275 {strides = array<i32>} : memref<128x96xf32, #tpu.memory_space<vmem>>, vector<16xf32>,
            %parallel_loop3A_279 = vector.shape_cast %broadcast_in_dim3A_38 : vector<16xi32> to vector<16x1xi32>
            %parallel_loop3A_280 = vector.shape_cast %parallel_loop3A_279 : vector<16x1xi32> to vector<16xi32>
            %parallel_loop3A_281 = tpu.dynamic_gather %parallel_loop3A_251[%parallel_loop3A_280] in [0] : vector<16xf32>, vector<16xi32> -> vector<16xf32>
            %parallel_loop3A_282 = arith.mulf %parallel_loop3A_263, %parallel_loop3A_281 : vector<16xf32>
            %parallel_loop3A_283 = arith.index_cast %parallel_loop3A_233 : i32 to index
            %parallel_loop3A_284 = arith.constant 32 : index
            %parallel_loop3A_285 = tpu.vector_load %arg17[%parallel_loop3A_283, %parallel_loop3A_284] {strides = array<i32>} : memref<128x96xf32, #tpu.memory_space<vmem>>, vector<16xf32>,
            tpu.vector_store %arg17[%parallel_loop3A_283, %parallel_loop3A_284], %parallel_loop3A_282 {strides = array<i32>} : memref<128x96xf32, #tpu.memory_space<vmem>>, vector<16xf32>,
            %parallel_loop3A_286 = vector.shape_cast %broadcast_in_dim3A_40 : vector<16xi32> to vector<16x1xi32>
            %parallel_loop3A_287 = vector.shape_cast %parallel_loop3A_286 : vector<16x1xi32> to vector<16xi32>
            %parallel_loop3A_288 = tpu.dynamic_gather %parallel_loop3A_251[%parallel_loop3A_287] in [0] : vector<16xf32>, vector<16xi32> -> vector<16xf32>
            %parallel_loop3A_289 = arith.mulf %parallel_loop3A_264, %parallel_loop3A_288 : vector<16xf32>
            %parallel_loop3A_290 = arith.index_cast %parallel_loop3A_233 : i32 to index
            %parallel_loop3A_291 = arith.constant 48 : index
            %parallel_loop3A_292 = tpu.vector_load %arg17[%parallel_loop3A_290, %parallel_loop3A_291] {strides = array<i32>} : memref<128x96xf32, #tpu.memory_space<vmem>>, vector<16xf32>,
            tpu.vector_store %arg17[%parallel_loop3A_290, %parallel_loop3A_291], %parallel_loop3A_289 {strides = array<i32>} : memref<128x96xf32, #tpu.memory_space<vmem>>, vector<16xf32>,
            %parallel_loop3A_293 = vector.shape_cast %broadcast_in_dim3A_42 : vector<16xi32> to vector<16x1xi32>
            %parallel_loop3A_294 = vector.shape_cast %parallel_loop3A_293 : vector<16x1xi32> to vector<16xi32>
            %parallel_loop3A_295 = tpu.dynamic_gather %parallel_loop3A_251[%parallel_loop3A_294] in [0] : vector<16xf32>, vector<16xi32> -> vector<16xf32>
            %parallel_loop3A_296 = arith.mulf %parallel_loop3A_237, %parallel_loop3A_295 : vector<16xf32>
            %parallel_loop3A_297 = arith.index_cast %parallel_loop3A_233 : i32 to index
            %parallel_loop3A_298 = arith.constant 64 : index
            %parallel_loop3A_299 = tpu.vector_load %arg17[%parallel_loop3A_297, %parallel_loop3A_298] {strides = array<i32>} : memref<128x96xf32, #tpu.memory_space<vmem>>, vector<16xf32>,
            tpu.vector_store %arg17[%parallel_loop3A_297, %parallel_loop3A_298], %parallel_loop3A_296 {strides = array<i32>} : memref<128x96xf32, #tpu.memory_space<vmem>>, vector<16xf32>,
          } {sc.loop_unroll_factor = 4 : i64, sc.parallel_access}
          %dma_start3A_227 = arith.constant 0 : i32
          %dma_start3A_228 = tpu.memref_slice %arg8[%add3A_115, %dma_start3A_227] : memref<16x128xi32, #tpu.memory_space<vmem>> -> memref<1x128xi32, #tpu.memory_space<vmem>>
          %dma_start3A_229 = tpu.memref_squeeze %dma_start3A_228 : memref<1x128xi32, #tpu.memory_space<vmem>> -> memref<128xi32, #tpu.memory_space<vmem>>
          %dma_start3A_230 = arith.constant 0 : i32
          %dma_start3A_231 = arith.constant 0 : i32
          %dma_start3A_232 = tpu.memref_slice %arg19[%dma_start3A_230, %dma_start3A_231] : memref<10240x96xf32, #tpu.memory_space<vmem_shared>> -> memref<10240x96xf32, #tpu.memory_space<vmem_shared>>
          tpu.enqueue_indirect_dma source(%arg17 : memref<128x96xf32, #tpu.memory_space<vmem>>) target(%dma_start3A_232 : memref<10240x96xf32, #tpu.memory_space<vmem_shared>>) offsets(%dma_start3A_229 : memref<128xi32, #tpu.memory_space<vmem>>) semaphore(%arg24 : memref<!tpu.dma_semaphore, #tpu.memory_space<semaphore_mem>>) {add = true}
        } else {
        }
        %mul3A_130 = arith.constant 4 : i32
        %mul3A_131 = arith.muli %add3A_111, %mul3A_130 : i32
        %add3A_132 = arith.constant 1 : i32
        %add3A_133 = arith.addi %mul3A_131, %add3A_132 : i32
        %mul3A_134 = arith.constant 16 : i32
        %mul3A_135 = arith.muli %add3A_101, %mul3A_134 : i32
        %add3A_136 = arith.addi %mul3A_135, %add3A_133 : i32
        %add3A_137 = arith.addi %mul3A_2, %add3A_136 : i32
        %add3A_138 = arith.constant 2 : i32
        %add3A_139 = arith.addi %add3A_137, %add3A_138 : i32
        %lt3A_140 = arith.constant 5000 : i32
        %lt3A_141 = arith.cmpi slt, %add3A_139, %lt3A_140 : i32
        %convert_element_type3A_142 = arith.extui %lt3A_141 : i1 to i32
        %cond3A_143 = arith.constant 0 : i32
        %cond3A_144 = arith.cmpi ne, %convert_element_type3A_142, %cond3A_143 : i32
        scf.if %cond3A_144 {
          %add3A_207 = arith.constant 2 : i32
          %add3A_208 = arith.addi %add3A_133, %add3A_207 : i32
          %dma_start3A_209 = arith.constant 0 : i32
          %dma_start3A_210 = tpu.memref_slice %arg8[%add3A_208, %dma_start3A_209] : memref<16x128xi32, #tpu.memory_space<vmem>> -> memref<1x128xi32, #tpu.memory_space<vmem>>
          %dma_start3A_211 = tpu.memref_squeeze %dma_start3A_210 : memref<1x128xi32, #tpu.memory_space<vmem>> -> memref<128xi32, #tpu.memory_space<vmem>>
          %dma_start3A_212 = arith.constant 0 : i32
          %dma_start3A_213 = arith.constant 0 : i32
          %dma_start3A_214 = tpu.memref_slice %arg5[%dma_start3A_212, %dma_start3A_213] : memref<10240x16xf32, #tpu.memory_space<hbm>> -> memref<10240x16xf32, #tpu.memory_space<hbm>>
          tpu.enqueue_indirect_dma source(%dma_start3A_214 : memref<10240x16xf32, #tpu.memory_space<hbm>>) target(%arg12 : memref<128x16xf32, #tpu.memory_space<vmem>>) offsets(%dma_start3A_211 : memref<128xi32, #tpu.memory_space<vmem>>) semaphore(%arg23 : memref<!tpu.dma_semaphore, #tpu.memory_space<semaphore_mem>>)
          %dma_start3A_215 = arith.constant 0 : i32
          %dma_start3A_216 = tpu.memref_slice %arg7[%add3A_208, %dma_start3A_215] : memref<16x128xi32, #tpu.memory_space<vmem>> -> memref<1x128xi32, #tpu.memory_space<vmem>>
          %dma_start3A_217 = tpu.memref_squeeze %dma_start3A_216 : memref<1x128xi32, #tpu.memory_space<vmem>> -> memref<128xi32, #tpu.memory_space<vmem>>
          %dma_start3A_218 = arith.constant 0 : i32
          %dma_start3A_219 = arith.constant 0 : i32
          %dma_start3A_220 = tpu.memref_slice %arg4[%dma_start3A_218, %dma_start3A_219] : memref<10240x96xbf16, #tpu.memory_space<hbm>> -> memref<10240x96xbf16, #tpu.memory_space<hbm>>
          tpu.enqueue_indirect_dma source(%dma_start3A_220 : memref<10240x96xbf16, #tpu.memory_space<hbm>>) target(%arg16 : memref<128x96xbf16, #tpu.memory_space<vmem>>) offsets(%dma_start3A_217 : memref<128xi32, #tpu.memory_space<vmem>>) semaphore(%arg23 : memref<!tpu.dma_semaphore, #tpu.memory_space<semaphore_mem>>)
        } else {
        }
        %add3A_145 = arith.addi %mul3A_2, %add3A_136 : i32
        %lt3A_146 = arith.constant 5000 : i32
        %lt3A_147 = arith.cmpi slt, %add3A_145, %lt3A_146 : i32
        %convert_element_type3A_148 = arith.extui %lt3A_147 : i1 to i32
        %cond3A_149 = arith.constant 0 : i32
        %cond3A_150 = arith.cmpi ne, %convert_element_type3A_148, %cond3A_149 : i32
        scf.if %cond3A_150 {
          %dma_wait3A_207 = arith.constant 0 : i32
          %dma_wait3A_208 = arith.constant 0 : i32
          %dma_wait3A_209 = tpu.memref_slice %arg8[%dma_wait3A_207, %dma_wait3A_208] : memref<16x128xi32, #tpu.memory_space<vmem>> -> memref<1x128xi32, #tpu.memory_space<vmem>>
          %dma_wait3A_210 = tpu.memref_squeeze %dma_wait3A_209 : memref<1x128xi32, #tpu.memory_space<vmem>> -> memref<128xi32, #tpu.memory_space<vmem>>
          %dma_wait3A_211 = arith.constant 0 : i32
          %dma_wait3A_212 = arith.constant 0 : i32
          %dma_wait3A_213 = tpu.memref_slice %arg5[%dma_wait3A_211, %dma_wait3A_212] : memref<10240x16xf32, #tpu.memory_space<hbm>> -> memref<10240x16xf32, #tpu.memory_space<hbm>>
          tpu.wait_indirect_dma semaphore(%arg21 : memref<!tpu.dma_semaphore, #tpu.memory_space<semaphore_mem>>) src(%dma_wait3A_213 : memref<10240x16xf32, #tpu.memory_space<hbm>>) dst(%arg10 : memref<128x16xf32, #tpu.memory_space<vmem>>)
          %dma_wait3A_214 = arith.constant 0 : i32
          %dma_wait3A_215 = arith.constant 0 : i32
          %dma_wait3A_216 = tpu.memref_slice %arg7[%dma_wait3A_214, %dma_wait3A_215] : memref<16x128xi32, #tpu.memory_space<vmem>> -> memref<1x128xi32, #tpu.memory_space<vmem>>
          %dma_wait3A_217 = tpu.memref_squeeze %dma_wait3A_216 : memref<1x128xi32, #tpu.memory_space<vmem>> -> memref<128xi32, #tpu.memory_space<vmem>>
          %dma_wait3A_218 = arith.constant 0 : i32
          %dma_wait3A_219 = arith.constant 0 : i32
          %dma_wait3A_220 = tpu.memref_slice %arg4[%dma_wait3A_218, %dma_wait3A_219] : memref<10240x96xbf16, #tpu.memory_space<hbm>> -> memref<10240x96xbf16, #tpu.memory_space<hbm>>
          tpu.wait_indirect_dma semaphore(%arg21 : memref<!tpu.dma_semaphore, #tpu.memory_space<semaphore_mem>>) src(%dma_wait3A_220 : memref<10240x96xbf16, #tpu.memory_space<hbm>>) dst(%arg14 : memref<128x96xbf16, #tpu.memory_space<vmem>>)
          %ge3A = arith.constant 2 : i32
          %ge3A_221 = arith.cmpi sge, %add3A_133, %ge3A : i32
          %convert_element_type3A_222 = arith.extui %ge3A_221 : i1 to i32
          %cond3A_223 = arith.constant 0 : i32
          %cond3A_224 = arith.cmpi ne, %convert_element_type3A_222, %cond3A_223 : i32
          scf.if %cond3A_224 {
            %dma_wait3A_233 = arith.constant 0 : i32
            %dma_wait3A_234 = arith.constant 0 : i32
            %dma_wait3A_235 = tpu.memref_slice %arg8[%dma_wait3A_233, %dma_wait3A_234] : memref<16x128xi32, #tpu.memory_space<vmem>> -> memref<1x128xi32, #tpu.memory_space<vmem>>
            %dma_wait3A_236 = tpu.memref_squeeze %dma_wait3A_235 : memref<1x128xi32, #tpu.memory_space<vmem>> -> memref<128xi32, #tpu.memory_space<vmem>>
            %dma_wait3A_237 = arith.constant 0 : i32
            %dma_wait3A_238 = arith.constant 0 : i32
            %dma_wait3A_239 = tpu.memref_slice %arg19[%dma_wait3A_237, %dma_wait3A_238] : memref<10240x96xf32, #tpu.memory_space<vmem_shared>> -> memref<10240x96xf32, #tpu.memory_space<vmem_shared>>
            tpu.wait_indirect_dma semaphore(%arg25 : memref<!tpu.dma_semaphore, #tpu.memory_space<semaphore_mem>>) src(%arg18 : memref<128x96xf32, #tpu.memory_space<vmem>>) dst(%dma_wait3A_239 : memref<10240x96xf32, #tpu.memory_space<vmem_shared>>)
          } else {
          }
          %parallel_loop3A = arith.constant 0 : i32
          %parallel_loop3A_225 = arith.constant 128 : i32
          %parallel_loop3A_226 = arith.constant 1 : i32
          scf.for %parallel_loop3A_233 = %parallel_loop3A to %parallel_loop3A_225 step %parallel_loop3A_226  : i32 {
            %parallel_loop3A_234 = arith.index_cast %parallel_loop3A_233 : i32 to index
            %parallel_loop3A_235 = arith.constant 64 : index
            %parallel_loop3A_236 = tpu.vector_load %arg14[%parallel_loop3A_234, %parallel_loop3A_235] {strides = array<i32>} : memref<128x96xbf16, #tpu.memory_space<vmem>>, vector<32xbf16>,
            %parallel_loop3A_237 = tpu.unpack_subelements %parallel_loop3A_236, 0 {pack_format = #tpu.pack_format<interleaved>} : vector<32xbf16> -> vector<16xf32>
            %parallel_loop3A_238 = tpu.unpack_subelements %parallel_loop3A_236, 1 {pack_format = #tpu.pack_format<interleaved>} : vector<32xbf16> -> vector<16xf32>
            %parallel_loop3A_239 = arith.index_cast %parallel_loop3A_233 : i32 to index
            %parallel_loop3A_240 = arith.constant 0 : index
            %parallel_loop3A_241 = tpu.vector_load %arg10[%parallel_loop3A_239, %parallel_loop3A_240] {strides = array<i32>} : memref<128x16xf32, #tpu.memory_space<vmem>>, vector<16xf32>,
            %parallel_loop3A_242 = arith.addf %parallel_loop3A_238, %parallel_loop3A_241 : vector<16xf32>
            %parallel_loop3A_243 = arith.constant 2.000000e-01 : f32
            %parallel_loop3A_244 = vector.broadcast %parallel_loop3A_243 : f32 to vector<16xf32>
            %parallel_loop3A_245 = arith.mulf %parallel_loop3A_244, %parallel_loop3A_242 : vector<16xf32>
            %parallel_loop3A_246 = arith.maximumf %parallel_loop3A_242, %parallel_loop3A_245 : vector<16xf32>
            %parallel_loop3A_247 = vector.shape_cast %min3A_32 : vector<16xi32> to vector<16x1xi32>
            %parallel_loop3A_248 = vector.shape_cast %parallel_loop3A_247 : vector<16x1xi32> to vector<16xi32>
            %parallel_loop3A_249 = tpu.dynamic_gather %parallel_loop3A_241[%parallel_loop3A_248] in [0] : vector<16xf32>, vector<16xi32> -> vector<16xf32>
            %parallel_loop3A_250 = arith.subf %parallel_loop3A_246, %parallel_loop3A_249 : vector<16xf32>
            %parallel_loop3A_251 = math.exp %parallel_loop3A_250 : vector<16xf32>
            %parallel_loop3A_252 = arith.index_cast %parallel_loop3A_233 : i32 to index
            %parallel_loop3A_253 = arith.constant 80 : index
            %parallel_loop3A_254 = tpu.vector_load %arg18[%parallel_loop3A_252, %parallel_loop3A_253] {strides = array<i32>} : memref<128x96xf32, #tpu.memory_space<vmem>>, vector<16xf32>,
            tpu.vector_store %arg18[%parallel_loop3A_252, %parallel_loop3A_253], %parallel_loop3A_251 {strides = array<i32>} : memref<128x96xf32, #tpu.memory_space<vmem>>, vector<16xf32>,
            %parallel_loop3A_255 = arith.index_cast %parallel_loop3A_233 : i32 to index
            %parallel_loop3A_256 = arith.constant 0 : index
            %parallel_loop3A_257 = tpu.vector_load %arg14[%parallel_loop3A_255, %parallel_loop3A_256] {strides = array<i32>} : memref<128x96xbf16, #tpu.memory_space<vmem>>, vector<32xbf16>,
            %parallel_loop3A_258 = tpu.unpack_subelements %parallel_loop3A_257, 0 {pack_format = #tpu.pack_format<interleaved>} : vector<32xbf16> -> vector<16xf32>
            %parallel_loop3A_259 = tpu.unpack_subelements %parallel_loop3A_257, 1 {pack_format = #tpu.pack_format<interleaved>} : vector<32xbf16> -> vector<16xf32>
            %parallel_loop3A_260 = arith.index_cast %parallel_loop3A_233 : i32 to index
            %parallel_loop3A_261 = arith.constant 32 : index
            %parallel_loop3A_262 = tpu.vector_load %arg14[%parallel_loop3A_260, %parallel_loop3A_261] {strides = array<i32>} : memref<128x96xbf16, #tpu.memory_space<vmem>>, vector<32xbf16>,
            %parallel_loop3A_263 = tpu.unpack_subelements %parallel_loop3A_262, 0 {pack_format = #tpu.pack_format<interleaved>} : vector<32xbf16> -> vector<16xf32>
            %parallel_loop3A_264 = tpu.unpack_subelements %parallel_loop3A_262, 1 {pack_format = #tpu.pack_format<interleaved>} : vector<32xbf16> -> vector<16xf32>
            %parallel_loop3A_265 = vector.shape_cast %broadcast_in_dim3A_34 : vector<16xi32> to vector<16x1xi32>
            %parallel_loop3A_266 = vector.shape_cast %parallel_loop3A_265 : vector<16x1xi32> to vector<16xi32>
            %parallel_loop3A_267 = tpu.dynamic_gather %parallel_loop3A_251[%parallel_loop3A_266] in [0] : vector<16xf32>, vector<16xi32> -> vector<16xf32>
            %parallel_loop3A_268 = arith.mulf %parallel_loop3A_258, %parallel_loop3A_267 : vector<16xf32>
            %parallel_loop3A_269 = arith.index_cast %parallel_loop3A_233 : i32 to index
            %parallel_loop3A_270 = arith.constant 0 : index
            %parallel_loop3A_271 = tpu.vector_load %arg18[%parallel_loop3A_269, %parallel_loop3A_270] {strides = array<i32>} : memref<128x96xf32, #tpu.memory_space<vmem>>, vector<16xf32>,
            tpu.vector_store %arg18[%parallel_loop3A_269, %parallel_loop3A_270], %parallel_loop3A_268 {strides = array<i32>} : memref<128x96xf32, #tpu.memory_space<vmem>>, vector<16xf32>,
            %parallel_loop3A_272 = vector.shape_cast %broadcast_in_dim3A_36 : vector<16xi32> to vector<16x1xi32>
            %parallel_loop3A_273 = vector.shape_cast %parallel_loop3A_272 : vector<16x1xi32> to vector<16xi32>
            %parallel_loop3A_274 = tpu.dynamic_gather %parallel_loop3A_251[%parallel_loop3A_273] in [0] : vector<16xf32>, vector<16xi32> -> vector<16xf32>
            %parallel_loop3A_275 = arith.mulf %parallel_loop3A_259, %parallel_loop3A_274 : vector<16xf32>
            %parallel_loop3A_276 = arith.index_cast %parallel_loop3A_233 : i32 to index
            %parallel_loop3A_277 = arith.constant 16 : index
            %parallel_loop3A_278 = tpu.vector_load %arg18[%parallel_loop3A_276, %parallel_loop3A_277] {strides = array<i32>} : memref<128x96xf32, #tpu.memory_space<vmem>>, vector<16xf32>,
            tpu.vector_store %arg18[%parallel_loop3A_276, %parallel_loop3A_277], %parallel_loop3A_275 {strides = array<i32>} : memref<128x96xf32, #tpu.memory_space<vmem>>, vector<16xf32>,
            %parallel_loop3A_279 = vector.shape_cast %broadcast_in_dim3A_38 : vector<16xi32> to vector<16x1xi32>
            %parallel_loop3A_280 = vector.shape_cast %parallel_loop3A_279 : vector<16x1xi32> to vector<16xi32>
            %parallel_loop3A_281 = tpu.dynamic_gather %parallel_loop3A_251[%parallel_loop3A_280] in [0] : vector<16xf32>, vector<16xi32> -> vector<16xf32>
            %parallel_loop3A_282 = arith.mulf %parallel_loop3A_263, %parallel_loop3A_281 : vector<16xf32>
            %parallel_loop3A_283 = arith.index_cast %parallel_loop3A_233 : i32 to index
            %parallel_loop3A_284 = arith.constant 32 : index
            %parallel_loop3A_285 = tpu.vector_load %arg18[%parallel_loop3A_283, %parallel_loop3A_284] {strides = array<i32>} : memref<128x96xf32, #tpu.memory_space<vmem>>, vector<16xf32>,
            tpu.vector_store %arg18[%parallel_loop3A_283, %parallel_loop3A_284], %parallel_loop3A_282 {strides = array<i32>} : memref<128x96xf32, #tpu.memory_space<vmem>>, vector<16xf32>,
            %parallel_loop3A_286 = vector.shape_cast %broadcast_in_dim3A_40 : vector<16xi32> to vector<16x1xi32>
            %parallel_loop3A_287 = vector.shape_cast %parallel_loop3A_286 : vector<16x1xi32> to vector<16xi32>
            %parallel_loop3A_288 = tpu.dynamic_gather %parallel_loop3A_251[%parallel_loop3A_287] in [0] : vector<16xf32>, vector<16xi32> -> vector<16xf32>
            %parallel_loop3A_289 = arith.mulf %parallel_loop3A_264, %parallel_loop3A_288 : vector<16xf32>
            %parallel_loop3A_290 = arith.index_cast %parallel_loop3A_233 : i32 to index
            %parallel_loop3A_291 = arith.constant 48 : index
            %parallel_loop3A_292 = tpu.vector_load %arg18[%parallel_loop3A_290, %parallel_loop3A_291] {strides = array<i32>} : memref<128x96xf32, #tpu.memory_space<vmem>>, vector<16xf32>,
            tpu.vector_store %arg18[%parallel_loop3A_290, %parallel_loop3A_291], %parallel_loop3A_289 {strides = array<i32>} : memref<128x96xf32, #tpu.memory_space<vmem>>, vector<16xf32>,
            %parallel_loop3A_293 = vector.shape_cast %broadcast_in_dim3A_42 : vector<16xi32> to vector<16x1xi32>
            %parallel_loop3A_294 = vector.shape_cast %parallel_loop3A_293 : vector<16x1xi32> to vector<16xi32>
            %parallel_loop3A_295 = tpu.dynamic_gather %parallel_loop3A_251[%parallel_loop3A_294] in [0] : vector<16xf32>, vector<16xi32> -> vector<16xf32>
            %parallel_loop3A_296 = arith.mulf %parallel_loop3A_237, %parallel_loop3A_295 : vector<16xf32>
            %parallel_loop3A_297 = arith.index_cast %parallel_loop3A_233 : i32 to index
            %parallel_loop3A_298 = arith.constant 64 : index
            %parallel_loop3A_299 = tpu.vector_load %arg18[%parallel_loop3A_297, %parallel_loop3A_298] {strides = array<i32>} : memref<128x96xf32, #tpu.memory_space<vmem>>, vector<16xf32>,
            tpu.vector_store %arg18[%parallel_loop3A_297, %parallel_loop3A_298], %parallel_loop3A_296 {strides = array<i32>} : memref<128x96xf32, #tpu.memory_space<vmem>>, vector<16xf32>,
          } {sc.loop_unroll_factor = 4 : i64, sc.parallel_access}
          %dma_start3A_227 = arith.constant 0 : i32
          %dma_start3A_228 = tpu.memref_slice %arg8[%add3A_133, %dma_start3A_227] : memref<16x128xi32, #tpu.memory_space<vmem>> -> memref<1x128xi32, #tpu.memory_space<vmem>>
          %dma_start3A_229 = tpu.memref_squeeze %dma_start3A_228 : memref<1x128xi32, #tpu.memory_space<vmem>> -> memref<128xi32, #tpu.memory_space<vmem>>
          %dma_start3A_230 = arith.constant 0 : i32
          %dma_start3A_231 = arith.constant 0 : i32
          %dma_start3A_232 = tpu.memref_slice %arg19[%dma_start3A_230, %dma_start3A_231] : memref<10240x96xf32, #tpu.memory_space<vmem_shared>> -> memref<10240x96xf32, #tpu.memory_space<vmem_shared>>
          tpu.enqueue_indirect_dma source(%arg18 : memref<128x96xf32, #tpu.memory_space<vmem>>) target(%dma_start3A_232 : memref<10240x96xf32, #tpu.memory_space<vmem_shared>>) offsets(%dma_start3A_229 : memref<128xi32, #tpu.memory_space<vmem>>) semaphore(%arg25 : memref<!tpu.dma_semaphore, #tpu.memory_space<semaphore_mem>>) {add = true}
        } else {
        }
        %mul3A_151 = arith.constant 4 : i32
        %mul3A_152 = arith.muli %add3A_111, %mul3A_151 : i32
        %add3A_153 = arith.constant 2 : i32
        %add3A_154 = arith.addi %mul3A_152, %add3A_153 : i32
        %mul3A_155 = arith.constant 16 : i32
        %mul3A_156 = arith.muli %add3A_101, %mul3A_155 : i32
        %add3A_157 = arith.addi %mul3A_156, %add3A_154 : i32
        %lt3A_158 = arith.constant 3 : i32
        %lt3A_159 = arith.cmpi slt, %add3A_111, %lt3A_158 : i32
        %add3A_160 = arith.addi %mul3A_2, %add3A_157 : i32
        %add3A_161 = arith.constant 2 : i32
        %add3A_162 = arith.addi %add3A_160, %add3A_161 : i32
        %lt3A_163 = arith.constant 5000 : i32
        %lt3A_164 = arith.cmpi slt, %add3A_162, %lt3A_163 : i32
        %and3A = arith.andi %lt3A_159, %lt3A_164 : i1
        %convert_element_type3A_165 = arith.extui %and3A : i1 to i32
        %cond3A_166 = arith.constant 0 : i32
        %cond3A_167 = arith.cmpi ne, %convert_element_type3A_165, %cond3A_166 : i32
        scf.if %cond3A_167 {
          %add3A_207 = arith.constant 2 : i32
          %add3A_208 = arith.addi %add3A_154, %add3A_207 : i32
          %dma_start3A_209 = arith.constant 0 : i32
          %dma_start3A_210 = tpu.memref_slice %arg8[%add3A_208, %dma_start3A_209] : memref<16x128xi32, #tpu.memory_space<vmem>> -> memref<1x128xi32, #tpu.memory_space<vmem>>
          %dma_start3A_211 = tpu.memref_squeeze %dma_start3A_210 : memref<1x128xi32, #tpu.memory_space<vmem>> -> memref<128xi32, #tpu.memory_space<vmem>>
          %dma_start3A_212 = arith.constant 0 : i32
          %dma_start3A_213 = arith.constant 0 : i32
          %dma_start3A_214 = tpu.memref_slice %arg5[%dma_start3A_212, %dma_start3A_213] : memref<10240x16xf32, #tpu.memory_space<hbm>> -> memref<10240x16xf32, #tpu.memory_space<hbm>>
          tpu.enqueue_indirect_dma source(%dma_start3A_214 : memref<10240x16xf32, #tpu.memory_space<hbm>>) target(%arg9 : memref<128x16xf32, #tpu.memory_space<vmem>>) offsets(%dma_start3A_211 : memref<128xi32, #tpu.memory_space<vmem>>) semaphore(%arg20 : memref<!tpu.dma_semaphore, #tpu.memory_space<semaphore_mem>>)
          %dma_start3A_215 = arith.constant 0 : i32
          %dma_start3A_216 = tpu.memref_slice %arg7[%add3A_208, %dma_start3A_215] : memref<16x128xi32, #tpu.memory_space<vmem>> -> memref<1x128xi32, #tpu.memory_space<vmem>>
          %dma_start3A_217 = tpu.memref_squeeze %dma_start3A_216 : memref<1x128xi32, #tpu.memory_space<vmem>> -> memref<128xi32, #tpu.memory_space<vmem>>
          %dma_start3A_218 = arith.constant 0 : i32
          %dma_start3A_219 = arith.constant 0 : i32
          %dma_start3A_220 = tpu.memref_slice %arg4[%dma_start3A_218, %dma_start3A_219] : memref<10240x96xbf16, #tpu.memory_space<hbm>> -> memref<10240x96xbf16, #tpu.memory_space<hbm>>
          tpu.enqueue_indirect_dma source(%dma_start3A_220 : memref<10240x96xbf16, #tpu.memory_space<hbm>>) target(%arg13 : memref<128x96xbf16, #tpu.memory_space<vmem>>) offsets(%dma_start3A_217 : memref<128xi32, #tpu.memory_space<vmem>>) semaphore(%arg20 : memref<!tpu.dma_semaphore, #tpu.memory_space<semaphore_mem>>)
        } else {
        }
        %add3A_168 = arith.addi %mul3A_2, %add3A_157 : i32
        %lt3A_169 = arith.constant 5000 : i32
        %lt3A_170 = arith.cmpi slt, %add3A_168, %lt3A_169 : i32
        %convert_element_type3A_171 = arith.extui %lt3A_170 : i1 to i32
        %cond3A_172 = arith.constant 0 : i32
        %cond3A_173 = arith.cmpi ne, %convert_element_type3A_171, %cond3A_172 : i32
        scf.if %cond3A_173 {
          %dma_wait3A_207 = arith.constant 0 : i32
          %dma_wait3A_208 = arith.constant 0 : i32
          %dma_wait3A_209 = tpu.memref_slice %arg8[%dma_wait3A_207, %dma_wait3A_208] : memref<16x128xi32, #tpu.memory_space<vmem>> -> memref<1x128xi32, #tpu.memory_space<vmem>>
          %dma_wait3A_210 = tpu.memref_squeeze %dma_wait3A_209 : memref<1x128xi32, #tpu.memory_space<vmem>> -> memref<128xi32, #tpu.memory_space<vmem>>
          %dma_wait3A_211 = arith.constant 0 : i32
          %dma_wait3A_212 = arith.constant 0 : i32
          %dma_wait3A_213 = tpu.memref_slice %arg5[%dma_wait3A_211, %dma_wait3A_212] : memref<10240x16xf32, #tpu.memory_space<hbm>> -> memref<10240x16xf32, #tpu.memory_space<hbm>>
          tpu.wait_indirect_dma semaphore(%arg22 : memref<!tpu.dma_semaphore, #tpu.memory_space<semaphore_mem>>) src(%dma_wait3A_213 : memref<10240x16xf32, #tpu.memory_space<hbm>>) dst(%arg11 : memref<128x16xf32, #tpu.memory_space<vmem>>)
          %dma_wait3A_214 = arith.constant 0 : i32
          %dma_wait3A_215 = arith.constant 0 : i32
          %dma_wait3A_216 = tpu.memref_slice %arg7[%dma_wait3A_214, %dma_wait3A_215] : memref<16x128xi32, #tpu.memory_space<vmem>> -> memref<1x128xi32, #tpu.memory_space<vmem>>
          %dma_wait3A_217 = tpu.memref_squeeze %dma_wait3A_216 : memref<1x128xi32, #tpu.memory_space<vmem>> -> memref<128xi32, #tpu.memory_space<vmem>>
          %dma_wait3A_218 = arith.constant 0 : i32
          %dma_wait3A_219 = arith.constant 0 : i32
          %dma_wait3A_220 = tpu.memref_slice %arg4[%dma_wait3A_218, %dma_wait3A_219] : memref<10240x96xbf16, #tpu.memory_space<hbm>> -> memref<10240x96xbf16, #tpu.memory_space<hbm>>
          tpu.wait_indirect_dma semaphore(%arg22 : memref<!tpu.dma_semaphore, #tpu.memory_space<semaphore_mem>>) src(%dma_wait3A_220 : memref<10240x96xbf16, #tpu.memory_space<hbm>>) dst(%arg15 : memref<128x96xbf16, #tpu.memory_space<vmem>>)
          %ge3A = arith.constant 2 : i32
          %ge3A_221 = arith.cmpi sge, %add3A_154, %ge3A : i32
          %convert_element_type3A_222 = arith.extui %ge3A_221 : i1 to i32
          %cond3A_223 = arith.constant 0 : i32
          %cond3A_224 = arith.cmpi ne, %convert_element_type3A_222, %cond3A_223 : i32
          scf.if %cond3A_224 {
            %dma_wait3A_233 = arith.constant 0 : i32
            %dma_wait3A_234 = arith.constant 0 : i32
            %dma_wait3A_235 = tpu.memref_slice %arg8[%dma_wait3A_233, %dma_wait3A_234] : memref<16x128xi32, #tpu.memory_space<vmem>> -> memref<1x128xi32, #tpu.memory_space<vmem>>
            %dma_wait3A_236 = tpu.memref_squeeze %dma_wait3A_235 : memref<1x128xi32, #tpu.memory_space<vmem>> -> memref<128xi32, #tpu.memory_space<vmem>>
            %dma_wait3A_237 = arith.constant 0 : i32
            %dma_wait3A_238 = arith.constant 0 : i32
            %dma_wait3A_239 = tpu.memref_slice %arg19[%dma_wait3A_237, %dma_wait3A_238] : memref<10240x96xf32, #tpu.memory_space<vmem_shared>> -> memref<10240x96xf32, #tpu.memory_space<vmem_shared>>
            tpu.wait_indirect_dma semaphore(%arg24 : memref<!tpu.dma_semaphore, #tpu.memory_space<semaphore_mem>>) src(%arg17 : memref<128x96xf32, #tpu.memory_space<vmem>>) dst(%dma_wait3A_239 : memref<10240x96xf32, #tpu.memory_space<vmem_shared>>)
          } else {
          }
          %parallel_loop3A = arith.constant 0 : i32
          %parallel_loop3A_225 = arith.constant 128 : i32
          %parallel_loop3A_226 = arith.constant 1 : i32
          scf.for %parallel_loop3A_233 = %parallel_loop3A to %parallel_loop3A_225 step %parallel_loop3A_226  : i32 {
            %parallel_loop3A_234 = arith.index_cast %parallel_loop3A_233 : i32 to index
            %parallel_loop3A_235 = arith.constant 64 : index
            %parallel_loop3A_236 = tpu.vector_load %arg15[%parallel_loop3A_234, %parallel_loop3A_235] {strides = array<i32>} : memref<128x96xbf16, #tpu.memory_space<vmem>>, vector<32xbf16>,
            %parallel_loop3A_237 = tpu.unpack_subelements %parallel_loop3A_236, 0 {pack_format = #tpu.pack_format<interleaved>} : vector<32xbf16> -> vector<16xf32>
            %parallel_loop3A_238 = tpu.unpack_subelements %parallel_loop3A_236, 1 {pack_format = #tpu.pack_format<interleaved>} : vector<32xbf16> -> vector<16xf32>
            %parallel_loop3A_239 = arith.index_cast %parallel_loop3A_233 : i32 to index
            %parallel_loop3A_240 = arith.constant 0 : index
            %parallel_loop3A_241 = tpu.vector_load %arg11[%parallel_loop3A_239, %parallel_loop3A_240] {strides = array<i32>} : memref<128x16xf32, #tpu.memory_space<vmem>>, vector<16xf32>,
            %parallel_loop3A_242 = arith.addf %parallel_loop3A_238, %parallel_loop3A_241 : vector<16xf32>
            %parallel_loop3A_243 = arith.constant 2.000000e-01 : f32
            %parallel_loop3A_244 = vector.broadcast %parallel_loop3A_243 : f32 to vector<16xf32>
            %parallel_loop3A_245 = arith.mulf %parallel_loop3A_244, %parallel_loop3A_242 : vector<16xf32>
            %parallel_loop3A_246 = arith.maximumf %parallel_loop3A_242, %parallel_loop3A_245 : vector<16xf32>
            %parallel_loop3A_247 = vector.shape_cast %min3A_32 : vector<16xi32> to vector<16x1xi32>
            %parallel_loop3A_248 = vector.shape_cast %parallel_loop3A_247 : vector<16x1xi32> to vector<16xi32>
            %parallel_loop3A_249 = tpu.dynamic_gather %parallel_loop3A_241[%parallel_loop3A_248] in [0] : vector<16xf32>, vector<16xi32> -> vector<16xf32>
            %parallel_loop3A_250 = arith.subf %parallel_loop3A_246, %parallel_loop3A_249 : vector<16xf32>
            %parallel_loop3A_251 = math.exp %parallel_loop3A_250 : vector<16xf32>
            %parallel_loop3A_252 = arith.index_cast %parallel_loop3A_233 : i32 to index
            %parallel_loop3A_253 = arith.constant 80 : index
            %parallel_loop3A_254 = tpu.vector_load %arg17[%parallel_loop3A_252, %parallel_loop3A_253] {strides = array<i32>} : memref<128x96xf32, #tpu.memory_space<vmem>>, vector<16xf32>,
            tpu.vector_store %arg17[%parallel_loop3A_252, %parallel_loop3A_253], %parallel_loop3A_251 {strides = array<i32>} : memref<128x96xf32, #tpu.memory_space<vmem>>, vector<16xf32>,
            %parallel_loop3A_255 = arith.index_cast %parallel_loop3A_233 : i32 to index
            %parallel_loop3A_256 = arith.constant 0 : index
            %parallel_loop3A_257 = tpu.vector_load %arg15[%parallel_loop3A_255, %parallel_loop3A_256] {strides = array<i32>} : memref<128x96xbf16, #tpu.memory_space<vmem>>, vector<32xbf16>,
            %parallel_loop3A_258 = tpu.unpack_subelements %parallel_loop3A_257, 0 {pack_format = #tpu.pack_format<interleaved>} : vector<32xbf16> -> vector<16xf32>
            %parallel_loop3A_259 = tpu.unpack_subelements %parallel_loop3A_257, 1 {pack_format = #tpu.pack_format<interleaved>} : vector<32xbf16> -> vector<16xf32>
            %parallel_loop3A_260 = arith.index_cast %parallel_loop3A_233 : i32 to index
            %parallel_loop3A_261 = arith.constant 32 : index
            %parallel_loop3A_262 = tpu.vector_load %arg15[%parallel_loop3A_260, %parallel_loop3A_261] {strides = array<i32>} : memref<128x96xbf16, #tpu.memory_space<vmem>>, vector<32xbf16>,
            %parallel_loop3A_263 = tpu.unpack_subelements %parallel_loop3A_262, 0 {pack_format = #tpu.pack_format<interleaved>} : vector<32xbf16> -> vector<16xf32>
            %parallel_loop3A_264 = tpu.unpack_subelements %parallel_loop3A_262, 1 {pack_format = #tpu.pack_format<interleaved>} : vector<32xbf16> -> vector<16xf32>
            %parallel_loop3A_265 = vector.shape_cast %broadcast_in_dim3A_34 : vector<16xi32> to vector<16x1xi32>
            %parallel_loop3A_266 = vector.shape_cast %parallel_loop3A_265 : vector<16x1xi32> to vector<16xi32>
            %parallel_loop3A_267 = tpu.dynamic_gather %parallel_loop3A_251[%parallel_loop3A_266] in [0] : vector<16xf32>, vector<16xi32> -> vector<16xf32>
            %parallel_loop3A_268 = arith.mulf %parallel_loop3A_258, %parallel_loop3A_267 : vector<16xf32>
            %parallel_loop3A_269 = arith.index_cast %parallel_loop3A_233 : i32 to index
            %parallel_loop3A_270 = arith.constant 0 : index
            %parallel_loop3A_271 = tpu.vector_load %arg17[%parallel_loop3A_269, %parallel_loop3A_270] {strides = array<i32>} : memref<128x96xf32, #tpu.memory_space<vmem>>, vector<16xf32>,
            tpu.vector_store %arg17[%parallel_loop3A_269, %parallel_loop3A_270], %parallel_loop3A_268 {strides = array<i32>} : memref<128x96xf32, #tpu.memory_space<vmem>>, vector<16xf32>,
            %parallel_loop3A_272 = vector.shape_cast %broadcast_in_dim3A_36 : vector<16xi32> to vector<16x1xi32>
            %parallel_loop3A_273 = vector.shape_cast %parallel_loop3A_272 : vector<16x1xi32> to vector<16xi32>
            %parallel_loop3A_274 = tpu.dynamic_gather %parallel_loop3A_251[%parallel_loop3A_273] in [0] : vector<16xf32>, vector<16xi32> -> vector<16xf32>
            %parallel_loop3A_275 = arith.mulf %parallel_loop3A_259, %parallel_loop3A_274 : vector<16xf32>
            %parallel_loop3A_276 = arith.index_cast %parallel_loop3A_233 : i32 to index
            %parallel_loop3A_277 = arith.constant 16 : index
            %parallel_loop3A_278 = tpu.vector_load %arg17[%parallel_loop3A_276, %parallel_loop3A_277] {strides = array<i32>} : memref<128x96xf32, #tpu.memory_space<vmem>>, vector<16xf32>,
            tpu.vector_store %arg17[%parallel_loop3A_276, %parallel_loop3A_277], %parallel_loop3A_275 {strides = array<i32>} : memref<128x96xf32, #tpu.memory_space<vmem>>, vector<16xf32>,
            %parallel_loop3A_279 = vector.shape_cast %broadcast_in_dim3A_38 : vector<16xi32> to vector<16x1xi32>
            %parallel_loop3A_280 = vector.shape_cast %parallel_loop3A_279 : vector<16x1xi32> to vector<16xi32>
            %parallel_loop3A_281 = tpu.dynamic_gather %parallel_loop3A_251[%parallel_loop3A_280] in [0] : vector<16xf32>, vector<16xi32> -> vector<16xf32>
            %parallel_loop3A_282 = arith.mulf %parallel_loop3A_263, %parallel_loop3A_281 : vector<16xf32>
            %parallel_loop3A_283 = arith.index_cast %parallel_loop3A_233 : i32 to index
            %parallel_loop3A_284 = arith.constant 32 : index
            %parallel_loop3A_285 = tpu.vector_load %arg17[%parallel_loop3A_283, %parallel_loop3A_284] {strides = array<i32>} : memref<128x96xf32, #tpu.memory_space<vmem>>, vector<16xf32>,
            tpu.vector_store %arg17[%parallel_loop3A_283, %parallel_loop3A_284], %parallel_loop3A_282 {strides = array<i32>} : memref<128x96xf32, #tpu.memory_space<vmem>>, vector<16xf32>,
            %parallel_loop3A_286 = vector.shape_cast %broadcast_in_dim3A_40 : vector<16xi32> to vector<16x1xi32>
            %parallel_loop3A_287 = vector.shape_cast %parallel_loop3A_286 : vector<16x1xi32> to vector<16xi32>
            %parallel_loop3A_288 = tpu.dynamic_gather %parallel_loop3A_251[%parallel_loop3A_287] in [0] : vector<16xf32>, vector<16xi32> -> vector<16xf32>
            %parallel_loop3A_289 = arith.mulf %parallel_loop3A_264, %parallel_loop3A_288 : vector<16xf32>
            %parallel_loop3A_290 = arith.index_cast %parallel_loop3A_233 : i32 to index
            %parallel_loop3A_291 = arith.constant 48 : index
            %parallel_loop3A_292 = tpu.vector_load %arg17[%parallel_loop3A_290, %parallel_loop3A_291] {strides = array<i32>} : memref<128x96xf32, #tpu.memory_space<vmem>>, vector<16xf32>,
            tpu.vector_store %arg17[%parallel_loop3A_290, %parallel_loop3A_291], %parallel_loop3A_289 {strides = array<i32>} : memref<128x96xf32, #tpu.memory_space<vmem>>, vector<16xf32>,
            %parallel_loop3A_293 = vector.shape_cast %broadcast_in_dim3A_42 : vector<16xi32> to vector<16x1xi32>
            %parallel_loop3A_294 = vector.shape_cast %parallel_loop3A_293 : vector<16x1xi32> to vector<16xi32>
            %parallel_loop3A_295 = tpu.dynamic_gather %parallel_loop3A_251[%parallel_loop3A_294] in [0] : vector<16xf32>, vector<16xi32> -> vector<16xf32>
            %parallel_loop3A_296 = arith.mulf %parallel_loop3A_237, %parallel_loop3A_295 : vector<16xf32>
            %parallel_loop3A_297 = arith.index_cast %parallel_loop3A_233 : i32 to index
            %parallel_loop3A_298 = arith.constant 64 : index
            %parallel_loop3A_299 = tpu.vector_load %arg17[%parallel_loop3A_297, %parallel_loop3A_298] {strides = array<i32>} : memref<128x96xf32, #tpu.memory_space<vmem>>, vector<16xf32>,
            tpu.vector_store %arg17[%parallel_loop3A_297, %parallel_loop3A_298], %parallel_loop3A_296 {strides = array<i32>} : memref<128x96xf32, #tpu.memory_space<vmem>>, vector<16xf32>,
          } {sc.loop_unroll_factor = 4 : i64, sc.parallel_access}
          %dma_start3A_227 = arith.constant 0 : i32
          %dma_start3A_228 = tpu.memref_slice %arg8[%add3A_154, %dma_start3A_227] : memref<16x128xi32, #tpu.memory_space<vmem>> -> memref<1x128xi32, #tpu.memory_space<vmem>>
          %dma_start3A_229 = tpu.memref_squeeze %dma_start3A_228 : memref<1x128xi32, #tpu.memory_space<vmem>> -> memref<128xi32, #tpu.memory_space<vmem>>
          %dma_start3A_230 = arith.constant 0 : i32
          %dma_start3A_231 = arith.constant 0 : i32
          %dma_start3A_232 = tpu.memref_slice %arg19[%dma_start3A_230, %dma_start3A_231] : memref<10240x96xf32, #tpu.memory_space<vmem_shared>> -> memref<10240x96xf32, #tpu.memory_space<vmem_shared>>
          tpu.enqueue_indirect_dma source(%arg17 : memref<128x96xf32, #tpu.memory_space<vmem>>) target(%dma_start3A_232 : memref<10240x96xf32, #tpu.memory_space<vmem_shared>>) offsets(%dma_start3A_229 : memref<128xi32, #tpu.memory_space<vmem>>) semaphore(%arg24 : memref<!tpu.dma_semaphore, #tpu.memory_space<semaphore_mem>>) {add = true}
        } else {
        }
        %mul3A_174 = arith.constant 4 : i32
        %mul3A_175 = arith.muli %add3A_111, %mul3A_174 : i32
        %add3A_176 = arith.constant 3 : i32
        %add3A_177 = arith.addi %mul3A_175, %add3A_176 : i32
        %mul3A_178 = arith.constant 16 : i32
        %mul3A_179 = arith.muli %add3A_101, %mul3A_178 : i32
        %add3A_180 = arith.addi %mul3A_179, %add3A_177 : i32
        %lt3A_181 = arith.constant 3 : i32
        %lt3A_182 = arith.cmpi slt, %add3A_111, %lt3A_181 : i32
        %add3A_183 = arith.addi %mul3A_2, %add3A_180 : i32
        %add3A_184 = arith.constant 2 : i32
        %add3A_185 = arith.addi %add3A_183, %add3A_184 : i32
        %lt3A_186 = arith.constant 5000 : i32
        %lt3A_187 = arith.cmpi slt, %add3A_185, %lt3A_186 : i32
        %and3A_188 = arith.andi %lt3A_182, %lt3A_187 : i1
        %convert_element_type3A_189 = arith.extui %and3A_188 : i1 to i32
        %cond3A_190 = arith.constant 0 : i32
        %cond3A_191 = arith.cmpi ne, %convert_element_type3A_189, %cond3A_190 : i32
        scf.if %cond3A_191 {
          %add3A_207 = arith.constant 2 : i32
          %add3A_208 = arith.addi %add3A_177, %add3A_207 : i32
          %dma_start3A_209 = arith.constant 0 : i32
          %dma_start3A_210 = tpu.memref_slice %arg8[%add3A_208, %dma_start3A_209] : memref<16x128xi32, #tpu.memory_space<vmem>> -> memref<1x128xi32, #tpu.memory_space<vmem>>
          %dma_start3A_211 = tpu.memref_squeeze %dma_start3A_210 : memref<1x128xi32, #tpu.memory_space<vmem>> -> memref<128xi32, #tpu.memory_space<vmem>>
          %dma_start3A_212 = arith.constant 0 : i32
          %dma_start3A_213 = arith.constant 0 : i32
          %dma_start3A_214 = tpu.memref_slice %arg5[%dma_start3A_212, %dma_start3A_213] : memref<10240x16xf32, #tpu.memory_space<hbm>> -> memref<10240x16xf32, #tpu.memory_space<hbm>>
          tpu.enqueue_indirect_dma source(%dma_start3A_214 : memref<10240x16xf32, #tpu.memory_space<hbm>>) target(%arg10 : memref<128x16xf32, #tpu.memory_space<vmem>>) offsets(%dma_start3A_211 : memref<128xi32, #tpu.memory_space<vmem>>) semaphore(%arg21 : memref<!tpu.dma_semaphore, #tpu.memory_space<semaphore_mem>>)
          %dma_start3A_215 = arith.constant 0 : i32
          %dma_start3A_216 = tpu.memref_slice %arg7[%add3A_208, %dma_start3A_215] : memref<16x128xi32, #tpu.memory_space<vmem>> -> memref<1x128xi32, #tpu.memory_space<vmem>>
          %dma_start3A_217 = tpu.memref_squeeze %dma_start3A_216 : memref<1x128xi32, #tpu.memory_space<vmem>> -> memref<128xi32, #tpu.memory_space<vmem>>
          %dma_start3A_218 = arith.constant 0 : i32
          %dma_start3A_219 = arith.constant 0 : i32
          %dma_start3A_220 = tpu.memref_slice %arg4[%dma_start3A_218, %dma_start3A_219] : memref<10240x96xbf16, #tpu.memory_space<hbm>> -> memref<10240x96xbf16, #tpu.memory_space<hbm>>
          tpu.enqueue_indirect_dma source(%dma_start3A_220 : memref<10240x96xbf16, #tpu.memory_space<hbm>>) target(%arg14 : memref<128x96xbf16, #tpu.memory_space<vmem>>) offsets(%dma_start3A_217 : memref<128xi32, #tpu.memory_space<vmem>>) semaphore(%arg21 : memref<!tpu.dma_semaphore, #tpu.memory_space<semaphore_mem>>)
        } else {
        }
        %add3A_192 = arith.addi %mul3A_2, %add3A_180 : i32
        %lt3A_193 = arith.constant 5000 : i32
        %lt3A_194 = arith.cmpi slt, %add3A_192, %lt3A_193 : i32
        %convert_element_type3A_195 = arith.extui %lt3A_194 : i1 to i32
        %cond3A_196 = arith.constant 0 : i32
        %cond3A_197 = arith.cmpi ne, %convert_element_type3A_195, %cond3A_196 : i32
        scf.if %cond3A_197 {
          %dma_wait3A_207 = arith.constant 0 : i32
          %dma_wait3A_208 = arith.constant 0 : i32
          %dma_wait3A_209 = tpu.memref_slice %arg8[%dma_wait3A_207, %dma_wait3A_208] : memref<16x128xi32, #tpu.memory_space<vmem>> -> memref<1x128xi32, #tpu.memory_space<vmem>>
          %dma_wait3A_210 = tpu.memref_squeeze %dma_wait3A_209 : memref<1x128xi32, #tpu.memory_space<vmem>> -> memref<128xi32, #tpu.memory_space<vmem>>
          %dma_wait3A_211 = arith.constant 0 : i32
          %dma_wait3A_212 = arith.constant 0 : i32
          %dma_wait3A_213 = tpu.memref_slice %arg5[%dma_wait3A_211, %dma_wait3A_212] : memref<10240x16xf32, #tpu.memory_space<hbm>> -> memref<10240x16xf32, #tpu.memory_space<hbm>>
          tpu.wait_indirect_dma semaphore(%arg23 : memref<!tpu.dma_semaphore, #tpu.memory_space<semaphore_mem>>) src(%dma_wait3A_213 : memref<10240x16xf32, #tpu.memory_space<hbm>>) dst(%arg12 : memref<128x16xf32, #tpu.memory_space<vmem>>)
          %dma_wait3A_214 = arith.constant 0 : i32
          %dma_wait3A_215 = arith.constant 0 : i32
          %dma_wait3A_216 = tpu.memref_slice %arg7[%dma_wait3A_214, %dma_wait3A_215] : memref<16x128xi32, #tpu.memory_space<vmem>> -> memref<1x128xi32, #tpu.memory_space<vmem>>
          %dma_wait3A_217 = tpu.memref_squeeze %dma_wait3A_216 : memref<1x128xi32, #tpu.memory_space<vmem>> -> memref<128xi32, #tpu.memory_space<vmem>>
          %dma_wait3A_218 = arith.constant 0 : i32
          %dma_wait3A_219 = arith.constant 0 : i32
          %dma_wait3A_220 = tpu.memref_slice %arg4[%dma_wait3A_218, %dma_wait3A_219] : memref<10240x96xbf16, #tpu.memory_space<hbm>> -> memref<10240x96xbf16, #tpu.memory_space<hbm>>
          tpu.wait_indirect_dma semaphore(%arg23 : memref<!tpu.dma_semaphore, #tpu.memory_space<semaphore_mem>>) src(%dma_wait3A_220 : memref<10240x96xbf16, #tpu.memory_space<hbm>>) dst(%arg16 : memref<128x96xbf16, #tpu.memory_space<vmem>>)
          %ge3A = arith.constant 2 : i32
          %ge3A_221 = arith.cmpi sge, %add3A_177, %ge3A : i32
          %convert_element_type3A_222 = arith.extui %ge3A_221 : i1 to i32
          %cond3A_223 = arith.constant 0 : i32
          %cond3A_224 = arith.cmpi ne, %convert_element_type3A_222, %cond3A_223 : i32
          scf.if %cond3A_224 {
            %dma_wait3A_233 = arith.constant 0 : i32
            %dma_wait3A_234 = arith.constant 0 : i32
            %dma_wait3A_235 = tpu.memref_slice %arg8[%dma_wait3A_233, %dma_wait3A_234] : memref<16x128xi32, #tpu.memory_space<vmem>> -> memref<1x128xi32, #tpu.memory_space<vmem>>
            %dma_wait3A_236 = tpu.memref_squeeze %dma_wait3A_235 : memref<1x128xi32, #tpu.memory_space<vmem>> -> memref<128xi32, #tpu.memory_space<vmem>>
            %dma_wait3A_237 = arith.constant 0 : i32
            %dma_wait3A_238 = arith.constant 0 : i32
            %dma_wait3A_239 = tpu.memref_slice %arg19[%dma_wait3A_237, %dma_wait3A_238] : memref<10240x96xf32, #tpu.memory_space<vmem_shared>> -> memref<10240x96xf32, #tpu.memory_space<vmem_shared>>
            tpu.wait_indirect_dma semaphore(%arg25 : memref<!tpu.dma_semaphore, #tpu.memory_space<semaphore_mem>>) src(%arg18 : memref<128x96xf32, #tpu.memory_space<vmem>>) dst(%dma_wait3A_239 : memref<10240x96xf32, #tpu.memory_space<vmem_shared>>)
          } else {
          }
          %parallel_loop3A = arith.constant 0 : i32
          %parallel_loop3A_225 = arith.constant 128 : i32
          %parallel_loop3A_226 = arith.constant 1 : i32
          scf.for %parallel_loop3A_233 = %parallel_loop3A to %parallel_loop3A_225 step %parallel_loop3A_226  : i32 {
            %parallel_loop3A_234 = arith.index_cast %parallel_loop3A_233 : i32 to index
            %parallel_loop3A_235 = arith.constant 64 : index
            %parallel_loop3A_236 = tpu.vector_load %arg16[%parallel_loop3A_234, %parallel_loop3A_235] {strides = array<i32>} : memref<128x96xbf16, #tpu.memory_space<vmem>>, vector<32xbf16>,
            %parallel_loop3A_237 = tpu.unpack_subelements %parallel_loop3A_236, 0 {pack_format = #tpu.pack_format<interleaved>} : vector<32xbf16> -> vector<16xf32>
            %parallel_loop3A_238 = tpu.unpack_subelements %parallel_loop3A_236, 1 {pack_format = #tpu.pack_format<interleaved>} : vector<32xbf16> -> vector<16xf32>
            %parallel_loop3A_239 = arith.index_cast %parallel_loop3A_233 : i32 to index
            %parallel_loop3A_240 = arith.constant 0 : index
            %parallel_loop3A_241 = tpu.vector_load %arg12[%parallel_loop3A_239, %parallel_loop3A_240] {strides = array<i32>} : memref<128x16xf32, #tpu.memory_space<vmem>>, vector<16xf32>,
            %parallel_loop3A_242 = arith.addf %parallel_loop3A_238, %parallel_loop3A_241 : vector<16xf32>
            %parallel_loop3A_243 = arith.constant 2.000000e-01 : f32
            %parallel_loop3A_244 = vector.broadcast %parallel_loop3A_243 : f32 to vector<16xf32>
            %parallel_loop3A_245 = arith.mulf %parallel_loop3A_244, %parallel_loop3A_242 : vector<16xf32>
            %parallel_loop3A_246 = arith.maximumf %parallel_loop3A_242, %parallel_loop3A_245 : vector<16xf32>
            %parallel_loop3A_247 = vector.shape_cast %min3A_32 : vector<16xi32> to vector<16x1xi32>
            %parallel_loop3A_248 = vector.shape_cast %parallel_loop3A_247 : vector<16x1xi32> to vector<16xi32>
            %parallel_loop3A_249 = tpu.dynamic_gather %parallel_loop3A_241[%parallel_loop3A_248] in [0] : vector<16xf32>, vector<16xi32> -> vector<16xf32>
            %parallel_loop3A_250 = arith.subf %parallel_loop3A_246, %parallel_loop3A_249 : vector<16xf32>
            %parallel_loop3A_251 = math.exp %parallel_loop3A_250 : vector<16xf32>
            %parallel_loop3A_252 = arith.index_cast %parallel_loop3A_233 : i32 to index
            %parallel_loop3A_253 = arith.constant 80 : index
            %parallel_loop3A_254 = tpu.vector_load %arg18[%parallel_loop3A_252, %parallel_loop3A_253] {strides = array<i32>} : memref<128x96xf32, #tpu.memory_space<vmem>>, vector<16xf32>,
            tpu.vector_store %arg18[%parallel_loop3A_252, %parallel_loop3A_253], %parallel_loop3A_251 {strides = array<i32>} : memref<128x96xf32, #tpu.memory_space<vmem>>, vector<16xf32>,
            %parallel_loop3A_255 = arith.index_cast %parallel_loop3A_233 : i32 to index
            %parallel_loop3A_256 = arith.constant 0 : index
            %parallel_loop3A_257 = tpu.vector_load %arg16[%parallel_loop3A_255, %parallel_loop3A_256] {strides = array<i32>} : memref<128x96xbf16, #tpu.memory_space<vmem>>, vector<32xbf16>,
            %parallel_loop3A_258 = tpu.unpack_subelements %parallel_loop3A_257, 0 {pack_format = #tpu.pack_format<interleaved>} : vector<32xbf16> -> vector<16xf32>
            %parallel_loop3A_259 = tpu.unpack_subelements %parallel_loop3A_257, 1 {pack_format = #tpu.pack_format<interleaved>} : vector<32xbf16> -> vector<16xf32>
            %parallel_loop3A_260 = arith.index_cast %parallel_loop3A_233 : i32 to index
            %parallel_loop3A_261 = arith.constant 32 : index
            %parallel_loop3A_262 = tpu.vector_load %arg16[%parallel_loop3A_260, %parallel_loop3A_261] {strides = array<i32>} : memref<128x96xbf16, #tpu.memory_space<vmem>>, vector<32xbf16>,
            %parallel_loop3A_263 = tpu.unpack_subelements %parallel_loop3A_262, 0 {pack_format = #tpu.pack_format<interleaved>} : vector<32xbf16> -> vector<16xf32>
            %parallel_loop3A_264 = tpu.unpack_subelements %parallel_loop3A_262, 1 {pack_format = #tpu.pack_format<interleaved>} : vector<32xbf16> -> vector<16xf32>
            %parallel_loop3A_265 = vector.shape_cast %broadcast_in_dim3A_34 : vector<16xi32> to vector<16x1xi32>
            %parallel_loop3A_266 = vector.shape_cast %parallel_loop3A_265 : vector<16x1xi32> to vector<16xi32>
            %parallel_loop3A_267 = tpu.dynamic_gather %parallel_loop3A_251[%parallel_loop3A_266] in [0] : vector<16xf32>, vector<16xi32> -> vector<16xf32>
            %parallel_loop3A_268 = arith.mulf %parallel_loop3A_258, %parallel_loop3A_267 : vector<16xf32>
            %parallel_loop3A_269 = arith.index_cast %parallel_loop3A_233 : i32 to index
            %parallel_loop3A_270 = arith.constant 0 : index
            %parallel_loop3A_271 = tpu.vector_load %arg18[%parallel_loop3A_269, %parallel_loop3A_270] {strides = array<i32>} : memref<128x96xf32, #tpu.memory_space<vmem>>, vector<16xf32>,
            tpu.vector_store %arg18[%parallel_loop3A_269, %parallel_loop3A_270], %parallel_loop3A_268 {strides = array<i32>} : memref<128x96xf32, #tpu.memory_space<vmem>>, vector<16xf32>,
            %parallel_loop3A_272 = vector.shape_cast %broadcast_in_dim3A_36 : vector<16xi32> to vector<16x1xi32>
            %parallel_loop3A_273 = vector.shape_cast %parallel_loop3A_272 : vector<16x1xi32> to vector<16xi32>
            %parallel_loop3A_274 = tpu.dynamic_gather %parallel_loop3A_251[%parallel_loop3A_273] in [0] : vector<16xf32>, vector<16xi32> -> vector<16xf32>
            %parallel_loop3A_275 = arith.mulf %parallel_loop3A_259, %parallel_loop3A_274 : vector<16xf32>
            %parallel_loop3A_276 = arith.index_cast %parallel_loop3A_233 : i32 to index
            %parallel_loop3A_277 = arith.constant 16 : index
            %parallel_loop3A_278 = tpu.vector_load %arg18[%parallel_loop3A_276, %parallel_loop3A_277] {strides = array<i32>} : memref<128x96xf32, #tpu.memory_space<vmem>>, vector<16xf32>,
            tpu.vector_store %arg18[%parallel_loop3A_276, %parallel_loop3A_277], %parallel_loop3A_275 {strides = array<i32>} : memref<128x96xf32, #tpu.memory_space<vmem>>, vector<16xf32>,
            %parallel_loop3A_279 = vector.shape_cast %broadcast_in_dim3A_38 : vector<16xi32> to vector<16x1xi32>
            %parallel_loop3A_280 = vector.shape_cast %parallel_loop3A_279 : vector<16x1xi32> to vector<16xi32>
            %parallel_loop3A_281 = tpu.dynamic_gather %parallel_loop3A_251[%parallel_loop3A_280] in [0] : vector<16xf32>, vector<16xi32> -> vector<16xf32>
            %parallel_loop3A_282 = arith.mulf %parallel_loop3A_263, %parallel_loop3A_281 : vector<16xf32>
            %parallel_loop3A_283 = arith.index_cast %parallel_loop3A_233 : i32 to index
            %parallel_loop3A_284 = arith.constant 32 : index
            %parallel_loop3A_285 = tpu.vector_load %arg18[%parallel_loop3A_283, %parallel_loop3A_284] {strides = array<i32>} : memref<128x96xf32, #tpu.memory_space<vmem>>, vector<16xf32>,
            tpu.vector_store %arg18[%parallel_loop3A_283, %parallel_loop3A_284], %parallel_loop3A_282 {strides = array<i32>} : memref<128x96xf32, #tpu.memory_space<vmem>>, vector<16xf32>,
            %parallel_loop3A_286 = vector.shape_cast %broadcast_in_dim3A_40 : vector<16xi32> to vector<16x1xi32>
            %parallel_loop3A_287 = vector.shape_cast %parallel_loop3A_286 : vector<16x1xi32> to vector<16xi32>
            %parallel_loop3A_288 = tpu.dynamic_gather %parallel_loop3A_251[%parallel_loop3A_287] in [0] : vector<16xf32>, vector<16xi32> -> vector<16xf32>
            %parallel_loop3A_289 = arith.mulf %parallel_loop3A_264, %parallel_loop3A_288 : vector<16xf32>
            %parallel_loop3A_290 = arith.index_cast %parallel_loop3A_233 : i32 to index
            %parallel_loop3A_291 = arith.constant 48 : index
            %parallel_loop3A_292 = tpu.vector_load %arg18[%parallel_loop3A_290, %parallel_loop3A_291] {strides = array<i32>} : memref<128x96xf32, #tpu.memory_space<vmem>>, vector<16xf32>,
            tpu.vector_store %arg18[%parallel_loop3A_290, %parallel_loop3A_291], %parallel_loop3A_289 {strides = array<i32>} : memref<128x96xf32, #tpu.memory_space<vmem>>, vector<16xf32>,
            %parallel_loop3A_293 = vector.shape_cast %broadcast_in_dim3A_42 : vector<16xi32> to vector<16x1xi32>
            %parallel_loop3A_294 = vector.shape_cast %parallel_loop3A_293 : vector<16x1xi32> to vector<16xi32>
            %parallel_loop3A_295 = tpu.dynamic_gather %parallel_loop3A_251[%parallel_loop3A_294] in [0] : vector<16xf32>, vector<16xi32> -> vector<16xf32>
            %parallel_loop3A_296 = arith.mulf %parallel_loop3A_237, %parallel_loop3A_295 : vector<16xf32>
            %parallel_loop3A_297 = arith.index_cast %parallel_loop3A_233 : i32 to index
            %parallel_loop3A_298 = arith.constant 64 : index
            %parallel_loop3A_299 = tpu.vector_load %arg18[%parallel_loop3A_297, %parallel_loop3A_298] {strides = array<i32>} : memref<128x96xf32, #tpu.memory_space<vmem>>, vector<16xf32>,
            tpu.vector_store %arg18[%parallel_loop3A_297, %parallel_loop3A_298], %parallel_loop3A_296 {strides = array<i32>} : memref<128x96xf32, #tpu.memory_space<vmem>>, vector<16xf32>,
          } {sc.loop_unroll_factor = 4 : i64, sc.parallel_access}
          %dma_start3A_227 = arith.constant 0 : i32
          %dma_start3A_228 = tpu.memref_slice %arg8[%add3A_177, %dma_start3A_227] : memref<16x128xi32, #tpu.memory_space<vmem>> -> memref<1x128xi32, #tpu.memory_space<vmem>>
          %dma_start3A_229 = tpu.memref_squeeze %dma_start3A_228 : memref<1x128xi32, #tpu.memory_space<vmem>> -> memref<128xi32, #tpu.memory_space<vmem>>
          %dma_start3A_230 = arith.constant 0 : i32
          %dma_start3A_231 = arith.constant 0 : i32
          %dma_start3A_232 = tpu.memref_slice %arg19[%dma_start3A_230, %dma_start3A_231] : memref<10240x96xf32, #tpu.memory_space<vmem_shared>> -> memref<10240x96xf32, #tpu.memory_space<vmem_shared>>
          tpu.enqueue_indirect_dma source(%arg18 : memref<128x96xf32, #tpu.memory_space<vmem>>) target(%dma_start3A_232 : memref<10240x96xf32, #tpu.memory_space<vmem_shared>>) offsets(%dma_start3A_229 : memref<128xi32, #tpu.memory_space<vmem>>) semaphore(%arg25 : memref<!tpu.dma_semaphore, #tpu.memory_space<semaphore_mem>>) {add = true}
        } else {
        }
        %eq3A = arith.constant 3 : i32
        %eq3A_198 = arith.cmpi eq, %add3A_111, %eq3A : i32
        %add3A_199 = arith.constant 1 : i32
        %add3A_200 = arith.addi %add3A_101, %add3A_199 : i32
        %lt3A_201 = arith.constant 10 : i32
        %lt3A_202 = arith.cmpi slt, %add3A_200, %lt3A_201 : i32
        %and3A_203 = arith.andi %eq3A_198, %lt3A_202 : i1
        %convert_element_type3A_204 = arith.extui %and3A_203 : i1 to i32
        %cond3A_205 = arith.constant 0 : i32
        %cond3A_206 = arith.cmpi ne, %convert_element_type3A_204, %cond3A_205 : i32
        scf.if %cond3A_206 {
          %add3A_207 = arith.addi %mul3A_2, %add3A_180 : i32
          %sub3A = arith.constant 1 : i32
          %sub3A_208 = arith.subi %add3A_207, %sub3A : i32
          %lt3A_209 = arith.constant 5000 : i32
          %lt3A_210 = arith.cmpi slt, %sub3A_208, %lt3A_209 : i32
          %convert_element_type3A_211 = arith.extui %lt3A_210 : i1 to i32
          %cond3A_212 = arith.constant 0 : i32
          %cond3A_213 = arith.cmpi ne, %convert_element_type3A_211, %cond3A_212 : i32
          scf.if %cond3A_213 {
            %dma_wait3A_244 = arith.constant 0 : i32
            %dma_wait3A_245 = arith.constant 0 : i32
            %dma_wait3A_246 = tpu.memref_slice %arg8[%dma_wait3A_244, %dma_wait3A_245] : memref<16x128xi32, #tpu.memory_space<vmem>> -> memref<1x128xi32, #tpu.memory_space<vmem>>
            %dma_wait3A_247 = tpu.memref_squeeze %dma_wait3A_246 : memref<1x128xi32, #tpu.memory_space<vmem>> -> memref<128xi32, #tpu.memory_space<vmem>>
            %dma_wait3A_248 = arith.constant 0 : i32
            %dma_wait3A_249 = arith.constant 0 : i32
            %dma_wait3A_250 = tpu.memref_slice %arg19[%dma_wait3A_248, %dma_wait3A_249] : memref<10240x96xf32, #tpu.memory_space<vmem_shared>> -> memref<10240x96xf32, #tpu.memory_space<vmem_shared>>
            tpu.wait_indirect_dma semaphore(%arg24 : memref<!tpu.dma_semaphore, #tpu.memory_space<semaphore_mem>>) src(%arg17 : memref<128x96xf32, #tpu.memory_space<vmem>>) dst(%dma_wait3A_250 : memref<10240x96xf32, #tpu.memory_space<vmem_shared>>)
          } else {
          }
          %add3A_214 = arith.addi %mul3A_2, %add3A_180 : i32
          %lt3A_215 = arith.constant 5000 : i32
          %lt3A_216 = arith.cmpi slt, %add3A_214, %lt3A_215 : i32
          %convert_element_type3A_217 = arith.extui %lt3A_216 : i1 to i32
          %cond3A_218 = arith.constant 0 : i32
          %cond3A_219 = arith.cmpi ne, %convert_element_type3A_217, %cond3A_218 : i32
          scf.if %cond3A_219 {
            %dma_wait3A_244 = arith.constant 0 : i32
            %dma_wait3A_245 = arith.constant 0 : i32
            %dma_wait3A_246 = tpu.memref_slice %arg8[%dma_wait3A_244, %dma_wait3A_245] : memref<16x128xi32, #tpu.memory_space<vmem>> -> memref<1x128xi32, #tpu.memory_space<vmem>>
            %dma_wait3A_247 = tpu.memref_squeeze %dma_wait3A_246 : memref<1x128xi32, #tpu.memory_space<vmem>> -> memref<128xi32, #tpu.memory_space<vmem>>
            %dma_wait3A_248 = arith.constant 0 : i32
            %dma_wait3A_249 = arith.constant 0 : i32
            %dma_wait3A_250 = tpu.memref_slice %arg19[%dma_wait3A_248, %dma_wait3A_249] : memref<10240x96xf32, #tpu.memory_space<vmem_shared>> -> memref<10240x96xf32, #tpu.memory_space<vmem_shared>>
            tpu.wait_indirect_dma semaphore(%arg25 : memref<!tpu.dma_semaphore, #tpu.memory_space<semaphore_mem>>) src(%arg18 : memref<128x96xf32, #tpu.memory_space<vmem>>) dst(%dma_wait3A_250 : memref<10240x96xf32, #tpu.memory_space<vmem_shared>>)
          } else {
          }
          %add3A_220 = arith.constant 1 : i32
          %add3A_221 = arith.addi %add3A_101, %add3A_220 : i32
          %mul3A_222 = arith.constant 16 : i32
          %mul3A_223 = arith.muli %add3A_221, %mul3A_222 : i32
          %add3A_224 = arith.addi %mul3A_2, %mul3A_223 : i32
          "tpu.region"() ({
            %run_scoped3A = tpu.sem_alloc : memref<!tpu.dma_semaphore, #tpu.memory_space<semaphore_mem>>
            %dma_start3A_244 = arith.constant 0 : i32
            %dma_start3A_245 = tpu.memref_slice %arg2[%add3A_224, %dma_start3A_244] : memref<5120x128xi32, #tpu.memory_space<hbm>> -> memref<16x128xi32, #tpu.memory_space<hbm>>
            %dma_start3A_246 = arith.constant 0 : i32
            %dma_start3A_247 = tpu.memref_slice %arg2[%add3A_224, %dma_start3A_246] : memref<5120x128xi32, #tpu.memory_space<hbm>> -> memref<16x128xi32, #tpu.memory_space<hbm>>
            tpu.enqueue_dma source(%dma_start3A_247 : memref<16x128xi32, #tpu.memory_space<hbm>>) target(%arg7 : memref<16x128xi32, #tpu.memory_space<vmem>>) target_semaphore(%run_scoped3A : memref<!tpu.dma_semaphore, #tpu.memory_space<semaphore_mem>>)
            %dma_wait3A_248 = arith.constant 0 : i32
            %dma_wait3A_249 = tpu.memref_slice %arg2[%add3A_224, %dma_wait3A_248] : memref<5120x128xi32, #tpu.memory_space<hbm>> -> memref<16x128xi32, #tpu.memory_space<hbm>>
            %dma_wait3A_250 = arith.constant 0 : i32
            %dma_wait3A_251 = tpu.memref_slice %arg2[%add3A_224, %dma_wait3A_250] : memref<5120x128xi32, #tpu.memory_space<hbm>> -> memref<16x128xi32, #tpu.memory_space<hbm>>
            tpu.wait_dma2 semaphore(%run_scoped3A : memref<!tpu.dma_semaphore, #tpu.memory_space<semaphore_mem>>) src(%dma_wait3A_251 : memref<16x128xi32, #tpu.memory_space<hbm>>) dst(%arg7 : memref<16x128xi32, #tpu.memory_space<vmem>>)
            tpu.yield
          }) : () -> ()
          %mul3A_225 = arith.constant 16 : i32
          %mul3A_226 = arith.muli %add3A_221, %mul3A_225 : i32
          %add3A_227 = arith.addi %mul3A_2, %mul3A_226 : i32
          "tpu.region"() ({
            %run_scoped3A = tpu.sem_alloc : memref<!tpu.dma_semaphore, #tpu.memory_space<semaphore_mem>>
            %dma_start3A_244 = arith.constant 0 : i32
            %dma_start3A_245 = tpu.memref_slice %arg3[%add3A_227, %dma_start3A_244] : memref<5120x128xi32, #tpu.memory_space<hbm>> -> memref<16x128xi32, #tpu.memory_space<hbm>>
            %dma_start3A_246 = arith.constant 0 : i32
            %dma_start3A_247 = tpu.memref_slice %arg3[%add3A_227, %dma_start3A_246] : memref<5120x128xi32, #tpu.memory_space<hbm>> -> memref<16x128xi32, #tpu.memory_space<hbm>>
            tpu.enqueue_dma source(%dma_start3A_247 : memref<16x128xi32, #tpu.memory_space<hbm>>) target(%arg8 : memref<16x128xi32, #tpu.memory_space<vmem>>) target_semaphore(%run_scoped3A : memref<!tpu.dma_semaphore, #tpu.memory_space<semaphore_mem>>)
            %dma_wait3A_248 = arith.constant 0 : i32
            %dma_wait3A_249 = tpu.memref_slice %arg3[%add3A_227, %dma_wait3A_248] : memref<5120x128xi32, #tpu.memory_space<hbm>> -> memref<16x128xi32, #tpu.memory_space<hbm>>
            %dma_wait3A_250 = arith.constant 0 : i32
            %dma_wait3A_251 = tpu.memref_slice %arg3[%add3A_227, %dma_wait3A_250] : memref<5120x128xi32, #tpu.memory_space<hbm>> -> memref<16x128xi32, #tpu.memory_space<hbm>>
            tpu.wait_dma2 semaphore(%run_scoped3A : memref<!tpu.dma_semaphore, #tpu.memory_space<semaphore_mem>>) src(%dma_wait3A_251 : memref<16x128xi32, #tpu.memory_space<hbm>>) dst(%arg8 : memref<16x128xi32, #tpu.memory_space<vmem>>)
            tpu.yield
          }) : () -> ()
          %add3A_228 = arith.addi %mul3A_2, %add3A_180 : i32
          %add3A_229 = arith.constant 1 : i32
          %add3A_230 = arith.addi %add3A_228, %add3A_229 : i32
          %lt3A_231 = arith.constant 5000 : i32
          %lt3A_232 = arith.cmpi slt, %add3A_230, %lt3A_231 : i32
          %convert_element_type3A_233 = arith.extui %lt3A_232 : i1 to i32
          %cond3A_234 = arith.constant 0 : i32
          %cond3A_235 = arith.cmpi ne, %convert_element_type3A_233, %cond3A_234 : i32
          scf.if %cond3A_235 {
            %dma_start3A_244 = arith.constant 0 : i32
            %dma_start3A_245 = arith.constant 0 : i32
            %dma_start3A_246 = tpu.memref_slice %arg8[%dma_start3A_244, %dma_start3A_245] : memref<16x128xi32, #tpu.memory_space<vmem>> -> memref<1x128xi32, #tpu.memory_space<vmem>>
            %dma_start3A_247 = tpu.memref_squeeze %dma_start3A_246 : memref<1x128xi32, #tpu.memory_space<vmem>> -> memref<128xi32, #tpu.memory_space<vmem>>
            %dma_start3A_248 = arith.constant 0 : i32
            %dma_start3A_249 = arith.constant 0 : i32
            %dma_start3A_250 = tpu.memref_slice %arg5[%dma_start3A_248, %dma_start3A_249] : memref<10240x16xf32, #tpu.memory_space<hbm>> -> memref<10240x16xf32, #tpu.memory_space<hbm>>
            tpu.enqueue_indirect_dma source(%dma_start3A_250 : memref<10240x16xf32, #tpu.memory_space<hbm>>) target(%arg9 : memref<128x16xf32, #tpu.memory_space<vmem>>) offsets(%dma_start3A_247 : memref<128xi32, #tpu.memory_space<vmem>>) semaphore(%arg20 : memref<!tpu.dma_semaphore, #tpu.memory_space<semaphore_mem>>)
            %dma_start3A_251 = arith.constant 0 : i32
            %dma_start3A_252 = arith.constant 0 : i32
            %dma_start3A_253 = tpu.memref_slice %arg7[%dma_start3A_251, %dma_start3A_252] : memref<16x128xi32, #tpu.memory_space<vmem>> -> memref<1x128xi32, #tpu.memory_space<vmem>>
            %dma_start3A_254 = tpu.memref_squeeze %dma_start3A_253 : memref<1x128xi32, #tpu.memory_space<vmem>> -> memref<128xi32, #tpu.memory_space<vmem>>
            %dma_start3A_255 = arith.constant 0 : i32
            %dma_start3A_256 = arith.constant 0 : i32
            %dma_start3A_257 = tpu.memref_slice %arg4[%dma_start3A_255, %dma_start3A_256] : memref<10240x96xbf16, #tpu.memory_space<hbm>> -> memref<10240x96xbf16, #tpu.memory_space<hbm>>
            tpu.enqueue_indirect_dma source(%dma_start3A_257 : memref<10240x96xbf16, #tpu.memory_space<hbm>>) target(%arg13 : memref<128x96xbf16, #tpu.memory_space<vmem>>) offsets(%dma_start3A_254 : memref<128xi32, #tpu.memory_space<vmem>>) semaphore(%arg20 : memref<!tpu.dma_semaphore, #tpu.memory_space<semaphore_mem>>)
          } else {
          }
          %add3A_236 = arith.addi %mul3A_2, %add3A_180 : i32
          %add3A_237 = arith.constant 2 : i32
          %add3A_238 = arith.addi %add3A_236, %add3A_237 : i32
          %lt3A_239 = arith.constant 5000 : i32
          %lt3A_240 = arith.cmpi slt, %add3A_238, %lt3A_239 : i32
          %convert_element_type3A_241 = arith.extui %lt3A_240 : i1 to i32
          %cond3A_242 = arith.constant 0 : i32
          %cond3A_243 = arith.cmpi ne, %convert_element_type3A_241, %cond3A_242 : i32
          scf.if %cond3A_243 {
            %dma_start3A_244 = arith.constant 1 : i32
            %dma_start3A_245 = arith.constant 0 : i32
            %dma_start3A_246 = tpu.memref_slice %arg8[%dma_start3A_244, %dma_start3A_245] : memref<16x128xi32, #tpu.memory_space<vmem>> -> memref<1x128xi32, #tpu.memory_space<vmem>>
            %dma_start3A_247 = tpu.memref_squeeze %dma_start3A_246 : memref<1x128xi32, #tpu.memory_space<vmem>> -> memref<128xi32, #tpu.memory_space<vmem>>
            %dma_start3A_248 = arith.constant 0 : i32
            %dma_start3A_249 = arith.constant 0 : i32
            %dma_start3A_250 = tpu.memref_slice %arg5[%dma_start3A_248, %dma_start3A_249] : memref<10240x16xf32, #tpu.memory_space<hbm>> -> memref<10240x16xf32, #tpu.memory_space<hbm>>
            tpu.enqueue_indirect_dma source(%dma_start3A_250 : memref<10240x16xf32, #tpu.memory_space<hbm>>) target(%arg10 : memref<128x16xf32, #tpu.memory_space<vmem>>) offsets(%dma_start3A_247 : memref<128xi32, #tpu.memory_space<vmem>>) semaphore(%arg21 : memref<!tpu.dma_semaphore, #tpu.memory_space<semaphore_mem>>)
            %dma_start3A_251 = arith.constant 1 : i32
            %dma_start3A_252 = arith.constant 0 : i32
            %dma_start3A_253 = tpu.memref_slice %arg7[%dma_start3A_251, %dma_start3A_252] : memref<16x128xi32, #tpu.memory_space<vmem>> -> memref<1x128xi32, #tpu.memory_space<vmem>>
            %dma_start3A_254 = tpu.memref_squeeze %dma_start3A_253 : memref<1x128xi32, #tpu.memory_space<vmem>> -> memref<128xi32, #tpu.memory_space<vmem>>
            %dma_start3A_255 = arith.constant 0 : i32
            %dma_start3A_256 = arith.constant 0 : i32
            %dma_start3A_257 = tpu.memref_slice %arg4[%dma_start3A_255, %dma_start3A_256] : memref<10240x96xbf16, #tpu.memory_space<hbm>> -> memref<10240x96xbf16, #tpu.memory_space<hbm>>
            tpu.enqueue_indirect_dma source(%dma_start3A_257 : memref<10240x96xbf16, #tpu.memory_space<hbm>>) target(%arg14 : memref<128x96xbf16, #tpu.memory_space<vmem>>) offsets(%dma_start3A_254 : memref<128xi32, #tpu.memory_space<vmem>>) semaphore(%arg21 : memref<!tpu.dma_semaphore, #tpu.memory_space<semaphore_mem>>)
          } else {
          }
        } else {
        }
      }
      %scan3A_106 = arith.constant 4 : i32
    }
    %scan3A_78 = arith.constant 10 : i32
    %dma_wait3A = arith.constant 0 : i32
    %dma_wait3A_79 = arith.constant 0 : i32
    %dma_wait3A_80 = tpu.memref_slice %arg8[%dma_wait3A, %dma_wait3A_79] : memref<16x128xi32, #tpu.memory_space<vmem>> -> memref<1x128xi32, #tpu.memory_space<vmem>>
    %dma_wait3A_81 = tpu.memref_squeeze %dma_wait3A_80 : memref<1x128xi32, #tpu.memory_space<vmem>> -> memref<128xi32, #tpu.memory_space<vmem>>
    %dma_wait3A_82 = arith.constant 0 : i32
    %dma_wait3A_83 = arith.constant 0 : i32
    %dma_wait3A_84 = tpu.memref_slice %arg19[%dma_wait3A_82, %dma_wait3A_83] : memref<10240x96xf32, #tpu.memory_space<vmem_shared>> -> memref<10240x96xf32, #tpu.memory_space<vmem_shared>>
    tpu.wait_indirect_dma semaphore(%arg24 : memref<!tpu.dma_semaphore, #tpu.memory_space<semaphore_mem>>) src(%arg17 : memref<128x96xf32, #tpu.memory_space<vmem>>) dst(%dma_wait3A_84 : memref<10240x96xf32, #tpu.memory_space<vmem_shared>>)
    %dma_wait3A_85 = arith.constant 0 : i32
    %dma_wait3A_86 = arith.constant 0 : i32
    %dma_wait3A_87 = tpu.memref_slice %arg8[%dma_wait3A_85, %dma_wait3A_86] : memref<16x128xi32, #tpu.memory_space<vmem>> -> memref<1x128xi32, #tpu.memory_space<vmem>>
    %dma_wait3A_88 = tpu.memref_squeeze %dma_wait3A_87 : memref<1x128xi32, #tpu.memory_space<vmem>> -> memref<128xi32, #tpu.memory_space<vmem>>
    %dma_wait3A_89 = arith.constant 0 : i32
    %dma_wait3A_90 = arith.constant 0 : i32
    %dma_wait3A_91 = tpu.memref_slice %arg19[%dma_wait3A_89, %dma_wait3A_90] : memref<10240x96xf32, #tpu.memory_space<vmem_shared>> -> memref<10240x96xf32, #tpu.memory_space<vmem_shared>>
    tpu.wait_indirect_dma semaphore(%arg25 : memref<!tpu.dma_semaphore, #tpu.memory_space<semaphore_mem>>) src(%arg18 : memref<128x96xf32, #tpu.memory_space<vmem>>) dst(%dma_wait3A_91 : memref<10240x96xf32, #tpu.memory_space<vmem_shared>>)
    %barrier3A_92 = arith.constant 0 : index
    tpu.barrier barrier_id(%barrier3A_92)
    %mul3A_93 = arith.constant 640 : i32
    %mul3A_94 = arith.muli %arg1, %mul3A_93 : i32
    %mul3A_95 = arith.constant 640 : i32
    %mul3A_96 = arith.muli %arg1, %mul3A_95 : i32
    "tpu.region"() ({
      %run_scoped3A = tpu.sem_alloc : memref<!tpu.dma_semaphore, #tpu.memory_space<semaphore_mem>>
      %dma_start3A_97 = arith.constant 0 : i32
      %dma_start3A_98 = tpu.memref_slice %arg6[%arg0, %mul3A_96, %dma_start3A_97] : memref<2x10240x96xf32, #tpu.memory_space<hbm>> -> memref<1x640x96xf32, #tpu.memory_space<hbm>>
      %dma_start3A_99 = tpu.memref_squeeze %dma_start3A_98 : memref<1x640x96xf32, #tpu.memory_space<hbm>> -> memref<640x96xf32, #tpu.memory_space<hbm>>
      %dma_start3A_100 = arith.constant 0 : i32
      %dma_start3A_101 = tpu.memref_slice %arg19[%mul3A_94, %dma_start3A_100] : memref<10240x96xf32, #tpu.memory_space<vmem_shared>> -> memref<640x96xf32, #tpu.memory_space<vmem_shared>>
      tpu.enqueue_dma source(%dma_start3A_101 : memref<640x96xf32, #tpu.memory_space<vmem_shared>>) target(%dma_start3A_99 : memref<640x96xf32, #tpu.memory_space<hbm>>) target_semaphore(%run_scoped3A : memref<!tpu.dma_semaphore, #tpu.memory_space<semaphore_mem>>)
      %dma_wait3A_102 = arith.constant 0 : i32
      %dma_wait3A_103 = tpu.memref_slice %arg6[%arg0, %mul3A_96, %dma_wait3A_102] : memref<2x10240x96xf32, #tpu.memory_space<hbm>> -> memref<1x640x96xf32, #tpu.memory_space<hbm>>
      %dma_wait3A_104 = tpu.memref_squeeze %dma_wait3A_103 : memref<1x640x96xf32, #tpu.memory_space<hbm>> -> memref<640x96xf32, #tpu.memory_space<hbm>>
      %dma_wait3A_105 = arith.constant 0 : i32
      %dma_wait3A_106 = tpu.memref_slice %arg19[%mul3A_94, %dma_wait3A_105] : memref<10240x96xf32, #tpu.memory_space<vmem_shared>> -> memref<640x96xf32, #tpu.memory_space<vmem_shared>>
      tpu.wait_dma2 semaphore(%run_scoped3A : memref<!tpu.dma_semaphore, #tpu.memory_space<semaphore_mem>>) src(%dma_wait3A_106 : memref<640x96xf32, #tpu.memory_space<vmem_shared>>) dst(%dma_wait3A_104 : memref<640x96xf32, #tpu.memory_space<hbm>>)
      tpu.yield
    }) : () -> ()
    return
  }
}

module attributes {stable_mosaic.version = 14 : i64} {
  func.func @_pre1_body(%arg0: memref<10240x128xf32, #tpu.memory_space<vmem>>, %arg1: memref<128x16xf32, #tpu.memory_space<vmem>>, %arg2: memref<1x16xf32, #tpu.memory_space<vmem>>, %arg3: memref<16x80xf32, #tpu.memory_space<vmem>>, %arg4: memref<1x80xf32, #tpu.memory_space<vmem>>, %arg5: memref<1x80xf32, #tpu.memory_space<vmem>>, %arg6: memref<10240x16xf32, #tpu.memory_space<vmem>>, %arg7: memref<10240x96xbf16, #tpu.memory_space<vmem>>, %arg8: memref<10240x16xf32, #tpu.memory_space<vmem>>) attributes {dimension_semantics = [], scalar_prefetch = 0 : i64, scratch_operands = 0 : i64, tpu.core_type = #tpu.core_type<tc>} {
    %get3A = arith.constant 0 : index
    %get3A_0 = arith.constant 0 : index
    %get3A_1 = vector.load %arg0[%get3A, %get3A_0] : memref<10240x128xf32, #tpu.memory_space<vmem>>, vector<10240x128xf32>
    %get3A_2 = arith.constant 0 : index
    %get3A_3 = arith.constant 0 : index
    %get3A_4 = vector.load %arg1[%get3A_2, %get3A_3] : memref<128x16xf32, #tpu.memory_space<vmem>>, vector<128x16xf32>
    %dot_general3A = arith.constant dense<0.000000e+00> : vector<10240x16xf32>
    %dot_general3A_5 = tpu.matmul %get3A_1, %get3A_4, %dot_general3A {dimension_numbers = #tpu.dot_dimension_numbers<[1], [0], [0], [1], [0, 0, 1, 1], [], []>, transpose_lhs_hint = false} : vector<10240x128xf32>, vector<128x16xf32>, vector<10240x16xf32> -> vector<10240x16xf32>
    %get3A_6 = arith.constant 0 : index
    %get3A_7 = arith.constant 0 : index
    %get3A_8 = vector.load %arg2[%get3A_6, %get3A_7] : memref<1x16xf32, #tpu.memory_space<vmem>>, vector<1x16xf32>
    %add3A = vector.broadcast %get3A_8 : vector<1x16xf32> to vector<10240x16xf32>
    %add3A_9 = arith.addf %dot_general3A_5, %add3A : vector<10240x16xf32>
    %swap3A = arith.constant 0 : index
    %swap3A_10 = arith.constant 0 : index
    %swap3A_11 = vector.load %arg6[%swap3A, %swap3A_10] : memref<10240x16xf32, #tpu.memory_space<vmem>>, vector<10240x16xf32>
    tpu.vector_store %arg6[%swap3A, %swap3A_10], %add3A_9 {strides = array<i32>} : memref<10240x16xf32, #tpu.memory_space<vmem>>, vector<10240x16xf32>,
    %get3A_12 = arith.constant 0 : index
    %get3A_13 = arith.constant 0 : index
    %get3A_14 = vector.load %arg3[%get3A_12, %get3A_13] : memref<16x80xf32, #tpu.memory_space<vmem>>, vector<16x80xf32>
    %dot_general3A_15 = arith.constant dense<0.000000e+00> : vector<10240x80xf32>
    %dot_general3A_16 = tpu.matmul %add3A_9, %get3A_14, %dot_general3A_15 {dimension_numbers = #tpu.dot_dimension_numbers<[1], [0], [0], [1], [0, 0, 1, 1], [], []>, transpose_lhs_hint = false} : vector<10240x16xf32>, vector<16x80xf32>, vector<10240x80xf32> -> vector<10240x80xf32>
    %get3A_17 = arith.constant 0 : index
    %get3A_18 = arith.constant 0 : index
    %get3A_19 = vector.load %arg4[%get3A_17, %get3A_18] : memref<1x80xf32, #tpu.memory_space<vmem>>, vector<1x80xf32>
    %squeeze3A = vector.shape_cast %get3A_19 : vector<1x80xf32> to vector<80xf32>
    %get3A_20 = arith.constant 0 : index
    %get3A_21 = arith.constant 0 : index
    %get3A_22 = vector.load %arg5[%get3A_20, %get3A_21] : memref<1x80xf32, #tpu.memory_space<vmem>>, vector<1x80xf32>
    %squeeze3A_23 = vector.shape_cast %get3A_22 : vector<1x80xf32> to vector<80xf32>
    %iota3A = tpu.iota {dimensions = array<i32: 0>} : vector<80x5xi32>
    %iota3A_24 = tpu.iota {dimensions = array<i32: 1>} : vector<80x5xi32>
    %jit3A = arith.constant 16 : i32
    %div3A = vector.broadcast %jit3A : i32 to vector<80x5xi32>
    %div3A_25 = arith.divsi %iota3A, %div3A : vector<80x5xi32>
    %sign3A = arith.constant 0 : i32
    %sign3A_26 = vector.broadcast %sign3A : i32 to vector<80x5xi32>
    %sign3A_27 = arith.cmpi sgt, %iota3A, %sign3A_26 : vector<80x5xi32>
    %sign3A_28 = arith.extui %sign3A_27 : vector<80x5xi1> to vector<80x5xi32>
    %sign3A_29 = arith.constant 0 : i32
    %sign3A_30 = vector.broadcast %sign3A_29 : i32 to vector<80x5xi32>
    %sign3A_31 = arith.cmpi slt, %iota3A, %sign3A_30 : vector<80x5xi32>
    %sign3A_32 = arith.extui %sign3A_31 : vector<80x5xi1> to vector<80x5xi32>
    %sign3A_33 = arith.subi %sign3A_28, %sign3A_32 : vector<80x5xi32>
    %sign3A_34 = arith.constant 0 : i32
    %sign3A_35 = arith.cmpi sgt, %jit3A, %sign3A_34 : i32
    %sign3A_36 = arith.extui %sign3A_35 : i1 to i32
    %sign3A_37 = arith.constant 0 : i32
    %sign3A_38 = arith.cmpi slt, %jit3A, %sign3A_37 : i32
    %sign3A_39 = arith.extui %sign3A_38 : i1 to i32
    %sign3A_40 = arith.subi %sign3A_36, %sign3A_39 : i32
    %ne3A = vector.broadcast %sign3A_40 : i32 to vector<80x5xi32>
    %ne3A_41 = arith.cmpi ne, %sign3A_33, %ne3A : vector<80x5xi32>
    %rem3A = vector.broadcast %jit3A : i32 to vector<80x5xi32>
    %rem3A_42 = arith.remsi %iota3A, %rem3A : vector<80x5xi32>
    %ne3A_43 = arith.constant 0 : i32
    %ne3A_44 = vector.broadcast %ne3A_43 : i32 to vector<80x5xi32>
    %ne3A_45 = arith.cmpi ne, %rem3A_42, %ne3A_44 : vector<80x5xi32>
    %and3A = arith.andi %ne3A_41, %ne3A_45 : vector<80x5xi1>
    %sub3A = arith.constant 1 : i32
    %sub3A_46 = vector.broadcast %sub3A : i32 to vector<80x5xi32>
    %sub3A_47 = arith.subi %div3A_25, %sub3A_46 : vector<80x5xi32>
    %select_n3A = arith.select %and3A, %sub3A_47, %div3A_25 : vector<80x5xi1>, vector<80x5xi32>
    %eq3A = arith.cmpi eq, %select_n3A, %iota3A_24 : vector<80x5xi32>
    %convert_element_type3A = arith.extui %eq3A : vector<80x5xi1> to vector<80x5xi32>
    %convert_element_type3A_48 = arith.sitofp %convert_element_type3A : vector<80x5xi32> to vector<80x5xf32>
    %broadcast_in_dim3A = vector.shape_cast %squeeze3A : vector<80xf32> to vector<80x1xf32>
    %mul3A = vector.broadcast %broadcast_in_dim3A : vector<80x1xf32> to vector<80x5xf32>
    %mul3A_49 = arith.mulf %mul3A, %convert_element_type3A_48 : vector<80x5xf32>
    %dot_general3A_50 = arith.constant dense<0.000000e+00> : vector<10240x5xf32>
    %dot_general3A_51 = tpu.matmul %dot_general3A_16, %mul3A_49, %dot_general3A_50 {dimension_numbers = #tpu.dot_dimension_numbers<[1], [0], [0], [1], [0, 0, 1, 1], [], []>, transpose_lhs_hint = false} : vector<10240x80xf32>, vector<80x5xf32>, vector<10240x5xf32> -> vector<10240x5xf32>
    %iota3A_52 = tpu.iota {dimensions = array<i32: 0>} : vector<80x5xi32>
    %iota3A_53 = tpu.iota {dimensions = array<i32: 1>} : vector<80x5xi32>
    %jit3A_54 = arith.constant 16 : i32
    %div3A_55 = vector.broadcast %jit3A_54 : i32 to vector<80x5xi32>
    %div3A_56 = arith.divsi %iota3A_52, %div3A_55 : vector<80x5xi32>
    %sign3A_57 = arith.constant 0 : i32
    %sign3A_58 = vector.broadcast %sign3A_57 : i32 to vector<80x5xi32>
    %sign3A_59 = arith.cmpi sgt, %iota3A_52, %sign3A_58 : vector<80x5xi32>
    %sign3A_60 = arith.extui %sign3A_59 : vector<80x5xi1> to vector<80x5xi32>
    %sign3A_61 = arith.constant 0 : i32
    %sign3A_62 = vector.broadcast %sign3A_61 : i32 to vector<80x5xi32>
    %sign3A_63 = arith.cmpi slt, %iota3A_52, %sign3A_62 : vector<80x5xi32>
    %sign3A_64 = arith.extui %sign3A_63 : vector<80x5xi1> to vector<80x5xi32>
    %sign3A_65 = arith.subi %sign3A_60, %sign3A_64 : vector<80x5xi32>
    %sign3A_66 = arith.constant 0 : i32
    %sign3A_67 = arith.cmpi sgt, %jit3A_54, %sign3A_66 : i32
    %sign3A_68 = arith.extui %sign3A_67 : i1 to i32
    %sign3A_69 = arith.constant 0 : i32
    %sign3A_70 = arith.cmpi slt, %jit3A_54, %sign3A_69 : i32
    %sign3A_71 = arith.extui %sign3A_70 : i1 to i32
    %sign3A_72 = arith.subi %sign3A_68, %sign3A_71 : i32
    %ne3A_73 = vector.broadcast %sign3A_72 : i32 to vector<80x5xi32>
    %ne3A_74 = arith.cmpi ne, %sign3A_65, %ne3A_73 : vector<80x5xi32>
    %rem3A_75 = vector.broadcast %jit3A_54 : i32 to vector<80x5xi32>
    %rem3A_76 = arith.remsi %iota3A_52, %rem3A_75 : vector<80x5xi32>
    %ne3A_77 = arith.constant 0 : i32
    %ne3A_78 = vector.broadcast %ne3A_77 : i32 to vector<80x5xi32>
    %ne3A_79 = arith.cmpi ne, %rem3A_76, %ne3A_78 : vector<80x5xi32>
    %and3A_80 = arith.andi %ne3A_74, %ne3A_79 : vector<80x5xi1>
    %sub3A_81 = arith.constant 1 : i32
    %sub3A_82 = vector.broadcast %sub3A_81 : i32 to vector<80x5xi32>
    %sub3A_83 = arith.subi %div3A_56, %sub3A_82 : vector<80x5xi32>
    %select_n3A_84 = arith.select %and3A_80, %sub3A_83, %div3A_56 : vector<80x5xi1>, vector<80x5xi32>
    %eq3A_85 = arith.cmpi eq, %select_n3A_84, %iota3A_53 : vector<80x5xi32>
    %convert_element_type3A_86 = arith.extui %eq3A_85 : vector<80x5xi1> to vector<80x5xi32>
    %convert_element_type3A_87 = arith.sitofp %convert_element_type3A_86 : vector<80x5xi32> to vector<80x5xf32>
    %broadcast_in_dim3A_88 = vector.shape_cast %squeeze3A_23 : vector<80xf32> to vector<80x1xf32>
    %mul3A_89 = vector.broadcast %broadcast_in_dim3A_88 : vector<80x1xf32> to vector<80x5xf32>
    %mul3A_90 = arith.mulf %mul3A_89, %convert_element_type3A_87 : vector<80x5xf32>
    %dot_general3A_91 = arith.constant dense<0.000000e+00> : vector<10240x5xf32>
    %dot_general3A_92 = tpu.matmul %dot_general3A_16, %mul3A_90, %dot_general3A_91 {dimension_numbers = #tpu.dot_dimension_numbers<[1], [0], [0], [1], [0, 0, 1, 1], [], []>, transpose_lhs_hint = false} : vector<10240x80xf32>, vector<80x5xf32>, vector<10240x5xf32> -> vector<10240x5xf32>
    %reduce_max3A = arith.constant dense<0xFF800000> : vector<5xf32>
    %reduce_max3A_93 = vector.multi_reduction <maximumf>, %dot_general3A_51, %reduce_max3A [0] : vector<10240x5xf32> to vector<5xf32>
    %broadcast_in_dim3A_94 = vector.shape_cast %reduce_max3A_93 : vector<5xf32> to vector<1x5xf32>
    %add3A_95 = vector.broadcast %broadcast_in_dim3A_94 : vector<1x5xf32> to vector<10240x5xf32>
    %add3A_96 = arith.addf %add3A_95, %dot_general3A_92 : vector<10240x5xf32>
    %mul3A_97 = arith.constant 2.000000e-01 : f32
    %mul3A_98 = vector.broadcast %mul3A_97 : f32 to vector<10240x5xf32>
    %mul3A_99 = arith.mulf %mul3A_98, %add3A_96 : vector<10240x5xf32>
    %max3A = arith.maximumf %add3A_96, %mul3A_99 : vector<10240x5xf32>
    %broadcast_in_dim3A_100 = arith.constant 0.000000e+00 : f32
    %broadcast_in_dim3A_101 = vector.broadcast %broadcast_in_dim3A_100 : f32 to vector<10240x3xf32>
    %concatenate3A = tpu.concatenate %dot_general3A_51, %broadcast_in_dim3A_101, %dot_general3A_51, %broadcast_in_dim3A_101 in 1 : vector<10240x5xf32>, vector<10240x3xf32>, vector<10240x5xf32>, vector<10240x3xf32> -> vector<10240x16xf32>
    %concatenate3A_102 = tpu.concatenate %dot_general3A_92, %broadcast_in_dim3A_101, %max3A, %broadcast_in_dim3A_101 in 1 : vector<10240x5xf32>, vector<10240x3xf32>, vector<10240x5xf32>, vector<10240x3xf32> -> vector<10240x16xf32>
    %concatenate3A_103 = tpu.concatenate %dot_general3A_16, %concatenate3A in 1 : vector<10240x80xf32>, vector<10240x16xf32> -> vector<10240x96xf32>
    %iota3A_104 = tpu.iota {dimensions = array<i32: 0>} : vector<96x96xi32>
    %iota3A_105 = tpu.iota {dimensions = array<i32: 1>} : vector<96x96xi32>
    %jit3A_106 = arith.constant 32 : i32
    %div3A_107 = vector.broadcast %jit3A_106 : i32 to vector<96x96xi32>
    %div3A_108 = arith.divsi %iota3A_105, %div3A_107 : vector<96x96xi32>
    %sign3A_109 = arith.constant 0 : i32
    %sign3A_110 = vector.broadcast %sign3A_109 : i32 to vector<96x96xi32>
    %sign3A_111 = arith.cmpi sgt, %iota3A_105, %sign3A_110 : vector<96x96xi32>
    %sign3A_112 = arith.extui %sign3A_111 : vector<96x96xi1> to vector<96x96xi32>
    %sign3A_113 = arith.constant 0 : i32
    %sign3A_114 = vector.broadcast %sign3A_113 : i32 to vector<96x96xi32>
    %sign3A_115 = arith.cmpi slt, %iota3A_105, %sign3A_114 : vector<96x96xi32>
    %sign3A_116 = arith.extui %sign3A_115 : vector<96x96xi1> to vector<96x96xi32>
    %sign3A_117 = arith.subi %sign3A_112, %sign3A_116 : vector<96x96xi32>
    %sign3A_118 = arith.constant 0 : i32
    %sign3A_119 = arith.cmpi sgt, %jit3A_106, %sign3A_118 : i32
    %sign3A_120 = arith.extui %sign3A_119 : i1 to i32
    %sign3A_121 = arith.constant 0 : i32
    %sign3A_122 = arith.cmpi slt, %jit3A_106, %sign3A_121 : i32
    %sign3A_123 = arith.extui %sign3A_122 : i1 to i32
    %sign3A_124 = arith.subi %sign3A_120, %sign3A_123 : i32
    %ne3A_125 = vector.broadcast %sign3A_124 : i32 to vector<96x96xi32>
    %ne3A_126 = arith.cmpi ne, %sign3A_117, %ne3A_125 : vector<96x96xi32>
    %rem3A_127 = vector.broadcast %jit3A_106 : i32 to vector<96x96xi32>
    %rem3A_128 = arith.remsi %iota3A_105, %rem3A_127 : vector<96x96xi32>
    %ne3A_129 = arith.constant 0 : i32
    %ne3A_130 = vector.broadcast %ne3A_129 : i32 to vector<96x96xi32>
    %ne3A_131 = arith.cmpi ne, %rem3A_128, %ne3A_130 : vector<96x96xi32>
    %and3A_132 = arith.andi %ne3A_126, %ne3A_131 : vector<96x96xi1>
    %sub3A_133 = arith.constant 1 : i32
    %sub3A_134 = vector.broadcast %sub3A_133 : i32 to vector<96x96xi32>
    %sub3A_135 = arith.subi %div3A_108, %sub3A_134 : vector<96x96xi32>
    %select_n3A_136 = arith.select %and3A_132, %sub3A_135, %div3A_108 : vector<96x96xi1>, vector<96x96xi32>
    %jit3A_137 = arith.constant 32 : i32
    %eq3A_138 = arith.constant 0 : i32
    %eq3A_139 = arith.cmpi eq, %jit3A_137, %eq3A_138 : i32
    %jit3A_140 = arith.constant 1 : i32
    %select_n3A_141 = arith.select %eq3A_139, %jit3A_140, %jit3A_137 : i32
    %rem3A_142 = vector.broadcast %select_n3A_141 : i32 to vector<96x96xi32>
    %rem3A_143 = arith.remsi %iota3A_105, %rem3A_142 : vector<96x96xi32>
    %ne3A_144 = arith.constant 0 : i32
    %ne3A_145 = vector.broadcast %ne3A_144 : i32 to vector<96x96xi32>
    %ne3A_146 = arith.cmpi ne, %rem3A_143, %ne3A_145 : vector<96x96xi32>
    %lt3A = arith.constant 0 : i32
    %lt3A_147 = vector.broadcast %lt3A : i32 to vector<96x96xi32>
    %lt3A_148 = arith.cmpi slt, %rem3A_143, %lt3A_147 : vector<96x96xi32>
    %lt3A_149 = arith.constant 0 : i32
    %lt3A_150 = arith.cmpi slt, %select_n3A_141, %lt3A_149 : i32
    %ne3A_151 = vector.broadcast %lt3A_150 : i1 to vector<96x96xi1>
    %ne3A_152 = vector.broadcast %ne3A_151 : vector<96x96xi1> to vector<96x96xi1>
    %ne3A_153 = arith.xori %lt3A_148, %ne3A_152 : vector<96x96xi1>
    %and3A_154 = arith.andi %ne3A_153, %ne3A_146 : vector<96x96xi1>
    %add3A_155 = vector.broadcast %select_n3A_141 : i32 to vector<96x96xi32>
    %add3A_156 = arith.addi %rem3A_143, %add3A_155 : vector<96x96xi32>
    %select_n3A_157 = arith.select %and3A_154, %add3A_156, %rem3A_143 : vector<96x96xi1>, vector<96x96xi32>
    %mul3A_158 = arith.constant 32 : i32
    %mul3A_159 = vector.broadcast %mul3A_158 : i32 to vector<96x96xi32>
    %mul3A_160 = arith.muli %mul3A_159, %select_n3A_136 : vector<96x96xi32>
    %jit3A_161 = arith.constant 2 : i32
    %div3A_162 = vector.broadcast %jit3A_161 : i32 to vector<96x96xi32>
    %div3A_163 = arith.divsi %select_n3A_157, %div3A_162 : vector<96x96xi32>
    %sign3A_164 = arith.constant 0 : i32
    %sign3A_165 = vector.broadcast %sign3A_164 : i32 to vector<96x96xi32>
    %sign3A_166 = arith.cmpi sgt, %select_n3A_157, %sign3A_165 : vector<96x96xi32>
    %sign3A_167 = arith.extui %sign3A_166 : vector<96x96xi1> to vector<96x96xi32>
    %sign3A_168 = arith.constant 0 : i32
    %sign3A_169 = vector.broadcast %sign3A_168 : i32 to vector<96x96xi32>
    %sign3A_170 = arith.cmpi slt, %select_n3A_157, %sign3A_169 : vector<96x96xi32>
    %sign3A_171 = arith.extui %sign3A_170 : vector<96x96xi1> to vector<96x96xi32>
    %sign3A_172 = arith.subi %sign3A_167, %sign3A_171 : vector<96x96xi32>
    %sign3A_173 = arith.constant 0 : i32
    %sign3A_174 = arith.cmpi sgt, %jit3A_161, %sign3A_173 : i32
    %sign3A_175 = arith.extui %sign3A_174 : i1 to i32
    %sign3A_176 = arith.constant 0 : i32
    %sign3A_177 = arith.cmpi slt, %jit3A_161, %sign3A_176 : i32
    %sign3A_178 = arith.extui %sign3A_177 : i1 to i32
    %sign3A_179 = arith.subi %sign3A_175, %sign3A_178 : i32
    %ne3A_180 = vector.broadcast %sign3A_179 : i32 to vector<96x96xi32>
    %ne3A_181 = arith.cmpi ne, %sign3A_172, %ne3A_180 : vector<96x96xi32>
    %rem3A_182 = vector.broadcast %jit3A_161 : i32 to vector<96x96xi32>
    %rem3A_183 = arith.remsi %select_n3A_157, %rem3A_182 : vector<96x96xi32>
    %ne3A_184 = arith.constant 0 : i32
    %ne3A_185 = vector.broadcast %ne3A_184 : i32 to vector<96x96xi32>
    %ne3A_186 = arith.cmpi ne, %rem3A_183, %ne3A_185 : vector<96x96xi32>
    %and3A_187 = arith.andi %ne3A_181, %ne3A_186 : vector<96x96xi1>
    %sub3A_188 = arith.constant 1 : i32
    %sub3A_189 = vector.broadcast %sub3A_188 : i32 to vector<96x96xi32>
    %sub3A_190 = arith.subi %div3A_163, %sub3A_189 : vector<96x96xi32>
    %select_n3A_191 = arith.select %and3A_187, %sub3A_190, %div3A_163 : vector<96x96xi1>, vector<96x96xi32>
    %add3A_192 = arith.addi %mul3A_160, %select_n3A_191 : vector<96x96xi32>
    %jit3A_193 = arith.constant 2 : i32
    %eq3A_194 = arith.constant 0 : i32
    %eq3A_195 = arith.cmpi eq, %jit3A_193, %eq3A_194 : i32
    %jit3A_196 = arith.constant 1 : i32
    %select_n3A_197 = arith.select %eq3A_195, %jit3A_196, %jit3A_193 : i32
    %rem3A_198 = vector.broadcast %select_n3A_197 : i32 to vector<96x96xi32>
    %rem3A_199 = arith.remsi %select_n3A_157, %rem3A_198 : vector<96x96xi32>
    %ne3A_200 = arith.constant 0 : i32
    %ne3A_201 = vector.broadcast %ne3A_200 : i32 to vector<96x96xi32>
    %ne3A_202 = arith.cmpi ne, %rem3A_199, %ne3A_201 : vector<96x96xi32>
    %lt3A_203 = arith.constant 0 : i32
    %lt3A_204 = vector.broadcast %lt3A_203 : i32 to vector<96x96xi32>
    %lt3A_205 = arith.cmpi slt, %rem3A_199, %lt3A_204 : vector<96x96xi32>
    %lt3A_206 = arith.constant 0 : i32
    %lt3A_207 = arith.cmpi slt, %select_n3A_197, %lt3A_206 : i32
    %ne3A_208 = vector.broadcast %lt3A_207 : i1 to vector<96x96xi1>
    %ne3A_209 = vector.broadcast %ne3A_208 : vector<96x96xi1> to vector<96x96xi1>
    %ne3A_210 = arith.xori %lt3A_205, %ne3A_209 : vector<96x96xi1>
    %and3A_211 = arith.andi %ne3A_210, %ne3A_202 : vector<96x96xi1>
    %add3A_212 = vector.broadcast %select_n3A_197 : i32 to vector<96x96xi32>
    %add3A_213 = arith.addi %rem3A_199, %add3A_212 : vector<96x96xi32>
    %select_n3A_214 = arith.select %and3A_211, %add3A_213, %rem3A_199 : vector<96x96xi1>, vector<96x96xi32>
    %mul3A_215 = arith.constant 16 : i32
    %mul3A_216 = vector.broadcast %mul3A_215 : i32 to vector<96x96xi32>
    %mul3A_217 = arith.muli %mul3A_216, %select_n3A_214 : vector<96x96xi32>
    %add3A_218 = arith.addi %add3A_192, %mul3A_217 : vector<96x96xi32>
    %eq3A_219 = arith.cmpi eq, %iota3A_104, %add3A_218 : vector<96x96xi32>
    %convert_element_type3A_220 = arith.extui %eq3A_219 : vector<96x96xi1> to vector<96x96xi32>
    %convert_element_type3A_221 = arith.sitofp %convert_element_type3A_220 : vector<96x96xi32> to vector<96x96xf32>
    %dot_general3A_222 = arith.constant dense<0.000000e+00> : vector<10240x96xf32>
    %dot_general3A_223 = tpu.matmul %concatenate3A_103, %convert_element_type3A_221, %dot_general3A_222 {dimension_numbers = #tpu.dot_dimension_numbers<[1], [0], [0], [1], [0, 0, 1, 1], [], []>, transpose_lhs_hint = false} : vector<10240x96xf32>, vector<96x96xf32>, vector<10240x96xf32> -> vector<10240x96xf32>
    %convert_element_type3A_224 = arith.truncf %dot_general3A_223 : vector<10240x96xf32> to vector<10240x96xbf16>
    %swap3A_225 = arith.constant 0 : index
    %swap3A_226 = arith.constant 0 : index
    %swap3A_227 = vector.load %arg7[%swap3A_225, %swap3A_226] : memref<10240x96xbf16, #tpu.memory_space<vmem>>, vector<10240x96xbf16>
    tpu.vector_store %arg7[%swap3A_225, %swap3A_226], %convert_element_type3A_224 {strides = array<i32>} : memref<10240x96xbf16, #tpu.memory_space<vmem>>, vector<10240x96xbf16>,
    %swap3A_228 = arith.constant 0 : index
    %swap3A_229 = arith.constant 0 : index
    %swap3A_230 = vector.load %arg8[%swap3A_228, %swap3A_229] : memref<10240x16xf32, #tpu.memory_space<vmem>>, vector<10240x16xf32>
    tpu.vector_store %arg8[%swap3A_228, %swap3A_229], %concatenate3A_102 {strides = array<i32>} : memref<10240x16xf32, #tpu.memory_space<vmem>>, vector<10240x16xf32>,
    return
  }
}

module attributes {stable_mosaic.version = 14 : i64} {
  func.func @_mid_body(%arg0: memref<2x10240x96xf32, #tpu.memory_space<vmem>>, %arg1: memref<1x80xf32, #tpu.memory_space<vmem>>, %arg2: memref<80x80xf32, #tpu.memory_space<vmem>>, %arg3: memref<1x80xf32, #tpu.memory_space<vmem>>, %arg4: memref<1x80xf32, #tpu.memory_space<vmem>>, %arg5: memref<10240x96xbf16, #tpu.memory_space<vmem>>, %arg6: memref<10240x16xf32, #tpu.memory_space<vmem>>) attributes {dimension_semantics = [], scalar_prefetch = 0 : i64, scratch_operands = 0 : i64, tpu.core_type = #tpu.core_type<tc>} {
    %get3A = arith.constant 0 : index
    %get3A_0 = arith.constant 0 : index
    %get3A_1 = arith.constant 0 : index
    %get3A_2 = vector.load %arg0[%get3A, %get3A_0, %get3A_1] : memref<2x10240x96xf32, #tpu.memory_space<vmem>>, vector<1x10240x96xf32>
    %get3A_3 = vector.shape_cast %get3A_2 : vector<1x10240x96xf32> to vector<10240x96xf32>
    %get3A_4 = arith.constant 1 : index
    %get3A_5 = arith.constant 0 : index
    %get3A_6 = arith.constant 0 : index
    %get3A_7 = vector.load %arg0[%get3A_4, %get3A_5, %get3A_6] : memref<2x10240x96xf32, #tpu.memory_space<vmem>>, vector<1x10240x96xf32>
    %get3A_8 = vector.shape_cast %get3A_7 : vector<1x10240x96xf32> to vector<10240x96xf32>
    %add3A = arith.addf %get3A_3, %get3A_8 : vector<10240x96xf32>
    %slice3A = vector.extract_strided_slice %add3A {offsets = [0, 0], sizes = [10240, 80], strides = [1, 1]} : vector<10240x96xf32> to vector<10240x80xf32>
    %slice3A_9 = vector.extract_strided_slice %add3A {offsets = [0, 80], sizes = [10240, 5], strides = [1, 1]} : vector<10240x96xf32> to vector<10240x5xf32>
    %iota3A = tpu.iota {dimensions = array<i32: 0>} : vector<5x80xi32>
    %iota3A_10 = tpu.iota {dimensions = array<i32: 1>} : vector<5x80xi32>
    %jit3A = arith.constant 16 : i32
    %div3A = vector.broadcast %jit3A : i32 to vector<5x80xi32>
    %div3A_11 = arith.divsi %iota3A_10, %div3A : vector<5x80xi32>
    %sign3A = arith.constant 0 : i32
    %sign3A_12 = vector.broadcast %sign3A : i32 to vector<5x80xi32>
    %sign3A_13 = arith.cmpi sgt, %iota3A_10, %sign3A_12 : vector<5x80xi32>
    %sign3A_14 = arith.extui %sign3A_13 : vector<5x80xi1> to vector<5x80xi32>
    %sign3A_15 = arith.constant 0 : i32
    %sign3A_16 = vector.broadcast %sign3A_15 : i32 to vector<5x80xi32>
    %sign3A_17 = arith.cmpi slt, %iota3A_10, %sign3A_16 : vector<5x80xi32>
    %sign3A_18 = arith.extui %sign3A_17 : vector<5x80xi1> to vector<5x80xi32>
    %sign3A_19 = arith.subi %sign3A_14, %sign3A_18 : vector<5x80xi32>
    %sign3A_20 = arith.constant 0 : i32
    %sign3A_21 = arith.cmpi sgt, %jit3A, %sign3A_20 : i32
    %sign3A_22 = arith.extui %sign3A_21 : i1 to i32
    %sign3A_23 = arith.constant 0 : i32
    %sign3A_24 = arith.cmpi slt, %jit3A, %sign3A_23 : i32
    %sign3A_25 = arith.extui %sign3A_24 : i1 to i32
    %sign3A_26 = arith.subi %sign3A_22, %sign3A_25 : i32
    %ne3A = vector.broadcast %sign3A_26 : i32 to vector<5x80xi32>
    %ne3A_27 = arith.cmpi ne, %sign3A_19, %ne3A : vector<5x80xi32>
    %rem3A = vector.broadcast %jit3A : i32 to vector<5x80xi32>
    %rem3A_28 = arith.remsi %iota3A_10, %rem3A : vector<5x80xi32>
    %ne3A_29 = arith.constant 0 : i32
    %ne3A_30 = vector.broadcast %ne3A_29 : i32 to vector<5x80xi32>
    %ne3A_31 = arith.cmpi ne, %rem3A_28, %ne3A_30 : vector<5x80xi32>
    %and3A = arith.andi %ne3A_27, %ne3A_31 : vector<5x80xi1>
    %sub3A = arith.constant 1 : i32
    %sub3A_32 = vector.broadcast %sub3A : i32 to vector<5x80xi32>
    %sub3A_33 = arith.subi %div3A_11, %sub3A_32 : vector<5x80xi32>
    %select_n3A = arith.select %and3A, %sub3A_33, %div3A_11 : vector<5x80xi1>, vector<5x80xi32>
    %eq3A = arith.cmpi eq, %select_n3A, %iota3A : vector<5x80xi32>
    %convert_element_type3A = arith.extui %eq3A : vector<5x80xi1> to vector<5x80xi32>
    %convert_element_type3A_34 = arith.sitofp %convert_element_type3A : vector<5x80xi32> to vector<5x80xf32>
    %dot_general3A = arith.constant dense<0.000000e+00> : vector<10240x80xf32>
    %dot_general3A_35 = tpu.matmul %slice3A_9, %convert_element_type3A_34, %dot_general3A {dimension_numbers = #tpu.dot_dimension_numbers<[1], [0], [0], [1], [0, 0, 1, 1], [], []>, transpose_lhs_hint = false} : vector<10240x5xf32>, vector<5x80xf32>, vector<10240x80xf32> -> vector<10240x80xf32>
    %add3A_36 = arith.constant 1.000000e-16 : f32
    %add3A_37 = vector.broadcast %add3A_36 : f32 to vector<10240x80xf32>
    %add3A_38 = arith.addf %dot_general3A_35, %add3A_37 : vector<10240x80xf32>
    %div3A_39 = arith.divf %slice3A, %add3A_38 : vector<10240x80xf32>
    %get3A_40 = arith.constant 0 : index
    %get3A_41 = arith.constant 0 : index
    %get3A_42 = vector.load %arg1[%get3A_40, %get3A_41] : memref<1x80xf32, #tpu.memory_space<vmem>>, vector<1x80xf32>
    %add3A_43 = vector.broadcast %get3A_42 : vector<1x80xf32> to vector<10240x80xf32>
    %add3A_44 = arith.addf %div3A_39, %add3A_43 : vector<10240x80xf32>
    %gt3A = arith.constant 0.000000e+00 : f32
    %gt3A_45 = vector.broadcast %gt3A : f32 to vector<10240x80xf32>
    %gt3A_46 = arith.cmpf ogt, %add3A_44, %gt3A_45 : vector<10240x80xf32>
    %min3A = arith.constant 0.000000e+00 : f32
    %min3A_47 = vector.broadcast %min3A : f32 to vector<10240x80xf32>
    %min3A_48 = arith.minimumf %add3A_44, %min3A_47 : vector<10240x80xf32>
    %exp3A = math.exp %min3A_48 : vector<10240x80xf32>
    %sub3A_49 = arith.constant 1.000000e+00 : f32
    %sub3A_50 = vector.broadcast %sub3A_49 : f32 to vector<10240x80xf32>
    %sub3A_51 = arith.subf %exp3A, %sub3A_50 : vector<10240x80xf32>
    %select_n3A_52 = arith.select %gt3A_46, %add3A_44, %sub3A_51 : vector<10240x80xi1>, vector<10240x80xf32>
    %get3A_53 = arith.constant 0 : index
    %get3A_54 = arith.constant 0 : index
    %get3A_55 = vector.load %arg2[%get3A_53, %get3A_54] : memref<80x80xf32, #tpu.memory_space<vmem>>, vector<80x80xf32>
    %dot_general3A_56 = arith.constant dense<0.000000e+00> : vector<10240x80xf32>
    %dot_general3A_57 = tpu.matmul %select_n3A_52, %get3A_55, %dot_general3A_56 {dimension_numbers = #tpu.dot_dimension_numbers<[1], [0], [0], [1], [0, 0, 1, 1], [], []>, transpose_lhs_hint = false} : vector<10240x80xf32>, vector<80x80xf32>, vector<10240x80xf32> -> vector<10240x80xf32>
    %get3A_58 = arith.constant 0 : index
    %get3A_59 = arith.constant 0 : index
    %get3A_60 = vector.load %arg3[%get3A_58, %get3A_59] : memref<1x80xf32, #tpu.memory_space<vmem>>, vector<1x80xf32>
    %squeeze3A = vector.shape_cast %get3A_60 : vector<1x80xf32> to vector<80xf32>
    %get3A_61 = arith.constant 0 : index
    %get3A_62 = arith.constant 0 : index
    %get3A_63 = vector.load %arg4[%get3A_61, %get3A_62] : memref<1x80xf32, #tpu.memory_space<vmem>>, vector<1x80xf32>
    %squeeze3A_64 = vector.shape_cast %get3A_63 : vector<1x80xf32> to vector<80xf32>
    %iota3A_65 = tpu.iota {dimensions = array<i32: 0>} : vector<80x5xi32>
    %iota3A_66 = tpu.iota {dimensions = array<i32: 1>} : vector<80x5xi32>
    %jit3A_67 = arith.constant 16 : i32
    %div3A_68 = vector.broadcast %jit3A_67 : i32 to vector<80x5xi32>
    %div3A_69 = arith.divsi %iota3A_65, %div3A_68 : vector<80x5xi32>
    %sign3A_70 = arith.constant 0 : i32
    %sign3A_71 = vector.broadcast %sign3A_70 : i32 to vector<80x5xi32>
    %sign3A_72 = arith.cmpi sgt, %iota3A_65, %sign3A_71 : vector<80x5xi32>
    %sign3A_73 = arith.extui %sign3A_72 : vector<80x5xi1> to vector<80x5xi32>
    %sign3A_74 = arith.constant 0 : i32
    %sign3A_75 = vector.broadcast %sign3A_74 : i32 to vector<80x5xi32>
    %sign3A_76 = arith.cmpi slt, %iota3A_65, %sign3A_75 : vector<80x5xi32>
    %sign3A_77 = arith.extui %sign3A_76 : vector<80x5xi1> to vector<80x5xi32>
    %sign3A_78 = arith.subi %sign3A_73, %sign3A_77 : vector<80x5xi32>
    %sign3A_79 = arith.constant 0 : i32
    %sign3A_80 = arith.cmpi sgt, %jit3A_67, %sign3A_79 : i32
    %sign3A_81 = arith.extui %sign3A_80 : i1 to i32
    %sign3A_82 = arith.constant 0 : i32
    %sign3A_83 = arith.cmpi slt, %jit3A_67, %sign3A_82 : i32
    %sign3A_84 = arith.extui %sign3A_83 : i1 to i32
    %sign3A_85 = arith.subi %sign3A_81, %sign3A_84 : i32
    %ne3A_86 = vector.broadcast %sign3A_85 : i32 to vector<80x5xi32>
    %ne3A_87 = arith.cmpi ne, %sign3A_78, %ne3A_86 : vector<80x5xi32>
    %rem3A_88 = vector.broadcast %jit3A_67 : i32 to vector<80x5xi32>
    %rem3A_89 = arith.remsi %iota3A_65, %rem3A_88 : vector<80x5xi32>
    %ne3A_90 = arith.constant 0 : i32
    %ne3A_91 = vector.broadcast %ne3A_90 : i32 to vector<80x5xi32>
    %ne3A_92 = arith.cmpi ne, %rem3A_89, %ne3A_91 : vector<80x5xi32>
    %and3A_93 = arith.andi %ne3A_87, %ne3A_92 : vector<80x5xi1>
    %sub3A_94 = arith.constant 1 : i32
    %sub3A_95 = vector.broadcast %sub3A_94 : i32 to vector<80x5xi32>
    %sub3A_96 = arith.subi %div3A_69, %sub3A_95 : vector<80x5xi32>
    %select_n3A_97 = arith.select %and3A_93, %sub3A_96, %div3A_69 : vector<80x5xi1>, vector<80x5xi32>
    %eq3A_98 = arith.cmpi eq, %select_n3A_97, %iota3A_66 : vector<80x5xi32>
    %convert_element_type3A_99 = arith.extui %eq3A_98 : vector<80x5xi1> to vector<80x5xi32>
    %convert_element_type3A_100 = arith.sitofp %convert_element_type3A_99 : vector<80x5xi32> to vector<80x5xf32>
    %broadcast_in_dim3A = vector.shape_cast %squeeze3A : vector<80xf32> to vector<80x1xf32>
    %mul3A = vector.broadcast %broadcast_in_dim3A : vector<80x1xf32> to vector<80x5xf32>
    %mul3A_101 = arith.mulf %mul3A, %convert_element_type3A_100 : vector<80x5xf32>
    %dot_general3A_102 = arith.constant dense<0.000000e+00> : vector<10240x5xf32>
    %dot_general3A_103 = tpu.matmul %dot_general3A_57, %mul3A_101, %dot_general3A_102 {dimension_numbers = #tpu.dot_dimension_numbers<[1], [0], [0], [1], [0, 0, 1, 1], [], []>, transpose_lhs_hint = false} : vector<10240x80xf32>, vector<80x5xf32>, vector<10240x5xf32> -> vector<10240x5xf32>
    %iota3A_104 = tpu.iota {dimensions = array<i32: 0>} : vector<80x5xi32>
    %iota3A_105 = tpu.iota {dimensions = array<i32: 1>} : vector<80x5xi32>
    %jit3A_106 = arith.constant 16 : i32
    %div3A_107 = vector.broadcast %jit3A_106 : i32 to vector<80x5xi32>
    %div3A_108 = arith.divsi %iota3A_104, %div3A_107 : vector<80x5xi32>
    %sign3A_109 = arith.constant 0 : i32
    %sign3A_110 = vector.broadcast %sign3A_109 : i32 to vector<80x5xi32>
    %sign3A_111 = arith.cmpi sgt, %iota3A_104, %sign3A_110 : vector<80x5xi32>
    %sign3A_112 = arith.extui %sign3A_111 : vector<80x5xi1> to vector<80x5xi32>
    %sign3A_113 = arith.constant 0 : i32
    %sign3A_114 = vector.broadcast %sign3A_113 : i32 to vector<80x5xi32>
    %sign3A_115 = arith.cmpi slt, %iota3A_104, %sign3A_114 : vector<80x5xi32>
    %sign3A_116 = arith.extui %sign3A_115 : vector<80x5xi1> to vector<80x5xi32>
    %sign3A_117 = arith.subi %sign3A_112, %sign3A_116 : vector<80x5xi32>
    %sign3A_118 = arith.constant 0 : i32
    %sign3A_119 = arith.cmpi sgt, %jit3A_106, %sign3A_118 : i32
    %sign3A_120 = arith.extui %sign3A_119 : i1 to i32
    %sign3A_121 = arith.constant 0 : i32
    %sign3A_122 = arith.cmpi slt, %jit3A_106, %sign3A_121 : i32
    %sign3A_123 = arith.extui %sign3A_122 : i1 to i32
    %sign3A_124 = arith.subi %sign3A_120, %sign3A_123 : i32
    %ne3A_125 = vector.broadcast %sign3A_124 : i32 to vector<80x5xi32>
    %ne3A_126 = arith.cmpi ne, %sign3A_117, %ne3A_125 : vector<80x5xi32>
    %rem3A_127 = vector.broadcast %jit3A_106 : i32 to vector<80x5xi32>
    %rem3A_128 = arith.remsi %iota3A_104, %rem3A_127 : vector<80x5xi32>
    %ne3A_129 = arith.constant 0 : i32
    %ne3A_130 = vector.broadcast %ne3A_129 : i32 to vector<80x5xi32>
    %ne3A_131 = arith.cmpi ne, %rem3A_128, %ne3A_130 : vector<80x5xi32>
    %and3A_132 = arith.andi %ne3A_126, %ne3A_131 : vector<80x5xi1>
    %sub3A_133 = arith.constant 1 : i32
    %sub3A_134 = vector.broadcast %sub3A_133 : i32 to vector<80x5xi32>
    %sub3A_135 = arith.subi %div3A_108, %sub3A_134 : vector<80x5xi32>
    %select_n3A_136 = arith.select %and3A_132, %sub3A_135, %div3A_108 : vector<80x5xi1>, vector<80x5xi32>
    %eq3A_137 = arith.cmpi eq, %select_n3A_136, %iota3A_105 : vector<80x5xi32>
    %convert_element_type3A_138 = arith.extui %eq3A_137 : vector<80x5xi1> to vector<80x5xi32>
    %convert_element_type3A_139 = arith.sitofp %convert_element_type3A_138 : vector<80x5xi32> to vector<80x5xf32>
    %broadcast_in_dim3A_140 = vector.shape_cast %squeeze3A_64 : vector<80xf32> to vector<80x1xf32>
    %mul3A_141 = vector.broadcast %broadcast_in_dim3A_140 : vector<80x1xf32> to vector<80x5xf32>
    %mul3A_142 = arith.mulf %mul3A_141, %convert_element_type3A_139 : vector<80x5xf32>
    %dot_general3A_143 = arith.constant dense<0.000000e+00> : vector<10240x5xf32>
    %dot_general3A_144 = tpu.matmul %dot_general3A_57, %mul3A_142, %dot_general3A_143 {dimension_numbers = #tpu.dot_dimension_numbers<[1], [0], [0], [1], [0, 0, 1, 1], [], []>, transpose_lhs_hint = false} : vector<10240x80xf32>, vector<80x5xf32>, vector<10240x5xf32> -> vector<10240x5xf32>
    %reduce_max3A = arith.constant dense<0xFF800000> : vector<5xf32>
    %reduce_max3A_145 = vector.multi_reduction <maximumf>, %dot_general3A_103, %reduce_max3A [0] : vector<10240x5xf32> to vector<5xf32>
    %broadcast_in_dim3A_146 = vector.shape_cast %reduce_max3A_145 : vector<5xf32> to vector<1x5xf32>
    %add3A_147 = vector.broadcast %broadcast_in_dim3A_146 : vector<1x5xf32> to vector<10240x5xf32>
    %add3A_148 = arith.addf %add3A_147, %dot_general3A_144 : vector<10240x5xf32>
    %mul3A_149 = arith.constant 2.000000e-01 : f32
    %mul3A_150 = vector.broadcast %mul3A_149 : f32 to vector<10240x5xf32>
    %mul3A_151 = arith.mulf %mul3A_150, %add3A_148 : vector<10240x5xf32>
    %max3A = arith.maximumf %add3A_148, %mul3A_151 : vector<10240x5xf32>
    %broadcast_in_dim3A_152 = arith.constant 0.000000e+00 : f32
    %broadcast_in_dim3A_153 = vector.broadcast %broadcast_in_dim3A_152 : f32 to vector<10240x3xf32>
    %concatenate3A = tpu.concatenate %dot_general3A_103, %broadcast_in_dim3A_153, %dot_general3A_103, %broadcast_in_dim3A_153 in 1 : vector<10240x5xf32>, vector<10240x3xf32>, vector<10240x5xf32>, vector<10240x3xf32> -> vector<10240x16xf32>
    %concatenate3A_154 = tpu.concatenate %dot_general3A_144, %broadcast_in_dim3A_153, %max3A, %broadcast_in_dim3A_153 in 1 : vector<10240x5xf32>, vector<10240x3xf32>, vector<10240x5xf32>, vector<10240x3xf32> -> vector<10240x16xf32>
    %concatenate3A_155 = tpu.concatenate %dot_general3A_57, %concatenate3A in 1 : vector<10240x80xf32>, vector<10240x16xf32> -> vector<10240x96xf32>
    %iota3A_156 = tpu.iota {dimensions = array<i32: 0>} : vector<96x96xi32>
    %iota3A_157 = tpu.iota {dimensions = array<i32: 1>} : vector<96x96xi32>
    %jit3A_158 = arith.constant 32 : i32
    %div3A_159 = vector.broadcast %jit3A_158 : i32 to vector<96x96xi32>
    %div3A_160 = arith.divsi %iota3A_157, %div3A_159 : vector<96x96xi32>
    %sign3A_161 = arith.constant 0 : i32
    %sign3A_162 = vector.broadcast %sign3A_161 : i32 to vector<96x96xi32>
    %sign3A_163 = arith.cmpi sgt, %iota3A_157, %sign3A_162 : vector<96x96xi32>
    %sign3A_164 = arith.extui %sign3A_163 : vector<96x96xi1> to vector<96x96xi32>
    %sign3A_165 = arith.constant 0 : i32
    %sign3A_166 = vector.broadcast %sign3A_165 : i32 to vector<96x96xi32>
    %sign3A_167 = arith.cmpi slt, %iota3A_157, %sign3A_166 : vector<96x96xi32>
    %sign3A_168 = arith.extui %sign3A_167 : vector<96x96xi1> to vector<96x96xi32>
    %sign3A_169 = arith.subi %sign3A_164, %sign3A_168 : vector<96x96xi32>
    %sign3A_170 = arith.constant 0 : i32
    %sign3A_171 = arith.cmpi sgt, %jit3A_158, %sign3A_170 : i32
    %sign3A_172 = arith.extui %sign3A_171 : i1 to i32
    %sign3A_173 = arith.constant 0 : i32
    %sign3A_174 = arith.cmpi slt, %jit3A_158, %sign3A_173 : i32
    %sign3A_175 = arith.extui %sign3A_174 : i1 to i32
    %sign3A_176 = arith.subi %sign3A_172, %sign3A_175 : i32
    %ne3A_177 = vector.broadcast %sign3A_176 : i32 to vector<96x96xi32>
    %ne3A_178 = arith.cmpi ne, %sign3A_169, %ne3A_177 : vector<96x96xi32>
    %rem3A_179 = vector.broadcast %jit3A_158 : i32 to vector<96x96xi32>
    %rem3A_180 = arith.remsi %iota3A_157, %rem3A_179 : vector<96x96xi32>
    %ne3A_181 = arith.constant 0 : i32
    %ne3A_182 = vector.broadcast %ne3A_181 : i32 to vector<96x96xi32>
    %ne3A_183 = arith.cmpi ne, %rem3A_180, %ne3A_182 : vector<96x96xi32>
    %and3A_184 = arith.andi %ne3A_178, %ne3A_183 : vector<96x96xi1>
    %sub3A_185 = arith.constant 1 : i32
    %sub3A_186 = vector.broadcast %sub3A_185 : i32 to vector<96x96xi32>
    %sub3A_187 = arith.subi %div3A_160, %sub3A_186 : vector<96x96xi32>
    %select_n3A_188 = arith.select %and3A_184, %sub3A_187, %div3A_160 : vector<96x96xi1>, vector<96x96xi32>
    %jit3A_189 = arith.constant 32 : i32
    %eq3A_190 = arith.constant 0 : i32
    %eq3A_191 = arith.cmpi eq, %jit3A_189, %eq3A_190 : i32
    %jit3A_192 = arith.constant 1 : i32
    %select_n3A_193 = arith.select %eq3A_191, %jit3A_192, %jit3A_189 : i32
    %rem3A_194 = vector.broadcast %select_n3A_193 : i32 to vector<96x96xi32>
    %rem3A_195 = arith.remsi %iota3A_157, %rem3A_194 : vector<96x96xi32>
    %ne3A_196 = arith.constant 0 : i32
    %ne3A_197 = vector.broadcast %ne3A_196 : i32 to vector<96x96xi32>
    %ne3A_198 = arith.cmpi ne, %rem3A_195, %ne3A_197 : vector<96x96xi32>
    %lt3A = arith.constant 0 : i32
    %lt3A_199 = vector.broadcast %lt3A : i32 to vector<96x96xi32>
    %lt3A_200 = arith.cmpi slt, %rem3A_195, %lt3A_199 : vector<96x96xi32>
    %lt3A_201 = arith.constant 0 : i32
    %lt3A_202 = arith.cmpi slt, %select_n3A_193, %lt3A_201 : i32
    %ne3A_203 = vector.broadcast %lt3A_202 : i1 to vector<96x96xi1>
    %ne3A_204 = vector.broadcast %ne3A_203 : vector<96x96xi1> to vector<96x96xi1>
    %ne3A_205 = arith.xori %lt3A_200, %ne3A_204 : vector<96x96xi1>
    %and3A_206 = arith.andi %ne3A_205, %ne3A_198 : vector<96x96xi1>
    %add3A_207 = vector.broadcast %select_n3A_193 : i32 to vector<96x96xi32>
    %add3A_208 = arith.addi %rem3A_195, %add3A_207 : vector<96x96xi32>
    %select_n3A_209 = arith.select %and3A_206, %add3A_208, %rem3A_195 : vector<96x96xi1>, vector<96x96xi32>
    %mul3A_210 = arith.constant 32 : i32
    %mul3A_211 = vector.broadcast %mul3A_210 : i32 to vector<96x96xi32>
    %mul3A_212 = arith.muli %mul3A_211, %select_n3A_188 : vector<96x96xi32>
    %jit3A_213 = arith.constant 2 : i32
    %div3A_214 = vector.broadcast %jit3A_213 : i32 to vector<96x96xi32>
    %div3A_215 = arith.divsi %select_n3A_209, %div3A_214 : vector<96x96xi32>
    %sign3A_216 = arith.constant 0 : i32
    %sign3A_217 = vector.broadcast %sign3A_216 : i32 to vector<96x96xi32>
    %sign3A_218 = arith.cmpi sgt, %select_n3A_209, %sign3A_217 : vector<96x96xi32>
    %sign3A_219 = arith.extui %sign3A_218 : vector<96x96xi1> to vector<96x96xi32>
    %sign3A_220 = arith.constant 0 : i32
    %sign3A_221 = vector.broadcast %sign3A_220 : i32 to vector<96x96xi32>
    %sign3A_222 = arith.cmpi slt, %select_n3A_209, %sign3A_221 : vector<96x96xi32>
    %sign3A_223 = arith.extui %sign3A_222 : vector<96x96xi1> to vector<96x96xi32>
    %sign3A_224 = arith.subi %sign3A_219, %sign3A_223 : vector<96x96xi32>
    %sign3A_225 = arith.constant 0 : i32
    %sign3A_226 = arith.cmpi sgt, %jit3A_213, %sign3A_225 : i32
    %sign3A_227 = arith.extui %sign3A_226 : i1 to i32
    %sign3A_228 = arith.constant 0 : i32
    %sign3A_229 = arith.cmpi slt, %jit3A_213, %sign3A_228 : i32
    %sign3A_230 = arith.extui %sign3A_229 : i1 to i32
    %sign3A_231 = arith.subi %sign3A_227, %sign3A_230 : i32
    %ne3A_232 = vector.broadcast %sign3A_231 : i32 to vector<96x96xi32>
    %ne3A_233 = arith.cmpi ne, %sign3A_224, %ne3A_232 : vector<96x96xi32>
    %rem3A_234 = vector.broadcast %jit3A_213 : i32 to vector<96x96xi32>
    %rem3A_235 = arith.remsi %select_n3A_209, %rem3A_234 : vector<96x96xi32>
    %ne3A_236 = arith.constant 0 : i32
    %ne3A_237 = vector.broadcast %ne3A_236 : i32 to vector<96x96xi32>
    %ne3A_238 = arith.cmpi ne, %rem3A_235, %ne3A_237 : vector<96x96xi32>
    %and3A_239 = arith.andi %ne3A_233, %ne3A_238 : vector<96x96xi1>
    %sub3A_240 = arith.constant 1 : i32
    %sub3A_241 = vector.broadcast %sub3A_240 : i32 to vector<96x96xi32>
    %sub3A_242 = arith.subi %div3A_215, %sub3A_241 : vector<96x96xi32>
    %select_n3A_243 = arith.select %and3A_239, %sub3A_242, %div3A_215 : vector<96x96xi1>, vector<96x96xi32>
    %add3A_244 = arith.addi %mul3A_212, %select_n3A_243 : vector<96x96xi32>
    %jit3A_245 = arith.constant 2 : i32
    %eq3A_246 = arith.constant 0 : i32
    %eq3A_247 = arith.cmpi eq, %jit3A_245, %eq3A_246 : i32
    %jit3A_248 = arith.constant 1 : i32
    %select_n3A_249 = arith.select %eq3A_247, %jit3A_248, %jit3A_245 : i32
    %rem3A_250 = vector.broadcast %select_n3A_249 : i32 to vector<96x96xi32>
    %rem3A_251 = arith.remsi %select_n3A_209, %rem3A_250 : vector<96x96xi32>
    %ne3A_252 = arith.constant 0 : i32
    %ne3A_253 = vector.broadcast %ne3A_252 : i32 to vector<96x96xi32>
    %ne3A_254 = arith.cmpi ne, %rem3A_251, %ne3A_253 : vector<96x96xi32>
    %lt3A_255 = arith.constant 0 : i32
    %lt3A_256 = vector.broadcast %lt3A_255 : i32 to vector<96x96xi32>
    %lt3A_257 = arith.cmpi slt, %rem3A_251, %lt3A_256 : vector<96x96xi32>
    %lt3A_258 = arith.constant 0 : i32
    %lt3A_259 = arith.cmpi slt, %select_n3A_249, %lt3A_258 : i32
    %ne3A_260 = vector.broadcast %lt3A_259 : i1 to vector<96x96xi1>
    %ne3A_261 = vector.broadcast %ne3A_260 : vector<96x96xi1> to vector<96x96xi1>
    %ne3A_262 = arith.xori %lt3A_257, %ne3A_261 : vector<96x96xi1>
    %and3A_263 = arith.andi %ne3A_262, %ne3A_254 : vector<96x96xi1>
    %add3A_264 = vector.broadcast %select_n3A_249 : i32 to vector<96x96xi32>
    %add3A_265 = arith.addi %rem3A_251, %add3A_264 : vector<96x96xi32>
    %select_n3A_266 = arith.select %and3A_263, %add3A_265, %rem3A_251 : vector<96x96xi1>, vector<96x96xi32>
    %mul3A_267 = arith.constant 16 : i32
    %mul3A_268 = vector.broadcast %mul3A_267 : i32 to vector<96x96xi32>
    %mul3A_269 = arith.muli %mul3A_268, %select_n3A_266 : vector<96x96xi32>
    %add3A_270 = arith.addi %add3A_244, %mul3A_269 : vector<96x96xi32>
    %eq3A_271 = arith.cmpi eq, %iota3A_156, %add3A_270 : vector<96x96xi32>
    %convert_element_type3A_272 = arith.extui %eq3A_271 : vector<96x96xi1> to vector<96x96xi32>
    %convert_element_type3A_273 = arith.sitofp %convert_element_type3A_272 : vector<96x96xi32> to vector<96x96xf32>
    %dot_general3A_274 = arith.constant dense<0.000000e+00> : vector<10240x96xf32>
    %dot_general3A_275 = tpu.matmul %concatenate3A_155, %convert_element_type3A_273, %dot_general3A_274 {dimension_numbers = #tpu.dot_dimension_numbers<[1], [0], [0], [1], [0, 0, 1, 1], [], []>, transpose_lhs_hint = false} : vector<10240x96xf32>, vector<96x96xf32>, vector<10240x96xf32> -> vector<10240x96xf32>
    %convert_element_type3A_276 = arith.truncf %dot_general3A_275 : vector<10240x96xf32> to vector<10240x96xbf16>
    %swap3A = arith.constant 0 : index
    %swap3A_277 = arith.constant 0 : index
    %swap3A_278 = vector.load %arg5[%swap3A, %swap3A_277] : memref<10240x96xbf16, #tpu.memory_space<vmem>>, vector<10240x96xbf16>
    tpu.vector_store %arg5[%swap3A, %swap3A_277], %convert_element_type3A_276 {strides = array<i32>} : memref<10240x96xbf16, #tpu.memory_space<vmem>>, vector<10240x96xbf16>,
    %swap3A_279 = arith.constant 0 : index
    %swap3A_280 = arith.constant 0 : index
    %swap3A_281 = vector.load %arg6[%swap3A_279, %swap3A_280] : memref<10240x16xf32, #tpu.memory_space<vmem>>, vector<10240x16xf32>
    tpu.vector_store %arg6[%swap3A_279, %swap3A_280], %concatenate3A_154 {strides = array<i32>} : memref<10240x16xf32, #tpu.memory_space<vmem>>, vector<10240x16xf32>,
    return
  }
}

module attributes {stable_mosaic.version = 14 : i64} {
  func.func @_post_body(%arg0: memref<2x10240x96xf32, #tpu.memory_space<vmem>>, %arg1: memref<1x16xf32, #tpu.memory_space<vmem>>, %arg2: memref<10240x16xf32, #tpu.memory_space<vmem>>) attributes {dimension_semantics = [], scalar_prefetch = 0 : i64, scratch_operands = 0 : i64, tpu.core_type = #tpu.core_type<tc>} {
    %get3A = arith.constant 0 : index
    %get3A_0 = arith.constant 0 : index
    %get3A_1 = arith.constant 0 : index
    %get3A_2 = vector.load %arg0[%get3A, %get3A_0, %get3A_1] : memref<2x10240x96xf32, #tpu.memory_space<vmem>>, vector<1x10240x96xf32>
    %get3A_3 = vector.shape_cast %get3A_2 : vector<1x10240x96xf32> to vector<10240x96xf32>
    %get3A_4 = arith.constant 1 : index
    %get3A_5 = arith.constant 0 : index
    %get3A_6 = arith.constant 0 : index
    %get3A_7 = vector.load %arg0[%get3A_4, %get3A_5, %get3A_6] : memref<2x10240x96xf32, #tpu.memory_space<vmem>>, vector<1x10240x96xf32>
    %get3A_8 = vector.shape_cast %get3A_7 : vector<1x10240x96xf32> to vector<10240x96xf32>
    %add3A = arith.addf %get3A_3, %get3A_8 : vector<10240x96xf32>
    %slice3A = vector.extract_strided_slice %add3A {offsets = [0, 0], sizes = [10240, 80], strides = [1, 1]} : vector<10240x96xf32> to vector<10240x80xf32>
    %slice3A_9 = vector.extract_strided_slice %add3A {offsets = [0, 80], sizes = [10240, 5], strides = [1, 1]} : vector<10240x96xf32> to vector<10240x5xf32>
    %iota3A = tpu.iota {dimensions = array<i32: 0>} : vector<5x80xi32>
    %iota3A_10 = tpu.iota {dimensions = array<i32: 1>} : vector<5x80xi32>
    %jit3A = arith.constant 16 : i32
    %div3A = vector.broadcast %jit3A : i32 to vector<5x80xi32>
    %div3A_11 = arith.divsi %iota3A_10, %div3A : vector<5x80xi32>
    %sign3A = arith.constant 0 : i32
    %sign3A_12 = vector.broadcast %sign3A : i32 to vector<5x80xi32>
    %sign3A_13 = arith.cmpi sgt, %iota3A_10, %sign3A_12 : vector<5x80xi32>
    %sign3A_14 = arith.extui %sign3A_13 : vector<5x80xi1> to vector<5x80xi32>
    %sign3A_15 = arith.constant 0 : i32
    %sign3A_16 = vector.broadcast %sign3A_15 : i32 to vector<5x80xi32>
    %sign3A_17 = arith.cmpi slt, %iota3A_10, %sign3A_16 : vector<5x80xi32>
    %sign3A_18 = arith.extui %sign3A_17 : vector<5x80xi1> to vector<5x80xi32>
    %sign3A_19 = arith.subi %sign3A_14, %sign3A_18 : vector<5x80xi32>
    %sign3A_20 = arith.constant 0 : i32
    %sign3A_21 = arith.cmpi sgt, %jit3A, %sign3A_20 : i32
    %sign3A_22 = arith.extui %sign3A_21 : i1 to i32
    %sign3A_23 = arith.constant 0 : i32
    %sign3A_24 = arith.cmpi slt, %jit3A, %sign3A_23 : i32
    %sign3A_25 = arith.extui %sign3A_24 : i1 to i32
    %sign3A_26 = arith.subi %sign3A_22, %sign3A_25 : i32
    %ne3A = vector.broadcast %sign3A_26 : i32 to vector<5x80xi32>
    %ne3A_27 = arith.cmpi ne, %sign3A_19, %ne3A : vector<5x80xi32>
    %rem3A = vector.broadcast %jit3A : i32 to vector<5x80xi32>
    %rem3A_28 = arith.remsi %iota3A_10, %rem3A : vector<5x80xi32>
    %ne3A_29 = arith.constant 0 : i32
    %ne3A_30 = vector.broadcast %ne3A_29 : i32 to vector<5x80xi32>
    %ne3A_31 = arith.cmpi ne, %rem3A_28, %ne3A_30 : vector<5x80xi32>
    %and3A = arith.andi %ne3A_27, %ne3A_31 : vector<5x80xi1>
    %sub3A = arith.constant 1 : i32
    %sub3A_32 = vector.broadcast %sub3A : i32 to vector<5x80xi32>
    %sub3A_33 = arith.subi %div3A_11, %sub3A_32 : vector<5x80xi32>
    %select_n3A = arith.select %and3A, %sub3A_33, %div3A_11 : vector<5x80xi1>, vector<5x80xi32>
    %eq3A = arith.cmpi eq, %select_n3A, %iota3A : vector<5x80xi32>
    %convert_element_type3A = arith.extui %eq3A : vector<5x80xi1> to vector<5x80xi32>
    %convert_element_type3A_34 = arith.sitofp %convert_element_type3A : vector<5x80xi32> to vector<5x80xf32>
    %dot_general3A = arith.constant dense<0.000000e+00> : vector<10240x80xf32>
    %dot_general3A_35 = tpu.matmul %slice3A_9, %convert_element_type3A_34, %dot_general3A {dimension_numbers = #tpu.dot_dimension_numbers<[1], [0], [0], [1], [0, 0, 1, 1], [], []>, transpose_lhs_hint = false} : vector<10240x5xf32>, vector<5x80xf32>, vector<10240x80xf32> -> vector<10240x80xf32>
    %add3A_36 = arith.constant 1.000000e-16 : f32
    %add3A_37 = vector.broadcast %add3A_36 : f32 to vector<10240x80xf32>
    %add3A_38 = arith.addf %dot_general3A_35, %add3A_37 : vector<10240x80xf32>
    %div3A_39 = arith.divf %slice3A, %add3A_38 : vector<10240x80xf32>
    %iota3A_40 = tpu.iota {dimensions = array<i32: 0>} : vector<80x16xi32>
    %iota3A_41 = tpu.iota {dimensions = array<i32: 1>} : vector<80x16xi32>
    %jit3A_42 = arith.constant 16 : i32
    %eq3A_43 = arith.constant 0 : i32
    %eq3A_44 = arith.cmpi eq, %jit3A_42, %eq3A_43 : i32
    %jit3A_45 = arith.constant 1 : i32
    %select_n3A_46 = arith.select %eq3A_44, %jit3A_45, %jit3A_42 : i32
    %rem3A_47 = vector.broadcast %select_n3A_46 : i32 to vector<80x16xi32>
    %rem3A_48 = arith.remsi %iota3A_40, %rem3A_47 : vector<80x16xi32>
    %ne3A_49 = arith.constant 0 : i32
    %ne3A_50 = vector.broadcast %ne3A_49 : i32 to vector<80x16xi32>
    %ne3A_51 = arith.cmpi ne, %rem3A_48, %ne3A_50 : vector<80x16xi32>
    %lt3A = arith.constant 0 : i32
    %lt3A_52 = vector.broadcast %lt3A : i32 to vector<80x16xi32>
    %lt3A_53 = arith.cmpi slt, %rem3A_48, %lt3A_52 : vector<80x16xi32>
    %lt3A_54 = arith.constant 0 : i32
    %lt3A_55 = arith.cmpi slt, %select_n3A_46, %lt3A_54 : i32
    %ne3A_56 = vector.broadcast %lt3A_55 : i1 to vector<80x16xi1>
    %ne3A_57 = vector.broadcast %ne3A_56 : vector<80x16xi1> to vector<80x16xi1>
    %ne3A_58 = arith.xori %lt3A_53, %ne3A_57 : vector<80x16xi1>
    %and3A_59 = arith.andi %ne3A_58, %ne3A_51 : vector<80x16xi1>
    %add3A_60 = vector.broadcast %select_n3A_46 : i32 to vector<80x16xi32>
    %add3A_61 = arith.addi %rem3A_48, %add3A_60 : vector<80x16xi32>
    %select_n3A_62 = arith.select %and3A_59, %add3A_61, %rem3A_48 : vector<80x16xi1>, vector<80x16xi32>
    %eq3A_63 = arith.cmpi eq, %select_n3A_62, %iota3A_41 : vector<80x16xi32>
    %convert_element_type3A_64 = arith.extui %eq3A_63 : vector<80x16xi1> to vector<80x16xi32>
    %convert_element_type3A_65 = arith.sitofp %convert_element_type3A_64 : vector<80x16xi32> to vector<80x16xf32>
    %div3A_66 = arith.constant 5.000000e+00 : f32
    %div3A_67 = vector.broadcast %div3A_66 : f32 to vector<80x16xf32>
    %div3A_68 = arith.divf %convert_element_type3A_65, %div3A_67 : vector<80x16xf32>
    %dot_general3A_69 = arith.constant dense<0.000000e+00> : vector<10240x16xf32>
    %dot_general3A_70 = tpu.matmul %div3A_39, %div3A_68, %dot_general3A_69 {dimension_numbers = #tpu.dot_dimension_numbers<[1], [0], [0], [1], [0, 0, 1, 1], [], []>, transpose_lhs_hint = false} : vector<10240x80xf32>, vector<80x16xf32>, vector<10240x16xf32> -> vector<10240x16xf32>
    %get3A_71 = arith.constant 0 : index
    %get3A_72 = arith.constant 0 : index
    %get3A_73 = vector.load %arg1[%get3A_71, %get3A_72] : memref<1x16xf32, #tpu.memory_space<vmem>>, vector<1x16xf32>
    %add3A_74 = vector.broadcast %get3A_73 : vector<1x16xf32> to vector<10240x16xf32>
    %add3A_75 = arith.addf %dot_general3A_70, %add3A_74 : vector<10240x16xf32>
    %reduce_max3A = arith.constant dense<0xFF800000> : vector<10240xf32>
    %reduce_max3A_76 = vector.multi_reduction <maximumf>, %add3A_75, %reduce_max3A [1] : vector<10240x16xf32> to vector<10240xf32>
    %broadcast_in_dim3A = vector.shape_cast %reduce_max3A_76 : vector<10240xf32> to vector<10240x1xf32>
    %sub3A_77 = vector.broadcast %broadcast_in_dim3A : vector<10240x1xf32> to vector<10240x16xf32>
    %sub3A_78 = arith.subf %add3A_75, %sub3A_77 : vector<10240x16xf32>
    %exp3A = math.exp %sub3A_78 : vector<10240x16xf32>
    %reduce_sum3A = arith.constant dense<0.000000e+00> : vector<10240xf32>
    %reduce_sum3A_79 = vector.multi_reduction <add>, %exp3A, %reduce_sum3A [1] : vector<10240x16xf32> to vector<10240xf32>
    %broadcast_in_dim3A_80 = vector.shape_cast %reduce_sum3A_79 : vector<10240xf32> to vector<10240x1xf32>
    %log3A = math.log %broadcast_in_dim3A_80 : vector<10240x1xf32>
    %sub3A_81 = vector.broadcast %log3A : vector<10240x1xf32> to vector<10240x16xf32>
    %sub3A_82 = arith.subf %sub3A_78, %sub3A_81 : vector<10240x16xf32>
    %swap3A = arith.constant 0 : index
    %swap3A_83 = arith.constant 0 : index
    %swap3A_84 = vector.load %arg2[%swap3A, %swap3A_83] : memref<10240x16xf32, #tpu.memory_space<vmem>>, vector<10240x16xf32>
    tpu.vector_store %arg2[%swap3A, %swap3A_83], %sub3A_82 {strides = array<i32>} : memref<10240x16xf32, #tpu.memory_space<vmem>>, vector<10240x16xf32>,
    return
  }
}

</mosaic_0001>

<sc_bundles>
// kernel: kernel.10.cloned.1.call-start
scs
__scs_entry_jumppad:
0x0: {  	(pc) =	sbr.rel $0x88, $3  }
0x1: {  	(tag) =	ssettag $0x0;
	lr =	simm.s32 $0x1  }
0x2: {  	[smem:$0x3F95] =	sst lr;
	_ =	strace $0xD0000000  }
0x3: {  	_ = 	snop  }
0x4: {  	_ = 	snop  }
0x5: {  	_ = 	snop  }
0x6: {  	_ = 	snop  }
0x7: {  	_ = 	snop  }
__scs_overlays_trampoline_lowered:
0x8: {  	[smem:$0x3FA4] =	sst s0  }
0x9: {  	[smem:$0x3FA5] =	sst s1  }
0xa: {  	[smem:$0x3FA6] =	sst s2  }
0xb: {  	[smem:$0x3FA7] =	sst s3  }
0xc: {  	[smem:$0x3FA8] =	sst s4  }
0xd: {  	[smem:$0x3FA9] =	sst s5  }
0xe: {  	[smem:$0x3FAA] =	sst s6  }
0xf: {  	[smem:$0x3FAB] =	sst s7  }
0x10: {  	[smem:$0x3FAC] =	sst s8  }
0x11: {  	[smem:$0x3FAD] =	sst s9;
	s0 =	simm.s32 @!p0 $0x0  }
0x12: {  	s1 =	sld [smem:$0x3F93];
	s0 =	simm.s32 @p0 $0x1  }
0x13: {  	[smem:$0x3FAE] =	sst s0;
	s0 =	simm.s32 @!p1 $0x0  }
0x14: {  	s2 =	sld [smem:$0x3F92];
	s0 =	simm.s32 @p1 $0x1  }
0x15: {  	[smem:$0x3FAF] =	sst s0;
	s0 =	simm.s32 @!p2 $0x0  }
0x16: {  	s3 =	sld [smem:$0x3FDB];
	s0 =	simm.s32 @p2 $0x1  }
0x17: {  	s4 =	simm.s32 $0x1BF5;
	[smem:$0x3FB1] =	sst s0  }
0x18: {  	s0 =	sld [smem:$0x3F94];
	_ =	swait.ge [sflag:s4], $0x0  }
0x19: {  	s7 =	sld [smem:$0x3F95]  }
0x1a: {  	s8 =	sadd.s32 $0xFFFFE003, lr  }
0x1b: {  	s9 =	sadd.s32 $0xFFFFFEF7, lr;
	s5 =	simm.s32 $0xFFFFFFFF;
	p2 =	slt.u32 s8, $0xFFFFF086  }
0x1c: {  	p1 =	slt.u32 s9, $0xF7A;
	s5 =	simm.s32 @!p2 $0x0  }
0x1d: {  	s5 =	simm.s32 @p1 $0x1;
	p0 =	seq.s32 s7, s2  }
0x1e: {  	s7 =	smul.u32 @!p0 $0xF7A, s2;
	p2 =	seq.s32 @!p0 s5, $0x0  }
0x1f: {  	s9 =	smul.u32 $0xF7A, s1;
	s8 =	simm.s32 @!p0 $0x1BF5;
	p2 =	por !p2, p0  }
0x20: {  	[sflag:s8] =	ssyncset.s32 @!p0 $0xFFFFF086;
	s6 =	sadd.s32 @!p0 s3, s7;
	s7 =	simm.s32 @!p0 $0x108  }
0x21: {  	s3 =	sadd.s32 s3, s9;
	s6 =	sadd.s32 @!p0 $0x88, s6;
	s7 =	simm.s32 @p2 $0x1082  }
0x22: {  	[simem:s7], [sflag:s8] =	dma.local @!p0 [hbm:s6], $0xF7A  }
0x23: {  	s9 =	sor.u32 $0xD0000000, s2;
	s6 =	simm.s32 $0x108;
	_ =	swait.ge @!p0 [sflag:s8], $0x0  }
0x24: {  	s3 =	sadd.s32 $0x88, s3;
	s6 =	simm.s32 @!p1 $0x1082;
	[sflag:s4] =	ssyncset.s32 $0xFFFFF086  }
0x25: {  	[simem:s6], [sflag:s4] =	dma.local [hbm:s3], $0xF7A  }
0x26: {  	[smem:$0x3F95] =	sst s1;
	(tag) =	ssettag s2;
	_ =	strace s9  }
0x27: {  	s1 =	sld [smem:$0x3FA5]  }
0x28: {  	s2 =	sld [smem:$0x3FA6]  }
0x29: {  	s4 =	sld [smem:$0x3FA8]  }
0x2a: {  	p0 =	seq.s32 s5, $0x0;
	s5 =	sld [smem:$0x3FA9]  }
0x2b: {  	s6 =	sld [smem:$0x3FAA]  }
0x2c: {  	s7 =	sld [smem:$0x3FAB]  }
0x2d: {  	s3 =	simm.s32 $0x108;
	s8 =	sld [smem:$0x3FAC]  }
0x2e: {  	s3 =	simm.s32 @!p0 $0x1082;
	s9 =	sld [smem:$0x3FAD]  }
0x2f: {  	lr =	sadd.s32 s0, s3;
	s0 =	sld [smem:$0x3FA4]  }
0x30: {  	s3 =	sld [smem:$0x3FA7]  }
0x31: {  	[smem:$0x3FB0] =	sst s10  }
0x32: {  	s10 =	sld [smem:$0x3FAE];
	_ =	sdelay $0x3  }
0x33: {  	p0 =	seq.s32 s10, $0x1;
	s10 =	sld [smem:$0x3FB0];
	_ =	sdelay $0x3  }
0x34: {  	[smem:$0x3FB0] =	sst s10  }
0x35: {  	s10 =	sld [smem:$0x3FAF];
	_ =	sdelay $0x3  }
0x36: {  	p1 =	seq.s32 s10, $0x1;
	s10 =	sld [smem:$0x3FB0];
	_ =	sdelay $0x3  }
0x37: {  	[smem:$0x3FB0] =	sst s10  }
0x38: {  	s10 =	sld [smem:$0x3FB1]  }
0x39: {  	_ = 	snop;
	(pc) =	sbr.ind lr, $3  }
0x3a: {  	_ = 	snop  }
0x3b: {  	_ = 	snop  }
0x3c: {  	p2 =	seq.s32 s10, $0x1;
	s10 =	sld [smem:$0x3FB0]  }
0x3d: {  	_ =	shalt  }
0x3e: {  	_ =	shalt  }
0x3f: {  	_ =	shalt  }
0x40: {  	_ =	shalt  }
0x41: {  	_ =	shalt  }
0x42: {  	_ =	shalt  }
0x43: {  	_ =	shalt  }
0x44: {  	_ =	shalt  }
0x45: {  	_ =	shalt  }
0x46: {  	_ =	shalt  }
0x47: {  	_ =	shalt  }
0x48: {  	_ =	shalt  }
0x49: {  	_ =	shalt  }
0x4a: {  	_ =	shalt  }
0x4b: {  	_ =	shalt  }
0x4c: {  	_ =	shalt  }
0x4d: {  	_ =	shalt  }
0x4e: {  	_ =	shalt  }
0x4f: {  	_ =	shalt  }
0x50: {  	_ =	shalt  }
0x51: {  	_ =	shalt  }
0x52: {  	_ =	shalt  }
0x53: {  	_ =	shalt  }
0x54: {  	_ =	shalt  }
0x55: {  	_ =	shalt  }
0x56: {  	_ =	shalt  }
0x57: {  	_ =	shalt  }
0x58: {  	_ =	shalt  }
0x59: {  	_ =	shalt  }
0x5a: {  	_ =	shalt  }
0x5b: {  	_ =	shalt  }
0x5c: {  	_ =	shalt  }
0x5d: {  	_ =	shalt  }
0x5e: {  	_ =	shalt  }
0x5f: {  	_ =	shalt  }
0x60: {  	_ =	shalt  }
0x61: {  	_ =	shalt  }
0x62: {  	_ =	shalt  }
0x63: {  	_ =	shalt  }
0x64: {  	_ =	shalt  }
0x65: {  	_ =	shalt  }
0x66: {  	_ =	shalt  }
0x67: {  	_ =	shalt  }
0x68: {  	_ =	shalt  }
0x69: {  	_ =	shalt  }
0x6a: {  	_ =	shalt  }
0x6b: {  	_ =	shalt  }
0x6c: {  	_ =	shalt  }
0x6d: {  	_ =	shalt  }
0x6e: {  	_ =	shalt  }
0x6f: {  	_ =	shalt  }
0x70: {  	_ =	shalt  }
0x71: {  	_ =	shalt  }
0x72: {  	_ =	shalt  }
0x73: {  	_ =	shalt  }
0x74: {  	_ =	shalt  }
0x75: {  	_ =	shalt  }
0x76: {  	_ =	shalt  }
0x77: {  	_ =	shalt  }
0x78: {  	_ =	shalt  }
0x79: {  	_ =	shalt  }
0x7a: {  	_ =	shalt  }
0x7b: {  	_ =	shalt  }
0x7c: {  	_ =	shalt  }
0x7d: {  	_ =	shalt  }
0x7e: {  	_ =	shalt  }
0x7f: {  	_ =	shalt  }
0x80: {  	_ =	shalt  }
0x81: {  	_ =	shalt  }
0x82: {  	_ =	shalt  }
0x83: {  	_ =	shalt  }
0x84: {  	_ =	shalt  }
0x85: {  	_ =	shalt  }
0x86: {  	_ =	shalt  }
0x87: {  	_ =	shalt  }
.Lfunc_end0:
.L_simem_size_0:
called_computation.1_lowered:
.L_overlay_start_0:
0x88: {  	s2 =	sld [smem:$0x3FD9]  }
0x89: {  	s3 =	sld [smem:$0x3FFE];
	_ =	sdelay $0x1  }
0x8a: {  	s1 =	srdreg.scid  }
0x8b: {  	s0 =	sand.u32 $0x1, s1  }
0x8c: {  	s16 =	sshll.u32 s0, $0xA;
	s2 =	sadd.s32 s3, s2  }
0x8d: {  	s2 =	sadd.s32 s2, s16  }
0x8e: {  	[smem:$0x3FBC] =	sst s2  }
0x8f: {  	_ = 	snop  }
0x90: {  	(tm) =	ssettm $0x1  }
0x91: {  	s17 =	sld [smem:$0x3FFB];
	_ =	sdelay $0x3  }
0x92: {  	_ =	strace s17  }
0x93: {  	s2 =	sld [smem:$0x3FFC];
	_ =	sdelay $0x3  }
0x94: {  	_ =	strace s2  }
0x95: {  	s2 =	sld [smem:$0x3FFD];
	_ =	sdelay $0x3  }
0x96: {  	_ =	strace s2  }
0x97: {  	_ =	strace $0x8FFFFFFF  }
0x98: {  	s18 =	sld [smem:$0x3FDB];
	_ =	sdelay $0x1  }
0x99: {  	s19 =	simm.s32 $_scs_section_size  }
0x9a: {  	s4 =	simm.s32 $_size__tile_overlayer_lowered;
	s5 =	simm.s32 $_tile_overlayer_lowered  }
0x9b: {  	s22 =	simm.s32 $0x1BFF;
	s21 =	sshll.u32 s5, $0x1;
	s2 =	sadd.s32 s19, s18  }
0x9c: {  	s6 =	simm.s32 $0x0;
	s20 =	sshll.u32 s4, $0x1;
	s4 =	sadd.s32 s21, s2  }
0x9d: {  	[timem:s6], [sflag:s22] =	dma.local [hbm:s4], s20  }
0x9e: {  	_ =	swait.ge [sflag:s22], s20  }
0x9f: {  	s3 =	ssub.s32 $0x0, s20;
	[sflag:s22] =	ssyncset.done $0x0  }
0xa0: {  	[sflag:s22] =	ssyncadd.s32 s3;
	_ =	sdelay $0x1  }
0xa1: {  	s23 =	simm.s32 $0x1B8B  }
0xa2: {  	_ =	swait.ge [sflag:s23], $0x1  }
0xa3: {  	[sflag:s23] =	ssyncset.done $0x0  }
0xa4: {  	s25 =	simm.s32 $0x1B8E;
	s24 =	sld [smem:$0x3FFE];
	[sflag:s23] =	ssyncadd.s32 $0xFFFFFFFF  }
0xa5: {  	s26 =	simm.s32 $execute0_lowered;
	[smem:$0x3FD2] =	sst s25  }
0xa6: {  	s4 =	sshll.u32 s26, $0x1;
	_ =	strace $0x80000049;
	[dreg:$0x1] =	wrdreg $0xFFFFFFFF  }
0xa7: {  	s28 =	simm.s32 $_size_execute0_lowered;
	s2 =	sadd.s32 s2, s4;
	[dreg:$0x0] =	wrdreg $0x0  }
0xa8: {  	s4 =	sshll.u32 s28, $0x1;
	[dreg:$0x2] =	wrdreg s2  }
0xa9: {  	[dreg:$0x3] =	wrdreg s4  }
0xaa: {  	[dreg:$0x4] =	wrdreg $0xC0  }
0xab: {  	_ =	task [dreg:s6], $0x5FFFF  }
0xac: {  	[dreg:$0x1] =	wrdreg $0xFFFFFFFF  }
0xad: {  	[dreg:$0x0] =	wrdreg $0x60  }
0xae: {  	[dreg:$0x2] =	wrdreg s24  }
0xaf: {  	[dreg:$0x3] =	wrdreg $0xF0000  }
0xb0: {  	[dreg:$0x4] =	wrdreg $0x9  }
0xb1: {  	_ =	task.clear_ibuf [dreg:s6], $0x5FFFF;
	_ =	strace $0x90000049  }
0xb2: {  	s29 =	simm.s32 $0x9;
	_ =	strace $0x8000004B  }
0xb3: {  	_ =	swait.ge [sflag:s29], $0x1  }
0xb4: {  	[sflag:s29] =	ssyncadd.s32 $0xFFFFFFFF  }
0xb5: {  	_ =	strace $0x9000004B  }
0xb6: {  	_ =	sfence  }
0xb7: {  	s30 =	sld [smem:$0x0];
	_ =	sdelay $0x2  }
0xb8: {  	s31 =	sshll.u32 s1, $0xD;
	s1 =	sshrl.u32 s1, $0x2  }
0xb9: {  	s3 =	sand.u32 $0x4000, s31;
	s1 =	sadd.s32 s1, s30  }
0xba: {  	s0 =	sor.u32 s3, s0;
	s1 =	sshll.u32 s1, $0x11  }
0xbb: {  	s0 =	sor.u32 s1, s0  }
0xbc: {  	s0 =	sadd.s32 $0x8F2B, s0  }
0xbd: {  	[sflag:s0] =	ssyncadd.remote.s32 $0x1  }
0xbe: {  	_ =	sfence.sel $0xFFFF  }
0xbf: {  	[dreg:$0x0] =	wrdreg $0xFFFFFFFF;
	(pc) =	sbr.abs _section_cstart, $3  }
0xc0: {  	[dreg:$0x1] =	wrdreg $0xFFFFFFFF  }
0xc1: {  	_ =	task.clear_ibuf [dreg:s6], $0x2FFFF;
	_ =	strace $0x9FFFFFFF  }
0xc2: {  	(tm) =	ssettm $0x7FFFFFFF  }
0xc3: {  	_ =	shalt  }
tec
execute0_lowered:
.L_overlay_start_1:
0x0: {  	(tag) =	ssettag $0x1  }
0x1: {  	s0 =	rddreg [dreg:$0x0]  }
0x2: {  	s2 =	rddreg [dreg:$0x1];
	s1 =	srdreg.scid  }
0x3: {  	s8 =	stileid.u32;
	s4 =	simm.s32 $0x0;
	s19 =	simm.s32 $0x9000  }
0x4: {  	s28 =	simm.s32 $0x4800;
	s31 =	simm.s32 $0x1;
	s13 =	simm.s32 $0x4  }
0x5: {  	s14 =	simm.s32 $0x6;
	s1 =	sand.u32 $0x1, s1;
	s3 =	smul.u32 $0xF000, s8  }
0x6: {  	[smem:$0x7FF] =	sst s4;
	s10 =	sadd.s32 $0xE00, s0;
	s11 =	sadd.s32 $0x14E00, s0  }
0x7: {  	s6 =	sadd.s32 $0x28E00, s0;
	s7 =	sadd.s32 $0x37E00, s0;
	s5 =	smul.u32 $0x3C000, s8  }
0x8: {  	s8 =	sshll.u32 s8, $0x1;
	s22 =	smul.u32 $0xF0000, s1;
	_ =	strace $0x8000004A  }
0x9: {  	s23 =	ssub.s32 $0x2, s1;
	s1 =	sor.u32 s1, s8;
	[dreg:$0x3] =	wrdreg s10  }
0xa: {  	[dreg:$0x4] =	wrdreg s11;
	s5 =	sshrl.u32 s5, $0x2;
	s8 =	smul.u32 $0xA0, s1  }
0xb: {  	s9 =	sshrl.u32 s23, $0x1;
	s25 =	smul.u32 $0xA00, s1;
	s5 =	sadd.s32 s5, s2  }
0xc: {  	s1 =	smul.u32 $0x5000, s1;
	s4 =	sadd.s32 s3, s22;
	s24 =	sadd.s32 $0x3000, s5  }
0xd: {  	s22 =	simm.s32 $0x80;
	s12 =	sadd.s32 $0x6000, s5;
	[dreg:$0x6] =	wrdreg s24  }
0xe: {  	s4 =	sshrl.u32 s4, $0x3;
	s26 =	sadd.s32 $0x9000, s5;
	[dreg:$0x7] =	wrdreg s12  }
0xf: {  	s5 =	sadd.s32 $0xC000, s5;
	s29 =	sadd.s32 s10, s25;
	[dreg:$0x8] =	wrdreg s26  }
0x10: {  	s1 =	sor.u32 $0x800, s1;
	s10 =	simm.s32 $0xC000;
	[dreg:$0x9] =	wrdreg s5  }
0x11: {  	v0 =	vimm.s32 $0xFEDCBA98;
	s0 =	sadd.s32 s4, s0;
	s4 =	ssub.s32 s23, s9;
	[dreg:$0xa] =	wrdreg s29  }
0x12: {  	v0 =	vunpack.c.l.s4.s8 v0;
	s9 =	sadd.s32 s3, s2;
	s3 =	sadd.s32 s11, s25;
	[dreg:$0xc] =	wrdreg s1  }
.Ltmp0:
0x13: {  	s23 =	simm.s32 $0x1000;
	s24 =	simm.s32 $0x3000;
	(pc) =	sbr.rel .LBB2_1-.Ltmp0, $4  }
0x14: {  	v1 =	vunpack.c.0.s8.s32 v0;
	s26 =	simm.s32 $0x1800;
	s25 =	simm.s32 $0x7800;
	[dreg:$0xb] =	wrdreg s3  }
0x15: {  	vm0 =	vcmask $0x1F00;
	v2 =	vimm.s32 $0x0;
	v3 =	vimm.s32 $0x1;
	s1 =	simm.s32 $0x2;
	s0 =	sadd.s32 $0x3CE00, s0;
	[dreg:$0x5] =	wrdreg s9  }
0x16: {  	v4 =	vimm.s32 $0x2;
	v5 =	vimm.s32 $0x3;
	v1 =	vand.u32 $0xF, v1;
	s11 =	simm.s32 $0x3;
	s30 =	smax.u32 s4, $0x1;
	[dreg:$0xd] =	wrdreg s0  }
0x17: {  	v6 =	vimm.s32 $0x4;
	v0 =	vimm.f32 $0.0e+00;
	v1 =	vnsel vm0, $0xF, v1;
	s12 =	simm.s32 $0x5;
	s4 =	simm.s32 $0x0;
	[dreg:$0xe] =	wrdreg s30  }
.LBB2_29:
0x18: {  	_ =	swait.ge [sflag:s12], $0x3000  }
0x19: {  	[sflag:s12] =	ssyncset.done $0x0  }
0x1a: {  	[sflag:s12] =	ssyncadd.s32 $0xFFFFD000  }
0x1b: {  	_ =	swait.ge [sflag:s14], $0x3000  }
0x1c: {  	[sflag:s14] =	ssyncset.done $0x0  }
0x1d: {  	[sflag:s14] =	ssyncadd.s32 $0xFFFFD000  }
0x1e: {  	s0 =	stileid.u32;
	[bflag:$0x0] =	sbarrier.arrive $0xFFFF  }
0x1f: {  	s21 =	simm.s32 $0x7;
	s0 =	sshll.u32 s0, $0x6;
	s9 =	rddreg [dreg:$0x5]  }
0x20: {  	s0 =	sor.u32 $0x1C07, s0;
	s4 =	rddreg [dreg:$0xd];
	s3 =	sshrl.u32 s9, $0x3  }
0x21: {  	[hbm:s4], [sflag:s0] =	dma.local [spmem:s3], $0x1E00  }
0x22: {  	_ =	swait.ge [sflag:s21], $0x1E00  }
0x23: {  	s29 =	rddreg [dreg:$0xf]  }
0x24: {  	s30 =	rddreg [dreg:$0xe];
	s4 =	sadd.s32 $0x1, s29  }
0x25: {  	p0 =	sne.s32 s4, s30  }
.Ltmp1:
0x26: {  	_ = 	snop;
	(pc) =	sbr.rel @!p0 .LBB2_30-.Ltmp1, $3  }
0x27: {  	_ =	sdelay $0x1  }
0x28: {  	[sflag:s21] =	ssyncset.done $0x0  }
0x29: {  	[sflag:s21] =	ssyncadd.s32 $0xFFFFE200  }
.LBB2_1:
0x2a: {  	s0 =	simm.s32 $0x0  }
0x2b: {  	[tilespmem:s0+$0x9050] =	vst v0  }
0x2c: {  	[tilespmem:s0+$0x9000] =	vst v0  }
0x2d: {  	[tilespmem:s0+$0x9010] =	vst v0  }
0x2e: {  	[tilespmem:s0+$0x9020] =	vst v0  }
0x2f: {  	[dreg:$0xf] =	wrdreg s4;
	s3 =	simm.s32 $0x180;
	[tilespmem:s0+$0x9030] =	vst v0  }
.LBB2_2:
0x30: {  	p0 =	sne.s32 s3, $0xBE80;
	[tilespmem:s0+$0x9040] =	vst v0;
	s0 =	sshra.s32 s3, $0x2;
	s3 =	sadd.s32 $0x180, s3  }
.Ltmp2:
0x31: {  	[tilespmem:s0+$0x9050] =	vst v0;
	(pc) =	sbr.rel @p0 .LBB2_2-.Ltmp2, $4  }
0x32: {  	[tilespmem:s0+$0x9000] =	vst v0  }
0x33: {  	[tilespmem:s0+$0x9010] =	vst v0  }
0x34: {  	[tilespmem:s0+$0x9020] =	vst v0  }
0x35: {  	[tilespmem:s0+$0x9030] =	vst v0  }
0x36: {  	[tilespmem:s0+$0x9040] =	vst v0;
	s3 =	simm.s32 $0x7  }
0x37: {  	[spmem:s9] =	stream.linear.scatter [tilespmem:s19], [sflag:$0x7], $0x3000, $0x38;
	[tilespmem:$0x1E000] =	vst v63  }
0x38: {  	_ =	swait.ge [sflag:s3], $0x3000  }
0x39: {  	[sflag:s3] =	ssyncset.done $0x0  }
0x3a: {  	s16 =	rddreg [dreg:$0x6];
	[sflag:s3] =	ssyncadd.s32 $0xFFFFD000  }
0x3b: {  	[spmem:s16] =	stream.linear.scatter [tilespmem:s19], [sflag:$0x7], $0x3000, $0x38;
	[tilespmem:$0x1E000] =	vst v63  }
0x3c: {  	_ =	swait.ge [sflag:s3], $0x3000  }
0x3d: {  	[sflag:s3] =	ssyncset.done $0x0  }
0x3e: {  	s17 =	rddreg [dreg:$0x7];
	[sflag:s3] =	ssyncadd.s32 $0xFFFFD000  }
0x3f: {  	[spmem:s17] =	stream.linear.scatter [tilespmem:s19], [sflag:$0x7], $0x3000, $0x38;
	[tilespmem:$0x1E000] =	vst v63  }
0x40: {  	_ =	swait.ge [sflag:s3], $0x3000  }
0x41: {  	[sflag:s3] =	ssyncset.done $0x0  }
0x42: {  	s18 =	rddreg [dreg:$0x8];
	[sflag:s3] =	ssyncadd.s32 $0xFFFFD000  }
0x43: {  	[spmem:s18] =	stream.linear.scatter [tilespmem:s19], [sflag:$0x7], $0x3000, $0x38;
	[tilespmem:$0x1E000] =	vst v63  }
0x44: {  	_ =	swait.ge [sflag:s3], $0x3000  }
0x45: {  	[sflag:s3] =	ssyncset.done $0x0  }
0x46: {  	s20 =	rddreg [dreg:$0x9];
	[sflag:s3] =	ssyncadd.s32 $0xFFFFD000  }
0x47: {  	[spmem:s20] =	stream.linear.scatter [tilespmem:s19], [sflag:$0x7], $0x3000, $0x38;
	[tilespmem:$0x1E000] =	vst v63  }
0x48: {  	_ =	swait.ge [sflag:s3], $0x3000  }
0x49: {  	[sflag:s3] =	ssyncset.done $0x0  }
0x4a: {  	[sflag:s3] =	ssyncadd.s32 $0xFFFFD000  }
0x4b: {  	[bflag:$0x0] =	sbarrier.arrive $0xFFFF  }
0x4c: {  	s17 =	simm.s32 $0x0;
	s21 =	rddreg [dreg:$0xa]  }
0x4d: {  	[tilespmem:s17], [sflag:$0x7] =	stream.linear.gather [hbm4b:s21+s17], $0x800, $0x38;
	[tilespmem:$0x1E000] =	vst v63  }
0x4e: {  	_ =	swait.ge [sflag:s3], $0x800  }
0x4f: {  	[sflag:s3] =	ssyncset.done $0x0  }
0x50: {  	s4 =	simm.s32 $0x800;
	s29 =	rddreg [dreg:$0xb];
	[sflag:s3] =	ssyncadd.s32 $0xFFFFF800  }
0x51: {  	[tilespmem:s4], [sflag:$0x7] =	stream.linear.gather [hbm4b:s29+s17], $0x800, $0x38;
	[tilespmem:$0x1E000] =	vst v63  }
0x52: {  	_ =	swait.ge [sflag:s3], $0x800  }
0x53: {  	[sflag:s3] =	ssyncset.done $0x0  }
0x54: {  	[sflag:s3] =	ssyncadd.s32 $0xFFFFF800  }
0x55: {  	[tilespmem:s23], [sflag:$0x1] =	stream.indirect.gather [hbm4b:s7+s22], $0x10, s4, s22, $0xb8;
	[tilespmem:$0x1E000] =	vst v63  }
0x56: {  	_ = 	snop  }
0x57: {  	[tilespmem:s24], [sflag:$0x1] =	stream.indirect.gather [hbm4b:s6+s22], $0x30, s17, s22, $0xb8;
	[tilespmem:$0x1E000] =	vst v63  }
.Ltmp3:
0x58: {  	_ = 	snop;
	(pc) =	sbr.rel .LBB2_4-.Ltmp3, $4  }
0x59: {  	s30 =	simm.s32 $0x880  }
0x5a: {  	[tilespmem:s26], [sflag:$0x2] =	stream.indirect.gather [hbm4b:s7+s22], $0x10, s30, s22, $0xb8;
	[tilespmem:$0x1E000] =	vst v63  }
0x5b: {  	_ = 	snop  }
0x5c: {  	[tilespmem:s28], [sflag:$0x2] =	stream.indirect.gather [hbm4b:s6+s22], $0x30, s22, s22, $0xb8;
	[tilespmem:$0x1E000] =	vst v63  }
.LBB2_26:
0x5d: {  	p0 =	sgt.u32 s5, $0x1388  }
0x5e: {  	s0 =	simm.s32 @!p0 $0x5  }
0x5f: {  	_ =	swait.ge @!p0 [sflag:s0], $0x3000  }
0x60: {  	[sflag:s0] =	ssyncset.done @!p0 $0x0  }
0x61: {  	[sflag:s0] =	ssyncadd.s32 @!p0 $0xFFFFD000;
	s0 =	simm.s32 @p1 $0x6  }
0x62: {  	_ =	swait.ge @p1 [sflag:s0], $0x3000  }
0x63: {  	s29 =	simm.s32 $0x0;
	[sflag:s0] =	ssyncset.done @p1 $0x0  }
0x64: {  	s30 =	simm.s32 $0x7;
	s3 =	rddreg [dreg:$0x11];
	[sflag:s0] =	ssyncadd.s32 @p1 $0xFFFFD000  }
0x65: {  	[tilespmem:s29], [sflag:$0x7] =	stream.linear.gather [hbm4b:s3+s29], $0x800, $0x38;
	[tilespmem:$0x1E000] =	vst v63  }
0x66: {  	_ =	swait.ge [sflag:s30], $0x800  }
0x67: {  	[sflag:s30] =	ssyncset.done $0x0  }
0x68: {  	s4 =	simm.s32 $0x800;
	s9 =	rddreg [dreg:$0x10];
	[sflag:s30] =	ssyncadd.s32 $0xFFFFF800  }
0x69: {  	[tilespmem:s4], [sflag:$0x7] =	stream.linear.gather [hbm4b:s9+s29], $0x800, $0x38;
	[tilespmem:$0x1E000] =	vst v63  }
0x6a: {  	p0 =	sgt.u32 s5, $0x1386;
	_ =	swait.ge [sflag:s30], $0x800  }
0x6b: {  	s0 =	simm.s32 @!p0 $0x80;
	[sflag:s30] =	ssyncset.done $0x0  }
0x6c: {  	s3 =	simm.s32 @!p0 $0x800;
	s4 =	simm.s32 @!p0 $0x1000;
	[sflag:s30] =	ssyncadd.s32 $0xFFFFF800  }
0x6d: {  	[tilespmem:s4], [sflag:$0x1] =	stream.indirect.gather @!p0 [hbm4b:s7+s0], $0x10, s3, s0, $0xb8;
	[tilespmem:$0x1E000] =	vst v63  }
0x6e: {  	p1 =	sgt.u32 @!p0 s5, $0x1385;
	s3 =	simm.s32 @!p0 $0x0;
	s4 =	simm.s32 @!p0 $0x3000  }
0x6f: {  	[tilespmem:s4], [sflag:$0x1] =	stream.indirect.gather @!p0 [hbm4b:s6+s0], $0x30, s3, s0, $0xb8;
	[tilespmem:$0x1E000] =	vst v63  }
0x70: {  	p0 =	por p1, p0  }
0x71: {  	s0 =	simm.s32 @!p0 $0x80;
	s3 =	simm.s32 @!p0 $0x880;
	s4 =	simm.s32 @!p0 $0x1800  }
0x72: {  	[tilespmem:s4], [sflag:$0x2] =	stream.indirect.gather @!p0 [hbm4b:s7+s0], $0x10, s3, s0, $0xb8;
	[tilespmem:$0x1E000] =	vst v63  }
0x73: {  	s3 =	simm.s32 @!p0 $0x4800  }
0x74: {  	[tilespmem:s3], [sflag:$0x2] =	stream.indirect.gather @!p0 [hbm4b:s6+s0], $0x30, s0, s0, $0xb8;
	[tilespmem:$0x1E000] =	vst v63  }
.LBB2_28:
0x75: {  	s17 =	sadd.s32 $0x1, s17  }
0x76: {  	p0 =	sne.s32 s17, $0xA  }
.Ltmp4:
0x77: {  	_ = 	snop;
	(pc) =	sbr.rel @!p0 .LBB2_29-.Ltmp4, $1  }
0x78: {  	_ =	sdelay $0x3  }
.LBB2_4:
0x79: {  	s0 =	sshll.u32 s17, $0xB;
	s3 =	rddreg [dreg:$0xc]  }
0x7a: {  	s0 =	sadd.s32 s0, s3  }
0x7b: {  	s29 =	rddreg [dreg:$0x3];
	s0 =	sshrl.u32 s0, $0x3  }
0x7c: {  	s15 =	sshll.u32 s17, $0x4;
	s30 =	rddreg [dreg:$0x4];
	s3 =	sadd.s32 s29, s0  }
0x7d: {  	p0 =	seq.s32 s17, $0x9;
	s0 =	sadd.s32 s30, s0;
	[dreg:$0x11] =	wrdreg s3  }
0x7e: {  	s21 =	sadd.s32 s8, s15;
	[dreg:$0x10] =	wrdreg s0;
	s3 =	simm.s32 $0x0  }
.LBB2_5:
0x7f: {  	s5 =	sshll.u32 s3, $0x2  }
0x80: {  	s0 =	sadd.s32 s5, s21  }
0x81: {  	p1 =	sgt.u32 s0, $0x1387  }
.Ltmp5:
0x82: {  	_ = 	snop;
	(pc) =	sbr.rel @p1 .LBB2_9-.Ltmp5, $2  }
0x83: {  	_ =	sdelay $0x2  }
0x84: {  	s4 =	sshll.u32 s3, $0x9  }
0x85: {  	s0 =	sadd.s32 $0x900, s4;
	s9 =	simm.s32 $0x2000  }
0x86: {  	[tilespmem:s9], [sflag:$0x3] =	stream.indirect.gather [hbm4b:s7+s22], $0x10, s0, s22, $0xb8;
	[tilespmem:$0x1E000] =	vst v63  }
0x87: {  	s16 =	sor.u32 $0x100, s4;
	s18 =	simm.s32 $0x6000  }
0x88: {  	[tilespmem:s18], [sflag:$0x3] =	stream.indirect.gather [hbm4b:s6+s22], $0x30, s16, s22, $0xb8;
	[tilespmem:$0x1E000] =	vst v63  }
0x89: {  	_ =	swait.ge [sflag:s31], $0x800  }
0x8a: {  	[sflag:s31] =	ssyncset.done $0x0  }
0x8b: {  	[sflag:s31] =	ssyncadd.s32 $0xFFFFF800  }
0x8c: {  	_ =	swait.ge [sflag:s31], $0x1800  }
0x8d: {  	p1 =	seq.s32 s3, $0x0;
	[sflag:s31] =	ssyncset.done $0x0  }
0x8e: {  	s0 =	simm.s32 @!p1 $0x5;
	[sflag:s31] =	ssyncadd.s32 $0xFFFFE800  }
0x8f: {  	_ =	swait.ge @!p1 [sflag:s0], $0x3000  }
0x90: {  	[sflag:s0] =	ssyncset.done @!p1 $0x0  }
0x91: {  	[sflag:s0] =	ssyncadd.s32 @!p1 $0xFFFFD000;
	s0 =	simm.s32 $0x3060  }
0x92: {  	s20 =	simm.s32 $0x1020;
	v7 =	vld [tilespmem:s0+$0x50]  }
0x93: {  	v8 =	vld [tilespmem:s20+$0x10];
	_ =	sdelay $0x3  }
0x94: {  	v13 =	vld [tilespmem:s0+$0xFFFFFFF0];
	v9 =	vunpack.i.u.bf16.f32 v7  }
0x95: {  	v14 =	vld [tilespmem:s20+$0xFFFFFFF0];
	v10 =	vadd.f32 v8, v9;
	_ =	sdelay $0x1  }
0x96: {  	v11 =	vmul.f32 $2.000000030e-01, v10  }
0x97: {  	v12 =	vld [tilespmem:s0+$0x20];
	v8 =	vperm.xlane v8, v1  }
0x98: {  	v15 =	vunpack.i.u.bf16.f32 v13;
	v9 =	vld [tilespmem:s0+$0xFFFFFFC0];
	v10 =	vmax.f32 v10, v11  }
0x99: {  	v15 =	vadd.f32 v14, v15;
	v11 =	vld [tilespmem:s20+$0xFFFFFFE0];
	v8 =	vsub.f32 v10, v8  }
0x9a: {  	v10 =	vld [tilespmem:s20+$0x0]  }
0x9b: {  	v17 =	vmul.f32 $2.000000030e-01, v15;
	v8 =	vmul.f32 $1.442695020e+00, v8  }
0x9c: {  	v14 =	vperm.xlane v14, v1  }
0x9d: {  	v15 =	vmax.f32 v15, v17;
	v16 =	vunpack.i.u.bf16.f32 v9;
	(erf) = vpow2.f32 v8  }
0x9e: {  	v14 =	vsub.f32 v15, v14;
	v8 =	vunpack.i.u.bf16.f32 v12;
	v16 =	vadd.f32 v11, v16  }
0x9f: {  	v8 =	vadd.f32 v10, v8  }
0xa0: {  	v14 =	vmul.f32 $1.442695020e+00, v14;
	v18 =	vmul.f32 $2.000000030e-01, v16  }
0xa1: {  	s20 =	simm.s32 $0x1060;
	v11 =	vperm.xlane v11, v1;
	v19 =	vmul.f32 $2.000000030e-01, v8  }
0xa2: {  	v15 =	vld [tilespmem:s20+$0x10];
	v10 =	vperm.xlane v10, v1;
	v16 =	vmax.f32 v16, v18  }
0xa3: {  	s16 =	simm.s32 $0x3120;
	v23 =	vld [tilespmem:s20+$0x0];
	(erf) = vpow2.f32 v14;
	v11 =	vsub.f32 v16, v11;
	v8 =	vmax.f32 v8, v19  }
0xa4: {  	v16 =	vld [tilespmem:s16+$0x50];
	v10 =	vsub.f32 v8, v10  }
0xa5: {  	v11 =	vmul.f32 $1.442695020e+00, v11  }
0xa6: {  	s18 =	simm.s32 $0x90C0;
	v8 =	vld [tilespmem:s16+$0x20];
	v10 =	vmul.f32 $1.442695020e+00, v10;
	v14 =	vpop (erf)  }
0xa7: {  	v7 =	vunpack.i.l.bf16.f32 v7;
	v30 =	vperm.xlane v15, v1;
	v19 =	vld [tilespmem:s20+$0xFFFFFFE0];
	(erf) = vpow2.f32 v11;
	[tilespmem:s18+$0xB0] =	vst v14  }
0xa8: {  	v25 =	vunpack.i.l.bf16.f32 v13;
	v35 =	vperm.xlane v23, v1;
	(erf) = vpow2.f32 v10;
	v17 =	vld [tilespmem:s0+$0x40]  }
0xa9: {  	v10 =	vperm.xlane v14, v6;
	v20 =	vperm.xlane v14, v2;
	v29 =	vunpack.i.u.bf16.f32 v16;
	v18 =	vld [tilespmem:s0+$0x30]  }
0xaa: {  	v22 =	vperm.xlane v14, v3;
	v24 =	vperm.xlane v14, v5;
	v29 =	vadd.f32 v15, v29  }
0xab: {  	v13 =	vperm.xlane v14, v4;
	v14 =	vunpack.i.u.bf16.f32 v8;
	v21 =	vmul.f32 v10, v7;
	v7 =	vld [tilespmem:s16+$0xFFFFFFC0]  }
0xac: {  	v28 =	vpop (erf);
	v31 =	vperm.xlane v19, v1;
	v34 =	vadd.f32 v23, v14;
	v14 =	vmul.f32 $2.000000030e-01, v29  }
0xad: {  	v36 =	vunpack.i.l.bf16.f32 v12;
	v38 =	vperm.xlane v28, v2;
	v43 =	vperm.xlane v28, v5  }
0xae: {  	v12 =	vmax.f32 v29, v14;
	v26 =	vunpack.i.u.bf16.f32 v18;
	v27 =	vunpack.i.u.bf16.f32 v17  }
0xaf: {  	v18 =	vunpack.i.l.bf16.f32 v18;
	v17 =	vunpack.i.l.bf16.f32 v17;
	v12 =	vsub.f32 v12, v30  }
0xb0: {  	v10 =	vld [tilespmem:s16+$0xFFFFFFF0];
	v30 =	vperm.xlane v28, v3;
	v32 =	vunpack.i.u.bf16.f32 v7;
	v17 =	vmul.f32 v13, v17  }
0xb1: {  	[tilespmem:s18+$0xFFFFFFF0] =	vst v28;
	v23 =	vmul.f32 v24, v27;
	v22 =	vmul.f32 v22, v26;
	v32 =	vadd.f32 v19, v32;
	v19 =	vld [tilespmem:s20+$0xFFFFFFF0]  }
0xb2: {  	v14 =	vld [tilespmem:s0+$0xFFFFFFE0];
	v27 =	vmul.f32 $2.000000030e-01, v34;
	v18 =	vmul.f32 v20, v18;
	v11 =	vpop (erf)  }
0xb3: {  	v26 =	vld [tilespmem:s0+$0xFFFFFFD0];
	v40 =	vmul.f32 $1.442695020e+00, v12;
	v12 =	vperm.xlane v28, v4;
	v33 =	vpop (erf)  }
0xb4: {  	v16 =	vunpack.i.l.bf16.f32 v16;
	[tilespmem:s18+$0x50] =	vst v33;
	v15 =	vperm.xlane v33, v3;
	v29 =	vperm.xlane v33, v6  }
0xb5: {  	v13 =	vunpack.i.u.bf16.f32 v10;
	[tilespmem:s18+$0x90] =	vst v23;
	(erf) = vpow2.f32 v40;
	v23 =	vperm.xlane v33, v5;
	v24 =	vld [tilespmem:s0+$0x0]  }
0xb6: {  	[tilespmem:s18+$0xA0] =	vst v21;
	v39 =	vld [tilespmem:s0+$0x10];
	v29 =	vmul.f32 v29, v36;
	v37 =	vadd.f32 v19, v13;
	v13 =	vperm.xlane v33, v2  }
0xb7: {  	[tilespmem:s18+$0x80] =	vst v17;
	v44 =	vunpack.i.u.bf16.f32 v14;
	v41 =	vperm.xlane v19, v1;
	v19 =	vperm.xlane v28, v6  }
0xb8: {  	[tilespmem:s18+$0xFFFFFF90] =	vst v11;
	v42 =	vunpack.i.u.bf16.f32 v26;
	v28 =	vmul.f32 $2.000000030e-01, v32;
	v17 =	vmul.f32 $2.000000030e-01, v37  }
0xb9: {  	[tilespmem:s18+$0x70] =	vst v22;
	v63 =	vunpack.i.l.bf16.f32 v26;
	v22 =	vmul.f32 v30, v42;
	v30 =	vmul.f32 v43, v44  }
0xba: {  	[tilespmem:s18+$0x60] =	vst v18;
	v26 =	vld [tilespmem:s0+$0xFFFFFFA0];
	v25 =	vmul.f32 v19, v25;
	v18 =	vmax.f32 v32, v28;
	v17 =	vmax.f32 v37, v17  }
0xbb: {  	[tilespmem:s18+$0xFFFFFFB0] =	vst v22;
	v22 =	vld [tilespmem:s0+$0xFFFFFFB0];
	v20 =	vunpack.i.u.bf16.f32 v24;
	v21 =	vunpack.i.u.bf16.f32 v39;
	v17 =	vsub.f32 v17, v41  }
0xbc: {  	v19 =	vunpack.i.l.bf16.f32 v24;
	v24 =	vsub.f32 v18, v31;
	[tilespmem:s18+$0xFFFFFFE0] =	vst v25;
	v25 =	vmax.f32 v34, v27  }
0xbd: {  	v18 =	vperm.xlane v33, v4;
	v28 =	vsub.f32 v25, v35;
	v27 =	vmul.f32 $1.442695020e+00, v17  }
0xbe: {  	[tilespmem:s18+$0x40] =	vst v29;
	v29 =	vmul.f32 $1.442695020e+00, v24;
	v24 =	vunpack.i.l.bf16.f32 v39;
	v17 =	vperm.xlane v11, v4  }
0xbf: {  	s29 =	simm.s32 $0x4;
	s30 =	simm.s32 $0x31E0;
	s9 =	simm.s32 $0x9240;
	[tilespmem:s18+$0xFFFFFFD0] =	vst v30;
	v25 =	vunpack.i.u.bf16.f32 v26;
	(erf) = vpow2.f32 v27;
	v27 =	vmul.f32 v38, v63  }
.LBB2_7:
0xc0: {  	v30 =	vld [tilespmem:s30+$0x20];
	s29 =	sadd.s32 $0x4, s29;
	s20 =	sadd.s32 $0x40, s20;
	(erf) = vpow2.f32 v29;
	v29 =	vpop (erf);
	v31 =	vunpack.i.u.bf16.f32 v22;
	v32 =	vperm.xlane v11, v5  }
0xc1: {  	v14 =	vunpack.i.l.bf16.f32 v14;
	v15 =	vmul.f32 v15, v20;
	v33 =	vld [tilespmem:s30+$0x50];
	p1 =	slt.u32 s29, $0x7C;
	[tilespmem:s9+$0xB0] =	vst v29;
	v34 =	vperm.xlane v29, v6  }
0xc2: {  	v28 =	vmul.f32 $1.442695020e+00, v28;
	v26 =	vunpack.i.l.bf16.f32 v26;
	v35 =	vperm.xlane v11, v2;
	v20 =	vld [tilespmem:s20+$0x10]  }
0xc3: {  	v36 =	vld [tilespmem:s20+$0xFFFFFFE0];
	v16 =	vmul.f32 v34, v16;
	v34 =	vperm.xlane v11, v3;
	[tilespmem:s18+$0x10] =	vst v15  }
0xc4: {  	v11 =	vperm.xlane v11, v6;
	v15 =	vld [tilespmem:s16+$0x40];
	(erf) = vpow2.f32 v28  }
0xc5: {  	v38 =	vunpack.i.l.bf16.f32 v9;
	v21 =	vmul.f32 v23, v21;
	v9 =	vmovc v7;
	v37 =	vperm.xlane v29, v2;
	v28 =	vld [tilespmem:s16+$0x30];
	[tilespmem:s18+$0xFFFFFFA0] =	vst v27  }
0xc6: {  	v27 =	vperm.xlane v29, v3;
	v38 =	vmul.f32 v11, v38;
	v23 =	vld [tilespmem:s20+$0x0];
	[tilespmem:s9+$0xA0] =	vst v16  }
0xc7: {  	v22 =	vunpack.i.l.bf16.f32 v22;
	v13 =	vmul.f32 v13, v19;
	v16 =	vperm.xlane v29, v5;
	v7 =	vld [tilespmem:s30+$0xFFFFFFC0];
	[tilespmem:s18+$0x30] =	vst v21  }
0xc8: {  	v19 =	vunpack.i.l.bf16.f32 v10;
	v10 =	vmul.f32 v35, v26;
	v21 =	vperm.xlane v29, v4;
	v29 =	vpop (erf);
	[tilespmem:s18+$0xFFFFFF80] =	vst v38  }
0xc9: {  	v12 =	vmul.f32 v12, v14;
	v26 =	vunpack.i.u.bf16.f32 v30;
	v11 =	vpop (erf);
	[tilespmem:s18+$0x0] =	vst v13;
	v13 =	vmul.f32 v18, v24  }
0xca: {  	v18 =	vunpack.i.u.bf16.f32 v15;
	v24 =	vmul.f32 v34, v25;
	v14 =	vunpack.i.u.bf16.f32 v28;
	[tilespmem:s18+$0xFFFFFF40] =	vst v10  }
0xcb: {  	v17 =	vmul.f32 v17, v22;
	v38 =	vunpack.i.u.bf16.f32 v33;
	v34 =	vperm.xlane v20, v1;
	v10 =	vld [tilespmem:s30+$0xFFFFFFF0];
	[tilespmem:s9+$0xFFFFFFF0] =	vst v29  }
0xcc: {  	v35 =	vperm.xlane v36, v1;
	v22 =	vunpack.i.l.bf16.f32 v28;
	v28 =	vmul.f32 v32, v31;
	[tilespmem:s18+$0x20] =	vst v13  }
0xcd: {  	v20 =	vadd.f32 v20, v38;
	v15 =	vunpack.i.l.bf16.f32 v15;
	v13 =	vunpack.i.u.bf16.f32 v7;
	v25 =	vpop (erf);
	[tilespmem:s18+$0xFFFFFF50] =	vst v24  }
0xce: {  	v32 =	vadd.f32 v23, v26;
	v24 =	vadd.f32 v36, v13;
	v13 =	vmul.f32 v21, v15;
	v31 =	vld [tilespmem:s20+$0xFFFFFFF0];
	[tilespmem:s18+$0xFFFFFF70] =	vst v28  }
0xcf: {  	v16 =	vmul.f32 v16, v18;
	v28 =	vperm.xlane v23, v1;
	[tilespmem:s9+$0x50] =	vst v25  }
0xd0: {  	v21 =	vmul.f32 $2.000000030e-01, v20;
	v23 =	vmul.f32 v27, v14;
	v18 =	vunpack.i.u.bf16.f32 v10;
	v36 =	vld [tilespmem:s16+$0x0];
	[tilespmem:s18+$0xFFFFFFC0] =	vst v12  }
0xd1: {  	v38 =	vunpack.i.l.bf16.f32 v8;
	v8 =	vmovc v30;
	v27 =	vmul.f32 $2.000000030e-01, v32;
	v15 =	vperm.xlane v25, v3;
	v26 =	vld [tilespmem:s16+$0xFFFFFFD0];
	[tilespmem:s18+$0xFFFFFF60] =	vst v17;
	s18 =	smov.u32 s9  }
0xd2: {  	v12 =	vmax.f32 v20, v21;
	v20 =	vmul.f32 v37, v22;
	v17 =	vperm.xlane v25, v6;
	[tilespmem:s9+$0x80] =	vst v13  }
0xd3: {  	v30 =	vperm.xlane v29, v3;
	v12 =	vsub.f32 v12, v34;
	v18 =	vadd.f32 v31, v18;
	v14 =	vld [tilespmem:s16+$0xFFFFFFE0];
	[tilespmem:s9+$0x90] =	vst v16  }
0xd4: {  	v13 =	vperm.xlane v25, v2;
	v16 =	vunpack.i.l.bf16.f32 v33;
	v33 =	vperm.xlane v29, v2;
	v34 =	vld [tilespmem:s16+$0x10];
	[tilespmem:s9+$0x60] =	vst v20  }
0xd5: {  	v21 =	vmul.f32 $1.442695020e+00, v12;
	v12 =	vperm.xlane v29, v4;
	v20 =	vunpack.i.u.bf16.f32 v36;
	[tilespmem:s9+$0x70] =	vst v23  }
0xd6: {  	v22 =	vperm.xlane v31, v1;
	v23 =	vperm.xlane v29, v6;
	v31 =	vunpack.i.u.bf16.f32 v26  }
0xd7: {  	v29 =	vperm.xlane v29, v5;
	v37 =	vunpack.i.l.bf16.f32 v26;
	(erf) = vpow2.f32 v21  }
0xd8: {  	s9 =	sadd.s32 $0x180, s9;
	v26 =	vmul.f32 $2.000000030e-01, v18;
	v19 =	vmul.f32 v23, v19;
	v39 =	vunpack.i.u.bf16.f32 v14  }
0xd9: {  	v40 =	vmul.f32 $2.000000030e-01, v24;
	v23 =	vperm.xlane v25, v5;
	[tilespmem:s18+$0xFFFFFF90] =	vst v11;
	v21 =	vunpack.i.u.bf16.f32 v34  }
0xda: {  	v17 =	vmul.f32 v17, v38;
	v18 =	vmax.f32 v18, v26;
	v26 =	vld [tilespmem:s16+$0xFFFFFFA0];
	[tilespmem:s18+$0xFFFFFFE0] =	vst v19;
	v19 =	vunpack.i.l.bf16.f32 v36  }
.Ltmp6:
0xdb: {  	v24 =	vmax.f32 v24, v40;
	v30 =	vmul.f32 v30, v31;
	v36 =	vsub.f32 v18, v22;
	v22 =	vld [tilespmem:s16+$0xFFFFFFB0];
	s16 =	smov.u32 s30;
	(pc) =	sbr.rel @p1 .LBB2_7-.Ltmp6, $4  }
0xdc: {  	v27 =	vmax.f32 v32, v27;
	v24 =	vsub.f32 v24, v35;
	v18 =	vperm.xlane v25, v4;
	[tilespmem:s18+$0x40] =	vst v17  }
0xdd: {  	v28 =	vsub.f32 v27, v28;
	v25 =	vmul.f32 $1.442695020e+00, v36;
	[tilespmem:s18+$0xFFFFFFB0] =	vst v30;
	v30 =	vmul.f32 v29, v39  }
0xde: {  	v17 =	vperm.xlane v11, v4;
	v29 =	vmul.f32 $1.442695020e+00, v24;
	v24 =	vunpack.i.l.bf16.f32 v34  }
0xdf: {  	v27 =	vmul.f32 v33, v37;
	s30 =	sadd.s32 $0xC0, s30;
	(erf) = vpow2.f32 v25;
	v25 =	vunpack.i.u.bf16.f32 v26;
	[tilespmem:s18+$0xFFFFFFD0] =	vst v30  }
0xe0: {  	v30 =	vpop (erf)  }
0xe1: {  	v15 =	vmul.f32 v15, v20;
	(erf) = vpow2.f32 v29;
	[tilespmem:s9+$0xB0] =	vst v30  }
0xe2: {  	v53 =	vmul.f32 $1.442695020e+00, v28;
	v21 =	vmul.f32 v23, v21;
	[tilespmem:s18+$0xFFFFFFA0] =	vst v27  }
0xe3: {  	v55 =	vperm.xlane v11, v6;
	v13 =	vmul.f32 v13, v19;
	[tilespmem:s18+$0x10] =	vst v15  }
0xe4: {  	v57 =	vperm.xlane v11, v2;
	v18 =	vmul.f32 v18, v24;
	v14 =	vunpack.i.l.bf16.f32 v14;
	[tilespmem:s18+$0x30] =	vst v21  }
0xe5: {  	v9 =	vunpack.i.l.bf16.f32 v9;
	v60 =	vperm.xlane v11, v5;
	v12 =	vmul.f32 v12, v14;
	[tilespmem:s18+$0x0] =	vst v13  }
0xe6: {  	v62 =	vunpack.i.u.bf16.f32 v22;
	v31 =	vperm.xlane v30, v6;
	v9 =	vmul.f32 v55, v9;
	[tilespmem:s18+$0x20] =	vst v18  }
0xe7: {  	v59 =	vperm.xlane v11, v3;
	v54 =	vld [tilespmem:s16+$0x40];
	v11 =	vmul.f32 v60, v62;
	[tilespmem:s18+$0xFFFFFFC0] =	vst v12  }
0xe8: {  	(erf) = vpow2.f32 v53;
	v16 =	vmul.f32 v31, v16;
	[tilespmem:s18+$0xFFFFFF80] =	vst v9  }
0xe9: {  	v58 =	vunpack.i.l.bf16.f32 v26;
	v56 =	vld [tilespmem:s16+$0x30];
	v9 =	vmul.f32 v59, v25;
	[tilespmem:s18+$0xFFFFFF70] =	vst v11  }
0xea: {  	v22 =	vunpack.i.l.bf16.f32 v22;
	[tilespmem:s9+$0xA0] =	vst v16;
	v16 =	vmul.f32 v57, v58  }
0xeb: {  	v23 =	vperm.xlane v30, v4;
	[tilespmem:s18+$0xFFFFFF50] =	vst v9;
	v9 =	vmul.f32 v17, v22  }
0xec: {  	v25 =	vperm.xlane v30, v5;
	[tilespmem:s18+$0xFFFFFF40] =	vst v16;
	v26 =	vunpack.i.l.bf16.f32 v54  }
0xed: {  	v27 =	vperm.xlane v30, v2;
	v15 =	vunpack.i.u.bf16.f32 v54;
	v61 =	vpop (erf);
	v17 =	vmul.f32 v23, v26;
	[tilespmem:s18+$0xFFFFFF60] =	vst v9  }
0xee: {  	v28 =	vperm.xlane v30, v3;
	v29 =	vunpack.i.l.bf16.f32 v56;
	v11 =	vmul.f32 v25, v15;
	[tilespmem:s9+$0xFFFFFFF0] =	vst v61  }
0xef: {  	v31 =	vunpack.i.u.bf16.f32 v56;
	v18 =	vmul.f32 v27, v29;
	v30 =	vld [tilespmem:s16+$0xFFFFFFD0];
	[tilespmem:s9+$0x80] =	vst v17  }
0xf0: {  	v9 =	vmul.f32 v28, v31;
	v63 =	vpop (erf);
	v34 =	vperm.xlane v61, v6;
	[tilespmem:s9+$0x90] =	vst v11  }
0xf1: {  	v36 =	vperm.xlane v61, v3;
	v40 =	vperm.xlane v61, v5;
	v32 =	vld [tilespmem:s16+$0xFFFFFFE0];
	[tilespmem:s9+$0xFFFFFF90] =	vst v63;
	v24 =	vpop (erf)  }
0xf2: {  	v10 =	vunpack.i.l.bf16.f32 v10;
	v44 =	vperm.xlane v61, v2;
	v46 =	vld [tilespmem:s16+$0xFFFFFFA0];
	[tilespmem:s9+$0x50] =	vst v24;
	v35 =	vperm.xlane v24, v6  }
0xf3: {  	v8 =	vunpack.i.l.bf16.f32 v8;
	v60 =	vperm.xlane v61, v4;
	[tilespmem:s9+$0x60] =	vst v18;
	v38 =	vmul.f32 v34, v10;
	v33 =	vld [tilespmem:s16+$0x0]  }
0xf4: {  	[tilespmem:s9+$0x70] =	vst v9;
	v55 =	vperm.xlane v63, v2;
	v37 =	vld [tilespmem:s16+$0x10];
	v8 =	vmul.f32 v35, v8;
	v39 =	vunpack.i.u.bf16.f32 v30  }
0xf5: {  	v58 =	vperm.xlane v63, v3;
	[tilespmem:s9+$0xFFFFFFE0] =	vst v38;
	v47 =	vunpack.i.l.bf16.f32 v30;
	v43 =	vmul.f32 v36, v39  }
0xf6: {  	v59 =	vperm.xlane v63, v5;
	v42 =	vunpack.i.u.bf16.f32 v32;
	[tilespmem:s9+$0x40] =	vst v8;
	v10 =	vmul.f32 v44, v47  }
0xf7: {  	v41 =	vperm.xlane v24, v3;
	v8 =	vmul.f32 v40, v42;
	v56 =	vunpack.i.l.bf16.f32 v46;
	[tilespmem:s9+$0xFFFFFFB0] =	vst v43  }
0xf8: {  	v48 =	vperm.xlane v24, v5;
	v45 =	vunpack.i.u.bf16.f32 v33;
	[tilespmem:s9+$0xFFFFFFA0] =	vst v10;
	v10 =	vmul.f32 v55, v56  }
0xf9: {  	v51 =	vperm.xlane v24, v2;
	v50 =	vunpack.i.u.bf16.f32 v37;
	[tilespmem:s9+$0xFFFFFFD0] =	vst v8;
	v49 =	vmul.f32 v41, v45  }
0xfa: {  	v52 =	vld [tilespmem:s16+$0xFFFFFFB0];
	v8 =	vperm.xlane v63, v6;
	v54 =	vunpack.i.l.bf16.f32 v33;
	v53 =	vmul.f32 v48, v50;
	[tilespmem:s9+$0xFFFFFF40] =	vst v10  }
0xfb: {  	v7 =	vunpack.i.l.bf16.f32 v7;
	v62 =	vperm.xlane v63, v4;
	v11 =	vmul.f32 v51, v54;
	[tilespmem:s9+$0x10] =	vst v49  }
0xfc: {  	v63 =	vunpack.i.l.bf16.f32 v32;
	v7 =	vmul.f32 v8, v7;
	v8 =	vperm.xlane v24, v4;
	[tilespmem:s9+$0x30] =	vst v53  }
0xfd: {  	v57 =	vunpack.i.l.bf16.f32 v37;
	v9 =	vmul.f32 v60, v63;
	[tilespmem:s9+$0x0] =	vst v11  }
0xfe: {  	[tilespmem:s9+$0xFFFFFF80] =	vst v7;
	v7 =	vunpack.i.u.bf16.f32 v46;
	v8 =	vmul.f32 v8, v57  }
0xff: {  	v61 =	vunpack.i.u.bf16.f32 v52;
	[tilespmem:s9+$0xFFFFFFC0] =	vst v9;
	v7 =	vmul.f32 v58, v7  }
0x100: {  	v11 =	vmul.f32 v59, v61;
	[tilespmem:s9+$0x20] =	vst v8;
	v8 =	vunpack.i.l.bf16.f32 v52  }
0x101: {  	[tilespmem:s9+$0xFFFFFF50] =	vst v7;
	v7 =	vmul.f32 v62, v8  }
0x102: {  	s0 =	sand.u32 $0x3FFFFE00, s4;
	[tilespmem:s9+$0xFFFFFF70] =	vst v11  }
0x103: {  	s0 =	sadd.s32 $0x800, s0;
	[tilespmem:s9+$0xFFFFFF60] =	vst v7  }
0x104: {  	[spmem:s2] =	stream.indirect.scatter.add.f32 [tilespmem:s19], [sflag:$0x5], $0x60, s0, s22, $0xb8;
	[tilespmem:$0x1E000] =	vst v63  }
.LBB2_9:
0x105: {  	s16 =	sor.u32 $0x1, s5  }
0x106: {  	s0 =	sadd.s32 s16, s21  }
0x107: {  	p1 =	sgt.u32 s0, $0x1387  }
.Ltmp7:
0x108: {  	_ = 	snop;
	(pc) =	sbr.rel @p1 .LBB2_13-.Ltmp7, $1  }
0x109: {  	_ =	sdelay $0x3  }
0x10a: {  	s0 =	sadd.s32 $0x980, s4;
	s9 =	simm.s32 $0x2800  }
0x10b: {  	[tilespmem:s9], [sflag:$0x4] =	stream.indirect.gather [hbm4b:s7+s22], $0x10, s0, s22, $0xb8;
	[tilespmem:$0x1E000] =	vst v63  }
0x10c: {  	s18 =	sor.u32 $0x180, s4  }
0x10d: {  	[tilespmem:s25], [sflag:$0x4] =	stream.indirect.gather [hbm4b:s6+s22], $0x30, s18, s22, $0xb8;
	[tilespmem:$0x1E000] =	vst v63  }
0x10e: {  	_ =	swait.ge [sflag:s1], $0x800  }
0x10f: {  	[sflag:s1] =	ssyncset.done $0x0  }
0x110: {  	[sflag:s1] =	ssyncadd.s32 $0xFFFFF800  }
0x111: {  	_ =	swait.ge [sflag:s1], $0x1800  }
0x112: {  	p1 =	seq.s32 s3, $0x0;
	[sflag:s1] =	ssyncset.done $0x0  }
0x113: {  	s0 =	simm.s32 @!p1 $0x6;
	[sflag:s1] =	ssyncadd.s32 $0xFFFFE800  }
0x114: {  	_ =	swait.ge @!p1 [sflag:s0], $0x3000  }
0x115: {  	[sflag:s0] =	ssyncset.done @!p1 $0x0  }
0x116: {  	[sflag:s0] =	ssyncadd.s32 @!p1 $0xFFFFD000;
	s0 =	simm.s32 $0x4860  }
0x117: {  	s20 =	simm.s32 $0x1820;
	v7 =	vld [tilespmem:s0+$0x50]  }
0x118: {  	v8 =	vld [tilespmem:s20+$0x10];
	_ =	sdelay $0x3  }
0x119: {  	v13 =	vld [tilespmem:s0+$0xFFFFFFF0];
	v9 =	vunpack.i.u.bf16.f32 v7  }
0x11a: {  	v14 =	vld [tilespmem:s20+$0xFFFFFFF0];
	v10 =	vadd.f32 v8, v9;
	_ =	sdelay $0x1  }
0x11b: {  	v11 =	vmul.f32 $2.000000030e-01, v10  }
0x11c: {  	v12 =	vld [tilespmem:s0+$0x20];
	v8 =	vperm.xlane v8, v1  }
0x11d: {  	v15 =	vunpack.i.u.bf16.f32 v13;
	v9 =	vld [tilespmem:s0+$0xFFFFFFC0];
	v10 =	vmax.f32 v10, v11  }
0x11e: {  	v15 =	vadd.f32 v14, v15;
	v11 =	vld [tilespmem:s20+$0xFFFFFFE0];
	v8 =	vsub.f32 v10, v8  }
0x11f: {  	v10 =	vld [tilespmem:s20+$0x0]  }
0x120: {  	v17 =	vmul.f32 $2.000000030e-01, v15;
	v8 =	vmul.f32 $1.442695020e+00, v8  }
0x121: {  	v14 =	vperm.xlane v14, v1  }
0x122: {  	v15 =	vmax.f32 v15, v17;
	v16 =	vunpack.i.u.bf16.f32 v9;
	(erf) = vpow2.f32 v8  }
0x123: {  	v14 =	vsub.f32 v15, v14;
	v8 =	vunpack.i.u.bf16.f32 v12;
	v16 =	vadd.f32 v11, v16  }
0x124: {  	v8 =	vadd.f32 v10, v8  }
0x125: {  	v14 =	vmul.f32 $1.442695020e+00, v14;
	v18 =	vmul.f32 $2.000000030e-01, v16  }
0x126: {  	s29 =	simm.s32 $0x1860;
	v11 =	vperm.xlane v11, v1;
	v19 =	vmul.f32 $2.000000030e-01, v8  }
0x127: {  	v23 =	vld [tilespmem:s29+$0x0];
	v10 =	vperm.xlane v10, v1;
	v16 =	vmax.f32 v16, v18  }
0x128: {  	s18 =	simm.s32 $0x4920;
	v15 =	vld [tilespmem:s29+$0x10];
	(erf) = vpow2.f32 v14;
	v11 =	vsub.f32 v16, v11;
	v8 =	vmax.f32 v8, v19  }
0x129: {  	v16 =	vld [tilespmem:s18+$0x50];
	v10 =	vsub.f32 v8, v10  }
0x12a: {  	v11 =	vmul.f32 $1.442695020e+00, v11  }
0x12b: {  	s9 =	simm.s32 $0xC0C0;
	v8 =	vld [tilespmem:s18+$0x20];
	v10 =	vmul.f32 $1.442695020e+00, v10;
	v14 =	vpop (erf)  }
0x12c: {  	v7 =	vunpack.i.l.bf16.f32 v7;
	v35 =	vperm.xlane v23, v1;
	v19 =	vld [tilespmem:s29+$0xFFFFFFE0];
	(erf) = vpow2.f32 v11;
	[tilespmem:s9+$0xB0] =	vst v14  }
0x12d: {  	v25 =	vunpack.i.l.bf16.f32 v13;
	v30 =	vperm.xlane v15, v1;
	(erf) = vpow2.f32 v10;
	v17 =	vld [tilespmem:s0+$0x40]  }
0x12e: {  	v10 =	vperm.xlane v14, v6;
	v20 =	vperm.xlane v14, v2;
	v29 =	vunpack.i.u.bf16.f32 v16;
	v18 =	vld [tilespmem:s0+$0x30]  }
0x12f: {  	v22 =	vperm.xlane v14, v3;
	v24 =	vperm.xlane v14, v5;
	v29 =	vadd.f32 v15, v29  }
0x130: {  	v13 =	vperm.xlane v14, v4;
	v14 =	vunpack.i.u.bf16.f32 v8;
	v21 =	vmul.f32 v10, v7;
	v7 =	vld [tilespmem:s18+$0xFFFFFFC0]  }
0x131: {  	v28 =	vpop (erf);
	v31 =	vperm.xlane v19, v1;
	v34 =	vadd.f32 v23, v14;
	v14 =	vmul.f32 $2.000000030e-01, v29  }
0x132: {  	v36 =	vunpack.i.l.bf16.f32 v12;
	v38 =	vperm.xlane v28, v2;
	v43 =	vperm.xlane v28, v5  }
0x133: {  	v12 =	vmax.f32 v29, v14;
	v26 =	vunpack.i.u.bf16.f32 v18;
	v27 =	vunpack.i.u.bf16.f32 v17  }
0x134: {  	v18 =	vunpack.i.l.bf16.f32 v18;
	v17 =	vunpack.i.l.bf16.f32 v17;
	v12 =	vsub.f32 v12, v30  }
0x135: {  	v10 =	vld [tilespmem:s18+$0xFFFFFFF0];
	v30 =	vperm.xlane v28, v3;
	v32 =	vunpack.i.u.bf16.f32 v7;
	v17 =	vmul.f32 v13, v17  }
0x136: {  	[tilespmem:s9+$0xFFFFFFF0] =	vst v28;
	v23 =	vmul.f32 v24, v27;
	v22 =	vmul.f32 v22, v26;
	v32 =	vadd.f32 v19, v32;
	v19 =	vld [tilespmem:s29+$0xFFFFFFF0]  }
0x137: {  	v14 =	vld [tilespmem:s0+$0xFFFFFFE0];
	v27 =	vmul.f32 $2.000000030e-01, v34;
	v18 =	vmul.f32 v20, v18;
	v11 =	vpop (erf)  }
0x138: {  	v26 =	vld [tilespmem:s0+$0xFFFFFFD0];
	v40 =	vmul.f32 $1.442695020e+00, v12;
	v12 =	vperm.xlane v28, v4;
	v33 =	vpop (erf)  }
0x139: {  	v16 =	vunpack.i.l.bf16.f32 v16;
	[tilespmem:s9+$0x50] =	vst v33;
	v15 =	vperm.xlane v33, v3;
	v29 =	vperm.xlane v33, v6  }
0x13a: {  	v13 =	vunpack.i.u.bf16.f32 v10;
	[tilespmem:s9+$0x90] =	vst v23;
	(erf) = vpow2.f32 v40;
	v23 =	vperm.xlane v33, v5;
	v24 =	vld [tilespmem:s0+$0x0]  }
0x13b: {  	[tilespmem:s9+$0xA0] =	vst v21;
	v39 =	vld [tilespmem:s0+$0x10];
	v29 =	vmul.f32 v29, v36;
	v37 =	vadd.f32 v19, v13;
	v13 =	vperm.xlane v33, v2  }
0x13c: {  	[tilespmem:s9+$0x80] =	vst v17;
	v44 =	vunpack.i.u.bf16.f32 v14;
	v41 =	vperm.xlane v19, v1;
	v19 =	vperm.xlane v28, v6  }
0x13d: {  	[tilespmem:s9+$0xFFFFFF90] =	vst v11;
	v42 =	vunpack.i.u.bf16.f32 v26;
	v28 =	vmul.f32 $2.000000030e-01, v32;
	v17 =	vmul.f32 $2.000000030e-01, v37  }
0x13e: {  	[tilespmem:s9+$0x70] =	vst v22;
	v63 =	vunpack.i.l.bf16.f32 v26;
	v22 =	vmul.f32 v30, v42;
	v30 =	vmul.f32 v43, v44  }
0x13f: {  	[tilespmem:s9+$0x60] =	vst v18;
	v26 =	vld [tilespmem:s0+$0xFFFFFFA0];
	v25 =	vmul.f32 v19, v25;
	v18 =	vmax.f32 v32, v28;
	v17 =	vmax.f32 v37, v17  }
0x140: {  	[tilespmem:s9+$0xFFFFFFB0] =	vst v22;
	v22 =	vld [tilespmem:s0+$0xFFFFFFB0];
	v20 =	vunpack.i.u.bf16.f32 v24;
	v21 =	vunpack.i.u.bf16.f32 v39;
	v17 =	vsub.f32 v17, v41  }
0x141: {  	v19 =	vunpack.i.l.bf16.f32 v24;
	v24 =	vsub.f32 v18, v31;
	[tilespmem:s9+$0xFFFFFFE0] =	vst v25;
	v25 =	vmax.f32 v34, v27  }
0x142: {  	v18 =	vperm.xlane v33, v4;
	v28 =	vsub.f32 v25, v35;
	v27 =	vmul.f32 $1.442695020e+00, v17  }
0x143: {  	[tilespmem:s9+$0x40] =	vst v29;
	v29 =	vmul.f32 $1.442695020e+00, v24;
	v24 =	vunpack.i.l.bf16.f32 v39;
	v17 =	vperm.xlane v11, v4  }
0x144: {  	s30 =	simm.s32 $0x4;
	s20 =	simm.s32 $0xC240;
	s0 =	simm.s32 $0x49E0;
	[tilespmem:s9+$0xFFFFFFD0] =	vst v30;
	v25 =	vunpack.i.u.bf16.f32 v26;
	(erf) = vpow2.f32 v27;
	v27 =	vmul.f32 v38, v63  }
.LBB2_11:
0x145: {  	v30 =	vld [tilespmem:s0+$0x20];
	s30 =	sadd.s32 $0x4, s30;
	s29 =	sadd.s32 $0x40, s29;
	(erf) = vpow2.f32 v29;
	v29 =	vpop (erf);
	v31 =	vunpack.i.u.bf16.f32 v22;
	v32 =	vperm.xlane v11, v5  }
0x146: {  	v14 =	vunpack.i.l.bf16.f32 v14;
	v15 =	vmul.f32 v15, v20;
	v33 =	vld [tilespmem:s0+$0x50];
	p1 =	slt.u32 s30, $0x7C;
	[tilespmem:s20+$0xB0] =	vst v29;
	v34 =	vperm.xlane v29, v6  }
0x147: {  	v28 =	vmul.f32 $1.442695020e+00, v28;
	v26 =	vunpack.i.l.bf16.f32 v26;
	v35 =	vperm.xlane v11, v2;
	v20 =	vld [tilespmem:s29+$0x10]  }
0x148: {  	v36 =	vld [tilespmem:s29+$0xFFFFFFE0];
	v16 =	vmul.f32 v34, v16;
	v34 =	vperm.xlane v11, v3;
	[tilespmem:s9+$0x10] =	vst v15  }
0x149: {  	v11 =	vperm.xlane v11, v6;
	v15 =	vld [tilespmem:s18+$0x40];
	(erf) = vpow2.f32 v28  }
0x14a: {  	v38 =	vunpack.i.l.bf16.f32 v9;
	v21 =	vmul.f32 v23, v21;
	v9 =	vmovc v7;
	v37 =	vperm.xlane v29, v2;
	v28 =	vld [tilespmem:s18+$0x30];
	[tilespmem:s9+$0xFFFFFFA0] =	vst v27  }
0x14b: {  	v27 =	vperm.xlane v29, v3;
	v38 =	vmul.f32 v11, v38;
	v23 =	vld [tilespmem:s29+$0x0];
	[tilespmem:s20+$0xA0] =	vst v16  }
0x14c: {  	v22 =	vunpack.i.l.bf16.f32 v22;
	v13 =	vmul.f32 v13, v19;
	v16 =	vperm.xlane v29, v5;
	v7 =	vld [tilespmem:s0+$0xFFFFFFC0];
	[tilespmem:s9+$0x30] =	vst v21  }
0x14d: {  	v19 =	vunpack.i.l.bf16.f32 v10;
	v10 =	vmul.f32 v35, v26;
	v21 =	vperm.xlane v29, v4;
	v29 =	vpop (erf);
	[tilespmem:s9+$0xFFFFFF80] =	vst v38  }
0x14e: {  	v12 =	vmul.f32 v12, v14;
	v26 =	vunpack.i.u.bf16.f32 v30;
	v11 =	vpop (erf);
	[tilespmem:s9+$0x0] =	vst v13;
	v13 =	vmul.f32 v18, v24  }
0x14f: {  	v18 =	vunpack.i.u.bf16.f32 v15;
	v24 =	vmul.f32 v34, v25;
	v14 =	vunpack.i.u.bf16.f32 v28;
	[tilespmem:s9+$0xFFFFFF40] =	vst v10  }
0x150: {  	v17 =	vmul.f32 v17, v22;
	v38 =	vunpack.i.u.bf16.f32 v33;
	v34 =	vperm.xlane v20, v1;
	v10 =	vld [tilespmem:s0+$0xFFFFFFF0];
	[tilespmem:s20+$0xFFFFFFF0] =	vst v29  }
0x151: {  	v35 =	vperm.xlane v36, v1;
	v22 =	vunpack.i.l.bf16.f32 v28;
	v28 =	vmul.f32 v32, v31;
	[tilespmem:s9+$0x20] =	vst v13  }
0x152: {  	v20 =	vadd.f32 v20, v38;
	v15 =	vunpack.i.l.bf16.f32 v15;
	v13 =	vunpack.i.u.bf16.f32 v7;
	v25 =	vpop (erf);
	[tilespmem:s9+$0xFFFFFF50] =	vst v24  }
0x153: {  	v32 =	vadd.f32 v23, v26;
	v24 =	vadd.f32 v36, v13;
	v13 =	vmul.f32 v21, v15;
	v31 =	vld [tilespmem:s29+$0xFFFFFFF0];
	[tilespmem:s9+$0xFFFFFF70] =	vst v28  }
0x154: {  	v16 =	vmul.f32 v16, v18;
	v28 =	vperm.xlane v23, v1;
	[tilespmem:s20+$0x50] =	vst v25  }
0x155: {  	v21 =	vmul.f32 $2.000000030e-01, v20;
	v23 =	vmul.f32 v27, v14;
	v18 =	vunpack.i.u.bf16.f32 v10;
	v36 =	vld [tilespmem:s18+$0x0];
	[tilespmem:s9+$0xFFFFFFC0] =	vst v12  }
0x156: {  	v38 =	vunpack.i.l.bf16.f32 v8;
	v8 =	vmovc v30;
	v27 =	vmul.f32 $2.000000030e-01, v32;
	v15 =	vperm.xlane v25, v3;
	v26 =	vld [tilespmem:s18+$0xFFFFFFD0];
	[tilespmem:s9+$0xFFFFFF60] =	vst v17;
	s9 =	smov.u32 s20  }
0x157: {  	v12 =	vmax.f32 v20, v21;
	v20 =	vmul.f32 v37, v22;
	v17 =	vperm.xlane v25, v6;
	[tilespmem:s20+$0x80] =	vst v13  }
0x158: {  	v30 =	vperm.xlane v29, v3;
	v12 =	vsub.f32 v12, v34;
	v18 =	vadd.f32 v31, v18;
	v14 =	vld [tilespmem:s18+$0xFFFFFFE0];
	[tilespmem:s20+$0x90] =	vst v16  }
0x159: {  	v13 =	vperm.xlane v25, v2;
	v16 =	vunpack.i.l.bf16.f32 v33;
	v33 =	vperm.xlane v29, v2;
	v34 =	vld [tilespmem:s18+$0x10];
	[tilespmem:s20+$0x60] =	vst v20  }
0x15a: {  	v21 =	vmul.f32 $1.442695020e+00, v12;
	v12 =	vperm.xlane v29, v4;
	v20 =	vunpack.i.u.bf16.f32 v36;
	[tilespmem:s20+$0x70] =	vst v23  }
0x15b: {  	v22 =	vperm.xlane v31, v1;
	v23 =	vperm.xlane v29, v6;
	v31 =	vunpack.i.u.bf16.f32 v26  }
0x15c: {  	v29 =	vperm.xlane v29, v5;
	v37 =	vunpack.i.l.bf16.f32 v26;
	(erf) = vpow2.f32 v21  }
0x15d: {  	s20 =	sadd.s32 $0x180, s20;
	v26 =	vmul.f32 $2.000000030e-01, v18;
	v19 =	vmul.f32 v23, v19;
	v39 =	vunpack.i.u.bf16.f32 v14  }
0x15e: {  	v40 =	vmul.f32 $2.000000030e-01, v24;
	v23 =	vperm.xlane v25, v5;
	[tilespmem:s9+$0xFFFFFF90] =	vst v11;
	v21 =	vunpack.i.u.bf16.f32 v34  }
0x15f: {  	v17 =	vmul.f32 v17, v38;
	v18 =	vmax.f32 v18, v26;
	v26 =	vld [tilespmem:s18+$0xFFFFFFA0];
	[tilespmem:s9+$0xFFFFFFE0] =	vst v19;
	v19 =	vunpack.i.l.bf16.f32 v36  }
.Ltmp8:
0x160: {  	v24 =	vmax.f32 v24, v40;
	v30 =	vmul.f32 v30, v31;
	v36 =	vsub.f32 v18, v22;
	v22 =	vld [tilespmem:s18+$0xFFFFFFB0];
	s18 =	smov.u32 s0;
	(pc) =	sbr.rel @p1 .LBB2_11-.Ltmp8, $4  }
0x161: {  	v27 =	vmax.f32 v32, v27;
	v24 =	vsub.f32 v24, v35;
	v18 =	vperm.xlane v25, v4;
	[tilespmem:s9+$0x40] =	vst v17  }
0x162: {  	v28 =	vsub.f32 v27, v28;
	v25 =	vmul.f32 $1.442695020e+00, v36;
	[tilespmem:s9+$0xFFFFFFB0] =	vst v30;
	v30 =	vmul.f32 v29, v39  }
0x163: {  	v17 =	vperm.xlane v11, v4;
	v29 =	vmul.f32 $1.442695020e+00, v24;
	v24 =	vunpack.i.l.bf16.f32 v34  }
0x164: {  	v27 =	vmul.f32 v33, v37;
	s0 =	sadd.s32 $0xC0, s0;
	(erf) = vpow2.f32 v25;
	v25 =	vunpack.i.u.bf16.f32 v26;
	[tilespmem:s9+$0xFFFFFFD0] =	vst v30  }
0x165: {  	v30 =	vpop (erf)  }
0x166: {  	v15 =	vmul.f32 v15, v20;
	(erf) = vpow2.f32 v29;
	[tilespmem:s20+$0xB0] =	vst v30  }
0x167: {  	v53 =	vmul.f32 $1.442695020e+00, v28;
	v21 =	vmul.f32 v23, v21;
	[tilespmem:s9+$0xFFFFFFA0] =	vst v27  }
0x168: {  	v55 =	vperm.xlane v11, v6;
	v13 =	vmul.f32 v13, v19;
	[tilespmem:s9+$0x10] =	vst v15  }
0x169: {  	v57 =	vperm.xlane v11, v2;
	v18 =	vmul.f32 v18, v24;
	v14 =	vunpack.i.l.bf16.f32 v14;
	[tilespmem:s9+$0x30] =	vst v21  }
0x16a: {  	v9 =	vunpack.i.l.bf16.f32 v9;
	v60 =	vperm.xlane v11, v5;
	v12 =	vmul.f32 v12, v14;
	[tilespmem:s9+$0x0] =	vst v13  }
0x16b: {  	v62 =	vunpack.i.u.bf16.f32 v22;
	v31 =	vperm.xlane v30, v6;
	v9 =	vmul.f32 v55, v9;
	[tilespmem:s9+$0x20] =	vst v18  }
0x16c: {  	v59 =	vperm.xlane v11, v3;
	v54 =	vld [tilespmem:s18+$0x40];
	v11 =	vmul.f32 v60, v62;
	[tilespmem:s9+$0xFFFFFFC0] =	vst v12  }
0x16d: {  	(erf) = vpow2.f32 v53;
	v16 =	vmul.f32 v31, v16;
	[tilespmem:s9+$0xFFFFFF80] =	vst v9  }
0x16e: {  	v58 =	vunpack.i.l.bf16.f32 v26;
	v56 =	vld [tilespmem:s18+$0x30];
	v9 =	vmul.f32 v59, v25;
	[tilespmem:s9+$0xFFFFFF70] =	vst v11  }
0x16f: {  	v22 =	vunpack.i.l.bf16.f32 v22;
	[tilespmem:s20+$0xA0] =	vst v16;
	v16 =	vmul.f32 v57, v58  }
0x170: {  	v23 =	vperm.xlane v30, v4;
	[tilespmem:s9+$0xFFFFFF50] =	vst v9;
	v9 =	vmul.f32 v17, v22  }
0x171: {  	v25 =	vperm.xlane v30, v5;
	[tilespmem:s9+$0xFFFFFF40] =	vst v16;
	v26 =	vunpack.i.l.bf16.f32 v54  }
0x172: {  	v27 =	vperm.xlane v30, v2;
	v15 =	vunpack.i.u.bf16.f32 v54;
	v61 =	vpop (erf);
	v17 =	vmul.f32 v23, v26;
	[tilespmem:s9+$0xFFFFFF60] =	vst v9  }
0x173: {  	v28 =	vperm.xlane v30, v3;
	v29 =	vunpack.i.l.bf16.f32 v56;
	v11 =	vmul.f32 v25, v15;
	[tilespmem:s20+$0xFFFFFFF0] =	vst v61  }
0x174: {  	v31 =	vunpack.i.u.bf16.f32 v56;
	v18 =	vmul.f32 v27, v29;
	v30 =	vld [tilespmem:s18+$0xFFFFFFD0];
	[tilespmem:s20+$0x80] =	vst v17  }
0x175: {  	v9 =	vmul.f32 v28, v31;
	v63 =	vpop (erf);
	v34 =	vperm.xlane v61, v6;
	[tilespmem:s20+$0x90] =	vst v11  }
0x176: {  	v36 =	vperm.xlane v61, v3;
	v40 =	vperm.xlane v61, v5;
	v32 =	vld [tilespmem:s18+$0xFFFFFFE0];
	[tilespmem:s20+$0xFFFFFF90] =	vst v63;
	v24 =	vpop (erf)  }
0x177: {  	v10 =	vunpack.i.l.bf16.f32 v10;
	v44 =	vperm.xlane v61, v2;
	v46 =	vld [tilespmem:s18+$0xFFFFFFA0];
	[tilespmem:s20+$0x50] =	vst v24;
	v35 =	vperm.xlane v24, v6  }
0x178: {  	v8 =	vunpack.i.l.bf16.f32 v8;
	v60 =	vperm.xlane v61, v4;
	[tilespmem:s20+$0x60] =	vst v18;
	v38 =	vmul.f32 v34, v10;
	v33 =	vld [tilespmem:s18+$0x0]  }
0x179: {  	[tilespmem:s20+$0x70] =	vst v9;
	v55 =	vperm.xlane v63, v2;
	v37 =	vld [tilespmem:s18+$0x10];
	v8 =	vmul.f32 v35, v8;
	v39 =	vunpack.i.u.bf16.f32 v30  }
0x17a: {  	v58 =	vperm.xlane v63, v3;
	[tilespmem:s20+$0xFFFFFFE0] =	vst v38;
	v47 =	vunpack.i.l.bf16.f32 v30;
	v43 =	vmul.f32 v36, v39  }
0x17b: {  	v59 =	vperm.xlane v63, v5;
	v42 =	vunpack.i.u.bf16.f32 v32;
	[tilespmem:s20+$0x40] =	vst v8;
	v10 =	vmul.f32 v44, v47  }
0x17c: {  	v41 =	vperm.xlane v24, v3;
	v8 =	vmul.f32 v40, v42;
	v56 =	vunpack.i.l.bf16.f32 v46;
	[tilespmem:s20+$0xFFFFFFB0] =	vst v43  }
0x17d: {  	v48 =	vperm.xlane v24, v5;
	v45 =	vunpack.i.u.bf16.f32 v33;
	[tilespmem:s20+$0xFFFFFFA0] =	vst v10;
	v10 =	vmul.f32 v55, v56  }
0x17e: {  	v51 =	vperm.xlane v24, v2;
	v50 =	vunpack.i.u.bf16.f32 v37;
	[tilespmem:s20+$0xFFFFFFD0] =	vst v8;
	v49 =	vmul.f32 v41, v45  }
0x17f: {  	v52 =	vld [tilespmem:s18+$0xFFFFFFB0];
	v8 =	vperm.xlane v63, v6;
	v54 =	vunpack.i.l.bf16.f32 v33;
	v53 =	vmul.f32 v48, v50;
	[tilespmem:s20+$0xFFFFFF40] =	vst v10  }
0x180: {  	v7 =	vunpack.i.l.bf16.f32 v7;
	v62 =	vperm.xlane v63, v4;
	v11 =	vmul.f32 v51, v54;
	[tilespmem:s20+$0x10] =	vst v49  }
0x181: {  	v63 =	vunpack.i.l.bf16.f32 v32;
	v7 =	vmul.f32 v8, v7;
	v8 =	vperm.xlane v24, v4;
	[tilespmem:s20+$0x30] =	vst v53  }
0x182: {  	v57 =	vunpack.i.l.bf16.f32 v37;
	v9 =	vmul.f32 v60, v63;
	[tilespmem:s20+$0x0] =	vst v11  }
0x183: {  	[tilespmem:s20+$0xFFFFFF80] =	vst v7;
	v7 =	vunpack.i.u.bf16.f32 v46;
	v8 =	vmul.f32 v8, v57  }
0x184: {  	v61 =	vunpack.i.u.bf16.f32 v52;
	[tilespmem:s20+$0xFFFFFFC0] =	vst v9;
	v7 =	vmul.f32 v58, v7  }
0x185: {  	v11 =	vmul.f32 v59, v61;
	[tilespmem:s20+$0x20] =	vst v8;
	v8 =	vunpack.i.l.bf16.f32 v52  }
0x186: {  	s0 =	sshll.u32 s16, $0x7;
	[tilespmem:s20+$0xFFFFFF50] =	vst v7;
	v7 =	vmul.f32 v62, v8  }
0x187: {  	s0 =	sand.u32 $0x3FFFFF80, s0;
	[tilespmem:s20+$0xFFFFFF70] =	vst v11  }
0x188: {  	s0 =	sadd.s32 $0x800, s0;
	[tilespmem:s20+$0xFFFFFF60] =	vst v7  }
0x189: {  	[spmem:s2] =	stream.indirect.scatter.add.f32 [tilespmem:s10], [sflag:$0x6], $0x60, s0, s22, $0xb8;
	[tilespmem:$0x1E000] =	vst v63  }
.LBB2_13:
0x18a: {  	s16 =	sor.u32 $0x2, s5  }
0x18b: {  	s0 =	sor.u32 s15, s16  }
0x18c: {  	p1 =	seq.s32 s3, $0x3;
	s0 =	sadd.s32 s8, s0  }
0x18d: {  	p2 =	sgt.u32 @!p1 s0, $0x1385  }
0x18e: {  	p2 =	por p1, p2  }
.Ltmp9:
0x18f: {  	_ = 	snop;
	(pc) =	sbr.rel @p2 .LBB2_15-.Ltmp9, $1  }
0x190: {  	_ =	sdelay $0x3  }
0x191: {  	s0 =	sadd.s32 $0xA00, s4  }
0x192: {  	[tilespmem:s23], [sflag:$0x1] =	stream.indirect.gather [hbm4b:s7+s22], $0x10, s0, s22, $0xb8;
	[tilespmem:$0x1E000] =	vst v63  }
0x193: {  	s30 =	sadd.s32 $0x200, s4  }
0x194: {  	[tilespmem:s24], [sflag:$0x1] =	stream.indirect.gather [hbm4b:s6+s22], $0x30, s30, s22, $0xb8;
	[tilespmem:$0x1E000] =	vst v63  }
.LBB2_16:
0x195: {  	_ =	swait.ge [sflag:s11], $0x800  }
0x196: {  	[sflag:s11] =	ssyncset.done $0x0  }
0x197: {  	[sflag:s11] =	ssyncadd.s32 $0xFFFFF800  }
0x198: {  	_ =	swait.ge [sflag:s11], $0x1800  }
0x199: {  	[sflag:s11] =	ssyncset.done $0x0  }
0x19a: {  	[sflag:s11] =	ssyncadd.s32 $0xFFFFE800  }
0x19b: {  	_ =	swait.ge [sflag:s12], $0x3000  }
0x19c: {  	[sflag:s12] =	ssyncset.done $0x0  }
0x19d: {  	s0 =	simm.s32 $0x6060;
	[sflag:s12] =	ssyncadd.s32 $0xFFFFD000  }
0x19e: {  	s9 =	simm.s32 $0x2020;
	v7 =	vld [tilespmem:s0+$0x50]  }
0x19f: {  	v8 =	vld [tilespmem:s9+$0x10];
	_ =	sdelay $0x3  }
0x1a0: {  	v13 =	vld [tilespmem:s0+$0xFFFFFFF0];
	v9 =	vunpack.i.u.bf16.f32 v7  }
0x1a1: {  	v14 =	vld [tilespmem:s9+$0xFFFFFFF0];
	v10 =	vadd.f32 v8, v9;
	_ =	sdelay $0x1  }
0x1a2: {  	v11 =	vmul.f32 $2.000000030e-01, v10  }
0x1a3: {  	v12 =	vld [tilespmem:s0+$0x20];
	v8 =	vperm.xlane v8, v1  }
0x1a4: {  	v15 =	vunpack.i.u.bf16.f32 v13;
	v9 =	vld [tilespmem:s0+$0xFFFFFFC0];
	v10 =	vmax.f32 v10, v11  }
0x1a5: {  	v15 =	vadd.f32 v14, v15;
	v11 =	vld [tilespmem:s9+$0xFFFFFFE0];
	v8 =	vsub.f32 v10, v8  }
0x1a6: {  	v10 =	vld [tilespmem:s9+$0x0]  }
0x1a7: {  	v17 =	vmul.f32 $2.000000030e-01, v15;
	v8 =	vmul.f32 $1.442695020e+00, v8  }
0x1a8: {  	v14 =	vperm.xlane v14, v1  }
0x1a9: {  	v15 =	vmax.f32 v15, v17;
	v16 =	vunpack.i.u.bf16.f32 v9;
	(erf) = vpow2.f32 v8  }
0x1aa: {  	v14 =	vsub.f32 v15, v14;
	v8 =	vunpack.i.u.bf16.f32 v12;
	v16 =	vadd.f32 v11, v16  }
0x1ab: {  	v8 =	vadd.f32 v10, v8  }
0x1ac: {  	v14 =	vmul.f32 $1.442695020e+00, v14;
	v18 =	vmul.f32 $2.000000030e-01, v16  }
0x1ad: {  	s29 =	simm.s32 $0x2060;
	v11 =	vperm.xlane v11, v1;
	v19 =	vmul.f32 $2.000000030e-01, v8  }
0x1ae: {  	v23 =	vld [tilespmem:s29+$0x0];
	v10 =	vperm.xlane v10, v1;
	v16 =	vmax.f32 v16, v18  }
0x1af: {  	s18 =	simm.s32 $0x6120;
	v15 =	vld [tilespmem:s29+$0x10];
	(erf) = vpow2.f32 v14;
	v11 =	vsub.f32 v16, v11;
	v8 =	vmax.f32 v8, v19  }
0x1b0: {  	v16 =	vld [tilespmem:s18+$0x50];
	v10 =	vsub.f32 v8, v10  }
0x1b1: {  	v11 =	vmul.f32 $1.442695020e+00, v11  }
0x1b2: {  	s9 =	simm.s32 $0x90C0;
	v8 =	vld [tilespmem:s18+$0x20];
	v10 =	vmul.f32 $1.442695020e+00, v10;
	v14 =	vpop (erf)  }
0x1b3: {  	v7 =	vunpack.i.l.bf16.f32 v7;
	v35 =	vperm.xlane v23, v1;
	v19 =	vld [tilespmem:s29+$0xFFFFFFE0];
	(erf) = vpow2.f32 v11;
	[tilespmem:s9+$0xB0] =	vst v14  }
0x1b4: {  	v25 =	vunpack.i.l.bf16.f32 v13;
	v30 =	vperm.xlane v15, v1;
	(erf) = vpow2.f32 v10;
	v17 =	vld [tilespmem:s0+$0x40]  }
0x1b5: {  	v10 =	vperm.xlane v14, v6;
	v20 =	vperm.xlane v14, v2;
	v29 =	vunpack.i.u.bf16.f32 v16;
	v18 =	vld [tilespmem:s0+$0x30]  }
0x1b6: {  	v22 =	vperm.xlane v14, v3;
	v24 =	vperm.xlane v14, v5;
	v29 =	vadd.f32 v15, v29  }
0x1b7: {  	v13 =	vperm.xlane v14, v4;
	v14 =	vunpack.i.u.bf16.f32 v8;
	v21 =	vmul.f32 v10, v7;
	v7 =	vld [tilespmem:s18+$0xFFFFFFC0]  }
0x1b8: {  	v28 =	vpop (erf);
	v31 =	vperm.xlane v19, v1;
	v34 =	vadd.f32 v23, v14;
	v14 =	vmul.f32 $2.000000030e-01, v29  }
0x1b9: {  	v36 =	vunpack.i.l.bf16.f32 v12;
	v38 =	vperm.xlane v28, v2;
	v43 =	vperm.xlane v28, v5  }
0x1ba: {  	v12 =	vmax.f32 v29, v14;
	v26 =	vunpack.i.u.bf16.f32 v18;
	v27 =	vunpack.i.u.bf16.f32 v17  }
0x1bb: {  	v18 =	vunpack.i.l.bf16.f32 v18;
	v17 =	vunpack.i.l.bf16.f32 v17;
	v12 =	vsub.f32 v12, v30  }
0x1bc: {  	v10 =	vld [tilespmem:s18+$0xFFFFFFF0];
	v30 =	vperm.xlane v28, v3;
	v32 =	vunpack.i.u.bf16.f32 v7;
	v17 =	vmul.f32 v13, v17  }
0x1bd: {  	[tilespmem:s9+$0xFFFFFFF0] =	vst v28;
	v23 =	vmul.f32 v24, v27;
	v22 =	vmul.f32 v22, v26;
	v32 =	vadd.f32 v19, v32;
	v19 =	vld [tilespmem:s29+$0xFFFFFFF0]  }
0x1be: {  	v14 =	vld [tilespmem:s0+$0xFFFFFFE0];
	v27 =	vmul.f32 $2.000000030e-01, v34;
	v18 =	vmul.f32 v20, v18;
	v11 =	vpop (erf)  }
0x1bf: {  	v26 =	vld [tilespmem:s0+$0xFFFFFFD0];
	v40 =	vmul.f32 $1.442695020e+00, v12;
	v12 =	vperm.xlane v28, v4;
	v33 =	vpop (erf)  }
0x1c0: {  	v16 =	vunpack.i.l.bf16.f32 v16;
	[tilespmem:s9+$0x50] =	vst v33;
	v15 =	vperm.xlane v33, v3;
	v29 =	vperm.xlane v33, v6  }
0x1c1: {  	v13 =	vunpack.i.u.bf16.f32 v10;
	[tilespmem:s9+$0x90] =	vst v23;
	(erf) = vpow2.f32 v40;
	v23 =	vperm.xlane v33, v5;
	v24 =	vld [tilespmem:s0+$0x0]  }
0x1c2: {  	[tilespmem:s9+$0xA0] =	vst v21;
	v39 =	vld [tilespmem:s0+$0x10];
	v29 =	vmul.f32 v29, v36;
	v37 =	vadd.f32 v19, v13;
	v13 =	vperm.xlane v33, v2  }
0x1c3: {  	[tilespmem:s9+$0x80] =	vst v17;
	v44 =	vunpack.i.u.bf16.f32 v14;
	v41 =	vperm.xlane v19, v1;
	v19 =	vperm.xlane v28, v6  }
0x1c4: {  	[tilespmem:s9+$0xFFFFFF90] =	vst v11;
	v42 =	vunpack.i.u.bf16.f32 v26;
	v28 =	vmul.f32 $2.000000030e-01, v32;
	v17 =	vmul.f32 $2.000000030e-01, v37  }
0x1c5: {  	[tilespmem:s9+$0x70] =	vst v22;
	v63 =	vunpack.i.l.bf16.f32 v26;
	v22 =	vmul.f32 v30, v42;
	v30 =	vmul.f32 v43, v44  }
0x1c6: {  	[tilespmem:s9+$0x60] =	vst v18;
	v26 =	vld [tilespmem:s0+$0xFFFFFFA0];
	v25 =	vmul.f32 v19, v25;
	v18 =	vmax.f32 v32, v28;
	v17 =	vmax.f32 v37, v17  }
0x1c7: {  	[tilespmem:s9+$0xFFFFFFB0] =	vst v22;
	v22 =	vld [tilespmem:s0+$0xFFFFFFB0];
	v20 =	vunpack.i.u.bf16.f32 v24;
	v21 =	vunpack.i.u.bf16.f32 v39;
	v17 =	vsub.f32 v17, v41  }
0x1c8: {  	v19 =	vunpack.i.l.bf16.f32 v24;
	v24 =	vsub.f32 v18, v31;
	[tilespmem:s9+$0xFFFFFFE0] =	vst v25;
	v25 =	vmax.f32 v34, v27  }
0x1c9: {  	v18 =	vperm.xlane v33, v4;
	v28 =	vsub.f32 v25, v35;
	v27 =	vmul.f32 $1.442695020e+00, v17  }
0x1ca: {  	[tilespmem:s9+$0x40] =	vst v29;
	v29 =	vmul.f32 $1.442695020e+00, v24;
	v24 =	vunpack.i.l.bf16.f32 v39;
	v17 =	vperm.xlane v11, v4  }
0x1cb: {  	s30 =	simm.s32 $0x4;
	s20 =	simm.s32 $0x9240;
	s0 =	simm.s32 $0x61E0;
	[tilespmem:s9+$0xFFFFFFD0] =	vst v30;
	v25 =	vunpack.i.u.bf16.f32 v26;
	(erf) = vpow2.f32 v27;
	v27 =	vmul.f32 v38, v63  }
.LBB2_17:
0x1cc: {  	v30 =	vld [tilespmem:s0+$0x20];
	s30 =	sadd.s32 $0x4, s30;
	s29 =	sadd.s32 $0x40, s29;
	(erf) = vpow2.f32 v29;
	v29 =	vpop (erf);
	v31 =	vunpack.i.u.bf16.f32 v22;
	v32 =	vperm.xlane v11, v5  }
0x1cd: {  	v14 =	vunpack.i.l.bf16.f32 v14;
	v15 =	vmul.f32 v15, v20;
	v33 =	vld [tilespmem:s0+$0x50];
	p2 =	slt.u32 s30, $0x7C;
	[tilespmem:s20+$0xB0] =	vst v29;
	v34 =	vperm.xlane v29, v6  }
0x1ce: {  	v28 =	vmul.f32 $1.442695020e+00, v28;
	v26 =	vunpack.i.l.bf16.f32 v26;
	v35 =	vperm.xlane v11, v2;
	v20 =	vld [tilespmem:s29+$0x10]  }
0x1cf: {  	v36 =	vld [tilespmem:s29+$0xFFFFFFE0];
	v16 =	vmul.f32 v34, v16;
	v34 =	vperm.xlane v11, v3;
	[tilespmem:s9+$0x10] =	vst v15  }
0x1d0: {  	v11 =	vperm.xlane v11, v6;
	v15 =	vld [tilespmem:s18+$0x40];
	(erf) = vpow2.f32 v28  }
0x1d1: {  	v38 =	vunpack.i.l.bf16.f32 v9;
	v21 =	vmul.f32 v23, v21;
	v9 =	vmovc v7;
	v37 =	vperm.xlane v29, v2;
	v28 =	vld [tilespmem:s18+$0x30];
	[tilespmem:s9+$0xFFFFFFA0] =	vst v27  }
0x1d2: {  	v27 =	vperm.xlane v29, v3;
	v38 =	vmul.f32 v11, v38;
	v23 =	vld [tilespmem:s29+$0x0];
	[tilespmem:s20+$0xA0] =	vst v16  }
0x1d3: {  	v22 =	vunpack.i.l.bf16.f32 v22;
	v13 =	vmul.f32 v13, v19;
	v16 =	vperm.xlane v29, v5;
	v7 =	vld [tilespmem:s0+$0xFFFFFFC0];
	[tilespmem:s9+$0x30] =	vst v21  }
0x1d4: {  	v19 =	vunpack.i.l.bf16.f32 v10;
	v10 =	vmul.f32 v35, v26;
	v21 =	vperm.xlane v29, v4;
	v29 =	vpop (erf);
	[tilespmem:s9+$0xFFFFFF80] =	vst v38  }
0x1d5: {  	v12 =	vmul.f32 v12, v14;
	v26 =	vunpack.i.u.bf16.f32 v30;
	v11 =	vpop (erf);
	[tilespmem:s9+$0x0] =	vst v13;
	v13 =	vmul.f32 v18, v24  }
0x1d6: {  	v18 =	vunpack.i.u.bf16.f32 v15;
	v24 =	vmul.f32 v34, v25;
	v14 =	vunpack.i.u.bf16.f32 v28;
	[tilespmem:s9+$0xFFFFFF40] =	vst v10  }
0x1d7: {  	v17 =	vmul.f32 v17, v22;
	v38 =	vunpack.i.u.bf16.f32 v33;
	v34 =	vperm.xlane v20, v1;
	v10 =	vld [tilespmem:s0+$0xFFFFFFF0];
	[tilespmem:s20+$0xFFFFFFF0] =	vst v29  }
0x1d8: {  	v35 =	vperm.xlane v36, v1;
	v22 =	vunpack.i.l.bf16.f32 v28;
	v28 =	vmul.f32 v32, v31;
	[tilespmem:s9+$0x20] =	vst v13  }
0x1d9: {  	v20 =	vadd.f32 v20, v38;
	v15 =	vunpack.i.l.bf16.f32 v15;
	v13 =	vunpack.i.u.bf16.f32 v7;
	v25 =	vpop (erf);
	[tilespmem:s9+$0xFFFFFF50] =	vst v24  }
0x1da: {  	v32 =	vadd.f32 v23, v26;
	v24 =	vadd.f32 v36, v13;
	v13 =	vmul.f32 v21, v15;
	v31 =	vld [tilespmem:s29+$0xFFFFFFF0];
	[tilespmem:s9+$0xFFFFFF70] =	vst v28  }
0x1db: {  	v16 =	vmul.f32 v16, v18;
	v28 =	vperm.xlane v23, v1;
	[tilespmem:s20+$0x50] =	vst v25  }
0x1dc: {  	v21 =	vmul.f32 $2.000000030e-01, v20;
	v23 =	vmul.f32 v27, v14;
	v18 =	vunpack.i.u.bf16.f32 v10;
	v36 =	vld [tilespmem:s18+$0x0];
	[tilespmem:s9+$0xFFFFFFC0] =	vst v12  }
0x1dd: {  	v38 =	vunpack.i.l.bf16.f32 v8;
	v8 =	vmovc v30;
	v27 =	vmul.f32 $2.000000030e-01, v32;
	v15 =	vperm.xlane v25, v3;
	v26 =	vld [tilespmem:s18+$0xFFFFFFD0];
	[tilespmem:s9+$0xFFFFFF60] =	vst v17;
	s9 =	smov.u32 s20  }
0x1de: {  	v12 =	vmax.f32 v20, v21;
	v20 =	vmul.f32 v37, v22;
	v17 =	vperm.xlane v25, v6;
	[tilespmem:s20+$0x80] =	vst v13  }
0x1df: {  	v30 =	vperm.xlane v29, v3;
	v12 =	vsub.f32 v12, v34;
	v18 =	vadd.f32 v31, v18;
	v14 =	vld [tilespmem:s18+$0xFFFFFFE0];
	[tilespmem:s20+$0x90] =	vst v16  }
0x1e0: {  	v13 =	vperm.xlane v25, v2;
	v16 =	vunpack.i.l.bf16.f32 v33;
	v33 =	vperm.xlane v29, v2;
	v34 =	vld [tilespmem:s18+$0x10];
	[tilespmem:s20+$0x60] =	vst v20  }
0x1e1: {  	v21 =	vmul.f32 $1.442695020e+00, v12;
	v12 =	vperm.xlane v29, v4;
	v20 =	vunpack.i.u.bf16.f32 v36;
	[tilespmem:s20+$0x70] =	vst v23  }
0x1e2: {  	v22 =	vperm.xlane v31, v1;
	v23 =	vperm.xlane v29, v6;
	v31 =	vunpack.i.u.bf16.f32 v26  }
0x1e3: {  	v29 =	vperm.xlane v29, v5;
	v37 =	vunpack.i.l.bf16.f32 v26;
	(erf) = vpow2.f32 v21  }
0x1e4: {  	s20 =	sadd.s32 $0x180, s20;
	v26 =	vmul.f32 $2.000000030e-01, v18;
	v19 =	vmul.f32 v23, v19;
	v39 =	vunpack.i.u.bf16.f32 v14  }
0x1e5: {  	v40 =	vmul.f32 $2.000000030e-01, v24;
	v23 =	vperm.xlane v25, v5;
	[tilespmem:s9+$0xFFFFFF90] =	vst v11;
	v21 =	vunpack.i.u.bf16.f32 v34  }
0x1e6: {  	v17 =	vmul.f32 v17, v38;
	v18 =	vmax.f32 v18, v26;
	v26 =	vld [tilespmem:s18+$0xFFFFFFA0];
	[tilespmem:s9+$0xFFFFFFE0] =	vst v19;
	v19 =	vunpack.i.l.bf16.f32 v36  }
.Ltmp10:
0x1e7: {  	v24 =	vmax.f32 v24, v40;
	v30 =	vmul.f32 v30, v31;
	v36 =	vsub.f32 v18, v22;
	v22 =	vld [tilespmem:s18+$0xFFFFFFB0];
	s18 =	smov.u32 s0;
	(pc) =	sbr.rel @p2 .LBB2_17-.Ltmp10, $4  }
0x1e8: {  	v27 =	vmax.f32 v32, v27;
	v24 =	vsub.f32 v24, v35;
	v18 =	vperm.xlane v25, v4;
	[tilespmem:s9+$0x40] =	vst v17  }
0x1e9: {  	v28 =	vsub.f32 v27, v28;
	v25 =	vmul.f32 $1.442695020e+00, v36;
	[tilespmem:s9+$0xFFFFFFB0] =	vst v30;
	v30 =	vmul.f32 v29, v39  }
0x1ea: {  	v17 =	vperm.xlane v11, v4;
	v29 =	vmul.f32 $1.442695020e+00, v24;
	v24 =	vunpack.i.l.bf16.f32 v34  }
0x1eb: {  	v27 =	vmul.f32 v33, v37;
	s0 =	sadd.s32 $0xC0, s0;
	(erf) = vpow2.f32 v25;
	v25 =	vunpack.i.u.bf16.f32 v26;
	[tilespmem:s9+$0xFFFFFFD0] =	vst v30  }
0x1ec: {  	v30 =	vpop (erf)  }
0x1ed: {  	v15 =	vmul.f32 v15, v20;
	(erf) = vpow2.f32 v29;
	[tilespmem:s20+$0xB0] =	vst v30  }
0x1ee: {  	v53 =	vmul.f32 $1.442695020e+00, v28;
	v21 =	vmul.f32 v23, v21;
	[tilespmem:s9+$0xFFFFFFA0] =	vst v27  }
0x1ef: {  	v55 =	vperm.xlane v11, v6;
	v13 =	vmul.f32 v13, v19;
	[tilespmem:s9+$0x10] =	vst v15  }
0x1f0: {  	v57 =	vperm.xlane v11, v2;
	v18 =	vmul.f32 v18, v24;
	v14 =	vunpack.i.l.bf16.f32 v14;
	[tilespmem:s9+$0x30] =	vst v21  }
0x1f1: {  	v9 =	vunpack.i.l.bf16.f32 v9;
	v60 =	vperm.xlane v11, v5;
	v12 =	vmul.f32 v12, v14;
	[tilespmem:s9+$0x0] =	vst v13  }
0x1f2: {  	v62 =	vunpack.i.u.bf16.f32 v22;
	v31 =	vperm.xlane v30, v6;
	v9 =	vmul.f32 v55, v9;
	[tilespmem:s9+$0x20] =	vst v18  }
0x1f3: {  	v59 =	vperm.xlane v11, v3;
	v54 =	vld [tilespmem:s18+$0x40];
	v11 =	vmul.f32 v60, v62;
	[tilespmem:s9+$0xFFFFFFC0] =	vst v12  }
0x1f4: {  	(erf) = vpow2.f32 v53;
	v16 =	vmul.f32 v31, v16;
	[tilespmem:s9+$0xFFFFFF80] =	vst v9  }
0x1f5: {  	v58 =	vunpack.i.l.bf16.f32 v26;
	v56 =	vld [tilespmem:s18+$0x30];
	v9 =	vmul.f32 v59, v25;
	[tilespmem:s9+$0xFFFFFF70] =	vst v11  }
0x1f6: {  	v22 =	vunpack.i.l.bf16.f32 v22;
	[tilespmem:s20+$0xA0] =	vst v16;
	v16 =	vmul.f32 v57, v58  }
0x1f7: {  	v23 =	vperm.xlane v30, v4;
	[tilespmem:s9+$0xFFFFFF50] =	vst v9;
	v9 =	vmul.f32 v17, v22  }
0x1f8: {  	v25 =	vperm.xlane v30, v5;
	[tilespmem:s9+$0xFFFFFF40] =	vst v16;
	v26 =	vunpack.i.l.bf16.f32 v54  }
0x1f9: {  	v27 =	vperm.xlane v30, v2;
	v15 =	vunpack.i.u.bf16.f32 v54;
	v61 =	vpop (erf);
	v17 =	vmul.f32 v23, v26;
	[tilespmem:s9+$0xFFFFFF60] =	vst v9  }
0x1fa: {  	v28 =	vperm.xlane v30, v3;
	v29 =	vunpack.i.l.bf16.f32 v56;
	v11 =	vmul.f32 v25, v15;
	[tilespmem:s20+$0xFFFFFFF0] =	vst v61  }
0x1fb: {  	v31 =	vunpack.i.u.bf16.f32 v56;
	v18 =	vmul.f32 v27, v29;
	v30 =	vld [tilespmem:s18+$0xFFFFFFD0];
	[tilespmem:s20+$0x80] =	vst v17  }
0x1fc: {  	v9 =	vmul.f32 v28, v31;
	v63 =	vpop (erf);
	v34 =	vperm.xlane v61, v6;
	[tilespmem:s20+$0x90] =	vst v11  }
0x1fd: {  	v36 =	vperm.xlane v61, v3;
	v40 =	vperm.xlane v61, v5;
	v32 =	vld [tilespmem:s18+$0xFFFFFFE0];
	[tilespmem:s20+$0xFFFFFF90] =	vst v63;
	v24 =	vpop (erf)  }
0x1fe: {  	v10 =	vunpack.i.l.bf16.f32 v10;
	v44 =	vperm.xlane v61, v2;
	v46 =	vld [tilespmem:s18+$0xFFFFFFA0];
	[tilespmem:s20+$0x50] =	vst v24;
	v35 =	vperm.xlane v24, v6  }
0x1ff: {  	v8 =	vunpack.i.l.bf16.f32 v8;
	v60 =	vperm.xlane v61, v4;
	[tilespmem:s20+$0x60] =	vst v18;
	v38 =	vmul.f32 v34, v10;
	v33 =	vld [tilespmem:s18+$0x0]  }
0x200: {  	[tilespmem:s20+$0x70] =	vst v9;
	v55 =	vperm.xlane v63, v2;
	v37 =	vld [tilespmem:s18+$0x10];
	v8 =	vmul.f32 v35, v8;
	v39 =	vunpack.i.u.bf16.f32 v30  }
0x201: {  	v58 =	vperm.xlane v63, v3;
	[tilespmem:s20+$0xFFFFFFE0] =	vst v38;
	v47 =	vunpack.i.l.bf16.f32 v30;
	v43 =	vmul.f32 v36, v39  }
0x202: {  	v59 =	vperm.xlane v63, v5;
	v42 =	vunpack.i.u.bf16.f32 v32;
	[tilespmem:s20+$0x40] =	vst v8;
	v10 =	vmul.f32 v44, v47  }
0x203: {  	v41 =	vperm.xlane v24, v3;
	v8 =	vmul.f32 v40, v42;
	v56 =	vunpack.i.l.bf16.f32 v46;
	[tilespmem:s20+$0xFFFFFFB0] =	vst v43  }
0x204: {  	v48 =	vperm.xlane v24, v5;
	v45 =	vunpack.i.u.bf16.f32 v33;
	[tilespmem:s20+$0xFFFFFFA0] =	vst v10;
	v10 =	vmul.f32 v55, v56  }
0x205: {  	v51 =	vperm.xlane v24, v2;
	v50 =	vunpack.i.u.bf16.f32 v37;
	[tilespmem:s20+$0xFFFFFFD0] =	vst v8;
	v49 =	vmul.f32 v41, v45  }
0x206: {  	v52 =	vld [tilespmem:s18+$0xFFFFFFB0];
	v8 =	vperm.xlane v63, v6;
	v54 =	vunpack.i.l.bf16.f32 v33;
	v53 =	vmul.f32 v48, v50;
	[tilespmem:s20+$0xFFFFFF40] =	vst v10  }
0x207: {  	v7 =	vunpack.i.l.bf16.f32 v7;
	v62 =	vperm.xlane v63, v4;
	v11 =	vmul.f32 v51, v54;
	[tilespmem:s20+$0x10] =	vst v49  }
0x208: {  	v63 =	vunpack.i.l.bf16.f32 v32;
	v7 =	vmul.f32 v8, v7;
	v8 =	vperm.xlane v24, v4;
	[tilespmem:s20+$0x30] =	vst v53  }
0x209: {  	v57 =	vunpack.i.l.bf16.f32 v37;
	v9 =	vmul.f32 v60, v63;
	[tilespmem:s20+$0x0] =	vst v11  }
0x20a: {  	[tilespmem:s20+$0xFFFFFF80] =	vst v7;
	v7 =	vunpack.i.u.bf16.f32 v46;
	v8 =	vmul.f32 v8, v57  }
0x20b: {  	v61 =	vunpack.i.u.bf16.f32 v52;
	[tilespmem:s20+$0xFFFFFFC0] =	vst v9;
	v7 =	vmul.f32 v58, v7  }
0x20c: {  	v11 =	vmul.f32 v59, v61;
	[tilespmem:s20+$0x20] =	vst v8;
	v8 =	vunpack.i.l.bf16.f32 v52  }
0x20d: {  	s0 =	sshll.u32 s16, $0x7;
	[tilespmem:s20+$0xFFFFFF50] =	vst v7;
	v7 =	vmul.f32 v62, v8  }
0x20e: {  	s0 =	sand.u32 $0x3FFFFF80, s0;
	[tilespmem:s20+$0xFFFFFF70] =	vst v11  }
0x20f: {  	s0 =	sadd.s32 $0x800, s0;
	[tilespmem:s20+$0xFFFFFF60] =	vst v7  }
0x210: {  	[spmem:s2] =	stream.indirect.scatter.add.f32 [tilespmem:s19], [sflag:$0x5], $0x60, s0, s22, $0xb8;
	[tilespmem:$0x1E000] =	vst v63  }
.LBB2_19:
0x211: {  	s16 =	sor.u32 $0x3, s5  }
0x212: {  	s0 =	sor.u32 s15, s16  }
0x213: {  	s5 =	sadd.s32 s8, s0  }
0x214: {  	p2 =	sgt.u32 @!p1 s5, $0x1385  }
0x215: {  	p1 =	por p1, p2  }
.Ltmp11:
0x216: {  	_ = 	snop;
	(pc) =	sbr.rel @p1 .LBB2_21-.Ltmp11, $1  }
0x217: {  	_ =	sdelay $0x3  }
0x218: {  	s0 =	sadd.s32 $0xA80, s4  }
0x219: {  	[tilespmem:s26], [sflag:$0x2] =	stream.indirect.gather [hbm4b:s7+s22], $0x10, s0, s22, $0xb8;
	[tilespmem:$0x1E000] =	vst v63  }
0x21a: {  	s30 =	sadd.s32 $0x280, s4  }
0x21b: {  	[tilespmem:s28], [sflag:$0x2] =	stream.indirect.gather [hbm4b:s6+s22], $0x30, s30, s22, $0xb8;
	[tilespmem:$0x1E000] =	vst v63  }
.LBB2_22:
0x21c: {  	_ =	swait.ge [sflag:s13], $0x800  }
0x21d: {  	[sflag:s13] =	ssyncset.done $0x0  }
0x21e: {  	[sflag:s13] =	ssyncadd.s32 $0xFFFFF800  }
0x21f: {  	_ =	swait.ge [sflag:s13], $0x1800  }
0x220: {  	[sflag:s13] =	ssyncset.done $0x0  }
0x221: {  	[sflag:s13] =	ssyncadd.s32 $0xFFFFE800  }
0x222: {  	_ =	swait.ge [sflag:s14], $0x3000  }
0x223: {  	[sflag:s14] =	ssyncset.done $0x0  }
0x224: {  	s0 =	simm.s32 $0x7860;
	[sflag:s14] =	ssyncadd.s32 $0xFFFFD000  }
0x225: {  	s4 =	simm.s32 $0x2820;
	v7 =	vld [tilespmem:s0+$0x50]  }
0x226: {  	v8 =	vld [tilespmem:s4+$0x10];
	_ =	sdelay $0x3  }
0x227: {  	v13 =	vld [tilespmem:s0+$0xFFFFFFF0];
	v9 =	vunpack.i.u.bf16.f32 v7  }
0x228: {  	v14 =	vld [tilespmem:s4+$0xFFFFFFF0];
	v10 =	vadd.f32 v8, v9;
	_ =	sdelay $0x1  }
0x229: {  	v11 =	vmul.f32 $2.000000030e-01, v10  }
0x22a: {  	v12 =	vld [tilespmem:s0+$0x20];
	v8 =	vperm.xlane v8, v1  }
0x22b: {  	v15 =	vunpack.i.u.bf16.f32 v13;
	v9 =	vld [tilespmem:s0+$0xFFFFFFC0];
	v10 =	vmax.f32 v10, v11  }
0x22c: {  	v15 =	vadd.f32 v14, v15;
	v11 =	vld [tilespmem:s4+$0xFFFFFFE0];
	v8 =	vsub.f32 v10, v8  }
0x22d: {  	v10 =	vld [tilespmem:s4+$0x0]  }
0x22e: {  	v17 =	vmul.f32 $2.000000030e-01, v15;
	v8 =	vmul.f32 $1.442695020e+00, v8  }
0x22f: {  	v14 =	vperm.xlane v14, v1  }
0x230: {  	v15 =	vmax.f32 v15, v17;
	v16 =	vunpack.i.u.bf16.f32 v9;
	(erf) = vpow2.f32 v8  }
0x231: {  	v14 =	vsub.f32 v15, v14;
	v8 =	vunpack.i.u.bf16.f32 v12;
	v16 =	vadd.f32 v11, v16  }
0x232: {  	v8 =	vadd.f32 v10, v8  }
0x233: {  	v14 =	vmul.f32 $1.442695020e+00, v14;
	v18 =	vmul.f32 $2.000000030e-01, v16  }
0x234: {  	s20 =	simm.s32 $0x2860;
	v11 =	vperm.xlane v11, v1;
	v19 =	vmul.f32 $2.000000030e-01, v8  }
0x235: {  	v23 =	vld [tilespmem:s20+$0x0];
	v10 =	vperm.xlane v10, v1;
	v16 =	vmax.f32 v16, v18  }
0x236: {  	s4 =	simm.s32 $0x7920;
	v15 =	vld [tilespmem:s20+$0x10];
	(erf) = vpow2.f32 v14;
	v11 =	vsub.f32 v16, v11;
	v8 =	vmax.f32 v8, v19  }
0x237: {  	v16 =	vld [tilespmem:s4+$0x50];
	v10 =	vsub.f32 v8, v10  }
0x238: {  	v11 =	vmul.f32 $1.442695020e+00, v11  }
0x239: {  	s9 =	simm.s32 $0xC0C0;
	v8 =	vld [tilespmem:s4+$0x20];
	v10 =	vmul.f32 $1.442695020e+00, v10;
	v14 =	vpop (erf)  }
0x23a: {  	v7 =	vunpack.i.l.bf16.f32 v7;
	v35 =	vperm.xlane v23, v1;
	v19 =	vld [tilespmem:s20+$0xFFFFFFE0];
	(erf) = vpow2.f32 v11;
	[tilespmem:s9+$0xB0] =	vst v14  }
0x23b: {  	v25 =	vunpack.i.l.bf16.f32 v13;
	v30 =	vperm.xlane v15, v1;
	(erf) = vpow2.f32 v10;
	v17 =	vld [tilespmem:s0+$0x40]  }
0x23c: {  	v10 =	vperm.xlane v14, v6;
	v20 =	vperm.xlane v14, v2;
	v29 =	vunpack.i.u.bf16.f32 v16;
	v18 =	vld [tilespmem:s0+$0x30]  }
0x23d: {  	v22 =	vperm.xlane v14, v3;
	v24 =	vperm.xlane v14, v5;
	v29 =	vadd.f32 v15, v29  }
0x23e: {  	v13 =	vperm.xlane v14, v4;
	v14 =	vunpack.i.u.bf16.f32 v8;
	v21 =	vmul.f32 v10, v7;
	v7 =	vld [tilespmem:s4+$0xFFFFFFC0]  }
0x23f: {  	v28 =	vpop (erf);
	v31 =	vperm.xlane v19, v1;
	v34 =	vadd.f32 v23, v14;
	v14 =	vmul.f32 $2.000000030e-01, v29  }
0x240: {  	v36 =	vunpack.i.l.bf16.f32 v12;
	v38 =	vperm.xlane v28, v2;
	v43 =	vperm.xlane v28, v5  }
0x241: {  	v12 =	vmax.f32 v29, v14;
	v26 =	vunpack.i.u.bf16.f32 v18;
	v27 =	vunpack.i.u.bf16.f32 v17  }
0x242: {  	v18 =	vunpack.i.l.bf16.f32 v18;
	v17 =	vunpack.i.l.bf16.f32 v17;
	v12 =	vsub.f32 v12, v30  }
0x243: {  	v10 =	vld [tilespmem:s4+$0xFFFFFFF0];
	v30 =	vperm.xlane v28, v3;
	v32 =	vunpack.i.u.bf16.f32 v7;
	v17 =	vmul.f32 v13, v17  }
0x244: {  	[tilespmem:s9+$0xFFFFFFF0] =	vst v28;
	v23 =	vmul.f32 v24, v27;
	v22 =	vmul.f32 v22, v26;
	v32 =	vadd.f32 v19, v32;
	v19 =	vld [tilespmem:s20+$0xFFFFFFF0]  }
0x245: {  	v14 =	vld [tilespmem:s0+$0xFFFFFFE0];
	v27 =	vmul.f32 $2.000000030e-01, v34;
	v18 =	vmul.f32 v20, v18;
	v11 =	vpop (erf)  }
0x246: {  	v26 =	vld [tilespmem:s0+$0xFFFFFFD0];
	v40 =	vmul.f32 $1.442695020e+00, v12;
	v12 =	vperm.xlane v28, v4;
	v33 =	vpop (erf)  }
0x247: {  	v16 =	vunpack.i.l.bf16.f32 v16;
	[tilespmem:s9+$0x50] =	vst v33;
	v15 =	vperm.xlane v33, v3;
	v29 =	vperm.xlane v33, v6  }
0x248: {  	v13 =	vunpack.i.u.bf16.f32 v10;
	[tilespmem:s9+$0x90] =	vst v23;
	(erf) = vpow2.f32 v40;
	v23 =	vperm.xlane v33, v5;
	v24 =	vld [tilespmem:s0+$0x0]  }
0x249: {  	[tilespmem:s9+$0xA0] =	vst v21;
	v39 =	vld [tilespmem:s0+$0x10];
	v29 =	vmul.f32 v29, v36;
	v37 =	vadd.f32 v19, v13;
	v13 =	vperm.xlane v33, v2  }
0x24a: {  	[tilespmem:s9+$0x80] =	vst v17;
	v44 =	vunpack.i.u.bf16.f32 v14;
	v41 =	vperm.xlane v19, v1;
	v19 =	vperm.xlane v28, v6  }
0x24b: {  	[tilespmem:s9+$0xFFFFFF90] =	vst v11;
	v42 =	vunpack.i.u.bf16.f32 v26;
	v28 =	vmul.f32 $2.000000030e-01, v32;
	v17 =	vmul.f32 $2.000000030e-01, v37  }
0x24c: {  	[tilespmem:s9+$0x70] =	vst v22;
	v63 =	vunpack.i.l.bf16.f32 v26;
	v22 =	vmul.f32 v30, v42;
	v30 =	vmul.f32 v43, v44  }
0x24d: {  	[tilespmem:s9+$0x60] =	vst v18;
	v26 =	vld [tilespmem:s0+$0xFFFFFFA0];
	v25 =	vmul.f32 v19, v25;
	v18 =	vmax.f32 v32, v28;
	v17 =	vmax.f32 v37, v17  }
0x24e: {  	[tilespmem:s9+$0xFFFFFFB0] =	vst v22;
	v22 =	vld [tilespmem:s0+$0xFFFFFFB0];
	v20 =	vunpack.i.u.bf16.f32 v24;
	v21 =	vunpack.i.u.bf16.f32 v39;
	v17 =	vsub.f32 v17, v41  }
0x24f: {  	v19 =	vunpack.i.l.bf16.f32 v24;
	v24 =	vsub.f32 v18, v31;
	[tilespmem:s9+$0xFFFFFFE0] =	vst v25;
	v25 =	vmax.f32 v34, v27  }
0x250: {  	v18 =	vperm.xlane v33, v4;
	v28 =	vsub.f32 v25, v35;
	v27 =	vmul.f32 $1.442695020e+00, v17  }
0x251: {  	[tilespmem:s9+$0x40] =	vst v29;
	v29 =	vmul.f32 $1.442695020e+00, v24;
	v24 =	vunpack.i.l.bf16.f32 v39;
	v17 =	vperm.xlane v11, v4  }
0x252: {  	s29 =	simm.s32 $0x4;
	s18 =	simm.s32 $0xC240;
	s0 =	simm.s32 $0x79E0;
	[tilespmem:s9+$0xFFFFFFD0] =	vst v30;
	v25 =	vunpack.i.u.bf16.f32 v26;
	(erf) = vpow2.f32 v27;
	v27 =	vmul.f32 v38, v63  }
.LBB2_23:
0x253: {  	v30 =	vld [tilespmem:s0+$0x20];
	s29 =	sadd.s32 $0x4, s29;
	s20 =	sadd.s32 $0x40, s20;
	(erf) = vpow2.f32 v29;
	v29 =	vpop (erf);
	v31 =	vunpack.i.u.bf16.f32 v22;
	v32 =	vperm.xlane v11, v5  }
0x254: {  	v14 =	vunpack.i.l.bf16.f32 v14;
	v15 =	vmul.f32 v15, v20;
	v33 =	vld [tilespmem:s0+$0x50];
	p1 =	slt.u32 s29, $0x7C;
	[tilespmem:s18+$0xB0] =	vst v29;
	v34 =	vperm.xlane v29, v6  }
0x255: {  	v28 =	vmul.f32 $1.442695020e+00, v28;
	v26 =	vunpack.i.l.bf16.f32 v26;
	v35 =	vperm.xlane v11, v2;
	v20 =	vld [tilespmem:s20+$0x10]  }
0x256: {  	v36 =	vld [tilespmem:s20+$0xFFFFFFE0];
	v16 =	vmul.f32 v34, v16;
	v34 =	vperm.xlane v11, v3;
	[tilespmem:s9+$0x10] =	vst v15  }
0x257: {  	v11 =	vperm.xlane v11, v6;
	v15 =	vld [tilespmem:s4+$0x40];
	(erf) = vpow2.f32 v28  }
0x258: {  	v38 =	vunpack.i.l.bf16.f32 v9;
	v21 =	vmul.f32 v23, v21;
	v9 =	vmovc v7;
	v37 =	vperm.xlane v29, v2;
	v28 =	vld [tilespmem:s4+$0x30];
	[tilespmem:s9+$0xFFFFFFA0] =	vst v27  }
0x259: {  	v27 =	vperm.xlane v29, v3;
	v38 =	vmul.f32 v11, v38;
	v23 =	vld [tilespmem:s20+$0x0];
	[tilespmem:s18+$0xA0] =	vst v16  }
0x25a: {  	v22 =	vunpack.i.l.bf16.f32 v22;
	v13 =	vmul.f32 v13, v19;
	v16 =	vperm.xlane v29, v5;
	v7 =	vld [tilespmem:s0+$0xFFFFFFC0];
	[tilespmem:s9+$0x30] =	vst v21  }
0x25b: {  	v19 =	vunpack.i.l.bf16.f32 v10;
	v10 =	vmul.f32 v35, v26;
	v21 =	vperm.xlane v29, v4;
	v29 =	vpop (erf);
	[tilespmem:s9+$0xFFFFFF80] =	vst v38  }
0x25c: {  	v12 =	vmul.f32 v12, v14;
	v26 =	vunpack.i.u.bf16.f32 v30;
	v11 =	vpop (erf);
	[tilespmem:s9+$0x0] =	vst v13;
	v13 =	vmul.f32 v18, v24  }
0x25d: {  	v18 =	vunpack.i.u.bf16.f32 v15;
	v24 =	vmul.f32 v34, v25;
	v14 =	vunpack.i.u.bf16.f32 v28;
	[tilespmem:s9+$0xFFFFFF40] =	vst v10  }
0x25e: {  	v17 =	vmul.f32 v17, v22;
	v38 =	vunpack.i.u.bf16.f32 v33;
	v34 =	vperm.xlane v20, v1;
	v10 =	vld [tilespmem:s0+$0xFFFFFFF0];
	[tilespmem:s18+$0xFFFFFFF0] =	vst v29  }
0x25f: {  	v35 =	vperm.xlane v36, v1;
	v22 =	vunpack.i.l.bf16.f32 v28;
	v28 =	vmul.f32 v32, v31;
	[tilespmem:s9+$0x20] =	vst v13  }
0x260: {  	v20 =	vadd.f32 v20, v38;
	v15 =	vunpack.i.l.bf16.f32 v15;
	v13 =	vunpack.i.u.bf16.f32 v7;
	v25 =	vpop (erf);
	[tilespmem:s9+$0xFFFFFF50] =	vst v24  }
0x261: {  	v32 =	vadd.f32 v23, v26;
	v24 =	vadd.f32 v36, v13;
	v13 =	vmul.f32 v21, v15;
	v31 =	vld [tilespmem:s20+$0xFFFFFFF0];
	[tilespmem:s9+$0xFFFFFF70] =	vst v28  }
0x262: {  	v16 =	vmul.f32 v16, v18;
	v28 =	vperm.xlane v23, v1;
	[tilespmem:s18+$0x50] =	vst v25  }
0x263: {  	v21 =	vmul.f32 $2.000000030e-01, v20;
	v23 =	vmul.f32 v27, v14;
	v18 =	vunpack.i.u.bf16.f32 v10;
	v36 =	vld [tilespmem:s4+$0x0];
	[tilespmem:s9+$0xFFFFFFC0] =	vst v12  }
0x264: {  	v38 =	vunpack.i.l.bf16.f32 v8;
	v8 =	vmovc v30;
	v27 =	vmul.f32 $2.000000030e-01, v32;
	v15 =	vperm.xlane v25, v3;
	v26 =	vld [tilespmem:s4+$0xFFFFFFD0];
	[tilespmem:s9+$0xFFFFFF60] =	vst v17;
	s9 =	smov.u32 s18  }
0x265: {  	v12 =	vmax.f32 v20, v21;
	v20 =	vmul.f32 v37, v22;
	v17 =	vperm.xlane v25, v6;
	[tilespmem:s18+$0x80] =	vst v13  }
0x266: {  	v30 =	vperm.xlane v29, v3;
	v12 =	vsub.f32 v12, v34;
	v18 =	vadd.f32 v31, v18;
	v14 =	vld [tilespmem:s4+$0xFFFFFFE0];
	[tilespmem:s18+$0x90] =	vst v16  }
0x267: {  	v13 =	vperm.xlane v25, v2;
	v16 =	vunpack.i.l.bf16.f32 v33;
	v33 =	vperm.xlane v29, v2;
	v34 =	vld [tilespmem:s4+$0x10];
	[tilespmem:s18+$0x60] =	vst v20  }
0x268: {  	v21 =	vmul.f32 $1.442695020e+00, v12;
	v12 =	vperm.xlane v29, v4;
	v20 =	vunpack.i.u.bf16.f32 v36;
	[tilespmem:s18+$0x70] =	vst v23  }
0x269: {  	v22 =	vperm.xlane v31, v1;
	v23 =	vperm.xlane v29, v6;
	v31 =	vunpack.i.u.bf16.f32 v26  }
0x26a: {  	v29 =	vperm.xlane v29, v5;
	v37 =	vunpack.i.l.bf16.f32 v26;
	(erf) = vpow2.f32 v21  }
0x26b: {  	s18 =	sadd.s32 $0x180, s18;
	v26 =	vmul.f32 $2.000000030e-01, v18;
	v19 =	vmul.f32 v23, v19;
	v39 =	vunpack.i.u.bf16.f32 v14  }
0x26c: {  	v40 =	vmul.f32 $2.000000030e-01, v24;
	v23 =	vperm.xlane v25, v5;
	[tilespmem:s9+$0xFFFFFF90] =	vst v11;
	v21 =	vunpack.i.u.bf16.f32 v34  }
0x26d: {  	v17 =	vmul.f32 v17, v38;
	v18 =	vmax.f32 v18, v26;
	v26 =	vld [tilespmem:s4+$0xFFFFFFA0];
	[tilespmem:s9+$0xFFFFFFE0] =	vst v19;
	v19 =	vunpack.i.l.bf16.f32 v36  }
.Ltmp12:
0x26e: {  	v24 =	vmax.f32 v24, v40;
	v30 =	vmul.f32 v30, v31;
	v36 =	vsub.f32 v18, v22;
	v22 =	vld [tilespmem:s4+$0xFFFFFFB0];
	s4 =	smov.u32 s0;
	(pc) =	sbr.rel @p1 .LBB2_23-.Ltmp12, $4  }
0x26f: {  	v27 =	vmax.f32 v32, v27;
	v24 =	vsub.f32 v24, v35;
	v18 =	vperm.xlane v25, v4;
	[tilespmem:s9+$0x40] =	vst v17  }
0x270: {  	v28 =	vsub.f32 v27, v28;
	v25 =	vmul.f32 $1.442695020e+00, v36;
	[tilespmem:s9+$0xFFFFFFB0] =	vst v30;
	v30 =	vmul.f32 v29, v39  }
0x271: {  	v17 =	vperm.xlane v11, v4;
	v29 =	vmul.f32 $1.442695020e+00, v24;
	v24 =	vunpack.i.l.bf16.f32 v34  }
0x272: {  	v27 =	vmul.f32 v33, v37;
	s0 =	sadd.s32 $0xC0, s0;
	(erf) = vpow2.f32 v25;
	v25 =	vunpack.i.u.bf16.f32 v26;
	[tilespmem:s9+$0xFFFFFFD0] =	vst v30  }
0x273: {  	v30 =	vpop (erf)  }
0x274: {  	v15 =	vmul.f32 v15, v20;
	(erf) = vpow2.f32 v29;
	[tilespmem:s18+$0xB0] =	vst v30  }
0x275: {  	v53 =	vmul.f32 $1.442695020e+00, v28;
	v21 =	vmul.f32 v23, v21;
	[tilespmem:s9+$0xFFFFFFA0] =	vst v27  }
0x276: {  	v55 =	vperm.xlane v11, v6;
	v13 =	vmul.f32 v13, v19;
	[tilespmem:s9+$0x10] =	vst v15  }
0x277: {  	v57 =	vperm.xlane v11, v2;
	v18 =	vmul.f32 v18, v24;
	v14 =	vunpack.i.l.bf16.f32 v14;
	[tilespmem:s9+$0x30] =	vst v21  }
0x278: {  	v9 =	vunpack.i.l.bf16.f32 v9;
	v60 =	vperm.xlane v11, v5;
	v12 =	vmul.f32 v12, v14;
	[tilespmem:s9+$0x0] =	vst v13  }
0x279: {  	v62 =	vunpack.i.u.bf16.f32 v22;
	v31 =	vperm.xlane v30, v6;
	v9 =	vmul.f32 v55, v9;
	[tilespmem:s9+$0x20] =	vst v18  }
0x27a: {  	v59 =	vperm.xlane v11, v3;
	v54 =	vld [tilespmem:s4+$0x40];
	v11 =	vmul.f32 v60, v62;
	[tilespmem:s9+$0xFFFFFFC0] =	vst v12  }
0x27b: {  	(erf) = vpow2.f32 v53;
	v16 =	vmul.f32 v31, v16;
	[tilespmem:s9+$0xFFFFFF80] =	vst v9  }
0x27c: {  	v58 =	vunpack.i.l.bf16.f32 v26;
	v56 =	vld [tilespmem:s4+$0x30];
	v9 =	vmul.f32 v59, v25;
	[tilespmem:s9+$0xFFFFFF70] =	vst v11  }
0x27d: {  	v22 =	vunpack.i.l.bf16.f32 v22;
	[tilespmem:s18+$0xA0] =	vst v16;
	v16 =	vmul.f32 v57, v58  }
0x27e: {  	v23 =	vperm.xlane v30, v4;
	[tilespmem:s9+$0xFFFFFF50] =	vst v9;
	v9 =	vmul.f32 v17, v22  }
0x27f: {  	v25 =	vperm.xlane v30, v5;
	[tilespmem:s9+$0xFFFFFF40] =	vst v16;
	v26 =	vunpack.i.l.bf16.f32 v54  }
0x280: {  	v27 =	vperm.xlane v30, v2;
	v15 =	vunpack.i.u.bf16.f32 v54;
	v61 =	vpop (erf);
	v17 =	vmul.f32 v23, v26;
	[tilespmem:s9+$0xFFFFFF60] =	vst v9  }
0x281: {  	v28 =	vperm.xlane v30, v3;
	v29 =	vunpack.i.l.bf16.f32 v56;
	v11 =	vmul.f32 v25, v15;
	[tilespmem:s18+$0xFFFFFFF0] =	vst v61  }
0x282: {  	v31 =	vunpack.i.u.bf16.f32 v56;
	v18 =	vmul.f32 v27, v29;
	v30 =	vld [tilespmem:s4+$0xFFFFFFD0];
	[tilespmem:s18+$0x80] =	vst v17  }
0x283: {  	v9 =	vmul.f32 v28, v31;
	v63 =	vpop (erf);
	v34 =	vperm.xlane v61, v6;
	[tilespmem:s18+$0x90] =	vst v11  }
0x284: {  	v36 =	vperm.xlane v61, v3;
	v40 =	vperm.xlane v61, v5;
	v32 =	vld [tilespmem:s4+$0xFFFFFFE0];
	[tilespmem:s18+$0xFFFFFF90] =	vst v63;
	v24 =	vpop (erf)  }
0x285: {  	v10 =	vunpack.i.l.bf16.f32 v10;
	v44 =	vperm.xlane v61, v2;
	v46 =	vld [tilespmem:s4+$0xFFFFFFA0];
	[tilespmem:s18+$0x50] =	vst v24;
	v35 =	vperm.xlane v24, v6  }
0x286: {  	v8 =	vunpack.i.l.bf16.f32 v8;
	v60 =	vperm.xlane v61, v4;
	[tilespmem:s18+$0x60] =	vst v18;
	v38 =	vmul.f32 v34, v10;
	v33 =	vld [tilespmem:s4+$0x0]  }
0x287: {  	[tilespmem:s18+$0x70] =	vst v9;
	v55 =	vperm.xlane v63, v2;
	v37 =	vld [tilespmem:s4+$0x10];
	v8 =	vmul.f32 v35, v8;
	v39 =	vunpack.i.u.bf16.f32 v30  }
0x288: {  	v58 =	vperm.xlane v63, v3;
	[tilespmem:s18+$0xFFFFFFE0] =	vst v38;
	v47 =	vunpack.i.l.bf16.f32 v30;
	v43 =	vmul.f32 v36, v39  }
0x289: {  	v59 =	vperm.xlane v63, v5;
	v42 =	vunpack.i.u.bf16.f32 v32;
	[tilespmem:s18+$0x40] =	vst v8;
	v10 =	vmul.f32 v44, v47  }
0x28a: {  	v41 =	vperm.xlane v24, v3;
	v8 =	vmul.f32 v40, v42;
	v56 =	vunpack.i.l.bf16.f32 v46;
	[tilespmem:s18+$0xFFFFFFB0] =	vst v43  }
0x28b: {  	v48 =	vperm.xlane v24, v5;
	v45 =	vunpack.i.u.bf16.f32 v33;
	[tilespmem:s18+$0xFFFFFFA0] =	vst v10;
	v10 =	vmul.f32 v55, v56  }
0x28c: {  	v51 =	vperm.xlane v24, v2;
	v50 =	vunpack.i.u.bf16.f32 v37;
	[tilespmem:s18+$0xFFFFFFD0] =	vst v8;
	v49 =	vmul.f32 v41, v45  }
0x28d: {  	v52 =	vld [tilespmem:s4+$0xFFFFFFB0];
	v8 =	vperm.xlane v63, v6;
	v54 =	vunpack.i.l.bf16.f32 v33;
	v53 =	vmul.f32 v48, v50;
	[tilespmem:s18+$0xFFFFFF40] =	vst v10  }
0x28e: {  	v7 =	vunpack.i.l.bf16.f32 v7;
	v62 =	vperm.xlane v63, v4;
	v11 =	vmul.f32 v51, v54;
	[tilespmem:s18+$0x10] =	vst v49  }
0x28f: {  	v63 =	vunpack.i.l.bf16.f32 v32;
	v7 =	vmul.f32 v8, v7;
	v8 =	vperm.xlane v24, v4;
	[tilespmem:s18+$0x30] =	vst v53  }
0x290: {  	v57 =	vunpack.i.l.bf16.f32 v37;
	v9 =	vmul.f32 v60, v63;
	[tilespmem:s18+$0x0] =	vst v11  }
0x291: {  	[tilespmem:s18+$0xFFFFFF80] =	vst v7;
	v7 =	vunpack.i.u.bf16.f32 v46;
	v8 =	vmul.f32 v8, v57  }
0x292: {  	v61 =	vunpack.i.u.bf16.f32 v52;
	[tilespmem:s18+$0xFFFFFFC0] =	vst v9;
	v7 =	vmul.f32 v58, v7  }
0x293: {  	v11 =	vmul.f32 v59, v61;
	[tilespmem:s18+$0x20] =	vst v8;
	v8 =	vunpack.i.l.bf16.f32 v52  }
0x294: {  	s0 =	sshll.u32 s16, $0x7;
	[tilespmem:s18+$0xFFFFFF50] =	vst v7;
	v7 =	vmul.f32 v62, v8  }
0x295: {  	s0 =	sand.u32 $0x3FFFFF80, s0;
	[tilespmem:s18+$0xFFFFFF70] =	vst v11  }
0x296: {  	p1 =	por $0x1, $0x1;
	s0 =	sadd.s32 $0x800, s0;
	[tilespmem:s18+$0xFFFFFF60] =	vst v7  }
0x297: {  	[spmem:s2] =	stream.indirect.scatter.add.f32 [tilespmem:s10], [sflag:$0x6], $0x60, s0, s22, $0xb8;
	[tilespmem:$0x1E000] =	vst v63  }
.LBB2_25:
0x298: {  	p2 =	sne.s32 @!p0 s3, $0x3  }
0x299: {  	p2 =	por p0, p2  }
.Ltmp13:
0x29a: {  	_ = 	snop;
	(pc) =	sbr.rel @!p2 .LBB2_26-.Ltmp13, $1  }
0x29b: {  	_ =	sdelay $0x3  }
0x29c: {  	s3 =	sadd.s32 $0x1, s3  }
0x29d: {  	p1 =	sne.s32 s3, $0x4  }
.Ltmp14:
0x29e: {  	_ = 	snop;
	(pc) =	sbr.rel @p1 .LBB2_5-.Ltmp14, $4  }
.Ltmp15:
0x29f: {  	_ = 	snop;
	(pc) =	sbr.rel @!p1 .LBB2_28-.Ltmp15, $4  }
0x2a0: {  	_ = 	snop  }
0x2a1: {  	_ = 	snop  }
0x2a2: {  	_ = 	snop  }
0x2a3: {  	_ = 	snop  }
.LBB2_15:
0x2a4: {  	p2 =	sgt.u32 s0, $0x1387  }
.Ltmp16:
0x2a5: {  	_ = 	snop;
	(pc) =	sbr.rel @p2 .LBB2_19-.Ltmp16, $4  }
.Ltmp17:
0x2a6: {  	_ = 	snop;
	(pc) =	sbr.rel @!p2 .LBB2_16-.Ltmp17, $4  }
0x2a7: {  	_ = 	snop  }
0x2a8: {  	_ = 	snop  }
0x2a9: {  	_ = 	snop  }
0x2aa: {  	_ = 	snop  }
.LBB2_21:
0x2ab: {  	p2 =	sgt.u32 s5, $0x1387  }
.Ltmp18:
0x2ac: {  	_ = 	snop;
	(pc) =	sbr.rel @p2 .LBB2_25-.Ltmp18, $4  }
.Ltmp19:
0x2ad: {  	_ = 	snop;
	(pc) =	sbr.rel @!p2 .LBB2_22-.Ltmp19, $4  }
0x2ae: {  	_ = 	snop  }
0x2af: {  	_ = 	snop  }
0x2b0: {  	p1 =	por $0x0, $0x0  }
0x2b1: {  	_ = 	snop  }
.LBB2_30:
0x2b2: {  	_ =	sfence.sel $0x180000  }
0x2b3: {  	[bflag:$0x0] =	sbarrier.arrive $0xFFFF  }
0x2b4: {  	_ =	strace $0x9000004A  }
0x2b5: {  	s0 =	stileid.u32;
	[bflag:$0x2] =	sbarrier.arrive $0xFFFF  }
0x2b6: {  	p0 =	sne.s32 s0, $0x0;
	s0 =	rddreg [dreg:$0x2]  }
0x2b7: {  	s0 =	sadd.s32 @!p0 $0x100000, s0  }
0x2b8: {  	[sflag:s0] =	ssyncadd.tile.s32 @!p0 $0x1;
	_ =	shalt  }
.Lfunc_end2:
_tile_overlayer_lowered:
.L_overlay_start_2:
0x2b9: {  	(tag) =	ssettag $0x2  }
0x2ba: {  	s0 =	rddreg [dreg:$0x0];
	s2 =	stileid.u32  }
0x2bb: {  	s1 =	rddreg [dreg:$0x1];
	p0 =	sne.s32 s2, $0x0  }
0x2bc: {  	s3 =	rddreg [dreg:$0x2];
	[bflag:$0x3] =	sbarrier.arrive $0xFFFF;
	s2 =	simm.s32 @!p0 $0x1C07  }
0x2bd: {  	[timem:s3], [sflag:s2] =	dma.local @!p0 [hbm:s0], s1  }
0x2be: {  	s0 =	simm.s32 @!p0 $0x7  }
0x2bf: {  	_ =	swait.ge @!p0 [sflag:s0], s1  }
0x2c0: {  	s1 =	ssub.s32 @!p0 $0x0, s1;
	[sflag:s0] =	ssyncset.done @!p0 $0x0  }
0x2c1: {  	[sflag:s0] =	ssyncadd.s32 @!p0 s1  }
0x2c2: {  	[bflag:$0x3] =	sbarrier.arrive $0xFFFF  }
0x2c3: {  	_ =	shalt  }

// kernel: kernel.7.cloned.1.call-start
scs
__scs_entry_jumppad:
0x0: {  	(pc) =	sbr.rel $0x88, $3  }
0x1: {  	(tag) =	ssettag $0x0;
	lr =	simm.s32 $0x1  }
0x2: {  	[smem:$0x3F95] =	sst lr;
	_ =	strace $0xD0000000  }
0x3: {  	_ = 	snop  }
0x4: {  	_ = 	snop  }
0x5: {  	_ = 	snop  }
0x6: {  	_ = 	snop  }
0x7: {  	_ = 	snop  }
__scs_overlays_trampoline_lowered:
0x8: {  	[smem:$0x3FA4] =	sst s0  }
0x9: {  	[smem:$0x3FA5] =	sst s1  }
0xa: {  	[smem:$0x3FA6] =	sst s2  }
0xb: {  	[smem:$0x3FA7] =	sst s3  }
0xc: {  	[smem:$0x3FA8] =	sst s4  }
0xd: {  	[smem:$0x3FA9] =	sst s5  }
0xe: {  	[smem:$0x3FAA] =	sst s6  }
0xf: {  	[smem:$0x3FAB] =	sst s7  }
0x10: {  	[smem:$0x3FAC] =	sst s8  }
0x11: {  	[smem:$0x3FAD] =	sst s9;
	s0 =	simm.s32 @!p0 $0x0  }
0x12: {  	s1 =	sld [smem:$0x3F93];
	s0 =	simm.s32 @p0 $0x1  }
0x13: {  	[smem:$0x3FAE] =	sst s0;
	s0 =	simm.s32 @!p1 $0x0  }
0x14: {  	s2 =	sld [smem:$0x3F92];
	s0 =	simm.s32 @p1 $0x1  }
0x15: {  	[smem:$0x3FAF] =	sst s0;
	s0 =	simm.s32 @!p2 $0x0  }
0x16: {  	s3 =	sld [smem:$0x3FDB];
	s0 =	simm.s32 @p2 $0x1  }
0x17: {  	s4 =	simm.s32 $0x1BF5;
	[smem:$0x3FB1] =	sst s0  }
0x18: {  	s0 =	sld [smem:$0x3F94];
	_ =	swait.ge [sflag:s4], $0x0  }
0x19: {  	s7 =	sld [smem:$0x3F95]  }
0x1a: {  	s8 =	sadd.s32 $0xFFFFE003, lr  }
0x1b: {  	s9 =	sadd.s32 $0xFFFFFEF7, lr;
	s5 =	simm.s32 $0xFFFFFFFF;
	p2 =	slt.u32 s8, $0xFFFFF086  }
0x1c: {  	p1 =	slt.u32 s9, $0xF7A;
	s5 =	simm.s32 @!p2 $0x0  }
0x1d: {  	s5 =	simm.s32 @p1 $0x1;
	p0 =	seq.s32 s7, s2  }
0x1e: {  	s7 =	smul.u32 @!p0 $0xF7A, s2;
	p2 =	seq.s32 @!p0 s5, $0x0  }
0x1f: {  	s9 =	smul.u32 $0xF7A, s1;
	s8 =	simm.s32 @!p0 $0x1BF5;
	p2 =	por !p2, p0  }
0x20: {  	[sflag:s8] =	ssyncset.s32 @!p0 $0xFFFFF086;
	s6 =	sadd.s32 @!p0 s3, s7;
	s7 =	simm.s32 @!p0 $0x108  }
0x21: {  	s3 =	sadd.s32 s3, s9;
	s6 =	sadd.s32 @!p0 $0x88, s6;
	s7 =	simm.s32 @p2 $0x1082  }
0x22: {  	[simem:s7], [sflag:s8] =	dma.local @!p0 [hbm:s6], $0xF7A  }
0x23: {  	s9 =	sor.u32 $0xD0000000, s2;
	s6 =	simm.s32 $0x108;
	_ =	swait.ge @!p0 [sflag:s8], $0x0  }
0x24: {  	s3 =	sadd.s32 $0x88, s3;
	s6 =	simm.s32 @!p1 $0x1082;
	[sflag:s4] =	ssyncset.s32 $0xFFFFF086  }
0x25: {  	[simem:s6], [sflag:s4] =	dma.local [hbm:s3], $0xF7A  }
0x26: {  	[smem:$0x3F95] =	sst s1;
	(tag) =	ssettag s2;
	_ =	strace s9  }
0x27: {  	s1 =	sld [smem:$0x3FA5]  }
0x28: {  	s2 =	sld [smem:$0x3FA6]  }
0x29: {  	s4 =	sld [smem:$0x3FA8]  }
0x2a: {  	p0 =	seq.s32 s5, $0x0;
	s5 =	sld [smem:$0x3FA9]  }
0x2b: {  	s6 =	sld [smem:$0x3FAA]  }
0x2c: {  	s7 =	sld [smem:$0x3FAB]  }
0x2d: {  	s3 =	simm.s32 $0x108;
	s8 =	sld [smem:$0x3FAC]  }
0x2e: {  	s3 =	simm.s32 @!p0 $0x1082;
	s9 =	sld [smem:$0x3FAD]  }
0x2f: {  	lr =	sadd.s32 s0, s3;
	s0 =	sld [smem:$0x3FA4]  }
0x30: {  	s3 =	sld [smem:$0x3FA7]  }
0x31: {  	[smem:$0x3FB0] =	sst s10  }
0x32: {  	s10 =	sld [smem:$0x3FAE];
	_ =	sdelay $0x3  }
0x33: {  	p0 =	seq.s32 s10, $0x1;
	s10 =	sld [smem:$0x3FB0];
	_ =	sdelay $0x3  }
0x34: {  	[smem:$0x3FB0] =	sst s10  }
0x35: {  	s10 =	sld [smem:$0x3FAF];
	_ =	sdelay $0x3  }
0x36: {  	p1 =	seq.s32 s10, $0x1;
	s10 =	sld [smem:$0x3FB0];
	_ =	sdelay $0x3  }
0x37: {  	[smem:$0x3FB0] =	sst s10  }
0x38: {  	s10 =	sld [smem:$0x3FB1]  }
0x39: {  	_ = 	snop;
	(pc) =	sbr.ind lr, $3  }
0x3a: {  	_ = 	snop  }
0x3b: {  	_ = 	snop  }
0x3c: {  	p2 =	seq.s32 s10, $0x1;
	s10 =	sld [smem:$0x3FB0]  }
0x3d: {  	_ =	shalt  }
0x3e: {  	_ =	shalt  }
0x3f: {  	_ =	shalt  }
0x40: {  	_ =	shalt  }
0x41: {  	_ =	shalt  }
0x42: {  	_ =	shalt  }
0x43: {  	_ =	shalt  }
0x44: {  	_ =	shalt  }
0x45: {  	_ =	shalt  }
0x46: {  	_ =	shalt  }
0x47: {  	_ =	shalt  }
0x48: {  	_ =	shalt  }
0x49: {  	_ =	shalt  }
0x4a: {  	_ =	shalt  }
0x4b: {  	_ =	shalt  }
0x4c: {  	_ =	shalt  }
0x4d: {  	_ =	shalt  }
0x4e: {  	_ =	shalt  }
0x4f: {  	_ =	shalt  }
0x50: {  	_ =	shalt  }
0x51: {  	_ =	shalt  }
0x52: {  	_ =	shalt  }
0x53: {  	_ =	shalt  }
0x54: {  	_ =	shalt  }
0x55: {  	_ =	shalt  }
0x56: {  	_ =	shalt  }
0x57: {  	_ =	shalt  }
0x58: {  	_ =	shalt  }
0x59: {  	_ =	shalt  }
0x5a: {  	_ =	shalt  }
0x5b: {  	_ =	shalt  }
0x5c: {  	_ =	shalt  }
0x5d: {  	_ =	shalt  }
0x5e: {  	_ =	shalt  }
0x5f: {  	_ =	shalt  }
0x60: {  	_ =	shalt  }
0x61: {  	_ =	shalt  }
0x62: {  	_ =	shalt  }
0x63: {  	_ =	shalt  }
0x64: {  	_ =	shalt  }
0x65: {  	_ =	shalt  }
0x66: {  	_ =	shalt  }
0x67: {  	_ =	shalt  }
0x68: {  	_ =	shalt  }
0x69: {  	_ =	shalt  }
0x6a: {  	_ =	shalt  }
0x6b: {  	_ =	shalt  }
0x6c: {  	_ =	shalt  }
0x6d: {  	_ =	shalt  }
0x6e: {  	_ =	shalt  }
0x6f: {  	_ =	shalt  }
0x70: {  	_ =	shalt  }
0x71: {  	_ =	shalt  }
0x72: {  	_ =	shalt  }
0x73: {  	_ =	shalt  }
0x74: {  	_ =	shalt  }
0x75: {  	_ =	shalt  }
0x76: {  	_ =	shalt  }
0x77: {  	_ =	shalt  }
0x78: {  	_ =	shalt  }
0x79: {  	_ =	shalt  }
0x7a: {  	_ =	shalt  }
0x7b: {  	_ =	shalt  }
0x7c: {  	_ =	shalt  }
0x7d: {  	_ =	shalt  }
0x7e: {  	_ =	shalt  }
0x7f: {  	_ =	shalt  }
0x80: {  	_ =	shalt  }
0x81: {  	_ =	shalt  }
0x82: {  	_ =	shalt  }
0x83: {  	_ =	shalt  }
0x84: {  	_ =	shalt  }
0x85: {  	_ =	shalt  }
0x86: {  	_ =	shalt  }
0x87: {  	_ =	shalt  }
.Lfunc_end0:
.L_simem_size_0:
called_computation_lowered:
.L_overlay_start_0:
0x88: {  	s2 =	sld [smem:$0x3FD9]  }
0x89: {  	s3 =	sld [smem:$0x3FFE];
	_ =	sdelay $0x1  }
0x8a: {  	s1 =	srdreg.scid  }
0x8b: {  	s0 =	sand.u32 $0x1, s1  }
0x8c: {  	s16 =	sshll.u32 s0, $0xA;
	s2 =	sadd.s32 s3, s2  }
0x8d: {  	s2 =	sadd.s32 s2, s16  }
0x8e: {  	[smem:$0x3FBC] =	sst s2  }
0x8f: {  	_ = 	snop  }
0x90: {  	(tm) =	ssettm $0x1  }
0x91: {  	s17 =	sld [smem:$0x3FFB];
	_ =	sdelay $0x3  }
0x92: {  	_ =	strace s17  }
0x93: {  	s2 =	sld [smem:$0x3FFC];
	_ =	sdelay $0x3  }
0x94: {  	_ =	strace s2  }
0x95: {  	s2 =	sld [smem:$0x3FFD];
	_ =	sdelay $0x3  }
0x96: {  	_ =	strace s2  }
0x97: {  	_ =	strace $0x8FFFFFFF  }
0x98: {  	s18 =	sld [smem:$0x3FDB];
	_ =	sdelay $0x1  }
0x99: {  	s19 =	simm.s32 $_scs_section_size  }
0x9a: {  	s4 =	simm.s32 $_size__tile_overlayer_lowered;
	s5 =	simm.s32 $_tile_overlayer_lowered  }
0x9b: {  	s22 =	simm.s32 $0x1BFF;
	s21 =	sshll.u32 s5, $0x1;
	s2 =	sadd.s32 s19, s18  }
0x9c: {  	s6 =	simm.s32 $0x0;
	s20 =	sshll.u32 s4, $0x1;
	s4 =	sadd.s32 s21, s2  }
0x9d: {  	[timem:s6], [sflag:s22] =	dma.local [hbm:s4], s20  }
0x9e: {  	_ =	swait.ge [sflag:s22], s20  }
0x9f: {  	s3 =	ssub.s32 $0x0, s20;
	[sflag:s22] =	ssyncset.done $0x0  }
0xa0: {  	[sflag:s22] =	ssyncadd.s32 s3;
	_ =	sdelay $0x1  }
0xa1: {  	s23 =	simm.s32 $0x1B8B  }
0xa2: {  	_ =	swait.ge [sflag:s23], $0x1  }
0xa3: {  	[sflag:s23] =	ssyncset.done $0x0  }
0xa4: {  	s25 =	simm.s32 $0x1B8E;
	s24 =	sld [smem:$0x3FFE];
	[sflag:s23] =	ssyncadd.s32 $0xFFFFFFFF  }
0xa5: {  	s26 =	simm.s32 $execute0_lowered;
	[smem:$0x3FD2] =	sst s25  }
0xa6: {  	s4 =	sshll.u32 s26, $0x1;
	_ =	strace $0x80000046;
	[dreg:$0x1] =	wrdreg $0xFFFFFFFF  }
0xa7: {  	s28 =	simm.s32 $_size_execute0_lowered;
	s2 =	sadd.s32 s2, s4;
	[dreg:$0x0] =	wrdreg $0x0  }
0xa8: {  	s4 =	sshll.u32 s28, $0x1;
	[dreg:$0x2] =	wrdreg s2  }
0xa9: {  	[dreg:$0x3] =	wrdreg s4  }
0xaa: {  	[dreg:$0x4] =	wrdreg $0xC0  }
0xab: {  	_ =	task [dreg:s6], $0x5FFFF  }
0xac: {  	[dreg:$0x1] =	wrdreg $0xFFFFFFFF  }
0xad: {  	[dreg:$0x0] =	wrdreg $0x60  }
0xae: {  	[dreg:$0x2] =	wrdreg s24  }
0xaf: {  	[dreg:$0x3] =	wrdreg $0xF0000  }
0xb0: {  	[dreg:$0x4] =	wrdreg $0x9  }
0xb1: {  	_ =	task.clear_ibuf [dreg:s6], $0x5FFFF;
	_ =	strace $0x90000046  }
0xb2: {  	s29 =	simm.s32 $0x9;
	_ =	strace $0x80000048  }
0xb3: {  	_ =	swait.ge [sflag:s29], $0x1  }
0xb4: {  	[sflag:s29] =	ssyncadd.s32 $0xFFFFFFFF  }
0xb5: {  	_ =	strace $0x90000048  }
0xb6: {  	_ =	sfence  }
0xb7: {  	s30 =	sld [smem:$0x0];
	_ =	sdelay $0x2  }
0xb8: {  	s31 =	sshll.u32 s1, $0xD;
	s1 =	sshrl.u32 s1, $0x2  }
0xb9: {  	s3 =	sand.u32 $0x4000, s31;
	s1 =	sadd.s32 s1, s30  }
0xba: {  	s0 =	sor.u32 s3, s0;
	s1 =	sshll.u32 s1, $0x11  }
0xbb: {  	s0 =	sor.u32 s1, s0  }
0xbc: {  	s0 =	sadd.s32 $0x8F2B, s0  }
0xbd: {  	[sflag:s0] =	ssyncadd.remote.s32 $0x1  }
0xbe: {  	_ =	sfence.sel $0xFFFF  }
0xbf: {  	[dreg:$0x0] =	wrdreg $0xFFFFFFFF;
	(pc) =	sbr.abs _section_cstart, $3  }
0xc0: {  	[dreg:$0x1] =	wrdreg $0xFFFFFFFF  }
0xc1: {  	_ =	task.clear_ibuf [dreg:s6], $0x2FFFF;
	_ =	strace $0x9FFFFFFF  }
0xc2: {  	(tm) =	ssettm $0x7FFFFFFF  }
0xc3: {  	_ =	shalt  }
tec
execute0_lowered:
.L_overlay_start_1:
0x0: {  	(tag) =	ssettag $0x1  }
0x1: {  	s0 =	rddreg [dreg:$0x0]  }
0x2: {  	s2 =	rddreg [dreg:$0x1];
	s1 =	srdreg.scid  }
0x3: {  	s8 =	stileid.u32;
	s4 =	simm.s32 $0x0;
	s19 =	simm.s32 $0x9000  }
0x4: {  	s28 =	simm.s32 $0x4800;
	s31 =	simm.s32 $0x1;
	s13 =	simm.s32 $0x4  }
0x5: {  	s14 =	simm.s32 $0x6;
	s1 =	sand.u32 $0x1, s1;
	s3 =	smul.u32 $0xF000, s8  }
0x6: {  	[smem:$0x7FF] =	sst s4;
	s10 =	sadd.s32 $0xE00, s0;
	s11 =	sadd.s32 $0x14E00, s0  }
0x7: {  	s6 =	sadd.s32 $0x2DE00, s0;
	s7 =	sadd.s32 $0x28E00, s0;
	s5 =	smul.u32 $0x3C000, s8  }
0x8: {  	s8 =	sshll.u32 s8, $0x1;
	s22 =	smul.u32 $0xF0000, s1;
	_ =	strace $0x80000047  }
0x9: {  	s23 =	ssub.s32 $0x2, s1;
	s1 =	sor.u32 s1, s8;
	[dreg:$0x3] =	wrdreg s10  }
0xa: {  	[dreg:$0x4] =	wrdreg s11;
	s5 =	sshrl.u32 s5, $0x2;
	s8 =	smul.u32 $0xA0, s1  }
0xb: {  	s9 =	sshrl.u32 s23, $0x1;
	s25 =	smul.u32 $0xA00, s1;
	s5 =	sadd.s32 s5, s2  }
0xc: {  	s1 =	smul.u32 $0x5000, s1;
	s4 =	sadd.s32 s3, s22;
	s24 =	sadd.s32 $0x3000, s5  }
0xd: {  	s22 =	simm.s32 $0x80;
	s12 =	sadd.s32 $0x6000, s5;
	[dreg:$0x6] =	wrdreg s24  }
0xe: {  	s4 =	sshrl.u32 s4, $0x3;
	s26 =	sadd.s32 $0x9000, s5;
	[dreg:$0x7] =	wrdreg s12  }
0xf: {  	s5 =	sadd.s32 $0xC000, s5;
	s29 =	sadd.s32 s10, s25;
	[dreg:$0x8] =	wrdreg s26  }
0x10: {  	s1 =	sor.u32 $0x800, s1;
	s10 =	simm.s32 $0xC000;
	[dreg:$0x9] =	wrdreg s5  }
0x11: {  	v0 =	vimm.s32 $0xFEDCBA98;
	s0 =	sadd.s32 s4, s0;
	s4 =	ssub.s32 s23, s9;
	[dreg:$0xa] =	wrdreg s29  }
0x12: {  	v0 =	vunpack.c.l.s4.s8 v0;
	s9 =	sadd.s32 s3, s2;
	s3 =	sadd.s32 s11, s25;
	[dreg:$0xc] =	wrdreg s1  }
.Ltmp0:
0x13: {  	s23 =	simm.s32 $0x1000;
	s24 =	simm.s32 $0x3000;
	(pc) =	sbr.rel .LBB2_1-.Ltmp0, $4  }
0x14: {  	v1 =	vunpack.c.0.s8.s32 v0;
	s26 =	simm.s32 $0x1800;
	s25 =	simm.s32 $0x7800;
	[dreg:$0xb] =	wrdreg s3  }
0x15: {  	vm0 =	vcmask $0x1F00;
	v2 =	vimm.s32 $0x0;
	v3 =	vimm.s32 $0x1;
	s1 =	simm.s32 $0x2;
	s0 =	sadd.s32 $0x3CE00, s0;
	[dreg:$0x5] =	wrdreg s9  }
0x16: {  	v4 =	vimm.s32 $0x2;
	v5 =	vimm.s32 $0x3;
	v1 =	vand.u32 $0xF, v1;
	s11 =	simm.s32 $0x3;
	s30 =	smax.u32 s4, $0x1;
	[dreg:$0xd] =	wrdreg s0  }
0x17: {  	v6 =	vimm.s32 $0x4;
	v0 =	vimm.f32 $0.0e+00;
	v1 =	vnsel vm0, $0xF, v1;
	s12 =	simm.s32 $0x5;
	s4 =	simm.s32 $0x0;
	[dreg:$0xe] =	wrdreg s30  }
.LBB2_29:
0x18: {  	_ =	swait.ge [sflag:s12], $0x3000  }
0x19: {  	[sflag:s12] =	ssyncset.done $0x0  }
0x1a: {  	[sflag:s12] =	ssyncadd.s32 $0xFFFFD000  }
0x1b: {  	_ =	swait.ge [sflag:s14], $0x3000  }
0x1c: {  	[sflag:s14] =	ssyncset.done $0x0  }
0x1d: {  	[sflag:s14] =	ssyncadd.s32 $0xFFFFD000  }
0x1e: {  	s0 =	stileid.u32;
	[bflag:$0x0] =	sbarrier.arrive $0xFFFF  }
0x1f: {  	s21 =	simm.s32 $0x7;
	s0 =	sshll.u32 s0, $0x6;
	s9 =	rddreg [dreg:$0x5]  }
0x20: {  	s0 =	sor.u32 $0x1C07, s0;
	s4 =	rddreg [dreg:$0xd];
	s3 =	sshrl.u32 s9, $0x3  }
0x21: {  	[hbm:s4], [sflag:s0] =	dma.local [spmem:s3], $0x1E00  }
0x22: {  	_ =	swait.ge [sflag:s21], $0x1E00  }
0x23: {  	s29 =	rddreg [dreg:$0xf]  }
0x24: {  	s30 =	rddreg [dreg:$0xe];
	s4 =	sadd.s32 $0x1, s29  }
0x25: {  	p0 =	sne.s32 s4, s30  }
.Ltmp1:
0x26: {  	_ = 	snop;
	(pc) =	sbr.rel @!p0 .LBB2_30-.Ltmp1, $3  }
0x27: {  	_ =	sdelay $0x1  }
0x28: {  	[sflag:s21] =	ssyncset.done $0x0  }
0x29: {  	[sflag:s21] =	ssyncadd.s32 $0xFFFFE200  }
.LBB2_1:
0x2a: {  	s0 =	simm.s32 $0x0  }
0x2b: {  	[tilespmem:s0+$0x9050] =	vst v0  }
0x2c: {  	[tilespmem:s0+$0x9000] =	vst v0  }
0x2d: {  	[tilespmem:s0+$0x9010] =	vst v0  }
0x2e: {  	[tilespmem:s0+$0x9020] =	vst v0  }
0x2f: {  	[dreg:$0xf] =	wrdreg s4;
	s3 =	simm.s32 $0x180;
	[tilespmem:s0+$0x9030] =	vst v0  }
.LBB2_2:
0x30: {  	p0 =	sne.s32 s3, $0xBE80;
	[tilespmem:s0+$0x9040] =	vst v0;
	s0 =	sshra.s32 s3, $0x2;
	s3 =	sadd.s32 $0x180, s3  }
.Ltmp2:
0x31: {  	[tilespmem:s0+$0x9050] =	vst v0;
	(pc) =	sbr.rel @p0 .LBB2_2-.Ltmp2, $4  }
0x32: {  	[tilespmem:s0+$0x9000] =	vst v0  }
0x33: {  	[tilespmem:s0+$0x9010] =	vst v0  }
0x34: {  	[tilespmem:s0+$0x9020] =	vst v0  }
0x35: {  	[tilespmem:s0+$0x9030] =	vst v0  }
0x36: {  	[tilespmem:s0+$0x9040] =	vst v0;
	s3 =	simm.s32 $0x7  }
0x37: {  	[spmem:s9] =	stream.linear.scatter [tilespmem:s19], [sflag:$0x7], $0x3000, $0x38;
	[tilespmem:$0x1E000] =	vst v63  }
0x38: {  	_ =	swait.ge [sflag:s3], $0x3000  }
0x39: {  	[sflag:s3] =	ssyncset.done $0x0  }
0x3a: {  	s16 =	rddreg [dreg:$0x6];
	[sflag:s3] =	ssyncadd.s32 $0xFFFFD000  }
0x3b: {  	[spmem:s16] =	stream.linear.scatter [tilespmem:s19], [sflag:$0x7], $0x3000, $0x38;
	[tilespmem:$0x1E000] =	vst v63  }
0x3c: {  	_ =	swait.ge [sflag:s3], $0x3000  }
0x3d: {  	[sflag:s3] =	ssyncset.done $0x0  }
0x3e: {  	s17 =	rddreg [dreg:$0x7];
	[sflag:s3] =	ssyncadd.s32 $0xFFFFD000  }
0x3f: {  	[spmem:s17] =	stream.linear.scatter [tilespmem:s19], [sflag:$0x7], $0x3000, $0x38;
	[tilespmem:$0x1E000] =	vst v63  }
0x40: {  	_ =	swait.ge [sflag:s3], $0x3000  }
0x41: {  	[sflag:s3] =	ssyncset.done $0x0  }
0x42: {  	s18 =	rddreg [dreg:$0x8];
	[sflag:s3] =	ssyncadd.s32 $0xFFFFD000  }
0x43: {  	[spmem:s18] =	stream.linear.scatter [tilespmem:s19], [sflag:$0x7], $0x3000, $0x38;
	[tilespmem:$0x1E000] =	vst v63  }
0x44: {  	_ =	swait.ge [sflag:s3], $0x3000  }
0x45: {  	[sflag:s3] =	ssyncset.done $0x0  }
0x46: {  	s20 =	rddreg [dreg:$0x9];
	[sflag:s3] =	ssyncadd.s32 $0xFFFFD000  }
0x47: {  	[spmem:s20] =	stream.linear.scatter [tilespmem:s19], [sflag:$0x7], $0x3000, $0x38;
	[tilespmem:$0x1E000] =	vst v63  }
0x48: {  	_ =	swait.ge [sflag:s3], $0x3000  }
0x49: {  	[sflag:s3] =	ssyncset.done $0x0  }
0x4a: {  	[sflag:s3] =	ssyncadd.s32 $0xFFFFD000  }
0x4b: {  	[bflag:$0x0] =	sbarrier.arrive $0xFFFF  }
0x4c: {  	s17 =	simm.s32 $0x0;
	s21 =	rddreg [dreg:$0xa]  }
0x4d: {  	[tilespmem:s17], [sflag:$0x7] =	stream.linear.gather [hbm4b:s21+s17], $0x800, $0x38;
	[tilespmem:$0x1E000] =	vst v63  }
0x4e: {  	_ =	swait.ge [sflag:s3], $0x800  }
0x4f: {  	[sflag:s3] =	ssyncset.done $0x0  }
0x50: {  	s4 =	simm.s32 $0x800;
	s29 =	rddreg [dreg:$0xb];
	[sflag:s3] =	ssyncadd.s32 $0xFFFFF800  }
0x51: {  	[tilespmem:s4], [sflag:$0x7] =	stream.linear.gather [hbm4b:s29+s17], $0x800, $0x38;
	[tilespmem:$0x1E000] =	vst v63  }
0x52: {  	_ =	swait.ge [sflag:s3], $0x800  }
0x53: {  	[sflag:s3] =	ssyncset.done $0x0  }
0x54: {  	[sflag:s3] =	ssyncadd.s32 $0xFFFFF800  }
0x55: {  	[tilespmem:s23], [sflag:$0x1] =	stream.indirect.gather [hbm4b:s7+s22], $0x10, s4, s22, $0xb8;
	[tilespmem:$0x1E000] =	vst v63  }
0x56: {  	_ = 	snop  }
0x57: {  	[tilespmem:s24], [sflag:$0x1] =	stream.indirect.gather [hbm4b:s6+s22], $0x30, s17, s22, $0xb8;
	[tilespmem:$0x1E000] =	vst v63  }
.Ltmp3:
0x58: {  	_ = 	snop;
	(pc) =	sbr.rel .LBB2_4-.Ltmp3, $4  }
0x59: {  	s30 =	simm.s32 $0x880  }
0x5a: {  	[tilespmem:s26], [sflag:$0x2] =	stream.indirect.gather [hbm4b:s7+s22], $0x10, s30, s22, $0xb8;
	[tilespmem:$0x1E000] =	vst v63  }
0x5b: {  	_ = 	snop  }
0x5c: {  	[tilespmem:s28], [sflag:$0x2] =	stream.indirect.gather [hbm4b:s6+s22], $0x30, s22, s22, $0xb8;
	[tilespmem:$0x1E000] =	vst v63  }
.LBB2_26:
0x5d: {  	p0 =	sgt.u32 s5, $0x1388  }
0x5e: {  	s0 =	simm.s32 @!p0 $0x5  }
0x5f: {  	_ =	swait.ge @!p0 [sflag:s0], $0x3000  }
0x60: {  	[sflag:s0] =	ssyncset.done @!p0 $0x0  }
0x61: {  	[sflag:s0] =	ssyncadd.s32 @!p0 $0xFFFFD000;
	s0 =	simm.s32 @p1 $0x6  }
0x62: {  	_ =	swait.ge @p1 [sflag:s0], $0x3000  }
0x63: {  	s29 =	simm.s32 $0x0;
	[sflag:s0] =	ssyncset.done @p1 $0x0  }
0x64: {  	s30 =	simm.s32 $0x7;
	s3 =	rddreg [dreg:$0x11];
	[sflag:s0] =	ssyncadd.s32 @p1 $0xFFFFD000  }
0x65: {  	[tilespmem:s29], [sflag:$0x7] =	stream.linear.gather [hbm4b:s3+s29], $0x800, $0x38;
	[tilespmem:$0x1E000] =	vst v63  }
0x66: {  	_ =	swait.ge [sflag:s30], $0x800  }
0x67: {  	[sflag:s30] =	ssyncset.done $0x0  }
0x68: {  	s4 =	simm.s32 $0x800;
	s9 =	rddreg [dreg:$0x10];
	[sflag:s30] =	ssyncadd.s32 $0xFFFFF800  }
0x69: {  	[tilespmem:s4], [sflag:$0x7] =	stream.linear.gather [hbm4b:s9+s29], $0x800, $0x38;
	[tilespmem:$0x1E000] =	vst v63  }
0x6a: {  	p0 =	sgt.u32 s5, $0x1386;
	_ =	swait.ge [sflag:s30], $0x800  }
0x6b: {  	s0 =	simm.s32 @!p0 $0x80;
	[sflag:s30] =	ssyncset.done $0x0  }
0x6c: {  	s3 =	simm.s32 @!p0 $0x800;
	s4 =	simm.s32 @!p0 $0x1000;
	[sflag:s30] =	ssyncadd.s32 $0xFFFFF800  }
0x6d: {  	[tilespmem:s4], [sflag:$0x1] =	stream.indirect.gather @!p0 [hbm4b:s7+s0], $0x10, s3, s0, $0xb8;
	[tilespmem:$0x1E000] =	vst v63  }
0x6e: {  	p1 =	sgt.u32 @!p0 s5, $0x1385;
	s3 =	simm.s32 @!p0 $0x0;
	s4 =	simm.s32 @!p0 $0x3000  }
0x6f: {  	[tilespmem:s4], [sflag:$0x1] =	stream.indirect.gather @!p0 [hbm4b:s6+s0], $0x30, s3, s0, $0xb8;
	[tilespmem:$0x1E000] =	vst v63  }
0x70: {  	p0 =	por p1, p0  }
0x71: {  	s0 =	simm.s32 @!p0 $0x80;
	s3 =	simm.s32 @!p0 $0x880;
	s4 =	simm.s32 @!p0 $0x1800  }
0x72: {  	[tilespmem:s4], [sflag:$0x2] =	stream.indirect.gather @!p0 [hbm4b:s7+s0], $0x10, s3, s0, $0xb8;
	[tilespmem:$0x1E000] =	vst v63  }
0x73: {  	s3 =	simm.s32 @!p0 $0x4800  }
0x74: {  	[tilespmem:s3], [sflag:$0x2] =	stream.indirect.gather @!p0 [hbm4b:s6+s0], $0x30, s0, s0, $0xb8;
	[tilespmem:$0x1E000] =	vst v63  }
.LBB2_28:
0x75: {  	s17 =	sadd.s32 $0x1, s17  }
0x76: {  	p0 =	sne.s32 s17, $0xA  }
.Ltmp4:
0x77: {  	_ = 	snop;
	(pc) =	sbr.rel @!p0 .LBB2_29-.Ltmp4, $1  }
0x78: {  	_ =	sdelay $0x3  }
.LBB2_4:
0x79: {  	s0 =	sshll.u32 s17, $0xB;
	s3 =	rddreg [dreg:$0xc]  }
0x7a: {  	s0 =	sadd.s32 s0, s3  }
0x7b: {  	s29 =	rddreg [dreg:$0x3];
	s0 =	sshrl.u32 s0, $0x3  }
0x7c: {  	s15 =	sshll.u32 s17, $0x4;
	s30 =	rddreg [dreg:$0x4];
	s3 =	sadd.s32 s29, s0  }
0x7d: {  	p0 =	seq.s32 s17, $0x9;
	s0 =	sadd.s32 s30, s0;
	[dreg:$0x11] =	wrdreg s3  }
0x7e: {  	s21 =	sadd.s32 s8, s15;
	[dreg:$0x10] =	wrdreg s0;
	s3 =	simm.s32 $0x0  }
.LBB2_5:
0x7f: {  	s5 =	sshll.u32 s3, $0x2  }
0x80: {  	s0 =	sadd.s32 s5, s21  }
0x81: {  	p1 =	sgt.u32 s0, $0x1387  }
.Ltmp5:
0x82: {  	_ = 	snop;
	(pc) =	sbr.rel @p1 .LBB2_9-.Ltmp5, $2  }
0x83: {  	_ =	sdelay $0x2  }
0x84: {  	s4 =	sshll.u32 s3, $0x9  }
0x85: {  	s0 =	sadd.s32 $0x900, s4;
	s9 =	simm.s32 $0x2000  }
0x86: {  	[tilespmem:s9], [sflag:$0x3] =	stream.indirect.gather [hbm4b:s7+s22], $0x10, s0, s22, $0xb8;
	[tilespmem:$0x1E000] =	vst v63  }
0x87: {  	s16 =	sor.u32 $0x100, s4;
	s18 =	simm.s32 $0x6000  }
0x88: {  	[tilespmem:s18], [sflag:$0x3] =	stream.indirect.gather [hbm4b:s6+s22], $0x30, s16, s22, $0xb8;
	[tilespmem:$0x1E000] =	vst v63  }
0x89: {  	_ =	swait.ge [sflag:s31], $0x800  }
0x8a: {  	[sflag:s31] =	ssyncset.done $0x0  }
0x8b: {  	[sflag:s31] =	ssyncadd.s32 $0xFFFFF800  }
0x8c: {  	_ =	swait.ge [sflag:s31], $0x1800  }
0x8d: {  	p1 =	seq.s32 s3, $0x0;
	[sflag:s31] =	ssyncset.done $0x0  }
0x8e: {  	s0 =	simm.s32 @!p1 $0x5;
	[sflag:s31] =	ssyncadd.s32 $0xFFFFE800  }
0x8f: {  	_ =	swait.ge @!p1 [sflag:s0], $0x3000  }
0x90: {  	[sflag:s0] =	ssyncset.done @!p1 $0x0  }
0x91: {  	[sflag:s0] =	ssyncadd.s32 @!p1 $0xFFFFD000;
	s0 =	simm.s32 $0x3060  }
0x92: {  	s20 =	simm.s32 $0x1020;
	v7 =	vld [tilespmem:s0+$0x50]  }
0x93: {  	v8 =	vld [tilespmem:s20+$0x10];
	_ =	sdelay $0x3  }
0x94: {  	v13 =	vld [tilespmem:s0+$0xFFFFFFF0];
	v9 =	vunpack.i.u.bf16.f32 v7  }
0x95: {  	v14 =	vld [tilespmem:s20+$0xFFFFFFF0];
	v10 =	vadd.f32 v8, v9;
	_ =	sdelay $0x1  }
0x96: {  	v11 =	vmul.f32 $2.000000030e-01, v10  }
0x97: {  	v12 =	vld [tilespmem:s0+$0x20];
	v8 =	vperm.xlane v8, v1  }
0x98: {  	v15 =	vunpack.i.u.bf16.f32 v13;
	v9 =	vld [tilespmem:s0+$0xFFFFFFC0];
	v10 =	vmax.f32 v10, v11  }
0x99: {  	v15 =	vadd.f32 v14, v15;
	v11 =	vld [tilespmem:s20+$0xFFFFFFE0];
	v8 =	vsub.f32 v10, v8  }
0x9a: {  	v10 =	vld [tilespmem:s20+$0x0]  }
0x9b: {  	v17 =	vmul.f32 $2.000000030e-01, v15;
	v8 =	vmul.f32 $1.442695020e+00, v8  }
0x9c: {  	v14 =	vperm.xlane v14, v1  }
0x9d: {  	v15 =	vmax.f32 v15, v17;
	v16 =	vunpack.i.u.bf16.f32 v9;
	(erf) = vpow2.f32 v8  }
0x9e: {  	v14 =	vsub.f32 v15, v14;
	v8 =	vunpack.i.u.bf16.f32 v12;
	v16 =	vadd.f32 v11, v16  }
0x9f: {  	v8 =	vadd.f32 v10, v8  }
0xa0: {  	v14 =	vmul.f32 $1.442695020e+00, v14;
	v18 =	vmul.f32 $2.000000030e-01, v16  }
0xa1: {  	s20 =	simm.s32 $0x1060;
	v11 =	vperm.xlane v11, v1;
	v19 =	vmul.f32 $2.000000030e-01, v8  }
0xa2: {  	v15 =	vld [tilespmem:s20+$0x10];
	v10 =	vperm.xlane v10, v1;
	v16 =	vmax.f32 v16, v18  }
0xa3: {  	s16 =	simm.s32 $0x3120;
	v23 =	vld [tilespmem:s20+$0x0];
	(erf) = vpow2.f32 v14;
	v11 =	vsub.f32 v16, v11;
	v8 =	vmax.f32 v8, v19  }
0xa4: {  	v16 =	vld [tilespmem:s16+$0x50];
	v10 =	vsub.f32 v8, v10  }
0xa5: {  	v11 =	vmul.f32 $1.442695020e+00, v11  }
0xa6: {  	s18 =	simm.s32 $0x90C0;
	v8 =	vld [tilespmem:s16+$0x20];
	v10 =	vmul.f32 $1.442695020e+00, v10;
	v14 =	vpop (erf)  }
0xa7: {  	v7 =	vunpack.i.l.bf16.f32 v7;
	v30 =	vperm.xlane v15, v1;
	v19 =	vld [tilespmem:s20+$0xFFFFFFE0];
	(erf) = vpow2.f32 v11;
	[tilespmem:s18+$0xB0] =	vst v14  }
0xa8: {  	v25 =	vunpack.i.l.bf16.f32 v13;
	v35 =	vperm.xlane v23, v1;
	(erf) = vpow2.f32 v10;
	v17 =	vld [tilespmem:s0+$0x40]  }
0xa9: {  	v10 =	vperm.xlane v14, v6;
	v20 =	vperm.xlane v14, v2;
	v29 =	vunpack.i.u.bf16.f32 v16;
	v18 =	vld [tilespmem:s0+$0x30]  }
0xaa: {  	v22 =	vperm.xlane v14, v3;
	v24 =	vperm.xlane v14, v5;
	v29 =	vadd.f32 v15, v29  }
0xab: {  	v13 =	vperm.xlane v14, v4;
	v14 =	vunpack.i.u.bf16.f32 v8;
	v21 =	vmul.f32 v10, v7;
	v7 =	vld [tilespmem:s16+$0xFFFFFFC0]  }
0xac: {  	v28 =	vpop (erf);
	v31 =	vperm.xlane v19, v1;
	v34 =	vadd.f32 v23, v14;
	v14 =	vmul.f32 $2.000000030e-01, v29  }
0xad: {  	v36 =	vunpack.i.l.bf16.f32 v12;
	v38 =	vperm.xlane v28, v2;
	v43 =	vperm.xlane v28, v5  }
0xae: {  	v12 =	vmax.f32 v29, v14;
	v26 =	vunpack.i.u.bf16.f32 v18;
	v27 =	vunpack.i.u.bf16.f32 v17  }
0xaf: {  	v18 =	vunpack.i.l.bf16.f32 v18;
	v17 =	vunpack.i.l.bf16.f32 v17;
	v12 =	vsub.f32 v12, v30  }
0xb0: {  	v10 =	vld [tilespmem:s16+$0xFFFFFFF0];
	v30 =	vperm.xlane v28, v3;
	v32 =	vunpack.i.u.bf16.f32 v7;
	v17 =	vmul.f32 v13, v17  }
0xb1: {  	[tilespmem:s18+$0xFFFFFFF0] =	vst v28;
	v23 =	vmul.f32 v24, v27;
	v22 =	vmul.f32 v22, v26;
	v32 =	vadd.f32 v19, v32;
	v19 =	vld [tilespmem:s20+$0xFFFFFFF0]  }
0xb2: {  	v14 =	vld [tilespmem:s0+$0xFFFFFFE0];
	v27 =	vmul.f32 $2.000000030e-01, v34;
	v18 =	vmul.f32 v20, v18;
	v11 =	vpop (erf)  }
0xb3: {  	v26 =	vld [tilespmem:s0+$0xFFFFFFD0];
	v40 =	vmul.f32 $1.442695020e+00, v12;
	v12 =	vperm.xlane v28, v4;
	v33 =	vpop (erf)  }
0xb4: {  	v16 =	vunpack.i.l.bf16.f32 v16;
	[tilespmem:s18+$0x50] =	vst v33;
	v15 =	vperm.xlane v33, v3;
	v29 =	vperm.xlane v33, v6  }
0xb5: {  	v13 =	vunpack.i.u.bf16.f32 v10;
	[tilespmem:s18+$0x90] =	vst v23;
	(erf) = vpow2.f32 v40;
	v23 =	vperm.xlane v33, v5;
	v24 =	vld [tilespmem:s0+$0x0]  }
0xb6: {  	[tilespmem:s18+$0xA0] =	vst v21;
	v39 =	vld [tilespmem:s0+$0x10];
	v29 =	vmul.f32 v29, v36;
	v37 =	vadd.f32 v19, v13;
	v13 =	vperm.xlane v33, v2  }
0xb7: {  	[tilespmem:s18+$0x80] =	vst v17;
	v44 =	vunpack.i.u.bf16.f32 v14;
	v41 =	vperm.xlane v19, v1;
	v19 =	vperm.xlane v28, v6  }
0xb8: {  	[tilespmem:s18+$0xFFFFFF90] =	vst v11;
	v42 =	vunpack.i.u.bf16.f32 v26;
	v28 =	vmul.f32 $2.000000030e-01, v32;
	v17 =	vmul.f32 $2.000000030e-01, v37  }
0xb9: {  	[tilespmem:s18+$0x70] =	vst v22;
	v63 =	vunpack.i.l.bf16.f32 v26;
	v22 =	vmul.f32 v30, v42;
	v30 =	vmul.f32 v43, v44  }
0xba: {  	[tilespmem:s18+$0x60] =	vst v18;
	v26 =	vld [tilespmem:s0+$0xFFFFFFA0];
	v25 =	vmul.f32 v19, v25;
	v18 =	vmax.f32 v32, v28;
	v17 =	vmax.f32 v37, v17  }
0xbb: {  	[tilespmem:s18+$0xFFFFFFB0] =	vst v22;
	v22 =	vld [tilespmem:s0+$0xFFFFFFB0];
	v20 =	vunpack.i.u.bf16.f32 v24;
	v21 =	vunpack.i.u.bf16.f32 v39;
	v17 =	vsub.f32 v17, v41  }
0xbc: {  	v19 =	vunpack.i.l.bf16.f32 v24;
	v24 =	vsub.f32 v18, v31;
	[tilespmem:s18+$0xFFFFFFE0] =	vst v25;
	v25 =	vmax.f32 v34, v27  }
0xbd: {  	v18 =	vperm.xlane v33, v4;
	v28 =	vsub.f32 v25, v35;
	v27 =	vmul.f32 $1.442695020e+00, v17  }
0xbe: {  	[tilespmem:s18+$0x40] =	vst v29;
	v29 =	vmul.f32 $1.442695020e+00, v24;
	v24 =	vunpack.i.l.bf16.f32 v39;
	v17 =	vperm.xlane v11, v4  }
0xbf: {  	s29 =	simm.s32 $0x4;
	s30 =	simm.s32 $0x31E0;
	s9 =	simm.s32 $0x9240;
	[tilespmem:s18+$0xFFFFFFD0] =	vst v30;
	v25 =	vunpack.i.u.bf16.f32 v26;
	(erf) = vpow2.f32 v27;
	v27 =	vmul.f32 v38, v63  }
.LBB2_7:
0xc0: {  	v30 =	vld [tilespmem:s30+$0x20];
	s29 =	sadd.s32 $0x4, s29;
	s20 =	sadd.s32 $0x40, s20;
	(erf) = vpow2.f32 v29;
	v29 =	vpop (erf);
	v31 =	vunpack.i.u.bf16.f32 v22;
	v32 =	vperm.xlane v11, v5  }
0xc1: {  	v14 =	vunpack.i.l.bf16.f32 v14;
	v15 =	vmul.f32 v15, v20;
	v33 =	vld [tilespmem:s30+$0x50];
	p1 =	slt.u32 s29, $0x7C;
	[tilespmem:s9+$0xB0] =	vst v29;
	v34 =	vperm.xlane v29, v6  }
0xc2: {  	v28 =	vmul.f32 $1.442695020e+00, v28;
	v26 =	vunpack.i.l.bf16.f32 v26;
	v35 =	vperm.xlane v11, v2;
	v20 =	vld [tilespmem:s20+$0x10]  }
0xc3: {  	v36 =	vld [tilespmem:s20+$0xFFFFFFE0];
	v16 =	vmul.f32 v34, v16;
	v34 =	vperm.xlane v11, v3;
	[tilespmem:s18+$0x10] =	vst v15  }
0xc4: {  	v11 =	vperm.xlane v11, v6;
	v15 =	vld [tilespmem:s16+$0x40];
	(erf) = vpow2.f32 v28  }
0xc5: {  	v38 =	vunpack.i.l.bf16.f32 v9;
	v21 =	vmul.f32 v23, v21;
	v9 =	vmovc v7;
	v37 =	vperm.xlane v29, v2;
	v28 =	vld [tilespmem:s16+$0x30];
	[tilespmem:s18+$0xFFFFFFA0] =	vst v27  }
0xc6: {  	v27 =	vperm.xlane v29, v3;
	v38 =	vmul.f32 v11, v38;
	v23 =	vld [tilespmem:s20+$0x0];
	[tilespmem:s9+$0xA0] =	vst v16  }
0xc7: {  	v22 =	vunpack.i.l.bf16.f32 v22;
	v13 =	vmul.f32 v13, v19;
	v16 =	vperm.xlane v29, v5;
	v7 =	vld [tilespmem:s30+$0xFFFFFFC0];
	[tilespmem:s18+$0x30] =	vst v21  }
0xc8: {  	v19 =	vunpack.i.l.bf16.f32 v10;
	v10 =	vmul.f32 v35, v26;
	v21 =	vperm.xlane v29, v4;
	v29 =	vpop (erf);
	[tilespmem:s18+$0xFFFFFF80] =	vst v38  }
0xc9: {  	v12 =	vmul.f32 v12, v14;
	v26 =	vunpack.i.u.bf16.f32 v30;
	v11 =	vpop (erf);
	[tilespmem:s18+$0x0] =	vst v13;
	v13 =	vmul.f32 v18, v24  }
0xca: {  	v18 =	vunpack.i.u.bf16.f32 v15;
	v24 =	vmul.f32 v34, v25;
	v14 =	vunpack.i.u.bf16.f32 v28;
	[tilespmem:s18+$0xFFFFFF40] =	vst v10  }
0xcb: {  	v17 =	vmul.f32 v17, v22;
	v38 =	vunpack.i.u.bf16.f32 v33;
	v34 =	vperm.xlane v20, v1;
	v10 =	vld [tilespmem:s30+$0xFFFFFFF0];
	[tilespmem:s9+$0xFFFFFFF0] =	vst v29  }
0xcc: {  	v35 =	vperm.xlane v36, v1;
	v22 =	vunpack.i.l.bf16.f32 v28;
	v28 =	vmul.f32 v32, v31;
	[tilespmem:s18+$0x20] =	vst v13  }
0xcd: {  	v20 =	vadd.f32 v20, v38;
	v15 =	vunpack.i.l.bf16.f32 v15;
	v13 =	vunpack.i.u.bf16.f32 v7;
	v25 =	vpop (erf);
	[tilespmem:s18+$0xFFFFFF50] =	vst v24  }
0xce: {  	v32 =	vadd.f32 v23, v26;
	v24 =	vadd.f32 v36, v13;
	v13 =	vmul.f32 v21, v15;
	v31 =	vld [tilespmem:s20+$0xFFFFFFF0];
	[tilespmem:s18+$0xFFFFFF70] =	vst v28  }
0xcf: {  	v16 =	vmul.f32 v16, v18;
	v28 =	vperm.xlane v23, v1;
	[tilespmem:s9+$0x50] =	vst v25  }
0xd0: {  	v21 =	vmul.f32 $2.000000030e-01, v20;
	v23 =	vmul.f32 v27, v14;
	v18 =	vunpack.i.u.bf16.f32 v10;
	v36 =	vld [tilespmem:s16+$0x0];
	[tilespmem:s18+$0xFFFFFFC0] =	vst v12  }
0xd1: {  	v38 =	vunpack.i.l.bf16.f32 v8;
	v8 =	vmovc v30;
	v27 =	vmul.f32 $2.000000030e-01, v32;
	v15 =	vperm.xlane v25, v3;
	v26 =	vld [tilespmem:s16+$0xFFFFFFD0];
	[tilespmem:s18+$0xFFFFFF60] =	vst v17;
	s18 =	smov.u32 s9  }
0xd2: {  	v12 =	vmax.f32 v20, v21;
	v20 =	vmul.f32 v37, v22;
	v17 =	vperm.xlane v25, v6;
	[tilespmem:s9+$0x80] =	vst v13  }
0xd3: {  	v30 =	vperm.xlane v29, v3;
	v12 =	vsub.f32 v12, v34;
	v18 =	vadd.f32 v31, v18;
	v14 =	vld [tilespmem:s16+$0xFFFFFFE0];
	[tilespmem:s9+$0x90] =	vst v16  }
0xd4: {  	v13 =	vperm.xlane v25, v2;
	v16 =	vunpack.i.l.bf16.f32 v33;
	v33 =	vperm.xlane v29, v2;
	v34 =	vld [tilespmem:s16+$0x10];
	[tilespmem:s9+$0x60] =	vst v20  }
0xd5: {  	v21 =	vmul.f32 $1.442695020e+00, v12;
	v12 =	vperm.xlane v29, v4;
	v20 =	vunpack.i.u.bf16.f32 v36;
	[tilespmem:s9+$0x70] =	vst v23  }
0xd6: {  	v22 =	vperm.xlane v31, v1;
	v23 =	vperm.xlane v29, v6;
	v31 =	vunpack.i.u.bf16.f32 v26  }
0xd7: {  	v29 =	vperm.xlane v29, v5;
	v37 =	vunpack.i.l.bf16.f32 v26;
	(erf) = vpow2.f32 v21  }
0xd8: {  	s9 =	sadd.s32 $0x180, s9;
	v26 =	vmul.f32 $2.000000030e-01, v18;
	v19 =	vmul.f32 v23, v19;
	v39 =	vunpack.i.u.bf16.f32 v14  }
0xd9: {  	v40 =	vmul.f32 $2.000000030e-01, v24;
	v23 =	vperm.xlane v25, v5;
	[tilespmem:s18+$0xFFFFFF90] =	vst v11;
	v21 =	vunpack.i.u.bf16.f32 v34  }
0xda: {  	v17 =	vmul.f32 v17, v38;
	v18 =	vmax.f32 v18, v26;
	v26 =	vld [tilespmem:s16+$0xFFFFFFA0];
	[tilespmem:s18+$0xFFFFFFE0] =	vst v19;
	v19 =	vunpack.i.l.bf16.f32 v36  }
.Ltmp6:
0xdb: {  	v24 =	vmax.f32 v24, v40;
	v30 =	vmul.f32 v30, v31;
	v36 =	vsub.f32 v18, v22;
	v22 =	vld [tilespmem:s16+$0xFFFFFFB0];
	s16 =	smov.u32 s30;
	(pc) =	sbr.rel @p1 .LBB2_7-.Ltmp6, $4  }
0xdc: {  	v27 =	vmax.f32 v32, v27;
	v24 =	vsub.f32 v24, v35;
	v18 =	vperm.xlane v25, v4;
	[tilespmem:s18+$0x40] =	vst v17  }
0xdd: {  	v28 =	vsub.f32 v27, v28;
	v25 =	vmul.f32 $1.442695020e+00, v36;
	[tilespmem:s18+$0xFFFFFFB0] =	vst v30;
	v30 =	vmul.f32 v29, v39  }
0xde: {  	v17 =	vperm.xlane v11, v4;
	v29 =	vmul.f32 $1.442695020e+00, v24;
	v24 =	vunpack.i.l.bf16.f32 v34  }
0xdf: {  	v27 =	vmul.f32 v33, v37;
	s30 =	sadd.s32 $0xC0, s30;
	(erf) = vpow2.f32 v25;
	v25 =	vunpack.i.u.bf16.f32 v26;
	[tilespmem:s18+$0xFFFFFFD0] =	vst v30  }
0xe0: {  	v30 =	vpop (erf)  }
0xe1: {  	v15 =	vmul.f32 v15, v20;
	(erf) = vpow2.f32 v29;
	[tilespmem:s9+$0xB0] =	vst v30  }
0xe2: {  	v53 =	vmul.f32 $1.442695020e+00, v28;
	v21 =	vmul.f32 v23, v21;
	[tilespmem:s18+$0xFFFFFFA0] =	vst v27  }
0xe3: {  	v55 =	vperm.xlane v11, v6;
	v13 =	vmul.f32 v13, v19;
	[tilespmem:s18+$0x10] =	vst v15  }
0xe4: {  	v57 =	vperm.xlane v11, v2;
	v18 =	vmul.f32 v18, v24;
	v14 =	vunpack.i.l.bf16.f32 v14;
	[tilespmem:s18+$0x30] =	vst v21  }
0xe5: {  	v9 =	vunpack.i.l.bf16.f32 v9;
	v60 =	vperm.xlane v11, v5;
	v12 =	vmul.f32 v12, v14;
	[tilespmem:s18+$0x0] =	vst v13  }
0xe6: {  	v62 =	vunpack.i.u.bf16.f32 v22;
	v31 =	vperm.xlane v30, v6;
	v9 =	vmul.f32 v55, v9;
	[tilespmem:s18+$0x20] =	vst v18  }
0xe7: {  	v59 =	vperm.xlane v11, v3;
	v54 =	vld [tilespmem:s16+$0x40];
	v11 =	vmul.f32 v60, v62;
	[tilespmem:s18+$0xFFFFFFC0] =	vst v12  }
0xe8: {  	(erf) = vpow2.f32 v53;
	v16 =	vmul.f32 v31, v16;
	[tilespmem:s18+$0xFFFFFF80] =	vst v9  }
0xe9: {  	v58 =	vunpack.i.l.bf16.f32 v26;
	v56 =	vld [tilespmem:s16+$0x30];
	v9 =	vmul.f32 v59, v25;
	[tilespmem:s18+$0xFFFFFF70] =	vst v11  }
0xea: {  	v22 =	vunpack.i.l.bf16.f32 v22;
	[tilespmem:s9+$0xA0] =	vst v16;
	v16 =	vmul.f32 v57, v58  }
0xeb: {  	v23 =	vperm.xlane v30, v4;
	[tilespmem:s18+$0xFFFFFF50] =	vst v9;
	v9 =	vmul.f32 v17, v22  }
0xec: {  	v25 =	vperm.xlane v30, v5;
	[tilespmem:s18+$0xFFFFFF40] =	vst v16;
	v26 =	vunpack.i.l.bf16.f32 v54  }
0xed: {  	v27 =	vperm.xlane v30, v2;
	v15 =	vunpack.i.u.bf16.f32 v54;
	v61 =	vpop (erf);
	v17 =	vmul.f32 v23, v26;
	[tilespmem:s18+$0xFFFFFF60] =	vst v9  }
0xee: {  	v28 =	vperm.xlane v30, v3;
	v29 =	vunpack.i.l.bf16.f32 v56;
	v11 =	vmul.f32 v25, v15;
	[tilespmem:s9+$0xFFFFFFF0] =	vst v61  }
0xef: {  	v31 =	vunpack.i.u.bf16.f32 v56;
	v18 =	vmul.f32 v27, v29;
	v30 =	vld [tilespmem:s16+$0xFFFFFFD0];
	[tilespmem:s9+$0x80] =	vst v17  }
0xf0: {  	v9 =	vmul.f32 v28, v31;
	v63 =	vpop (erf);
	v34 =	vperm.xlane v61, v6;
	[tilespmem:s9+$0x90] =	vst v11  }
0xf1: {  	v36 =	vperm.xlane v61, v3;
	v40 =	vperm.xlane v61, v5;
	v32 =	vld [tilespmem:s16+$0xFFFFFFE0];
	[tilespmem:s9+$0xFFFFFF90] =	vst v63;
	v24 =	vpop (erf)  }
0xf2: {  	v10 =	vunpack.i.l.bf16.f32 v10;
	v44 =	vperm.xlane v61, v2;
	v46 =	vld [tilespmem:s16+$0xFFFFFFA0];
	[tilespmem:s9+$0x50] =	vst v24;
	v35 =	vperm.xlane v24, v6  }
0xf3: {  	v8 =	vunpack.i.l.bf16.f32 v8;
	v60 =	vperm.xlane v61, v4;
	[tilespmem:s9+$0x60] =	vst v18;
	v38 =	vmul.f32 v34, v10;
	v33 =	vld [tilespmem:s16+$0x0]  }
0xf4: {  	[tilespmem:s9+$0x70] =	vst v9;
	v55 =	vperm.xlane v63, v2;
	v37 =	vld [tilespmem:s16+$0x10];
	v8 =	vmul.f32 v35, v8;
	v39 =	vunpack.i.u.bf16.f32 v30  }
0xf5: {  	v58 =	vperm.xlane v63, v3;
	[tilespmem:s9+$0xFFFFFFE0] =	vst v38;
	v47 =	vunpack.i.l.bf16.f32 v30;
	v43 =	vmul.f32 v36, v39  }
0xf6: {  	v59 =	vperm.xlane v63, v5;
	v42 =	vunpack.i.u.bf16.f32 v32;
	[tilespmem:s9+$0x40] =	vst v8;
	v10 =	vmul.f32 v44, v47  }
0xf7: {  	v41 =	vperm.xlane v24, v3;
	v8 =	vmul.f32 v40, v42;
	v56 =	vunpack.i.l.bf16.f32 v46;
	[tilespmem:s9+$0xFFFFFFB0] =	vst v43  }
0xf8: {  	v48 =	vperm.xlane v24, v5;
	v45 =	vunpack.i.u.bf16.f32 v33;
	[tilespmem:s9+$0xFFFFFFA0] =	vst v10;
	v10 =	vmul.f32 v55, v56  }
0xf9: {  	v51 =	vperm.xlane v24, v2;
	v50 =	vunpack.i.u.bf16.f32 v37;
	[tilespmem:s9+$0xFFFFFFD0] =	vst v8;
	v49 =	vmul.f32 v41, v45  }
0xfa: {  	v52 =	vld [tilespmem:s16+$0xFFFFFFB0];
	v8 =	vperm.xlane v63, v6;
	v54 =	vunpack.i.l.bf16.f32 v33;
	v53 =	vmul.f32 v48, v50;
	[tilespmem:s9+$0xFFFFFF40] =	vst v10  }
0xfb: {  	v7 =	vunpack.i.l.bf16.f32 v7;
	v62 =	vperm.xlane v63, v4;
	v11 =	vmul.f32 v51, v54;
	[tilespmem:s9+$0x10] =	vst v49  }
0xfc: {  	v63 =	vunpack.i.l.bf16.f32 v32;
	v7 =	vmul.f32 v8, v7;
	v8 =	vperm.xlane v24, v4;
	[tilespmem:s9+$0x30] =	vst v53  }
0xfd: {  	v57 =	vunpack.i.l.bf16.f32 v37;
	v9 =	vmul.f32 v60, v63;
	[tilespmem:s9+$0x0] =	vst v11  }
0xfe: {  	[tilespmem:s9+$0xFFFFFF80] =	vst v7;
	v7 =	vunpack.i.u.bf16.f32 v46;
	v8 =	vmul.f32 v8, v57  }
0xff: {  	v61 =	vunpack.i.u.bf16.f32 v52;
	[tilespmem:s9+$0xFFFFFFC0] =	vst v9;
	v7 =	vmul.f32 v58, v7  }
0x100: {  	v11 =	vmul.f32 v59, v61;
	[tilespmem:s9+$0x20] =	vst v8;
	v8 =	vunpack.i.l.bf16.f32 v52  }
0x101: {  	[tilespmem:s9+$0xFFFFFF50] =	vst v7;
	v7 =	vmul.f32 v62, v8  }
0x102: {  	s0 =	sand.u32 $0x3FFFFE00, s4;
	[tilespmem:s9+$0xFFFFFF70] =	vst v11  }
0x103: {  	s0 =	sadd.s32 $0x800, s0;
	[tilespmem:s9+$0xFFFFFF60] =	vst v7  }
0x104: {  	[spmem:s2] =	stream.indirect.scatter.add.f32 [tilespmem:s19], [sflag:$0x5], $0x60, s0, s22, $0xb8;
	[tilespmem:$0x1E000] =	vst v63  }
.LBB2_9:
0x105: {  	s16 =	sor.u32 $0x1, s5  }
0x106: {  	s0 =	sadd.s32 s16, s21  }
0x107: {  	p1 =	sgt.u32 s0, $0x1387  }
.Ltmp7:
0x108: {  	_ = 	snop;
	(pc) =	sbr.rel @p1 .LBB2_13-.Ltmp7, $1  }
0x109: {  	_ =	sdelay $0x3  }
0x10a: {  	s0 =	sadd.s32 $0x980, s4;
	s9 =	simm.s32 $0x2800  }
0x10b: {  	[tilespmem:s9], [sflag:$0x4] =	stream.indirect.gather [hbm4b:s7+s22], $0x10, s0, s22, $0xb8;
	[tilespmem:$0x1E000] =	vst v63  }
0x10c: {  	s18 =	sor.u32 $0x180, s4  }
0x10d: {  	[tilespmem:s25], [sflag:$0x4] =	stream.indirect.gather [hbm4b:s6+s22], $0x30, s18, s22, $0xb8;
	[tilespmem:$0x1E000] =	vst v63  }
0x10e: {  	_ =	swait.ge [sflag:s1], $0x800  }
0x10f: {  	[sflag:s1] =	ssyncset.done $0x0  }
0x110: {  	[sflag:s1] =	ssyncadd.s32 $0xFFFFF800  }
0x111: {  	_ =	swait.ge [sflag:s1], $0x1800  }
0x112: {  	p1 =	seq.s32 s3, $0x0;
	[sflag:s1] =	ssyncset.done $0x0  }
0x113: {  	s0 =	simm.s32 @!p1 $0x6;
	[sflag:s1] =	ssyncadd.s32 $0xFFFFE800  }
0x114: {  	_ =	swait.ge @!p1 [sflag:s0], $0x3000  }
0x115: {  	[sflag:s0] =	ssyncset.done @!p1 $0x0  }
0x116: {  	[sflag:s0] =	ssyncadd.s32 @!p1 $0xFFFFD000;
	s0 =	simm.s32 $0x4860  }
0x117: {  	s20 =	simm.s32 $0x1820;
	v7 =	vld [tilespmem:s0+$0x50]  }
0x118: {  	v8 =	vld [tilespmem:s20+$0x10];
	_ =	sdelay $0x3  }
0x119: {  	v13 =	vld [tilespmem:s0+$0xFFFFFFF0];
	v9 =	vunpack.i.u.bf16.f32 v7  }
0x11a: {  	v14 =	vld [tilespmem:s20+$0xFFFFFFF0];
	v10 =	vadd.f32 v8, v9;
	_ =	sdelay $0x1  }
0x11b: {  	v11 =	vmul.f32 $2.000000030e-01, v10  }
0x11c: {  	v12 =	vld [tilespmem:s0+$0x20];
	v8 =	vperm.xlane v8, v1  }
0x11d: {  	v15 =	vunpack.i.u.bf16.f32 v13;
	v9 =	vld [tilespmem:s0+$0xFFFFFFC0];
	v10 =	vmax.f32 v10, v11  }
0x11e: {  	v15 =	vadd.f32 v14, v15;
	v11 =	vld [tilespmem:s20+$0xFFFFFFE0];
	v8 =	vsub.f32 v10, v8  }
0x11f: {  	v10 =	vld [tilespmem:s20+$0x0]  }
0x120: {  	v17 =	vmul.f32 $2.000000030e-01, v15;
	v8 =	vmul.f32 $1.442695020e+00, v8  }
0x121: {  	v14 =	vperm.xlane v14, v1  }
0x122: {  	v15 =	vmax.f32 v15, v17;
	v16 =	vunpack.i.u.bf16.f32 v9;
	(erf) = vpow2.f32 v8  }
0x123: {  	v14 =	vsub.f32 v15, v14;
	v8 =	vunpack.i.u.bf16.f32 v12;
	v16 =	vadd.f32 v11, v16  }
0x124: {  	v8 =	vadd.f32 v10, v8  }
0x125: {  	v14 =	vmul.f32 $1.442695020e+00, v14;
	v18 =	vmul.f32 $2.000000030e-01, v16  }
0x126: {  	s29 =	simm.s32 $0x1860;
	v11 =	vperm.xlane v11, v1;
	v19 =	vmul.f32 $2.000000030e-01, v8  }
0x127: {  	v23 =	vld [tilespmem:s29+$0x0];
	v10 =	vperm.xlane v10, v1;
	v16 =	vmax.f32 v16, v18  }
0x128: {  	s18 =	simm.s32 $0x4920;
	v15 =	vld [tilespmem:s29+$0x10];
	(erf) = vpow2.f32 v14;
	v11 =	vsub.f32 v16, v11;
	v8 =	vmax.f32 v8, v19  }
0x129: {  	v16 =	vld [tilespmem:s18+$0x50];
	v10 =	vsub.f32 v8, v10  }
0x12a: {  	v11 =	vmul.f32 $1.442695020e+00, v11  }
0x12b: {  	s9 =	simm.s32 $0xC0C0;
	v8 =	vld [tilespmem:s18+$0x20];
	v10 =	vmul.f32 $1.442695020e+00, v10;
	v14 =	vpop (erf)  }
0x12c: {  	v7 =	vunpack.i.l.bf16.f32 v7;
	v35 =	vperm.xlane v23, v1;
	v19 =	vld [tilespmem:s29+$0xFFFFFFE0];
	(erf) = vpow2.f32 v11;
	[tilespmem:s9+$0xB0] =	vst v14  }
0x12d: {  	v25 =	vunpack.i.l.bf16.f32 v13;
	v30 =	vperm.xlane v15, v1;
	(erf) = vpow2.f32 v10;
	v17 =	vld [tilespmem:s0+$0x40]  }
0x12e: {  	v10 =	vperm.xlane v14, v6;
	v20 =	vperm.xlane v14, v2;
	v29 =	vunpack.i.u.bf16.f32 v16;
	v18 =	vld [tilespmem:s0+$0x30]  }
0x12f: {  	v22 =	vperm.xlane v14, v3;
	v24 =	vperm.xlane v14, v5;
	v29 =	vadd.f32 v15, v29  }
0x130: {  	v13 =	vperm.xlane v14, v4;
	v14 =	vunpack.i.u.bf16.f32 v8;
	v21 =	vmul.f32 v10, v7;
	v7 =	vld [tilespmem:s18+$0xFFFFFFC0]  }
0x131: {  	v28 =	vpop (erf);
	v31 =	vperm.xlane v19, v1;
	v34 =	vadd.f32 v23, v14;
	v14 =	vmul.f32 $2.000000030e-01, v29  }
0x132: {  	v36 =	vunpack.i.l.bf16.f32 v12;
	v38 =	vperm.xlane v28, v2;
	v43 =	vperm.xlane v28, v5  }
0x133: {  	v12 =	vmax.f32 v29, v14;
	v26 =	vunpack.i.u.bf16.f32 v18;
	v27 =	vunpack.i.u.bf16.f32 v17  }
0x134: {  	v18 =	vunpack.i.l.bf16.f32 v18;
	v17 =	vunpack.i.l.bf16.f32 v17;
	v12 =	vsub.f32 v12, v30  }
0x135: {  	v10 =	vld [tilespmem:s18+$0xFFFFFFF0];
	v30 =	vperm.xlane v28, v3;
	v32 =	vunpack.i.u.bf16.f32 v7;
	v17 =	vmul.f32 v13, v17  }
0x136: {  	[tilespmem:s9+$0xFFFFFFF0] =	vst v28;
	v23 =	vmul.f32 v24, v27;
	v22 =	vmul.f32 v22, v26;
	v32 =	vadd.f32 v19, v32;
	v19 =	vld [tilespmem:s29+$0xFFFFFFF0]  }
0x137: {  	v14 =	vld [tilespmem:s0+$0xFFFFFFE0];
	v27 =	vmul.f32 $2.000000030e-01, v34;
	v18 =	vmul.f32 v20, v18;
	v11 =	vpop (erf)  }
0x138: {  	v26 =	vld [tilespmem:s0+$0xFFFFFFD0];
	v40 =	vmul.f32 $1.442695020e+00, v12;
	v12 =	vperm.xlane v28, v4;
	v33 =	vpop (erf)  }
0x139: {  	v16 =	vunpack.i.l.bf16.f32 v16;
	[tilespmem:s9+$0x50] =	vst v33;
	v15 =	vperm.xlane v33, v3;
	v29 =	vperm.xlane v33, v6  }
0x13a: {  	v13 =	vunpack.i.u.bf16.f32 v10;
	[tilespmem:s9+$0x90] =	vst v23;
	(erf) = vpow2.f32 v40;
	v23 =	vperm.xlane v33, v5;
	v24 =	vld [tilespmem:s0+$0x0]  }
0x13b: {  	[tilespmem:s9+$0xA0] =	vst v21;
	v39 =	vld [tilespmem:s0+$0x10];
	v29 =	vmul.f32 v29, v36;
	v37 =	vadd.f32 v19, v13;
	v13 =	vperm.xlane v33, v2  }
0x13c: {  	[tilespmem:s9+$0x80] =	vst v17;
	v44 =	vunpack.i.u.bf16.f32 v14;
	v41 =	vperm.xlane v19, v1;
	v19 =	vperm.xlane v28, v6  }
0x13d: {  	[tilespmem:s9+$0xFFFFFF90] =	vst v11;
	v42 =	vunpack.i.u.bf16.f32 v26;
	v28 =	vmul.f32 $2.000000030e-01, v32;
	v17 =	vmul.f32 $2.000000030e-01, v37  }
0x13e: {  	[tilespmem:s9+$0x70] =	vst v22;
	v63 =	vunpack.i.l.bf16.f32 v26;
	v22 =	vmul.f32 v30, v42;
	v30 =	vmul.f32 v43, v44  }
0x13f: {  	[tilespmem:s9+$0x60] =	vst v18;
	v26 =	vld [tilespmem:s0+$0xFFFFFFA0];
	v25 =	vmul.f32 v19, v25;
	v18 =	vmax.f32 v32, v28;
	v17 =	vmax.f32 v37, v17  }
0x140: {  	[tilespmem:s9+$0xFFFFFFB0] =	vst v22;
	v22 =	vld [tilespmem:s0+$0xFFFFFFB0];
	v20 =	vunpack.i.u.bf16.f32 v24;
	v21 =	vunpack.i.u.bf16.f32 v39;
	v17 =	vsub.f32 v17, v41  }
0x141: {  	v19 =	vunpack.i.l.bf16.f32 v24;
	v24 =	vsub.f32 v18, v31;
	[tilespmem:s9+$0xFFFFFFE0] =	vst v25;
	v25 =	vmax.f32 v34, v27  }
0x142: {  	v18 =	vperm.xlane v33, v4;
	v28 =	vsub.f32 v25, v35;
	v27 =	vmul.f32 $1.442695020e+00, v17  }
0x143: {  	[tilespmem:s9+$0x40] =	vst v29;
	v29 =	vmul.f32 $1.442695020e+00, v24;
	v24 =	vunpack.i.l.bf16.f32 v39;
	v17 =	vperm.xlane v11, v4  }
0x144: {  	s30 =	simm.s32 $0x4;
	s20 =	simm.s32 $0xC240;
	s0 =	simm.s32 $0x49E0;
	[tilespmem:s9+$0xFFFFFFD0] =	vst v30;
	v25 =	vunpack.i.u.bf16.f32 v26;
	(erf) = vpow2.f32 v27;
	v27 =	vmul.f32 v38, v63  }
.LBB2_11:
0x145: {  	v30 =	vld [tilespmem:s0+$0x20];
	s30 =	sadd.s32 $0x4, s30;
	s29 =	sadd.s32 $0x40, s29;
	(erf) = vpow2.f32 v29;
	v29 =	vpop (erf);
	v31 =	vunpack.i.u.bf16.f32 v22;
	v32 =	vperm.xlane v11, v5  }
0x146: {  	v14 =	vunpack.i.l.bf16.f32 v14;
	v15 =	vmul.f32 v15, v20;
	v33 =	vld [tilespmem:s0+$0x50];
	p1 =	slt.u32 s30, $0x7C;
	[tilespmem:s20+$0xB0] =	vst v29;
	v34 =	vperm.xlane v29, v6  }
0x147: {  	v28 =	vmul.f32 $1.442695020e+00, v28;
	v26 =	vunpack.i.l.bf16.f32 v26;
	v35 =	vperm.xlane v11, v2;
	v20 =	vld [tilespmem:s29+$0x10]  }
0x148: {  	v36 =	vld [tilespmem:s29+$0xFFFFFFE0];
	v16 =	vmul.f32 v34, v16;
	v34 =	vperm.xlane v11, v3;
	[tilespmem:s9+$0x10] =	vst v15  }
0x149: {  	v11 =	vperm.xlane v11, v6;
	v15 =	vld [tilespmem:s18+$0x40];
	(erf) = vpow2.f32 v28  }
0x14a: {  	v38 =	vunpack.i.l.bf16.f32 v9;
	v21 =	vmul.f32 v23, v21;
	v9 =	vmovc v7;
	v37 =	vperm.xlane v29, v2;
	v28 =	vld [tilespmem:s18+$0x30];
	[tilespmem:s9+$0xFFFFFFA0] =	vst v27  }
0x14b: {  	v27 =	vperm.xlane v29, v3;
	v38 =	vmul.f32 v11, v38;
	v23 =	vld [tilespmem:s29+$0x0];
	[tilespmem:s20+$0xA0] =	vst v16  }
0x14c: {  	v22 =	vunpack.i.l.bf16.f32 v22;
	v13 =	vmul.f32 v13, v19;
	v16 =	vperm.xlane v29, v5;
	v7 =	vld [tilespmem:s0+$0xFFFFFFC0];
	[tilespmem:s9+$0x30] =	vst v21  }
0x14d: {  	v19 =	vunpack.i.l.bf16.f32 v10;
	v10 =	vmul.f32 v35, v26;
	v21 =	vperm.xlane v29, v4;
	v29 =	vpop (erf);
	[tilespmem:s9+$0xFFFFFF80] =	vst v38  }
0x14e: {  	v12 =	vmul.f32 v12, v14;
	v26 =	vunpack.i.u.bf16.f32 v30;
	v11 =	vpop (erf);
	[tilespmem:s9+$0x0] =	vst v13;
	v13 =	vmul.f32 v18, v24  }
0x14f: {  	v18 =	vunpack.i.u.bf16.f32 v15;
	v24 =	vmul.f32 v34, v25;
	v14 =	vunpack.i.u.bf16.f32 v28;
	[tilespmem:s9+$0xFFFFFF40] =	vst v10  }
0x150: {  	v17 =	vmul.f32 v17, v22;
	v38 =	vunpack.i.u.bf16.f32 v33;
	v34 =	vperm.xlane v20, v1;
	v10 =	vld [tilespmem:s0+$0xFFFFFFF0];
	[tilespmem:s20+$0xFFFFFFF0] =	vst v29  }
0x151: {  	v35 =	vperm.xlane v36, v1;
	v22 =	vunpack.i.l.bf16.f32 v28;
	v28 =	vmul.f32 v32, v31;
	[tilespmem:s9+$0x20] =	vst v13  }
0x152: {  	v20 =	vadd.f32 v20, v38;
	v15 =	vunpack.i.l.bf16.f32 v15;
	v13 =	vunpack.i.u.bf16.f32 v7;
	v25 =	vpop (erf);
	[tilespmem:s9+$0xFFFFFF50] =	vst v24  }
0x153: {  	v32 =	vadd.f32 v23, v26;
	v24 =	vadd.f32 v36, v13;
	v13 =	vmul.f32 v21, v15;
	v31 =	vld [tilespmem:s29+$0xFFFFFFF0];
	[tilespmem:s9+$0xFFFFFF70] =	vst v28  }
0x154: {  	v16 =	vmul.f32 v16, v18;
	v28 =	vperm.xlane v23, v1;
	[tilespmem:s20+$0x50] =	vst v25  }
0x155: {  	v21 =	vmul.f32 $2.000000030e-01, v20;
	v23 =	vmul.f32 v27, v14;
	v18 =	vunpack.i.u.bf16.f32 v10;
	v36 =	vld [tilespmem:s18+$0x0];
	[tilespmem:s9+$0xFFFFFFC0] =	vst v12  }
0x156: {  	v38 =	vunpack.i.l.bf16.f32 v8;
	v8 =	vmovc v30;
	v27 =	vmul.f32 $2.000000030e-01, v32;
	v15 =	vperm.xlane v25, v3;
	v26 =	vld [tilespmem:s18+$0xFFFFFFD0];
	[tilespmem:s9+$0xFFFFFF60] =	vst v17;
	s9 =	smov.u32 s20  }
0x157: {  	v12 =	vmax.f32 v20, v21;
	v20 =	vmul.f32 v37, v22;
	v17 =	vperm.xlane v25, v6;
	[tilespmem:s20+$0x80] =	vst v13  }
0x158: {  	v30 =	vperm.xlane v29, v3;
	v12 =	vsub.f32 v12, v34;
	v18 =	vadd.f32 v31, v18;
	v14 =	vld [tilespmem:s18+$0xFFFFFFE0];
	[tilespmem:s20+$0x90] =	vst v16  }
0x159: {  	v13 =	vperm.xlane v25, v2;
	v16 =	vunpack.i.l.bf16.f32 v33;
	v33 =	vperm.xlane v29, v2;
	v34 =	vld [tilespmem:s18+$0x10];
	[tilespmem:s20+$0x60] =	vst v20  }
0x15a: {  	v21 =	vmul.f32 $1.442695020e+00, v12;
	v12 =	vperm.xlane v29, v4;
	v20 =	vunpack.i.u.bf16.f32 v36;
	[tilespmem:s20+$0x70] =	vst v23  }
0x15b: {  	v22 =	vperm.xlane v31, v1;
	v23 =	vperm.xlane v29, v6;
	v31 =	vunpack.i.u.bf16.f32 v26  }
0x15c: {  	v29 =	vperm.xlane v29, v5;
	v37 =	vunpack.i.l.bf16.f32 v26;
	(erf) = vpow2.f32 v21  }
0x15d: {  	s20 =	sadd.s32 $0x180, s20;
	v26 =	vmul.f32 $2.000000030e-01, v18;
	v19 =	vmul.f32 v23, v19;
	v39 =	vunpack.i.u.bf16.f32 v14  }
0x15e: {  	v40 =	vmul.f32 $2.000000030e-01, v24;
	v23 =	vperm.xlane v25, v5;
	[tilespmem:s9+$0xFFFFFF90] =	vst v11;
	v21 =	vunpack.i.u.bf16.f32 v34  }
0x15f: {  	v17 =	vmul.f32 v17, v38;
	v18 =	vmax.f32 v18, v26;
	v26 =	vld [tilespmem:s18+$0xFFFFFFA0];
	[tilespmem:s9+$0xFFFFFFE0] =	vst v19;
	v19 =	vunpack.i.l.bf16.f32 v36  }
.Ltmp8:
0x160: {  	v24 =	vmax.f32 v24, v40;
	v30 =	vmul.f32 v30, v31;
	v36 =	vsub.f32 v18, v22;
	v22 =	vld [tilespmem:s18+$0xFFFFFFB0];
	s18 =	smov.u32 s0;
	(pc) =	sbr.rel @p1 .LBB2_11-.Ltmp8, $4  }
0x161: {  	v27 =	vmax.f32 v32, v27;
	v24 =	vsub.f32 v24, v35;
	v18 =	vperm.xlane v25, v4;
	[tilespmem:s9+$0x40] =	vst v17  }
0x162: {  	v28 =	vsub.f32 v27, v28;
	v25 =	vmul.f32 $1.442695020e+00, v36;
	[tilespmem:s9+$0xFFFFFFB0] =	vst v30;
	v30 =	vmul.f32 v29, v39  }
0x163: {  	v17 =	vperm.xlane v11, v4;
	v29 =	vmul.f32 $1.442695020e+00, v24;
	v24 =	vunpack.i.l.bf16.f32 v34  }
0x164: {  	v27 =	vmul.f32 v33, v37;
	s0 =	sadd.s32 $0xC0, s0;
	(erf) = vpow2.f32 v25;
	v25 =	vunpack.i.u.bf16.f32 v26;
	[tilespmem:s9+$0xFFFFFFD0] =	vst v30  }
0x165: {  	v30 =	vpop (erf)  }
0x166: {  	v15 =	vmul.f32 v15, v20;
	(erf) = vpow2.f32 v29;
	[tilespmem:s20+$0xB0] =	vst v30  }
0x167: {  	v53 =	vmul.f32 $1.442695020e+00, v28;
	v21 =	vmul.f32 v23, v21;
	[tilespmem:s9+$0xFFFFFFA0] =	vst v27  }
0x168: {  	v55 =	vperm.xlane v11, v6;
	v13 =	vmul.f32 v13, v19;
	[tilespmem:s9+$0x10] =	vst v15  }
0x169: {  	v57 =	vperm.xlane v11, v2;
	v18 =	vmul.f32 v18, v24;
	v14 =	vunpack.i.l.bf16.f32 v14;
	[tilespmem:s9+$0x30] =	vst v21  }
0x16a: {  	v9 =	vunpack.i.l.bf16.f32 v9;
	v60 =	vperm.xlane v11, v5;
	v12 =	vmul.f32 v12, v14;
	[tilespmem:s9+$0x0] =	vst v13  }
0x16b: {  	v62 =	vunpack.i.u.bf16.f32 v22;
	v31 =	vperm.xlane v30, v6;
	v9 =	vmul.f32 v55, v9;
	[tilespmem:s9+$0x20] =	vst v18  }
0x16c: {  	v59 =	vperm.xlane v11, v3;
	v54 =	vld [tilespmem:s18+$0x40];
	v11 =	vmul.f32 v60, v62;
	[tilespmem:s9+$0xFFFFFFC0] =	vst v12  }
0x16d: {  	(erf) = vpow2.f32 v53;
	v16 =	vmul.f32 v31, v16;
	[tilespmem:s9+$0xFFFFFF80] =	vst v9  }
0x16e: {  	v58 =	vunpack.i.l.bf16.f32 v26;
	v56 =	vld [tilespmem:s18+$0x30];
	v9 =	vmul.f32 v59, v25;
	[tilespmem:s9+$0xFFFFFF70] =	vst v11  }
0x16f: {  	v22 =	vunpack.i.l.bf16.f32 v22;
	[tilespmem:s20+$0xA0] =	vst v16;
	v16 =	vmul.f32 v57, v58  }
0x170: {  	v23 =	vperm.xlane v30, v4;
	[tilespmem:s9+$0xFFFFFF50] =	vst v9;
	v9 =	vmul.f32 v17, v22  }
0x171: {  	v25 =	vperm.xlane v30, v5;
	[tilespmem:s9+$0xFFFFFF40] =	vst v16;
	v26 =	vunpack.i.l.bf16.f32 v54  }
0x172: {  	v27 =	vperm.xlane v30, v2;
	v15 =	vunpack.i.u.bf16.f32 v54;
	v61 =	vpop (erf);
	v17 =	vmul.f32 v23, v26;
	[tilespmem:s9+$0xFFFFFF60] =	vst v9  }
0x173: {  	v28 =	vperm.xlane v30, v3;
	v29 =	vunpack.i.l.bf16.f32 v56;
	v11 =	vmul.f32 v25, v15;
	[tilespmem:s20+$0xFFFFFFF0] =	vst v61  }
0x174: {  	v31 =	vunpack.i.u.bf16.f32 v56;
	v18 =	vmul.f32 v27, v29;
	v30 =	vld [tilespmem:s18+$0xFFFFFFD0];
	[tilespmem:s20+$0x80] =	vst v17  }
0x175: {  	v9 =	vmul.f32 v28, v31;
	v63 =	vpop (erf);
	v34 =	vperm.xlane v61, v6;
	[tilespmem:s20+$0x90] =	vst v11  }
0x176: {  	v36 =	vperm.xlane v61, v3;
	v40 =	vperm.xlane v61, v5;
	v32 =	vld [tilespmem:s18+$0xFFFFFFE0];
	[tilespmem:s20+$0xFFFFFF90] =	vst v63;
	v24 =	vpop (erf)  }
0x177: {  	v10 =	vunpack.i.l.bf16.f32 v10;
	v44 =	vperm.xlane v61, v2;
	v46 =	vld [tilespmem:s18+$0xFFFFFFA0];
	[tilespmem:s20+$0x50] =	vst v24;
	v35 =	vperm.xlane v24, v6  }
0x178: {  	v8 =	vunpack.i.l.bf16.f32 v8;
	v60 =	vperm.xlane v61, v4;
	[tilespmem:s20+$0x60] =	vst v18;
	v38 =	vmul.f32 v34, v10;
	v33 =	vld [tilespmem:s18+$0x0]  }
0x179: {  	[tilespmem:s20+$0x70] =	vst v9;
	v55 =	vperm.xlane v63, v2;
	v37 =	vld [tilespmem:s18+$0x10];
	v8 =	vmul.f32 v35, v8;
	v39 =	vunpack.i.u.bf16.f32 v30  }
0x17a: {  	v58 =	vperm.xlane v63, v3;
	[tilespmem:s20+$0xFFFFFFE0] =	vst v38;
	v47 =	vunpack.i.l.bf16.f32 v30;
	v43 =	vmul.f32 v36, v39  }
0x17b: {  	v59 =	vperm.xlane v63, v5;
	v42 =	vunpack.i.u.bf16.f32 v32;
	[tilespmem:s20+$0x40] =	vst v8;
	v10 =	vmul.f32 v44, v47  }
0x17c: {  	v41 =	vperm.xlane v24, v3;
	v8 =	vmul.f32 v40, v42;
	v56 =	vunpack.i.l.bf16.f32 v46;
	[tilespmem:s20+$0xFFFFFFB0] =	vst v43  }
0x17d: {  	v48 =	vperm.xlane v24, v5;
	v45 =	vunpack.i.u.bf16.f32 v33;
	[tilespmem:s20+$0xFFFFFFA0] =	vst v10;
	v10 =	vmul.f32 v55, v56  }
0x17e: {  	v51 =	vperm.xlane v24, v2;
	v50 =	vunpack.i.u.bf16.f32 v37;
	[tilespmem:s20+$0xFFFFFFD0] =	vst v8;
	v49 =	vmul.f32 v41, v45  }
0x17f: {  	v52 =	vld [tilespmem:s18+$0xFFFFFFB0];
	v8 =	vperm.xlane v63, v6;
	v54 =	vunpack.i.l.bf16.f32 v33;
	v53 =	vmul.f32 v48, v50;
	[tilespmem:s20+$0xFFFFFF40] =	vst v10  }
0x180: {  	v7 =	vunpack.i.l.bf16.f32 v7;
	v62 =	vperm.xlane v63, v4;
	v11 =	vmul.f32 v51, v54;
	[tilespmem:s20+$0x10] =	vst v49  }
0x181: {  	v63 =	vunpack.i.l.bf16.f32 v32;
	v7 =	vmul.f32 v8, v7;
	v8 =	vperm.xlane v24, v4;
	[tilespmem:s20+$0x30] =	vst v53  }
0x182: {  	v57 =	vunpack.i.l.bf16.f32 v37;
	v9 =	vmul.f32 v60, v63;
	[tilespmem:s20+$0x0] =	vst v11  }
0x183: {  	[tilespmem:s20+$0xFFFFFF80] =	vst v7;
	v7 =	vunpack.i.u.bf16.f32 v46;
	v8 =	vmul.f32 v8, v57  }
0x184: {  	v61 =	vunpack.i.u.bf16.f32 v52;
	[tilespmem:s20+$0xFFFFFFC0] =	vst v9;
	v7 =	vmul.f32 v58, v7  }
0x185: {  	v11 =	vmul.f32 v59, v61;
	[tilespmem:s20+$0x20] =	vst v8;
	v8 =	vunpack.i.l.bf16.f32 v52  }
0x186: {  	s0 =	sshll.u32 s16, $0x7;
	[tilespmem:s20+$0xFFFFFF50] =	vst v7;
	v7 =	vmul.f32 v62, v8  }
0x187: {  	s0 =	sand.u32 $0x3FFFFF80, s0;
	[tilespmem:s20+$0xFFFFFF70] =	vst v11  }
0x188: {  	s0 =	sadd.s32 $0x800, s0;
	[tilespmem:s20+$0xFFFFFF60] =	vst v7  }
0x189: {  	[spmem:s2] =	stream.indirect.scatter.add.f32 [tilespmem:s10], [sflag:$0x6], $0x60, s0, s22, $0xb8;
	[tilespmem:$0x1E000] =	vst v63  }
.LBB2_13:
0x18a: {  	s16 =	sor.u32 $0x2, s5  }
0x18b: {  	s0 =	sor.u32 s15, s16  }
0x18c: {  	p1 =	seq.s32 s3, $0x3;
	s0 =	sadd.s32 s8, s0  }
0x18d: {  	p2 =	sgt.u32 @!p1 s0, $0x1385  }
0x18e: {  	p2 =	por p1, p2  }
.Ltmp9:
0x18f: {  	_ = 	snop;
	(pc) =	sbr.rel @p2 .LBB2_15-.Ltmp9, $1  }
0x190: {  	_ =	sdelay $0x3  }
0x191: {  	s0 =	sadd.s32 $0xA00, s4  }
0x192: {  	[tilespmem:s23], [sflag:$0x1] =	stream.indirect.gather [hbm4b:s7+s22], $0x10, s0, s22, $0xb8;
	[tilespmem:$0x1E000] =	vst v63  }
0x193: {  	s30 =	sadd.s32 $0x200, s4  }
0x194: {  	[tilespmem:s24], [sflag:$0x1] =	stream.indirect.gather [hbm4b:s6+s22], $0x30, s30, s22, $0xb8;
	[tilespmem:$0x1E000] =	vst v63  }
.LBB2_16:
0x195: {  	_ =	swait.ge [sflag:s11], $0x800  }
0x196: {  	[sflag:s11] =	ssyncset.done $0x0  }
0x197: {  	[sflag:s11] =	ssyncadd.s32 $0xFFFFF800  }
0x198: {  	_ =	swait.ge [sflag:s11], $0x1800  }
0x199: {  	[sflag:s11] =	ssyncset.done $0x0  }
0x19a: {  	[sflag:s11] =	ssyncadd.s32 $0xFFFFE800  }
0x19b: {  	_ =	swait.ge [sflag:s12], $0x3000  }
0x19c: {  	[sflag:s12] =	ssyncset.done $0x0  }
0x19d: {  	s0 =	simm.s32 $0x6060;
	[sflag:s12] =	ssyncadd.s32 $0xFFFFD000  }
0x19e: {  	s9 =	simm.s32 $0x2020;
	v7 =	vld [tilespmem:s0+$0x50]  }
0x19f: {  	v8 =	vld [tilespmem:s9+$0x10];
	_ =	sdelay $0x3  }
0x1a0: {  	v13 =	vld [tilespmem:s0+$0xFFFFFFF0];
	v9 =	vunpack.i.u.bf16.f32 v7  }
0x1a1: {  	v14 =	vld [tilespmem:s9+$0xFFFFFFF0];
	v10 =	vadd.f32 v8, v9;
	_ =	sdelay $0x1  }
0x1a2: {  	v11 =	vmul.f32 $2.000000030e-01, v10  }
0x1a3: {  	v12 =	vld [tilespmem:s0+$0x20];
	v8 =	vperm.xlane v8, v1  }
0x1a4: {  	v15 =	vunpack.i.u.bf16.f32 v13;
	v9 =	vld [tilespmem:s0+$0xFFFFFFC0];
	v10 =	vmax.f32 v10, v11  }
0x1a5: {  	v15 =	vadd.f32 v14, v15;
	v11 =	vld [tilespmem:s9+$0xFFFFFFE0];
	v8 =	vsub.f32 v10, v8  }
0x1a6: {  	v10 =	vld [tilespmem:s9+$0x0]  }
0x1a7: {  	v17 =	vmul.f32 $2.000000030e-01, v15;
	v8 =	vmul.f32 $1.442695020e+00, v8  }
0x1a8: {  	v14 =	vperm.xlane v14, v1  }
0x1a9: {  	v15 =	vmax.f32 v15, v17;
	v16 =	vunpack.i.u.bf16.f32 v9;
	(erf) = vpow2.f32 v8  }
0x1aa: {  	v14 =	vsub.f32 v15, v14;
	v8 =	vunpack.i.u.bf16.f32 v12;
	v16 =	vadd.f32 v11, v16  }
0x1ab: {  	v8 =	vadd.f32 v10, v8  }
0x1ac: {  	v14 =	vmul.f32 $1.442695020e+00, v14;
	v18 =	vmul.f32 $2.000000030e-01, v16  }
0x1ad: {  	s29 =	simm.s32 $0x2060;
	v11 =	vperm.xlane v11, v1;
	v19 =	vmul.f32 $2.000000030e-01, v8  }
0x1ae: {  	v23 =	vld [tilespmem:s29+$0x0];
	v10 =	vperm.xlane v10, v1;
	v16 =	vmax.f32 v16, v18  }
0x1af: {  	s18 =	simm.s32 $0x6120;
	v15 =	vld [tilespmem:s29+$0x10];
	(erf) = vpow2.f32 v14;
	v11 =	vsub.f32 v16, v11;
	v8 =	vmax.f32 v8, v19  }
0x1b0: {  	v16 =	vld [tilespmem:s18+$0x50];
	v10 =	vsub.f32 v8, v10  }
0x1b1: {  	v11 =	vmul.f32 $1.442695020e+00, v11  }
0x1b2: {  	s9 =	simm.s32 $0x90C0;
	v8 =	vld [tilespmem:s18+$0x20];
	v10 =	vmul.f32 $1.442695020e+00, v10;
	v14 =	vpop (erf)  }
0x1b3: {  	v7 =	vunpack.i.l.bf16.f32 v7;
	v35 =	vperm.xlane v23, v1;
	v19 =	vld [tilespmem:s29+$0xFFFFFFE0];
	(erf) = vpow2.f32 v11;
	[tilespmem:s9+$0xB0] =	vst v14  }
0x1b4: {  	v25 =	vunpack.i.l.bf16.f32 v13;
	v30 =	vperm.xlane v15, v1;
	(erf) = vpow2.f32 v10;
	v17 =	vld [tilespmem:s0+$0x40]  }
0x1b5: {  	v10 =	vperm.xlane v14, v6;
	v20 =	vperm.xlane v14, v2;
	v29 =	vunpack.i.u.bf16.f32 v16;
	v18 =	vld [tilespmem:s0+$0x30]  }
0x1b6: {  	v22 =	vperm.xlane v14, v3;
	v24 =	vperm.xlane v14, v5;
	v29 =	vadd.f32 v15, v29  }
0x1b7: {  	v13 =	vperm.xlane v14, v4;
	v14 =	vunpack.i.u.bf16.f32 v8;
	v21 =	vmul.f32 v10, v7;
	v7 =	vld [tilespmem:s18+$0xFFFFFFC0]  }
0x1b8: {  	v28 =	vpop (erf);
	v31 =	vperm.xlane v19, v1;
	v34 =	vadd.f32 v23, v14;
	v14 =	vmul.f32 $2.000000030e-01, v29  }
0x1b9: {  	v36 =	vunpack.i.l.bf16.f32 v12;
	v38 =	vperm.xlane v28, v2;
	v43 =	vperm.xlane v28, v5  }
0x1ba: {  	v12 =	vmax.f32 v29, v14;
	v26 =	vunpack.i.u.bf16.f32 v18;
	v27 =	vunpack.i.u.bf16.f32 v17  }
0x1bb: {  	v18 =	vunpack.i.l.bf16.f32 v18;
	v17 =	vunpack.i.l.bf16.f32 v17;
	v12 =	vsub.f32 v12, v30  }
0x1bc: {  	v10 =	vld [tilespmem:s18+$0xFFFFFFF0];
	v30 =	vperm.xlane v28, v3;
	v32 =	vunpack.i.u.bf16.f32 v7;
	v17 =	vmul.f32 v13, v17  }
0x1bd: {  	[tilespmem:s9+$0xFFFFFFF0] =	vst v28;
	v23 =	vmul.f32 v24, v27;
	v22 =	vmul.f32 v22, v26;
	v32 =	vadd.f32 v19, v32;
	v19 =	vld [tilespmem:s29+$0xFFFFFFF0]  }
0x1be: {  	v14 =	vld [tilespmem:s0+$0xFFFFFFE0];
	v27 =	vmul.f32 $2.000000030e-01, v34;
	v18 =	vmul.f32 v20, v18;
	v11 =	vpop (erf)  }
0x1bf: {  	v26 =	vld [tilespmem:s0+$0xFFFFFFD0];
	v40 =	vmul.f32 $1.442695020e+00, v12;
	v12 =	vperm.xlane v28, v4;
	v33 =	vpop (erf)  }
0x1c0: {  	v16 =	vunpack.i.l.bf16.f32 v16;
	[tilespmem:s9+$0x50] =	vst v33;
	v15 =	vperm.xlane v33, v3;
	v29 =	vperm.xlane v33, v6  }
0x1c1: {  	v13 =	vunpack.i.u.bf16.f32 v10;
	[tilespmem:s9+$0x90] =	vst v23;
	(erf) = vpow2.f32 v40;
	v23 =	vperm.xlane v33, v5;
	v24 =	vld [tilespmem:s0+$0x0]  }
0x1c2: {  	[tilespmem:s9+$0xA0] =	vst v21;
	v39 =	vld [tilespmem:s0+$0x10];
	v29 =	vmul.f32 v29, v36;
	v37 =	vadd.f32 v19, v13;
	v13 =	vperm.xlane v33, v2  }
0x1c3: {  	[tilespmem:s9+$0x80] =	vst v17;
	v44 =	vunpack.i.u.bf16.f32 v14;
	v41 =	vperm.xlane v19, v1;
	v19 =	vperm.xlane v28, v6  }
0x1c4: {  	[tilespmem:s9+$0xFFFFFF90] =	vst v11;
	v42 =	vunpack.i.u.bf16.f32 v26;
	v28 =	vmul.f32 $2.000000030e-01, v32;
	v17 =	vmul.f32 $2.000000030e-01, v37  }
0x1c5: {  	[tilespmem:s9+$0x70] =	vst v22;
	v63 =	vunpack.i.l.bf16.f32 v26;
	v22 =	vmul.f32 v30, v42;
	v30 =	vmul.f32 v43, v44  }
0x1c6: {  	[tilespmem:s9+$0x60] =	vst v18;
	v26 =	vld [tilespmem:s0+$0xFFFFFFA0];
	v25 =	vmul.f32 v19, v25;
	v18 =	vmax.f32 v32, v28;
	v17 =	vmax.f32 v37, v17  }
0x1c7: {  	[tilespmem:s9+$0xFFFFFFB0] =	vst v22;
	v22 =	vld [tilespmem:s0+$0xFFFFFFB0];
	v20 =	vunpack.i.u.bf16.f32 v24;
	v21 =	vunpack.i.u.bf16.f32 v39;
	v17 =	vsub.f32 v17, v41  }
0x1c8: {  	v19 =	vunpack.i.l.bf16.f32 v24;
	v24 =	vsub.f32 v18, v31;
	[tilespmem:s9+$0xFFFFFFE0] =	vst v25;
	v25 =	vmax.f32 v34, v27  }
0x1c9: {  	v18 =	vperm.xlane v33, v4;
	v28 =	vsub.f32 v25, v35;
	v27 =	vmul.f32 $1.442695020e+00, v17  }
0x1ca: {  	[tilespmem:s9+$0x40] =	vst v29;
	v29 =	vmul.f32 $1.442695020e+00, v24;
	v24 =	vunpack.i.l.bf16.f32 v39;
	v17 =	vperm.xlane v11, v4  }
0x1cb: {  	s30 =	simm.s32 $0x4;
	s20 =	simm.s32 $0x9240;
	s0 =	simm.s32 $0x61E0;
	[tilespmem:s9+$0xFFFFFFD0] =	vst v30;
	v25 =	vunpack.i.u.bf16.f32 v26;
	(erf) = vpow2.f32 v27;
	v27 =	vmul.f32 v38, v63  }
.LBB2_17:
0x1cc: {  	v30 =	vld [tilespmem:s0+$0x20];
	s30 =	sadd.s32 $0x4, s30;
	s29 =	sadd.s32 $0x40, s29;
	(erf) = vpow2.f32 v29;
	v29 =	vpop (erf);
	v31 =	vunpack.i.u.bf16.f32 v22;
	v32 =	vperm.xlane v11, v5  }
0x1cd: {  	v14 =	vunpack.i.l.bf16.f32 v14;
	v15 =	vmul.f32 v15, v20;
	v33 =	vld [tilespmem:s0+$0x50];
	p2 =	slt.u32 s30, $0x7C;
	[tilespmem:s20+$0xB0] =	vst v29;
	v34 =	vperm.xlane v29, v6  }
0x1ce: {  	v28 =	vmul.f32 $1.442695020e+00, v28;
	v26 =	vunpack.i.l.bf16.f32 v26;
	v35 =	vperm.xlane v11, v2;
	v20 =	vld [tilespmem:s29+$0x10]  }
0x1cf: {  	v36 =	vld [tilespmem:s29+$0xFFFFFFE0];
	v16 =	vmul.f32 v34, v16;
	v34 =	vperm.xlane v11, v3;
	[tilespmem:s9+$0x10] =	vst v15  }
0x1d0: {  	v11 =	vperm.xlane v11, v6;
	v15 =	vld [tilespmem:s18+$0x40];
	(erf) = vpow2.f32 v28  }
0x1d1: {  	v38 =	vunpack.i.l.bf16.f32 v9;
	v21 =	vmul.f32 v23, v21;
	v9 =	vmovc v7;
	v37 =	vperm.xlane v29, v2;
	v28 =	vld [tilespmem:s18+$0x30];
	[tilespmem:s9+$0xFFFFFFA0] =	vst v27  }
0x1d2: {  	v27 =	vperm.xlane v29, v3;
	v38 =	vmul.f32 v11, v38;
	v23 =	vld [tilespmem:s29+$0x0];
	[tilespmem:s20+$0xA0] =	vst v16  }
0x1d3: {  	v22 =	vunpack.i.l.bf16.f32 v22;
	v13 =	vmul.f32 v13, v19;
	v16 =	vperm.xlane v29, v5;
	v7 =	vld [tilespmem:s0+$0xFFFFFFC0];
	[tilespmem:s9+$0x30] =	vst v21  }
0x1d4: {  	v19 =	vunpack.i.l.bf16.f32 v10;
	v10 =	vmul.f32 v35, v26;
	v21 =	vperm.xlane v29, v4;
	v29 =	vpop (erf);
	[tilespmem:s9+$0xFFFFFF80] =	vst v38  }
0x1d5: {  	v12 =	vmul.f32 v12, v14;
	v26 =	vunpack.i.u.bf16.f32 v30;
	v11 =	vpop (erf);
	[tilespmem:s9+$0x0] =	vst v13;
	v13 =	vmul.f32 v18, v24  }
0x1d6: {  	v18 =	vunpack.i.u.bf16.f32 v15;
	v24 =	vmul.f32 v34, v25;
	v14 =	vunpack.i.u.bf16.f32 v28;
	[tilespmem:s9+$0xFFFFFF40] =	vst v10  }
0x1d7: {  	v17 =	vmul.f32 v17, v22;
	v38 =	vunpack.i.u.bf16.f32 v33;
	v34 =	vperm.xlane v20, v1;
	v10 =	vld [tilespmem:s0+$0xFFFFFFF0];
	[tilespmem:s20+$0xFFFFFFF0] =	vst v29  }
0x1d8: {  	v35 =	vperm.xlane v36, v1;
	v22 =	vunpack.i.l.bf16.f32 v28;
	v28 =	vmul.f32 v32, v31;
	[tilespmem:s9+$0x20] =	vst v13  }
0x1d9: {  	v20 =	vadd.f32 v20, v38;
	v15 =	vunpack.i.l.bf16.f32 v15;
	v13 =	vunpack.i.u.bf16.f32 v7;
	v25 =	vpop (erf);
	[tilespmem:s9+$0xFFFFFF50] =	vst v24  }
0x1da: {  	v32 =	vadd.f32 v23, v26;
	v24 =	vadd.f32 v36, v13;
	v13 =	vmul.f32 v21, v15;
	v31 =	vld [tilespmem:s29+$0xFFFFFFF0];
	[tilespmem:s9+$0xFFFFFF70] =	vst v28  }
0x1db: {  	v16 =	vmul.f32 v16, v18;
	v28 =	vperm.xlane v23, v1;
	[tilespmem:s20+$0x50] =	vst v25  }
0x1dc: {  	v21 =	vmul.f32 $2.000000030e-01, v20;
	v23 =	vmul.f32 v27, v14;
	v18 =	vunpack.i.u.bf16.f32 v10;
	v36 =	vld [tilespmem:s18+$0x0];
	[tilespmem:s9+$0xFFFFFFC0] =	vst v12  }
0x1dd: {  	v38 =	vunpack.i.l.bf16.f32 v8;
	v8 =	vmovc v30;
	v27 =	vmul.f32 $2.000000030e-01, v32;
	v15 =	vperm.xlane v25, v3;
	v26 =	vld [tilespmem:s18+$0xFFFFFFD0];
	[tilespmem:s9+$0xFFFFFF60] =	vst v17;
	s9 =	smov.u32 s20  }
0x1de: {  	v12 =	vmax.f32 v20, v21;
	v20 =	vmul.f32 v37, v22;
	v17 =	vperm.xlane v25, v6;
	[tilespmem:s20+$0x80] =	vst v13  }
0x1df: {  	v30 =	vperm.xlane v29, v3;
	v12 =	vsub.f32 v12, v34;
	v18 =	vadd.f32 v31, v18;
	v14 =	vld [tilespmem:s18+$0xFFFFFFE0];
	[tilespmem:s20+$0x90] =	vst v16  }
0x1e0: {  	v13 =	vperm.xlane v25, v2;
	v16 =	vunpack.i.l.bf16.f32 v33;
	v33 =	vperm.xlane v29, v2;
	v34 =	vld [tilespmem:s18+$0x10];
	[tilespmem:s20+$0x60] =	vst v20  }
0x1e1: {  	v21 =	vmul.f32 $1.442695020e+00, v12;
	v12 =	vperm.xlane v29, v4;
	v20 =	vunpack.i.u.bf16.f32 v36;
	[tilespmem:s20+$0x70] =	vst v23  }
0x1e2: {  	v22 =	vperm.xlane v31, v1;
	v23 =	vperm.xlane v29, v6;
	v31 =	vunpack.i.u.bf16.f32 v26  }
0x1e3: {  	v29 =	vperm.xlane v29, v5;
	v37 =	vunpack.i.l.bf16.f32 v26;
	(erf) = vpow2.f32 v21  }
0x1e4: {  	s20 =	sadd.s32 $0x180, s20;
	v26 =	vmul.f32 $2.000000030e-01, v18;
	v19 =	vmul.f32 v23, v19;
	v39 =	vunpack.i.u.bf16.f32 v14  }
0x1e5: {  	v40 =	vmul.f32 $2.000000030e-01, v24;
	v23 =	vperm.xlane v25, v5;
	[tilespmem:s9+$0xFFFFFF90] =	vst v11;
	v21 =	vunpack.i.u.bf16.f32 v34  }
0x1e6: {  	v17 =	vmul.f32 v17, v38;
	v18 =	vmax.f32 v18, v26;
	v26 =	vld [tilespmem:s18+$0xFFFFFFA0];
	[tilespmem:s9+$0xFFFFFFE0] =	vst v19;
	v19 =	vunpack.i.l.bf16.f32 v36  }
.Ltmp10:
0x1e7: {  	v24 =	vmax.f32 v24, v40;
	v30 =	vmul.f32 v30, v31;
	v36 =	vsub.f32 v18, v22;
	v22 =	vld [tilespmem:s18+$0xFFFFFFB0];
	s18 =	smov.u32 s0;
	(pc) =	sbr.rel @p2 .LBB2_17-.Ltmp10, $4  }
0x1e8: {  	v27 =	vmax.f32 v32, v27;
	v24 =	vsub.f32 v24, v35;
	v18 =	vperm.xlane v25, v4;
	[tilespmem:s9+$0x40] =	vst v17  }
0x1e9: {  	v28 =	vsub.f32 v27, v28;
	v25 =	vmul.f32 $1.442695020e+00, v36;
	[tilespmem:s9+$0xFFFFFFB0] =	vst v30;
	v30 =	vmul.f32 v29, v39  }
0x1ea: {  	v17 =	vperm.xlane v11, v4;
	v29 =	vmul.f32 $1.442695020e+00, v24;
	v24 =	vunpack.i.l.bf16.f32 v34  }
0x1eb: {  	v27 =	vmul.f32 v33, v37;
	s0 =	sadd.s32 $0xC0, s0;
	(erf) = vpow2.f32 v25;
	v25 =	vunpack.i.u.bf16.f32 v26;
	[tilespmem:s9+$0xFFFFFFD0] =	vst v30  }
0x1ec: {  	v30 =	vpop (erf)  }
0x1ed: {  	v15 =	vmul.f32 v15, v20;
	(erf) = vpow2.f32 v29;
	[tilespmem:s20+$0xB0] =	vst v30  }
0x1ee: {  	v53 =	vmul.f32 $1.442695020e+00, v28;
	v21 =	vmul.f32 v23, v21;
	[tilespmem:s9+$0xFFFFFFA0] =	vst v27  }
0x1ef: {  	v55 =	vperm.xlane v11, v6;
	v13 =	vmul.f32 v13, v19;
	[tilespmem:s9+$0x10] =	vst v15  }
0x1f0: {  	v57 =	vperm.xlane v11, v2;
	v18 =	vmul.f32 v18, v24;
	v14 =	vunpack.i.l.bf16.f32 v14;
	[tilespmem:s9+$0x30] =	vst v21  }
0x1f1: {  	v9 =	vunpack.i.l.bf16.f32 v9;
	v60 =	vperm.xlane v11, v5;
	v12 =	vmul.f32 v12, v14;
	[tilespmem:s9+$0x0] =	vst v13  }
0x1f2: {  	v62 =	vunpack.i.u.bf16.f32 v22;
	v31 =	vperm.xlane v30, v6;
	v9 =	vmul.f32 v55, v9;
	[tilespmem:s9+$0x20] =	vst v18  }
0x1f3: {  	v59 =	vperm.xlane v11, v3;
	v54 =	vld [tilespmem:s18+$0x40];
	v11 =	vmul.f32 v60, v62;
	[tilespmem:s9+$0xFFFFFFC0] =	vst v12  }
0x1f4: {  	(erf) = vpow2.f32 v53;
	v16 =	vmul.f32 v31, v16;
	[tilespmem:s9+$0xFFFFFF80] =	vst v9  }
0x1f5: {  	v58 =	vunpack.i.l.bf16.f32 v26;
	v56 =	vld [tilespmem:s18+$0x30];
	v9 =	vmul.f32 v59, v25;
	[tilespmem:s9+$0xFFFFFF70] =	vst v11  }
0x1f6: {  	v22 =	vunpack.i.l.bf16.f32 v22;
	[tilespmem:s20+$0xA0] =	vst v16;
	v16 =	vmul.f32 v57, v58  }
0x1f7: {  	v23 =	vperm.xlane v30, v4;
	[tilespmem:s9+$0xFFFFFF50] =	vst v9;
	v9 =	vmul.f32 v17, v22  }
0x1f8: {  	v25 =	vperm.xlane v30, v5;
	[tilespmem:s9+$0xFFFFFF40] =	vst v16;
	v26 =	vunpack.i.l.bf16.f32 v54  }
0x1f9: {  	v27 =	vperm.xlane v30, v2;
	v15 =	vunpack.i.u.bf16.f32 v54;
	v61 =	vpop (erf);
	v17 =	vmul.f32 v23, v26;
	[tilespmem:s9+$0xFFFFFF60] =	vst v9  }
0x1fa: {  	v28 =	vperm.xlane v30, v3;
	v29 =	vunpack.i.l.bf16.f32 v56;
	v11 =	vmul.f32 v25, v15;
	[tilespmem:s20+$0xFFFFFFF0] =	vst v61  }
0x1fb: {  	v31 =	vunpack.i.u.bf16.f32 v56;
	v18 =	vmul.f32 v27, v29;
	v30 =	vld [tilespmem:s18+$0xFFFFFFD0];
	[tilespmem:s20+$0x80] =	vst v17  }
0x1fc: {  	v9 =	vmul.f32 v28, v31;
	v63 =	vpop (erf);
	v34 =	vperm.xlane v61, v6;
	[tilespmem:s20+$0x90] =	vst v11  }
0x1fd: {  	v36 =	vperm.xlane v61, v3;
	v40 =	vperm.xlane v61, v5;
	v32 =	vld [tilespmem:s18+$0xFFFFFFE0];
	[tilespmem:s20+$0xFFFFFF90] =	vst v63;
	v24 =	vpop (erf)  }
0x1fe: {  	v10 =	vunpack.i.l.bf16.f32 v10;
	v44 =	vperm.xlane v61, v2;
	v46 =	vld [tilespmem:s18+$0xFFFFFFA0];
	[tilespmem:s20+$0x50] =	vst v24;
	v35 =	vperm.xlane v24, v6  }
0x1ff: {  	v8 =	vunpack.i.l.bf16.f32 v8;
	v60 =	vperm.xlane v61, v4;
	[tilespmem:s20+$0x60] =	vst v18;
	v38 =	vmul.f32 v34, v10;
	v33 =	vld [tilespmem:s18+$0x0]  }
0x200: {  	[tilespmem:s20+$0x70] =	vst v9;
	v55 =	vperm.xlane v63, v2;
	v37 =	vld [tilespmem:s18+$0x10];
	v8 =	vmul.f32 v35, v8;
	v39 =	vunpack.i.u.bf16.f32 v30  }
0x201: {  	v58 =	vperm.xlane v63, v3;
	[tilespmem:s20+$0xFFFFFFE0] =	vst v38;
	v47 =	vunpack.i.l.bf16.f32 v30;
	v43 =	vmul.f32 v36, v39  }
0x202: {  	v59 =	vperm.xlane v63, v5;
	v42 =	vunpack.i.u.bf16.f32 v32;
	[tilespmem:s20+$0x40] =	vst v8;
	v10 =	vmul.f32 v44, v47  }
0x203: {  	v41 =	vperm.xlane v24, v3;
	v8 =	vmul.f32 v40, v42;
	v56 =	vunpack.i.l.bf16.f32 v46;
	[tilespmem:s20+$0xFFFFFFB0] =	vst v43  }
0x204: {  	v48 =	vperm.xlane v24, v5;
	v45 =	vunpack.i.u.bf16.f32 v33;
	[tilespmem:s20+$0xFFFFFFA0] =	vst v10;
	v10 =	vmul.f32 v55, v56  }
0x205: {  	v51 =	vperm.xlane v24, v2;
	v50 =	vunpack.i.u.bf16.f32 v37;
	[tilespmem:s20+$0xFFFFFFD0] =	vst v8;
	v49 =	vmul.f32 v41, v45  }
0x206: {  	v52 =	vld [tilespmem:s18+$0xFFFFFFB0];
	v8 =	vperm.xlane v63, v6;
	v54 =	vunpack.i.l.bf16.f32 v33;
	v53 =	vmul.f32 v48, v50;
	[tilespmem:s20+$0xFFFFFF40] =	vst v10  }
0x207: {  	v7 =	vunpack.i.l.bf16.f32 v7;
	v62 =	vperm.xlane v63, v4;
	v11 =	vmul.f32 v51, v54;
	[tilespmem:s20+$0x10] =	vst v49  }
0x208: {  	v63 =	vunpack.i.l.bf16.f32 v32;
	v7 =	vmul.f32 v8, v7;
	v8 =	vperm.xlane v24, v4;
	[tilespmem:s20+$0x30] =	vst v53  }
0x209: {  	v57 =	vunpack.i.l.bf16.f32 v37;
	v9 =	vmul.f32 v60, v63;
	[tilespmem:s20+$0x0] =	vst v11  }
0x20a: {  	[tilespmem:s20+$0xFFFFFF80] =	vst v7;
	v7 =	vunpack.i.u.bf16.f32 v46;
	v8 =	vmul.f32 v8, v57  }
0x20b: {  	v61 =	vunpack.i.u.bf16.f32 v52;
	[tilespmem:s20+$0xFFFFFFC0] =	vst v9;
	v7 =	vmul.f32 v58, v7  }
0x20c: {  	v11 =	vmul.f32 v59, v61;
	[tilespmem:s20+$0x20] =	vst v8;
	v8 =	vunpack.i.l.bf16.f32 v52  }
0x20d: {  	s0 =	sshll.u32 s16, $0x7;
	[tilespmem:s20+$0xFFFFFF50] =	vst v7;
	v7 =	vmul.f32 v62, v8  }
0x20e: {  	s0 =	sand.u32 $0x3FFFFF80, s0;
	[tilespmem:s20+$0xFFFFFF70] =	vst v11  }
0x20f: {  	s0 =	sadd.s32 $0x800, s0;
	[tilespmem:s20+$0xFFFFFF60] =	vst v7  }
0x210: {  	[spmem:s2] =	stream.indirect.scatter.add.f32 [tilespmem:s19], [sflag:$0x5], $0x60, s0, s22, $0xb8;
	[tilespmem:$0x1E000] =	vst v63  }
.LBB2_19:
0x211: {  	s16 =	sor.u32 $0x3, s5  }
0x212: {  	s0 =	sor.u32 s15, s16  }
0x213: {  	s5 =	sadd.s32 s8, s0  }
0x214: {  	p2 =	sgt.u32 @!p1 s5, $0x1385  }
0x215: {  	p1 =	por p1, p2  }
.Ltmp11:
0x216: {  	_ = 	snop;
	(pc) =	sbr.rel @p1 .LBB2_21-.Ltmp11, $1  }
0x217: {  	_ =	sdelay $0x3  }
0x218: {  	s0 =	sadd.s32 $0xA80, s4  }
0x219: {  	[tilespmem:s26], [sflag:$0x2] =	stream.indirect.gather [hbm4b:s7+s22], $0x10, s0, s22, $0xb8;
	[tilespmem:$0x1E000] =	vst v63  }
0x21a: {  	s30 =	sadd.s32 $0x280, s4  }
0x21b: {  	[tilespmem:s28], [sflag:$0x2] =	stream.indirect.gather [hbm4b:s6+s22], $0x30, s30, s22, $0xb8;
	[tilespmem:$0x1E000] =	vst v63  }
.LBB2_22:
0x21c: {  	_ =	swait.ge [sflag:s13], $0x800  }
0x21d: {  	[sflag:s13] =	ssyncset.done $0x0  }
0x21e: {  	[sflag:s13] =	ssyncadd.s32 $0xFFFFF800  }
0x21f: {  	_ =	swait.ge [sflag:s13], $0x1800  }
0x220: {  	[sflag:s13] =	ssyncset.done $0x0  }
0x221: {  	[sflag:s13] =	ssyncadd.s32 $0xFFFFE800  }
0x222: {  	_ =	swait.ge [sflag:s14], $0x3000  }
0x223: {  	[sflag:s14] =	ssyncset.done $0x0  }
0x224: {  	s0 =	simm.s32 $0x7860;
	[sflag:s14] =	ssyncadd.s32 $0xFFFFD000  }
0x225: {  	s4 =	simm.s32 $0x2820;
	v7 =	vld [tilespmem:s0+$0x50]  }
0x226: {  	v8 =	vld [tilespmem:s4+$0x10];
	_ =	sdelay $0x3  }
0x227: {  	v13 =	vld [tilespmem:s0+$0xFFFFFFF0];
	v9 =	vunpack.i.u.bf16.f32 v7  }
0x228: {  	v14 =	vld [tilespmem:s4+$0xFFFFFFF0];
	v10 =	vadd.f32 v8, v9;
	_ =	sdelay $0x1  }
0x229: {  	v11 =	vmul.f32 $2.000000030e-01, v10  }
0x22a: {  	v12 =	vld [tilespmem:s0+$0x20];
	v8 =	vperm.xlane v8, v1  }
0x22b: {  	v15 =	vunpack.i.u.bf16.f32 v13;
	v9 =	vld [tilespmem:s0+$0xFFFFFFC0];
	v10 =	vmax.f32 v10, v11  }
0x22c: {  	v15 =	vadd.f32 v14, v15;
	v11 =	vld [tilespmem:s4+$0xFFFFFFE0];
	v8 =	vsub.f32 v10, v8  }
0x22d: {  	v10 =	vld [tilespmem:s4+$0x0]  }
0x22e: {  	v17 =	vmul.f32 $2.000000030e-01, v15;
	v8 =	vmul.f32 $1.442695020e+00, v8  }
0x22f: {  	v14 =	vperm.xlane v14, v1  }
0x230: {  	v15 =	vmax.f32 v15, v17;
	v16 =	vunpack.i.u.bf16.f32 v9;
	(erf) = vpow2.f32 v8  }
0x231: {  	v14 =	vsub.f32 v15, v14;
	v8 =	vunpack.i.u.bf16.f32 v12;
	v16 =	vadd.f32 v11, v16  }
0x232: {  	v8 =	vadd.f32 v10, v8  }
0x233: {  	v14 =	vmul.f32 $1.442695020e+00, v14;
	v18 =	vmul.f32 $2.000000030e-01, v16  }
0x234: {  	s20 =	simm.s32 $0x2860;
	v11 =	vperm.xlane v11, v1;
	v19 =	vmul.f32 $2.000000030e-01, v8  }
0x235: {  	v23 =	vld [tilespmem:s20+$0x0];
	v10 =	vperm.xlane v10, v1;
	v16 =	vmax.f32 v16, v18  }
0x236: {  	s4 =	simm.s32 $0x7920;
	v15 =	vld [tilespmem:s20+$0x10];
	(erf) = vpow2.f32 v14;
	v11 =	vsub.f32 v16, v11;
	v8 =	vmax.f32 v8, v19  }
0x237: {  	v16 =	vld [tilespmem:s4+$0x50];
	v10 =	vsub.f32 v8, v10  }
0x238: {  	v11 =	vmul.f32 $1.442695020e+00, v11  }
0x239: {  	s9 =	simm.s32 $0xC0C0;
	v8 =	vld [tilespmem:s4+$0x20];
	v10 =	vmul.f32 $1.442695020e+00, v10;
	v14 =	vpop (erf)  }
0x23a: {  	v7 =	vunpack.i.l.bf16.f32 v7;
	v35 =	vperm.xlane v23, v1;
	v19 =	vld [tilespmem:s20+$0xFFFFFFE0];
	(erf) = vpow2.f32 v11;
	[tilespmem:s9+$0xB0] =	vst v14  }
0x23b: {  	v25 =	vunpack.i.l.bf16.f32 v13;
	v30 =	vperm.xlane v15, v1;
	(erf) = vpow2.f32 v10;
	v17 =	vld [tilespmem:s0+$0x40]  }
0x23c: {  	v10 =	vperm.xlane v14, v6;
	v20 =	vperm.xlane v14, v2;
	v29 =	vunpack.i.u.bf16.f32 v16;
	v18 =	vld [tilespmem:s0+$0x30]  }
0x23d: {  	v22 =	vperm.xlane v14, v3;
	v24 =	vperm.xlane v14, v5;
	v29 =	vadd.f32 v15, v29  }
0x23e: {  	v13 =	vperm.xlane v14, v4;
	v14 =	vunpack.i.u.bf16.f32 v8;
	v21 =	vmul.f32 v10, v7;
	v7 =	vld [tilespmem:s4+$0xFFFFFFC0]  }
0x23f: {  	v28 =	vpop (erf);
	v31 =	vperm.xlane v19, v1;
	v34 =	vadd.f32 v23, v14;
	v14 =	vmul.f32 $2.000000030e-01, v29  }
0x240: {  	v36 =	vunpack.i.l.bf16.f32 v12;
	v38 =	vperm.xlane v28, v2;
	v43 =	vperm.xlane v28, v5  }
0x241: {  	v12 =	vmax.f32 v29, v14;
	v26 =	vunpack.i.u.bf16.f32 v18;
	v27 =	vunpack.i.u.bf16.f32 v17  }
0x242: {  	v18 =	vunpack.i.l.bf16.f32 v18;
	v17 =	vunpack.i.l.bf16.f32 v17;
	v12 =	vsub.f32 v12, v30  }
0x243: {  	v10 =	vld [tilespmem:s4+$0xFFFFFFF0];
	v30 =	vperm.xlane v28, v3;
	v32 =	vunpack.i.u.bf16.f32 v7;
	v17 =	vmul.f32 v13, v17  }
0x244: {  	[tilespmem:s9+$0xFFFFFFF0] =	vst v28;
	v23 =	vmul.f32 v24, v27;
	v22 =	vmul.f32 v22, v26;
	v32 =	vadd.f32 v19, v32;
	v19 =	vld [tilespmem:s20+$0xFFFFFFF0]  }
0x245: {  	v14 =	vld [tilespmem:s0+$0xFFFFFFE0];
	v27 =	vmul.f32 $2.000000030e-01, v34;
	v18 =	vmul.f32 v20, v18;
	v11 =	vpop (erf)  }
0x246: {  	v26 =	vld [tilespmem:s0+$0xFFFFFFD0];
	v40 =	vmul.f32 $1.442695020e+00, v12;
	v12 =	vperm.xlane v28, v4;
	v33 =	vpop (erf)  }
0x247: {  	v16 =	vunpack.i.l.bf16.f32 v16;
	[tilespmem:s9+$0x50] =	vst v33;
	v15 =	vperm.xlane v33, v3;
	v29 =	vperm.xlane v33, v6  }
0x248: {  	v13 =	vunpack.i.u.bf16.f32 v10;
	[tilespmem:s9+$0x90] =	vst v23;
	(erf) = vpow2.f32 v40;
	v23 =	vperm.xlane v33, v5;
	v24 =	vld [tilespmem:s0+$0x0]  }
0x249: {  	[tilespmem:s9+$0xA0] =	vst v21;
	v39 =	vld [tilespmem:s0+$0x10];
	v29 =	vmul.f32 v29, v36;
	v37 =	vadd.f32 v19, v13;
	v13 =	vperm.xlane v33, v2  }
0x24a: {  	[tilespmem:s9+$0x80] =	vst v17;
	v44 =	vunpack.i.u.bf16.f32 v14;
	v41 =	vperm.xlane v19, v1;
	v19 =	vperm.xlane v28, v6  }
0x24b: {  	[tilespmem:s9+$0xFFFFFF90] =	vst v11;
	v42 =	vunpack.i.u.bf16.f32 v26;
	v28 =	vmul.f32 $2.000000030e-01, v32;
	v17 =	vmul.f32 $2.000000030e-01, v37  }
0x24c: {  	[tilespmem:s9+$0x70] =	vst v22;
	v63 =	vunpack.i.l.bf16.f32 v26;
	v22 =	vmul.f32 v30, v42;
	v30 =	vmul.f32 v43, v44  }
0x24d: {  	[tilespmem:s9+$0x60] =	vst v18;
	v26 =	vld [tilespmem:s0+$0xFFFFFFA0];
	v25 =	vmul.f32 v19, v25;
	v18 =	vmax.f32 v32, v28;
	v17 =	vmax.f32 v37, v17  }
0x24e: {  	[tilespmem:s9+$0xFFFFFFB0] =	vst v22;
	v22 =	vld [tilespmem:s0+$0xFFFFFFB0];
	v20 =	vunpack.i.u.bf16.f32 v24;
	v21 =	vunpack.i.u.bf16.f32 v39;
	v17 =	vsub.f32 v17, v41  }
0x24f: {  	v19 =	vunpack.i.l.bf16.f32 v24;
	v24 =	vsub.f32 v18, v31;
	[tilespmem:s9+$0xFFFFFFE0] =	vst v25;
	v25 =	vmax.f32 v34, v27  }
0x250: {  	v18 =	vperm.xlane v33, v4;
	v28 =	vsub.f32 v25, v35;
	v27 =	vmul.f32 $1.442695020e+00, v17  }
0x251: {  	[tilespmem:s9+$0x40] =	vst v29;
	v29 =	vmul.f32 $1.442695020e+00, v24;
	v24 =	vunpack.i.l.bf16.f32 v39;
	v17 =	vperm.xlane v11, v4  }
0x252: {  	s29 =	simm.s32 $0x4;
	s18 =	simm.s32 $0xC240;
	s0 =	simm.s32 $0x79E0;
	[tilespmem:s9+$0xFFFFFFD0] =	vst v30;
	v25 =	vunpack.i.u.bf16.f32 v26;
	(erf) = vpow2.f32 v27;
	v27 =	vmul.f32 v38, v63  }
.LBB2_23:
0x253: {  	v30 =	vld [tilespmem:s0+$0x20];
	s29 =	sadd.s32 $0x4, s29;
	s20 =	sadd.s32 $0x40, s20;
	(erf) = vpow2.f32 v29;
	v29 =	vpop (erf);
	v31 =	vunpack.i.u.bf16.f32 v22;
	v32 =	vperm.xlane v11, v5  }
0x254: {  	v14 =	vunpack.i.l.bf16.f32 v14;
	v15 =	vmul.f32 v15, v20;
	v33 =	vld [tilespmem:s0+$0x50];
	p1 =	slt.u32 s29, $0x7C;
	[tilespmem:s18+$0xB0] =	vst v29;
	v34 =	vperm.xlane v29, v6  }
0x255: {  	v28 =	vmul.f32 $1.442695020e+00, v28;
	v26 =	vunpack.i.l.bf16.f32 v26;
	v35 =	vperm.xlane v11, v2;
	v20 =	vld [tilespmem:s20+$0x10]  }
0x256: {  	v36 =	vld [tilespmem:s20+$0xFFFFFFE0];
	v16 =	vmul.f32 v34, v16;
	v34 =	vperm.xlane v11, v3;
	[tilespmem:s9+$0x10] =	vst v15  }
0x257: {  	v11 =	vperm.xlane v11, v6;
	v15 =	vld [tilespmem:s4+$0x40];
	(erf) = vpow2.f32 v28  }
0x258: {  	v38 =	vunpack.i.l.bf16.f32 v9;
	v21 =	vmul.f32 v23, v21;
	v9 =	vmovc v7;
	v37 =	vperm.xlane v29, v2;
	v28 =	vld [tilespmem:s4+$0x30];
	[tilespmem:s9+$0xFFFFFFA0] =	vst v27  }
0x259: {  	v27 =	vperm.xlane v29, v3;
	v38 =	vmul.f32 v11, v38;
	v23 =	vld [tilespmem:s20+$0x0];
	[tilespmem:s18+$0xA0] =	vst v16  }
0x25a: {  	v22 =	vunpack.i.l.bf16.f32 v22;
	v13 =	vmul.f32 v13, v19;
	v16 =	vperm.xlane v29, v5;
	v7 =	vld [tilespmem:s0+$0xFFFFFFC0];
	[tilespmem:s9+$0x30] =	vst v21  }
0x25b: {  	v19 =	vunpack.i.l.bf16.f32 v10;
	v10 =	vmul.f32 v35, v26;
	v21 =	vperm.xlane v29, v4;
	v29 =	vpop (erf);
	[tilespmem:s9+$0xFFFFFF80] =	vst v38  }
0x25c: {  	v12 =	vmul.f32 v12, v14;
	v26 =	vunpack.i.u.bf16.f32 v30;
	v11 =	vpop (erf);
	[tilespmem:s9+$0x0] =	vst v13;
	v13 =	vmul.f32 v18, v24  }
0x25d: {  	v18 =	vunpack.i.u.bf16.f32 v15;
	v24 =	vmul.f32 v34, v25;
	v14 =	vunpack.i.u.bf16.f32 v28;
	[tilespmem:s9+$0xFFFFFF40] =	vst v10  }
0x25e: {  	v17 =	vmul.f32 v17, v22;
	v38 =	vunpack.i.u.bf16.f32 v33;
	v34 =	vperm.xlane v20, v1;
	v10 =	vld [tilespmem:s0+$0xFFFFFFF0];
	[tilespmem:s18+$0xFFFFFFF0] =	vst v29  }
0x25f: {  	v35 =	vperm.xlane v36, v1;
	v22 =	vunpack.i.l.bf16.f32 v28;
	v28 =	vmul.f32 v32, v31;
	[tilespmem:s9+$0x20] =	vst v13  }
0x260: {  	v20 =	vadd.f32 v20, v38;
	v15 =	vunpack.i.l.bf16.f32 v15;
	v13 =	vunpack.i.u.bf16.f32 v7;
	v25 =	vpop (erf);
	[tilespmem:s9+$0xFFFFFF50] =	vst v24  }
0x261: {  	v32 =	vadd.f32 v23, v26;
	v24 =	vadd.f32 v36, v13;
	v13 =	vmul.f32 v21, v15;
	v31 =	vld [tilespmem:s20+$0xFFFFFFF0];
	[tilespmem:s9+$0xFFFFFF70] =	vst v28  }
0x262: {  	v16 =	vmul.f32 v16, v18;
	v28 =	vperm.xlane v23, v1;
	[tilespmem:s18+$0x50] =	vst v25  }
0x263: {  	v21 =	vmul.f32 $2.000000030e-01, v20;
	v23 =	vmul.f32 v27, v14;
	v18 =	vunpack.i.u.bf16.f32 v10;
	v36 =	vld [tilespmem:s4+$0x0];
	[tilespmem:s9+$0xFFFFFFC0] =	vst v12  }
0x264: {  	v38 =	vunpack.i.l.bf16.f32 v8;
	v8 =	vmovc v30;
	v27 =	vmul.f32 $2.000000030e-01, v32;
	v15 =	vperm.xlane v25, v3;
	v26 =	vld [tilespmem:s4+$0xFFFFFFD0];
	[tilespmem:s9+$0xFFFFFF60] =	vst v17;
	s9 =	smov.u32 s18  }
0x265: {  	v12 =	vmax.f32 v20, v21;
	v20 =	vmul.f32 v37, v22;
	v17 =	vperm.xlane v25, v6;
	[tilespmem:s18+$0x80] =	vst v13  }
0x266: {  	v30 =	vperm.xlane v29, v3;
	v12 =	vsub.f32 v12, v34;
	v18 =	vadd.f32 v31, v18;
	v14 =	vld [tilespmem:s4+$0xFFFFFFE0];
	[tilespmem:s18+$0x90] =	vst v16  }
0x267: {  	v13 =	vperm.xlane v25, v2;
	v16 =	vunpack.i.l.bf16.f32 v33;
	v33 =	vperm.xlane v29, v2;
	v34 =	vld [tilespmem:s4+$0x10];
	[tilespmem:s18+$0x60] =	vst v20  }
0x268: {  	v21 =	vmul.f32 $1.442695020e+00, v12;
	v12 =	vperm.xlane v29, v4;
	v20 =	vunpack.i.u.bf16.f32 v36;
	[tilespmem:s18+$0x70] =	vst v23  }
0x269: {  	v22 =	vperm.xlane v31, v1;
	v23 =	vperm.xlane v29, v6;
	v31 =	vunpack.i.u.bf16.f32 v26  }
0x26a: {  	v29 =	vperm.xlane v29, v5;
	v37 =	vunpack.i.l.bf16.f32 v26;
	(erf) = vpow2.f32 v21  }
0x26b: {  	s18 =	sadd.s32 $0x180, s18;
	v26 =	vmul.f32 $2.000000030e-01, v18;
	v19 =	vmul.f32 v23, v19;
	v39 =	vunpack.i.u.bf16.f32 v14  }
0x26c: {  	v40 =	vmul.f32 $2.000000030e-01, v24;
	v23 =	vperm.xlane v25, v5;
	[tilespmem:s9+$0xFFFFFF90] =	vst v11;
	v21 =	vunpack.i.u.bf16.f32 v34  }
0x26d: {  	v17 =	vmul.f32 v17, v38;
	v18 =	vmax.f32 v18, v26;
	v26 =	vld [tilespmem:s4+$0xFFFFFFA0];
	[tilespmem:s9+$0xFFFFFFE0] =	vst v19;
	v19 =	vunpack.i.l.bf16.f32 v36  }
.Ltmp12:
0x26e: {  	v24 =	vmax.f32 v24, v40;
	v30 =	vmul.f32 v30, v31;
	v36 =	vsub.f32 v18, v22;
	v22 =	vld [tilespmem:s4+$0xFFFFFFB0];
	s4 =	smov.u32 s0;
	(pc) =	sbr.rel @p1 .LBB2_23-.Ltmp12, $4  }
0x26f: {  	v27 =	vmax.f32 v32, v27;
	v24 =	vsub.f32 v24, v35;
	v18 =	vperm.xlane v25, v4;
	[tilespmem:s9+$0x40] =	vst v17  }
0x270: {  	v28 =	vsub.f32 v27, v28;
	v25 =	vmul.f32 $1.442695020e+00, v36;
	[tilespmem:s9+$0xFFFFFFB0] =	vst v30;
	v30 =	vmul.f32 v29, v39  }
0x271: {  	v17 =	vperm.xlane v11, v4;
	v29 =	vmul.f32 $1.442695020e+00, v24;
	v24 =	vunpack.i.l.bf16.f32 v34  }
0x272: {  	v27 =	vmul.f32 v33, v37;
	s0 =	sadd.s32 $0xC0, s0;
	(erf) = vpow2.f32 v25;
	v25 =	vunpack.i.u.bf16.f32 v26;
	[tilespmem:s9+$0xFFFFFFD0] =	vst v30  }
0x273: {  	v30 =	vpop (erf)  }
0x274: {  	v15 =	vmul.f32 v15, v20;
	(erf) = vpow2.f32 v29;
	[tilespmem:s18+$0xB0] =	vst v30  }
0x275: {  	v53 =	vmul.f32 $1.442695020e+00, v28;
	v21 =	vmul.f32 v23, v21;
	[tilespmem:s9+$0xFFFFFFA0] =	vst v27  }
0x276: {  	v55 =	vperm.xlane v11, v6;
	v13 =	vmul.f32 v13, v19;
	[tilespmem:s9+$0x10] =	vst v15  }
0x277: {  	v57 =	vperm.xlane v11, v2;
	v18 =	vmul.f32 v18, v24;
	v14 =	vunpack.i.l.bf16.f32 v14;
	[tilespmem:s9+$0x30] =	vst v21  }
0x278: {  	v9 =	vunpack.i.l.bf16.f32 v9;
	v60 =	vperm.xlane v11, v5;
	v12 =	vmul.f32 v12, v14;
	[tilespmem:s9+$0x0] =	vst v13  }
0x279: {  	v62 =	vunpack.i.u.bf16.f32 v22;
	v31 =	vperm.xlane v30, v6;
	v9 =	vmul.f32 v55, v9;
	[tilespmem:s9+$0x20] =	vst v18  }
0x27a: {  	v59 =	vperm.xlane v11, v3;
	v54 =	vld [tilespmem:s4+$0x40];
	v11 =	vmul.f32 v60, v62;
	[tilespmem:s9+$0xFFFFFFC0] =	vst v12  }
0x27b: {  	(erf) = vpow2.f32 v53;
	v16 =	vmul.f32 v31, v16;
	[tilespmem:s9+$0xFFFFFF80] =	vst v9  }
0x27c: {  	v58 =	vunpack.i.l.bf16.f32 v26;
	v56 =	vld [tilespmem:s4+$0x30];
	v9 =	vmul.f32 v59, v25;
	[tilespmem:s9+$0xFFFFFF70] =	vst v11  }
0x27d: {  	v22 =	vunpack.i.l.bf16.f32 v22;
	[tilespmem:s18+$0xA0] =	vst v16;
	v16 =	vmul.f32 v57, v58  }
0x27e: {  	v23 =	vperm.xlane v30, v4;
	[tilespmem:s9+$0xFFFFFF50] =	vst v9;
	v9 =	vmul.f32 v17, v22  }
0x27f: {  	v25 =	vperm.xlane v30, v5;
	[tilespmem:s9+$0xFFFFFF40] =	vst v16;
	v26 =	vunpack.i.l.bf16.f32 v54  }
0x280: {  	v27 =	vperm.xlane v30, v2;
	v15 =	vunpack.i.u.bf16.f32 v54;
	v61 =	vpop (erf);
	v17 =	vmul.f32 v23, v26;
	[tilespmem:s9+$0xFFFFFF60] =	vst v9  }
0x281: {  	v28 =	vperm.xlane v30, v3;
	v29 =	vunpack.i.l.bf16.f32 v56;
	v11 =	vmul.f32 v25, v15;
	[tilespmem:s18+$0xFFFFFFF0] =	vst v61  }
0x282: {  	v31 =	vunpack.i.u.bf16.f32 v56;
	v18 =	vmul.f32 v27, v29;
	v30 =	vld [tilespmem:s4+$0xFFFFFFD0];
	[tilespmem:s18+$0x80] =	vst v17  }
0x283: {  	v9 =	vmul.f32 v28, v31;
	v63 =	vpop (erf);
	v34 =	vperm.xlane v61, v6;
	[tilespmem:s18+$0x90] =	vst v11  }
0x284: {  	v36 =	vperm.xlane v61, v3;
	v40 =	vperm.xlane v61, v5;
	v32 =	vld [tilespmem:s4+$0xFFFFFFE0];
	[tilespmem:s18+$0xFFFFFF90] =	vst v63;
	v24 =	vpop (erf)  }
0x285: {  	v10 =	vunpack.i.l.bf16.f32 v10;
	v44 =	vperm.xlane v61, v2;
	v46 =	vld [tilespmem:s4+$0xFFFFFFA0];
	[tilespmem:s18+$0x50] =	vst v24;
	v35 =	vperm.xlane v24, v6  }
0x286: {  	v8 =	vunpack.i.l.bf16.f32 v8;
	v60 =	vperm.xlane v61, v4;
	[tilespmem:s18+$0x60] =	vst v18;
	v38 =	vmul.f32 v34, v10;
	v33 =	vld [tilespmem:s4+$0x0]  }
0x287: {  	[tilespmem:s18+$0x70] =	vst v9;
	v55 =	vperm.xlane v63, v2;
	v37 =	vld [tilespmem:s4+$0x10];
	v8 =	vmul.f32 v35, v8;
	v39 =	vunpack.i.u.bf16.f32 v30  }
0x288: {  	v58 =	vperm.xlane v63, v3;
	[tilespmem:s18+$0xFFFFFFE0] =	vst v38;
	v47 =	vunpack.i.l.bf16.f32 v30;
	v43 =	vmul.f32 v36, v39  }
0x289: {  	v59 =	vperm.xlane v63, v5;
	v42 =	vunpack.i.u.bf16.f32 v32;
	[tilespmem:s18+$0x40] =	vst v8;
	v10 =	vmul.f32 v44, v47  }
0x28a: {  	v41 =	vperm.xlane v24, v3;
	v8 =	vmul.f32 v40, v42;
	v56 =	vunpack.i.l.bf16.f32 v46;
	[tilespmem:s18+$0xFFFFFFB0] =	vst v43  }
0x28b: {  	v48 =	vperm.xlane v24, v5;
	v45 =	vunpack.i.u.bf16.f32 v33;
	[tilespmem:s18+$0xFFFFFFA0] =	vst v10;
	v10 =	vmul.f32 v55, v56  }
0x28c: {  	v51 =	vperm.xlane v24, v2;
	v50 =	vunpack.i.u.bf16.f32 v37;
	[tilespmem:s18+$0xFFFFFFD0] =	vst v8;
	v49 =	vmul.f32 v41, v45  }
0x28d: {  	v52 =	vld [tilespmem:s4+$0xFFFFFFB0];
	v8 =	vperm.xlane v63, v6;
	v54 =	vunpack.i.l.bf16.f32 v33;
	v53 =	vmul.f32 v48, v50;
	[tilespmem:s18+$0xFFFFFF40] =	vst v10  }
0x28e: {  	v7 =	vunpack.i.l.bf16.f32 v7;
	v62 =	vperm.xlane v63, v4;
	v11 =	vmul.f32 v51, v54;
	[tilespmem:s18+$0x10] =	vst v49  }
0x28f: {  	v63 =	vunpack.i.l.bf16.f32 v32;
	v7 =	vmul.f32 v8, v7;
	v8 =	vperm.xlane v24, v4;
	[tilespmem:s18+$0x30] =	vst v53  }
0x290: {  	v57 =	vunpack.i.l.bf16.f32 v37;
	v9 =	vmul.f32 v60, v63;
	[tilespmem:s18+$0x0] =	vst v11  }
0x291: {  	[tilespmem:s18+$0xFFFFFF80] =	vst v7;
	v7 =	vunpack.i.u.bf16.f32 v46;
	v8 =	vmul.f32 v8, v57  }
0x292: {  	v61 =	vunpack.i.u.bf16.f32 v52;
	[tilespmem:s18+$0xFFFFFFC0] =	vst v9;
	v7 =	vmul.f32 v58, v7  }
0x293: {  	v11 =	vmul.f32 v59, v61;
	[tilespmem:s18+$0x20] =	vst v8;
	v8 =	vunpack.i.l.bf16.f32 v52  }
0x294: {  	s0 =	sshll.u32 s16, $0x7;
	[tilespmem:s18+$0xFFFFFF50] =	vst v7;
	v7 =	vmul.f32 v62, v8  }
0x295: {  	s0 =	sand.u32 $0x3FFFFF80, s0;
	[tilespmem:s18+$0xFFFFFF70] =	vst v11  }
0x296: {  	p1 =	por $0x1, $0x1;
	s0 =	sadd.s32 $0x800, s0;
	[tilespmem:s18+$0xFFFFFF60] =	vst v7  }
0x297: {  	[spmem:s2] =	stream.indirect.scatter.add.f32 [tilespmem:s10], [sflag:$0x6], $0x60, s0, s22, $0xb8;
	[tilespmem:$0x1E000] =	vst v63  }
.LBB2_25:
0x298: {  	p2 =	sne.s32 @!p0 s3, $0x3  }
0x299: {  	p2 =	por p0, p2  }
.Ltmp13:
0x29a: {  	_ = 	snop;
	(pc) =	sbr.rel @!p2 .LBB2_26-.Ltmp13, $1  }
0x29b: {  	_ =	sdelay $0x3  }
0x29c: {  	s3 =	sadd.s32 $0x1, s3  }
0x29d: {  	p1 =	sne.s32 s3, $0x4  }
.Ltmp14:
0x29e: {  	_ = 	snop;
	(pc) =	sbr.rel @p1 .LBB2_5-.Ltmp14, $4  }
.Ltmp15:
0x29f: {  	_ = 	snop;
	(pc) =	sbr.rel @!p1 .LBB2_28-.Ltmp15, $4  }
0x2a0: {  	_ = 	snop  }
0x2a1: {  	_ = 	snop  }
0x2a2: {  	_ = 	snop  }
0x2a3: {  	_ = 	snop  }
.LBB2_15:
0x2a4: {  	p2 =	sgt.u32 s0, $0x1387  }
.Ltmp16:
0x2a5: {  	_ = 	snop;
	(pc) =	sbr.rel @p2 .LBB2_19-.Ltmp16, $4  }
.Ltmp17:
0x2a6: {  	_ = 	snop;
	(pc) =	sbr.rel @!p2 .LBB2_16-.Ltmp17, $4  }
0x2a7: {  	_ = 	snop  }
0x2a8: {  	_ = 	snop  }
0x2a9: {  	_ = 	snop  }
0x2aa: {  	_ = 	snop  }
.LBB2_21:
0x2ab: {  	p2 =	sgt.u32 s5, $0x1387  }
.Ltmp18:
0x2ac: {  	_ = 	snop;
	(pc) =	sbr.rel @p2 .LBB2_25-.Ltmp18, $4  }
.Ltmp19:
0x2ad: {  	_ = 	snop;
	(pc) =	sbr.rel @!p2 .LBB2_22-.Ltmp19, $4  }
0x2ae: {  	_ = 	snop  }
0x2af: {  	_ = 	snop  }
0x2b0: {  	p1 =	por $0x0, $0x0  }
0x2b1: {  	_ = 	snop  }
.LBB2_30:
0x2b2: {  	_ =	sfence.sel $0x180000  }
0x2b3: {  	[bflag:$0x0] =	sbarrier.arrive $0xFFFF  }
0x2b4: {  	_ =	strace $0x90000047  }
0x2b5: {  	s0 =	stileid.u32;
	[bflag:$0x2] =	sbarrier.arrive $0xFFFF  }
0x2b6: {  	p0 =	sne.s32 s0, $0x0;
	s0 =	rddreg [dreg:$0x2]  }
0x2b7: {  	s0 =	sadd.s32 @!p0 $0x100000, s0  }
0x2b8: {  	[sflag:s0] =	ssyncadd.tile.s32 @!p0 $0x1;
	_ =	shalt  }
.Lfunc_end2:
_tile_overlayer_lowered:
.L_overlay_start_2:
0x2b9: {  	(tag) =	ssettag $0x2  }
0x2ba: {  	s0 =	rddreg [dreg:$0x0];
	s2 =	stileid.u32  }
0x2bb: {  	s1 =	rddreg [dreg:$0x1];
	p0 =	sne.s32 s2, $0x0  }
0x2bc: {  	s3 =	rddreg [dreg:$0x2];
	[bflag:$0x3] =	sbarrier.arrive $0xFFFF;
	s2 =	simm.s32 @!p0 $0x1C07  }
0x2bd: {  	[timem:s3], [sflag:s2] =	dma.local @!p0 [hbm:s0], s1  }
0x2be: {  	s0 =	simm.s32 @!p0 $0x7  }
0x2bf: {  	_ =	swait.ge @!p0 [sflag:s0], s1  }
0x2c0: {  	s1 =	ssub.s32 @!p0 $0x0, s1;
	[sflag:s0] =	ssyncset.done @!p0 $0x0  }
0x2c1: {  	[sflag:s0] =	ssyncadd.s32 @!p0 s1  }
0x2c2: {  	[bflag:$0x3] =	sbarrier.arrive $0xFFFF  }
0x2c3: {  	_ =	shalt  }

</sc_bundles>
